<compile_context>
chip_gen: v7x
topology: tpu7x:2x2x1
jax: 0.10.2.dev20260603
libtpu: 0.0.44.dev20260713+nightly
codegen_flags: <defaults>
</compile_context>

<pallas_src>
import functools

import jax
import jax.numpy as jnp
from jax import lax
from jax.experimental import pallas as pl
from jax.experimental.pallas import tpu as pltpu
from jax.experimental.pallas import tpu_sc as plsc

N_NODES = 10000
D = 256
E = 160000
NC = 2
NS = 16
NW = NC * NS
D2 = D // 2
EC = 32
EPW = 5120
EP = EPW * NW
NCHUNK = EPW // EC
NG = EC // 16


def _body(re_hbm, irh_hbm, row_hbm, col_hbm, out_hbm,
          tbl_s, row_v, col_v,
          rb0_v, cb0_v, rb1_v, cb1_v,
          parts_v, dis_v, out_v, sem0, sem1):
    cid = lax.axis_index("c")
    sid = lax.axis_index("s")
    wid = sid * NC + cid
    base = wid * EPW

    def stage(src):
        plsc.subcore_barrier()

        @pl.when(sid == 0)
        def _():
            pltpu.sync_copy(src, tbl_s)

        plsc.subcore_barrier()

    pltpu.sync_copy(row_hbm.at[pl.ds(base, EPW)], row_v)
    pltpu.sync_copy(col_hbm.at[pl.ds(base, EPW)], col_v)

    iota = lax.broadcasted_iota(jnp.int32, (16,), 0)
    zf = jnp.zeros((16,), jnp.float32)
    zb = jnp.zeros((32,), jnp.bfloat16)
    bufs = ((rb0_v, cb0_v, sem0), (rb1_v, cb1_v, sem1))

    def issue(c, bset):
        rb, cb, sem = bset
        off = c * EC
        pltpu.async_copy(tbl_s.at[row_v.at[pl.ds(off, EC)]], rb, sem)
        pltpu.async_copy(tbl_s.at[col_v.at[pl.ds(off, EC)]], cb, sem)

    def drain(bset):
        rb, cb, sem = bset
        z_idx = row_v.at[pl.ds(0, EC)]
        pltpu.make_async_copy(tbl_s.at[z_idx], rb, sem).wait()
        pltpu.make_async_copy(tbl_s.at[z_idx], cb, sem).wait()

    def make_compute(is_dot):
        def compute(bset, c, acc):
            rb_v, cb_v, _ = bset
            off = c * EC

            def edge_body(e):
                a0 = zb
                a1 = zb
                for k in range(D2 // 16):
                    sl = pl.ds(k * 16, 16)
                    ar = plsc.bitcast(rb_v[e, sl], jnp.bfloat16)
                    ac = plsc.bitcast(cb_v[e, sl], jnp.bfloat16)
                    if is_dot:
                        d = ar * ac
                    else:
                        d = ar - ac
                        d = d * d
                    if k % 2 == 0:
                        a0 = a0 + d
                    else:
                        a1 = a1 + d
                pe, po = plsc.unpack(a0 + a1, format=plsc.PackFormat.INTERLEAVED)
                parts_v[e, pl.ds(0, 16)] = pe + po

            plsc.parallel_loop(0, EC, step=1, unroll=2)(edge_body)

            rs = []
            for g in range(NG):
                rows16 = iota + (g * 16)
                tot = zf
                for l in range(16):
                    l16 = jnp.full((16,), l, jnp.int32)
                    tot = tot + plsc.load_gather(parts_v, [rows16, l16])
                rs.append(tot)

            if is_dot:
                for gp in range(NG // 2):
                    r0 = 1.0 / (1.0 + jnp.exp(rs[2 * gp]))
                    r1 = 1.0 / (1.0 + jnp.exp(rs[2 * gp + 1]))
                    packed = plsc.pack(r0, r1,
                                       format=plsc.PackFormat.INTERLEAVED)
                    dis_v[pl.ds(off + gp * 32, 32)] = packed
            else:
                for gp in range(NG // 2):
                    packed = dis_v[pl.ds(off + gp * 32, 32)]
                    d0, d1 = plsc.unpack(packed,
                                         format=plsc.PackFormat.INTERLEAVED)
                    acc = acc + d0 * rs[2 * gp] + d1 * rs[2 * gp + 1]
            return acc

        return compute

    def run_pipeline(compute, acc):
        issue(0, bufs[0])
        issue(1, bufs[1])

        def pair_body(p, acc):
            c = p * 2
            drain(bufs[0])
            acc = compute(bufs[0], c, acc)
            issue(c + 2, bufs[0])
            drain(bufs[1])
            acc = compute(bufs[1], c + 1, acc)
            issue(c + 3, bufs[1])
            return acc

        acc = lax.fori_loop(0, NCHUNK // 2 - 1, pair_body, acc)
        drain(bufs[0])
        acc = compute(bufs[0], NCHUNK - 2, acc)
        drain(bufs[1])
        acc = compute(bufs[1], NCHUNK - 1, acc)
        return acc

    stage(re_hbm)
    run_pipeline(make_compute(True), zf)
    stage(irh_hbm)
    acc = run_pipeline(make_compute(False), zf)

    out_v[...] = acc
    pltpu.sync_copy(out_v, out_hbm.at[wid])


_sc_call = functools.partial(
    pl.kernel,
    out_type=jax.ShapeDtypeStruct((NW, 16), jnp.float32),
    mesh=plsc.VectorSubcoreMesh(core_axis_name="c", subcore_axis_name="s"),
    compiler_params=pltpu.CompilerParams(
        use_tc_tiling_on_sc=False, needs_layout_passes=False),
    scratch_types=[
        pltpu.VMEM_SHARED((N_NODES, D2), jnp.int32),
        pltpu.VMEM((EPW,), jnp.int32),
        pltpu.VMEM((EPW,), jnp.int32),
        pltpu.VMEM((EC, D2), jnp.int32),
        pltpu.VMEM((EC, D2), jnp.int32),
        pltpu.VMEM((EC, D2), jnp.int32),
        pltpu.VMEM((EC, D2), jnp.int32),
        pltpu.VMEM((EC, 17), jnp.float32),
        pltpu.VMEM((EPW,), jnp.bfloat16),
        pltpu.VMEM((16,), jnp.float32),
        pltpu.SemaphoreType.DMA,
        pltpu.SemaphoreType.DMA,
    ],
)(_body)


def kernel(re_, ir_h, edge_index):
    row = jnp.pad(edge_index[0], (0, EP - E))
    col = jnp.pad(edge_index[1], (0, EP - E))
    re_b = jax.lax.bitcast_convert_type(
        re_.astype(jnp.bfloat16).reshape(N_NODES, D2, 2), jnp.int32)
    irh_b = jax.lax.bitcast_convert_type(
        ir_h.astype(jnp.bfloat16).reshape(N_NODES, D2, 2), jnp.int32)
    partials = _sc_call(re_b, irh_b, row, col)
    return jnp.sum(partials) / E

# --- scband reference (transcript-rebuilt; emitter-appended) ---
"""Pipeline reference for scband-ir-consistency-loss-86148454023756 (READ-ONLY COPY).

The authoritative reference and input builder live on the scoring server;
editing this copy changes nothing except your own understanding.
"""

import jax, jax.numpy as jnp
import numpy as np

N_NODES = 10000
D_FEAT = 256
N_EDGES = 160000


def setup_inputs(seed: int = 0) -> dict:
    key = jax.random.key(seed)
    k1, k2, k3 = jax.random.split(key, 3)
    re_ = jax.random.normal(k1, (N_NODES, D_FEAT), dtype=jnp.float32)
    ir_h = jax.random.normal(k2, (N_NODES, D_FEAT), dtype=jnp.float32)
    edge_index = jax.random.randint(k3, (2, N_EDGES), 0, N_NODES, dtype=jnp.int64 if jax.config.read('jax_enable_x64') else jnp.int32).astype(jnp.int32)
    return {"re_": re_, "ir_h": ir_h, "edge_index": edge_index}


def reference(re_, ir_h, edge_index):
    row = edge_index[0]
    col = edge_index[1]
    # Label_Agree_Pred: sigmoid of dot product of endpoint features (gather + elementwise)
    prob = jax.nn.sigmoid(jnp.sum(jnp.take(re_, row, axis=0) * jnp.take(re_, col, axis=0), axis=1))
    dis_agree_e = 1.0 - prob
    # Laplacian loss: squared diff of ir_h endpoint features, weighted by disagreement
    diff_e = jnp.sum(jnp.square(jnp.take(ir_h, row, axis=0) - jnp.take(ir_h, col, axis=0)), axis=1)
    lap_loss = dis_agree_e * diff_e
    return jnp.mean(lap_loss)

if __name__ == "__main__":
    import jax
    _d = setup_inputs()
    print(jax.jit(kernel)(*tuple(_d.values())))

</pallas_src>

<mosaic_0001>
#map = affine_map<(d0, d1) -> (0, 0)>
#map1 = affine_map<(d0, d1) -> (0)>
module attributes {stable_mosaic.version = 14 : i64} {
  func.func @_body(%arg0: i32, %arg1: i32, %arg2: memref<10000x128xi32, #tpu.memory_space<hbm>>, %arg3: memref<10000x128xi32, #tpu.memory_space<hbm>>, %arg4: memref<163840xi32, #tpu.memory_space<hbm>>, %arg5: memref<163840xi32, #tpu.memory_space<hbm>>, %arg6: memref<32x16xf32, #tpu.memory_space<hbm>>, %arg7: memref<10000x128xi32, #tpu.memory_space<vmem_shared>>, %arg8: memref<5120xi32, #tpu.memory_space<vmem>>, %arg9: memref<5120xi32, #tpu.memory_space<vmem>>, %arg10: memref<32x128xi32, #tpu.memory_space<vmem>>, %arg11: memref<32x128xi32, #tpu.memory_space<vmem>>, %arg12: memref<32x128xi32, #tpu.memory_space<vmem>>, %arg13: memref<32x128xi32, #tpu.memory_space<vmem>>, %arg14: memref<32x17xf32, #tpu.memory_space<vmem>>, %arg15: memref<5120xbf16, #tpu.memory_space<vmem>>, %arg16: memref<16xf32, #tpu.memory_space<vmem>>, %arg17: memref<!tpu.dma_semaphore, #tpu.memory_space<semaphore_mem>>, %arg18: memref<!tpu.dma_semaphore, #tpu.memory_space<semaphore_mem>>) attributes {dimension_semantics = [#tpu.dimension_semantics<core_parallel>, #tpu.dimension_semantics<subcore_parallel>], iteration_bounds = array<i64: 2, 16>, scalar_prefetch = 0 : i64, scratch_operands = 12 : i64, tpu.core_type = #tpu.core_type<sc_vector_subcore>, window_params = [{transform_indices = #map}, {transform_indices = #map}, {transform_indices = #map1}, {transform_indices = #map1}, {transform_indices = #map}]} {
    %mul3A = arith.constant 2 : i32
    %mul3A_0 = arith.muli %arg1, %mul3A : i32
    %add3A = arith.addi %mul3A_0, %arg0 : i32
    %mul3A_1 = arith.constant 5120 : i32
    %mul3A_2 = arith.muli %add3A, %mul3A_1 : i32
    "tpu.region"() ({
      %run_scoped3A = tpu.sem_alloc : memref<!tpu.dma_semaphore, #tpu.memory_space<semaphore_mem>>
      %dma_start3A_696 = tpu.memref_slice %arg4[%mul3A_2] : memref<163840xi32, #tpu.memory_space<hbm>> -> memref<5120xi32, #tpu.memory_space<hbm>>
      %dma_start3A_697 = tpu.memref_slice %arg4[%mul3A_2] : memref<163840xi32, #tpu.memory_space<hbm>> -> memref<5120xi32, #tpu.memory_space<hbm>>
      tpu.enqueue_dma source(%dma_start3A_697 : memref<5120xi32, #tpu.memory_space<hbm>>) target(%arg8 : memref<5120xi32, #tpu.memory_space<vmem>>) target_semaphore(%run_scoped3A : memref<!tpu.dma_semaphore, #tpu.memory_space<semaphore_mem>>)
      %dma_wait3A_698 = tpu.memref_slice %arg4[%mul3A_2] : memref<163840xi32, #tpu.memory_space<hbm>> -> memref<5120xi32, #tpu.memory_space<hbm>>
      %dma_wait3A_699 = tpu.memref_slice %arg4[%mul3A_2] : memref<163840xi32, #tpu.memory_space<hbm>> -> memref<5120xi32, #tpu.memory_space<hbm>>
      tpu.wait_dma2 semaphore(%run_scoped3A : memref<!tpu.dma_semaphore, #tpu.memory_space<semaphore_mem>>) src(%dma_wait3A_699 : memref<5120xi32, #tpu.memory_space<hbm>>) dst(%arg8 : memref<5120xi32, #tpu.memory_space<vmem>>)
      tpu.yield
    }) : () -> ()
    "tpu.region"() ({
      %run_scoped3A = tpu.sem_alloc : memref<!tpu.dma_semaphore, #tpu.memory_space<semaphore_mem>>
      %dma_start3A_696 = tpu.memref_slice %arg5[%mul3A_2] : memref<163840xi32, #tpu.memory_space<hbm>> -> memref<5120xi32, #tpu.memory_space<hbm>>
      %dma_start3A_697 = tpu.memref_slice %arg5[%mul3A_2] : memref<163840xi32, #tpu.memory_space<hbm>> -> memref<5120xi32, #tpu.memory_space<hbm>>
      tpu.enqueue_dma source(%dma_start3A_697 : memref<5120xi32, #tpu.memory_space<hbm>>) target(%arg9 : memref<5120xi32, #tpu.memory_space<vmem>>) target_semaphore(%run_scoped3A : memref<!tpu.dma_semaphore, #tpu.memory_space<semaphore_mem>>)
      %dma_wait3A_698 = tpu.memref_slice %arg5[%mul3A_2] : memref<163840xi32, #tpu.memory_space<hbm>> -> memref<5120xi32, #tpu.memory_space<hbm>>
      %dma_wait3A_699 = tpu.memref_slice %arg5[%mul3A_2] : memref<163840xi32, #tpu.memory_space<hbm>> -> memref<5120xi32, #tpu.memory_space<hbm>>
      tpu.wait_dma2 semaphore(%run_scoped3A : memref<!tpu.dma_semaphore, #tpu.memory_space<semaphore_mem>>) src(%dma_wait3A_699 : memref<5120xi32, #tpu.memory_space<hbm>>) dst(%arg9 : memref<5120xi32, #tpu.memory_space<vmem>>)
      tpu.yield
    }) : () -> ()
    %iota3A = tpu.iota {dimensions = array<i32: 0>} : vector<16xi32>
    %broadcast_in_dim3A = arith.constant 0.000000e+00 : f32
    %broadcast_in_dim3A_3 = vector.broadcast %broadcast_in_dim3A : f32 to vector<16xf32>
    %broadcast_in_dim3A_4 = arith.constant 0.000000e+00 : bf16
    %broadcast_in_dim3A_5 = vector.broadcast %broadcast_in_dim3A_4 : bf16 to vector<32xbf16>
    %barrier3A = arith.constant 0 : index
    tpu.barrier barrier_id(%barrier3A)
    %eq3A = arith.constant 0 : i32
    %eq3A_6 = arith.cmpi eq, %arg1, %eq3A : i32
    %convert_element_type3A = arith.extui %eq3A_6 : i1 to i32
    %cond3A = arith.constant 0 : i32
    %cond3A_7 = arith.cmpi ne, %convert_element_type3A, %cond3A : i32
    scf.if %cond3A_7 {
      "tpu.region"() ({
        %run_scoped3A = tpu.sem_alloc : memref<!tpu.dma_semaphore, #tpu.memory_space<semaphore_mem>>
        tpu.enqueue_dma source(%arg2 : memref<10000x128xi32, #tpu.memory_space<hbm>>) target(%arg7 : memref<10000x128xi32, #tpu.memory_space<vmem_shared>>) target_semaphore(%run_scoped3A : memref<!tpu.dma_semaphore, #tpu.memory_space<semaphore_mem>>)
        tpu.wait_dma2 semaphore(%run_scoped3A : memref<!tpu.dma_semaphore, #tpu.memory_space<semaphore_mem>>) src(%arg2 : memref<10000x128xi32, #tpu.memory_space<hbm>>) dst(%arg7 : memref<10000x128xi32, #tpu.memory_space<vmem_shared>>)
        tpu.yield
      }) : () -> ()
    } else {
    }
    %barrier3A_8 = arith.constant 0 : index
    tpu.barrier barrier_id(%barrier3A_8)
    %dma_start3A = arith.constant 0 : i32
    %dma_start3A_9 = tpu.memref_slice %arg8[%dma_start3A] : memref<5120xi32, #tpu.memory_space<vmem>> -> memref<32xi32, #tpu.memory_space<vmem>>
    %dma_start3A_10 = arith.constant 0 : i32
    %dma_start3A_11 = arith.constant 0 : i32
    %dma_start3A_12 = tpu.memref_slice %arg7[%dma_start3A_10, %dma_start3A_11] : memref<10000x128xi32, #tpu.memory_space<vmem_shared>> -> memref<10000x128xi32, #tpu.memory_space<vmem_shared>>
    tpu.enqueue_indirect_dma source(%dma_start3A_12 : memref<10000x128xi32, #tpu.memory_space<vmem_shared>>) target(%arg10 : memref<32x128xi32, #tpu.memory_space<vmem>>) offsets(%dma_start3A_9 : memref<32xi32, #tpu.memory_space<vmem>>) semaphore(%arg17 : memref<!tpu.dma_semaphore, #tpu.memory_space<semaphore_mem>>)
    %dma_start3A_13 = arith.constant 0 : i32
    %dma_start3A_14 = tpu.memref_slice %arg9[%dma_start3A_13] : memref<5120xi32, #tpu.memory_space<vmem>> -> memref<32xi32, #tpu.memory_space<vmem>>
    %dma_start3A_15 = arith.constant 0 : i32
    %dma_start3A_16 = arith.constant 0 : i32
    %dma_start3A_17 = tpu.memref_slice %arg7[%dma_start3A_15, %dma_start3A_16] : memref<10000x128xi32, #tpu.memory_space<vmem_shared>> -> memref<10000x128xi32, #tpu.memory_space<vmem_shared>>
    tpu.enqueue_indirect_dma source(%dma_start3A_17 : memref<10000x128xi32, #tpu.memory_space<vmem_shared>>) target(%arg11 : memref<32x128xi32, #tpu.memory_space<vmem>>) offsets(%dma_start3A_14 : memref<32xi32, #tpu.memory_space<vmem>>) semaphore(%arg17 : memref<!tpu.dma_semaphore, #tpu.memory_space<semaphore_mem>>)
    %dma_start3A_18 = arith.constant 32 : i32
    %dma_start3A_19 = tpu.memref_slice %arg8[%dma_start3A_18] : memref<5120xi32, #tpu.memory_space<vmem>> -> memref<32xi32, #tpu.memory_space<vmem>>
    %dma_start3A_20 = arith.constant 0 : i32
    %dma_start3A_21 = arith.constant 0 : i32
    %dma_start3A_22 = tpu.memref_slice %arg7[%dma_start3A_20, %dma_start3A_21] : memref<10000x128xi32, #tpu.memory_space<vmem_shared>> -> memref<10000x128xi32, #tpu.memory_space<vmem_shared>>
    tpu.enqueue_indirect_dma source(%dma_start3A_22 : memref<10000x128xi32, #tpu.memory_space<vmem_shared>>) target(%arg12 : memref<32x128xi32, #tpu.memory_space<vmem>>) offsets(%dma_start3A_19 : memref<32xi32, #tpu.memory_space<vmem>>) semaphore(%arg18 : memref<!tpu.dma_semaphore, #tpu.memory_space<semaphore_mem>>)
    %dma_start3A_23 = arith.constant 32 : i32
    %dma_start3A_24 = tpu.memref_slice %arg9[%dma_start3A_23] : memref<5120xi32, #tpu.memory_space<vmem>> -> memref<32xi32, #tpu.memory_space<vmem>>
    %dma_start3A_25 = arith.constant 0 : i32
    %dma_start3A_26 = arith.constant 0 : i32
    %dma_start3A_27 = tpu.memref_slice %arg7[%dma_start3A_25, %dma_start3A_26] : memref<10000x128xi32, #tpu.memory_space<vmem_shared>> -> memref<10000x128xi32, #tpu.memory_space<vmem_shared>>
    tpu.enqueue_indirect_dma source(%dma_start3A_27 : memref<10000x128xi32, #tpu.memory_space<vmem_shared>>) target(%arg13 : memref<32x128xi32, #tpu.memory_space<vmem>>) offsets(%dma_start3A_24 : memref<32xi32, #tpu.memory_space<vmem>>) semaphore(%arg18 : memref<!tpu.dma_semaphore, #tpu.memory_space<semaphore_mem>>)
    %scan3A = arith.constant 0 : i32
    %scan3A_28 = arith.constant 79 : i32
    %scan3A_29 = arith.addi %scan3A, %scan3A_28 : i32
    %scan3A_30 = arith.constant 1 : i32
    scf.for %scan3A_696 = %scan3A to %scan3A_29 step %scan3A_30  : i32 {
      %mul3A_697 = arith.constant 2 : i32
      %mul3A_698 = arith.muli %scan3A_696, %mul3A_697 : i32
      %dma_wait3A_699 = arith.constant 0 : i32
      %dma_wait3A_700 = tpu.memref_slice %arg8[%dma_wait3A_699] : memref<5120xi32, #tpu.memory_space<vmem>> -> memref<32xi32, #tpu.memory_space<vmem>>
      %dma_wait3A_701 = arith.constant 0 : i32
      %dma_wait3A_702 = arith.constant 0 : i32
      %dma_wait3A_703 = tpu.memref_slice %arg7[%dma_wait3A_701, %dma_wait3A_702] : memref<10000x128xi32, #tpu.memory_space<vmem_shared>> -> memref<10000x128xi32, #tpu.memory_space<vmem_shared>>
      tpu.wait_indirect_dma semaphore(%arg17 : memref<!tpu.dma_semaphore, #tpu.memory_space<semaphore_mem>>) src(%dma_wait3A_703 : memref<10000x128xi32, #tpu.memory_space<vmem_shared>>) dst(%arg10 : memref<32x128xi32, #tpu.memory_space<vmem>>)
      %dma_wait3A_704 = arith.constant 0 : i32
      %dma_wait3A_705 = tpu.memref_slice %arg8[%dma_wait3A_704] : memref<5120xi32, #tpu.memory_space<vmem>> -> memref<32xi32, #tpu.memory_space<vmem>>
      %dma_wait3A_706 = arith.constant 0 : i32
      %dma_wait3A_707 = arith.constant 0 : i32
      %dma_wait3A_708 = tpu.memref_slice %arg7[%dma_wait3A_706, %dma_wait3A_707] : memref<10000x128xi32, #tpu.memory_space<vmem_shared>> -> memref<10000x128xi32, #tpu.memory_space<vmem_shared>>
      tpu.wait_indirect_dma semaphore(%arg17 : memref<!tpu.dma_semaphore, #tpu.memory_space<semaphore_mem>>) src(%dma_wait3A_708 : memref<10000x128xi32, #tpu.memory_space<vmem_shared>>) dst(%arg11 : memref<32x128xi32, #tpu.memory_space<vmem>>)
      %mul3A_709 = arith.constant 32 : i32
      %mul3A_710 = arith.muli %mul3A_698, %mul3A_709 : i32
      %parallel_loop3A_711 = arith.constant 0 : i32
      %parallel_loop3A_712 = arith.constant 32 : i32
      %parallel_loop3A_713 = arith.constant 1 : i32
      scf.for %parallel_loop3A_1061 = %parallel_loop3A_711 to %parallel_loop3A_712 step %parallel_loop3A_713  : i32 {
        %parallel_loop3A_1062 = arith.index_cast %parallel_loop3A_1061 : i32 to index
        %parallel_loop3A_1063 = arith.constant 0 : index
        %parallel_loop3A_1064 = tpu.vector_load %arg10[%parallel_loop3A_1062, %parallel_loop3A_1063] {strides = array<i32>} : memref<32x128xi32, #tpu.memory_space<vmem>>, vector<16xi32>,
        %parallel_loop3A_1065 = vector.bitcast %parallel_loop3A_1064 : vector<16xi32> to vector<32xbf16>
        %parallel_loop3A_1066 = arith.index_cast %parallel_loop3A_1061 : i32 to index
        %parallel_loop3A_1067 = arith.constant 0 : index
        %parallel_loop3A_1068 = tpu.vector_load %arg11[%parallel_loop3A_1066, %parallel_loop3A_1067] {strides = array<i32>} : memref<32x128xi32, #tpu.memory_space<vmem>>, vector<16xi32>,
        %parallel_loop3A_1069 = vector.bitcast %parallel_loop3A_1068 : vector<16xi32> to vector<32xbf16>
        %parallel_loop3A_1070 = arith.mulf %parallel_loop3A_1065, %parallel_loop3A_1069 : vector<32xbf16>
        %parallel_loop3A_1071 = arith.addf %broadcast_in_dim3A_5, %parallel_loop3A_1070 : vector<32xbf16>
        %parallel_loop3A_1072 = arith.index_cast %parallel_loop3A_1061 : i32 to index
        %parallel_loop3A_1073 = arith.constant 16 : index
        %parallel_loop3A_1074 = tpu.vector_load %arg10[%parallel_loop3A_1072, %parallel_loop3A_1073] {strides = array<i32>} : memref<32x128xi32, #tpu.memory_space<vmem>>, vector<16xi32>,
        %parallel_loop3A_1075 = vector.bitcast %parallel_loop3A_1074 : vector<16xi32> to vector<32xbf16>
        %parallel_loop3A_1076 = arith.index_cast %parallel_loop3A_1061 : i32 to index
        %parallel_loop3A_1077 = arith.constant 16 : index
        %parallel_loop3A_1078 = tpu.vector_load %arg11[%parallel_loop3A_1076, %parallel_loop3A_1077] {strides = array<i32>} : memref<32x128xi32, #tpu.memory_space<vmem>>, vector<16xi32>,
        %parallel_loop3A_1079 = vector.bitcast %parallel_loop3A_1078 : vector<16xi32> to vector<32xbf16>
        %parallel_loop3A_1080 = arith.mulf %parallel_loop3A_1075, %parallel_loop3A_1079 : vector<32xbf16>
        %parallel_loop3A_1081 = arith.addf %broadcast_in_dim3A_5, %parallel_loop3A_1080 : vector<32xbf16>
        %parallel_loop3A_1082 = arith.index_cast %parallel_loop3A_1061 : i32 to index
        %parallel_loop3A_1083 = arith.constant 32 : index
        %parallel_loop3A_1084 = tpu.vector_load %arg10[%parallel_loop3A_1082, %parallel_loop3A_1083] {strides = array<i32>} : memref<32x128xi32, #tpu.memory_space<vmem>>, vector<16xi32>,
        %parallel_loop3A_1085 = vector.bitcast %parallel_loop3A_1084 : vector<16xi32> to vector<32xbf16>
        %parallel_loop3A_1086 = arith.index_cast %parallel_loop3A_1061 : i32 to index
        %parallel_loop3A_1087 = arith.constant 32 : index
        %parallel_loop3A_1088 = tpu.vector_load %arg11[%parallel_loop3A_1086, %parallel_loop3A_1087] {strides = array<i32>} : memref<32x128xi32, #tpu.memory_space<vmem>>, vector<16xi32>,
        %parallel_loop3A_1089 = vector.bitcast %parallel_loop3A_1088 : vector<16xi32> to vector<32xbf16>
        %parallel_loop3A_1090 = arith.mulf %parallel_loop3A_1085, %parallel_loop3A_1089 : vector<32xbf16>
        %parallel_loop3A_1091 = arith.addf %parallel_loop3A_1071, %parallel_loop3A_1090 : vector<32xbf16>
        %parallel_loop3A_1092 = arith.index_cast %parallel_loop3A_1061 : i32 to index
        %parallel_loop3A_1093 = arith.constant 48 : index
        %parallel_loop3A_1094 = tpu.vector_load %arg10[%parallel_loop3A_1092, %parallel_loop3A_1093] {strides = array<i32>} : memref<32x128xi32, #tpu.memory_space<vmem>>, vector<16xi32>,
        %parallel_loop3A_1095 = vector.bitcast %parallel_loop3A_1094 : vector<16xi32> to vector<32xbf16>
        %parallel_loop3A_1096 = arith.index_cast %parallel_loop3A_1061 : i32 to index
        %parallel_loop3A_1097 = arith.constant 48 : index
        %parallel_loop3A_1098 = tpu.vector_load %arg11[%parallel_loop3A_1096, %parallel_loop3A_1097] {strides = array<i32>} : memref<32x128xi32, #tpu.memory_space<vmem>>, vector<16xi32>,
        %parallel_loop3A_1099 = vector.bitcast %parallel_loop3A_1098 : vector<16xi32> to vector<32xbf16>
        %parallel_loop3A_1100 = arith.mulf %parallel_loop3A_1095, %parallel_loop3A_1099 : vector<32xbf16>
        %parallel_loop3A_1101 = arith.addf %parallel_loop3A_1081, %parallel_loop3A_1100 : vector<32xbf16>
        %parallel_loop3A_1102 = arith.index_cast %parallel_loop3A_1061 : i32 to index
        %parallel_loop3A_1103 = arith.constant 64 : index
        %parallel_loop3A_1104 = tpu.vector_load %arg10[%parallel_loop3A_1102, %parallel_loop3A_1103] {strides = array<i32>} : memref<32x128xi32, #tpu.memory_space<vmem>>, vector<16xi32>,
        %parallel_loop3A_1105 = vector.bitcast %parallel_loop3A_1104 : vector<16xi32> to vector<32xbf16>
        %parallel_loop3A_1106 = arith.index_cast %parallel_loop3A_1061 : i32 to index
        %parallel_loop3A_1107 = arith.constant 64 : index
        %parallel_loop3A_1108 = tpu.vector_load %arg11[%parallel_loop3A_1106, %parallel_loop3A_1107] {strides = array<i32>} : memref<32x128xi32, #tpu.memory_space<vmem>>, vector<16xi32>,
        %parallel_loop3A_1109 = vector.bitcast %parallel_loop3A_1108 : vector<16xi32> to vector<32xbf16>
        %parallel_loop3A_1110 = arith.mulf %parallel_loop3A_1105, %parallel_loop3A_1109 : vector<32xbf16>
        %parallel_loop3A_1111 = arith.addf %parallel_loop3A_1091, %parallel_loop3A_1110 : vector<32xbf16>
        %parallel_loop3A_1112 = arith.index_cast %parallel_loop3A_1061 : i32 to index
        %parallel_loop3A_1113 = arith.constant 80 : index
        %parallel_loop3A_1114 = tpu.vector_load %arg10[%parallel_loop3A_1112, %parallel_loop3A_1113] {strides = array<i32>} : memref<32x128xi32, #tpu.memory_space<vmem>>, vector<16xi32>,
        %parallel_loop3A_1115 = vector.bitcast %parallel_loop3A_1114 : vector<16xi32> to vector<32xbf16>
        %parallel_loop3A_1116 = arith.index_cast %parallel_loop3A_1061 : i32 to index
        %parallel_loop3A_1117 = arith.constant 80 : index
        %parallel_loop3A_1118 = tpu.vector_load %arg11[%parallel_loop3A_1116, %parallel_loop3A_1117] {strides = array<i32>} : memref<32x128xi32, #tpu.memory_space<vmem>>, vector<16xi32>,
        %parallel_loop3A_1119 = vector.bitcast %parallel_loop3A_1118 : vector<16xi32> to vector<32xbf16>
        %parallel_loop3A_1120 = arith.mulf %parallel_loop3A_1115, %parallel_loop3A_1119 : vector<32xbf16>
        %parallel_loop3A_1121 = arith.addf %parallel_loop3A_1101, %parallel_loop3A_1120 : vector<32xbf16>
        %parallel_loop3A_1122 = arith.index_cast %parallel_loop3A_1061 : i32 to index
        %parallel_loop3A_1123 = arith.constant 96 : index
        %parallel_loop3A_1124 = tpu.vector_load %arg10[%parallel_loop3A_1122, %parallel_loop3A_1123] {strides = array<i32>} : memref<32x128xi32, #tpu.memory_space<vmem>>, vector<16xi32>,
        %parallel_loop3A_1125 = vector.bitcast %parallel_loop3A_1124 : vector<16xi32> to vector<32xbf16>
        %parallel_loop3A_1126 = arith.index_cast %parallel_loop3A_1061 : i32 to index
        %parallel_loop3A_1127 = arith.constant 96 : index
        %parallel_loop3A_1128 = tpu.vector_load %arg11[%parallel_loop3A_1126, %parallel_loop3A_1127] {strides = array<i32>} : memref<32x128xi32, #tpu.memory_space<vmem>>, vector<16xi32>,
        %parallel_loop3A_1129 = vector.bitcast %parallel_loop3A_1128 : vector<16xi32> to vector<32xbf16>
        %parallel_loop3A_1130 = arith.mulf %parallel_loop3A_1125, %parallel_loop3A_1129 : vector<32xbf16>
        %parallel_loop3A_1131 = arith.addf %parallel_loop3A_1111, %parallel_loop3A_1130 : vector<32xbf16>
        %parallel_loop3A_1132 = arith.index_cast %parallel_loop3A_1061 : i32 to index
        %parallel_loop3A_1133 = arith.constant 112 : index
        %parallel_loop3A_1134 = tpu.vector_load %arg10[%parallel_loop3A_1132, %parallel_loop3A_1133] {strides = array<i32>} : memref<32x128xi32, #tpu.memory_space<vmem>>, vector<16xi32>,
        %parallel_loop3A_1135 = vector.bitcast %parallel_loop3A_1134 : vector<16xi32> to vector<32xbf16>
        %parallel_loop3A_1136 = arith.index_cast %parallel_loop3A_1061 : i32 to index
        %parallel_loop3A_1137 = arith.constant 112 : index
        %parallel_loop3A_1138 = tpu.vector_load %arg11[%parallel_loop3A_1136, %parallel_loop3A_1137] {strides = array<i32>} : memref<32x128xi32, #tpu.memory_space<vmem>>, vector<16xi32>,
        %parallel_loop3A_1139 = vector.bitcast %parallel_loop3A_1138 : vector<16xi32> to vector<32xbf16>
        %parallel_loop3A_1140 = arith.mulf %parallel_loop3A_1135, %parallel_loop3A_1139 : vector<32xbf16>
        %parallel_loop3A_1141 = arith.addf %parallel_loop3A_1121, %parallel_loop3A_1140 : vector<32xbf16>
        %parallel_loop3A_1142 = arith.addf %parallel_loop3A_1131, %parallel_loop3A_1141 : vector<32xbf16>
        %parallel_loop3A_1143 = tpu.unpack_subelements %parallel_loop3A_1142, 0 {pack_format = #tpu.pack_format<interleaved>} : vector<32xbf16> -> vector<16xf32>
        %parallel_loop3A_1144 = tpu.unpack_subelements %parallel_loop3A_1142, 1 {pack_format = #tpu.pack_format<interleaved>} : vector<32xbf16> -> vector<16xf32>
        %parallel_loop3A_1145 = arith.addf %parallel_loop3A_1143, %parallel_loop3A_1144 : vector<16xf32>
        %parallel_loop3A_1146 = arith.index_cast %parallel_loop3A_1061 : i32 to index
        %parallel_loop3A_1147 = arith.constant 0 : index
        %parallel_loop3A_1148 = tpu.vector_load %arg14[%parallel_loop3A_1146, %parallel_loop3A_1147] {strides = array<i32>} : memref<32x17xf32, #tpu.memory_space<vmem>>, vector<16xf32>,
        tpu.vector_store %arg14[%parallel_loop3A_1146, %parallel_loop3A_1147], %parallel_loop3A_1145 {strides = array<i32>} : memref<32x17xf32, #tpu.memory_space<vmem>>, vector<16xf32>,
      } {sc.loop_unroll_factor = 2 : i64, sc.parallel_access}
      %add3A_714 = arith.constant 0 : i32
      %add3A_715 = vector.broadcast %add3A_714 : i32 to vector<16xi32>
      %add3A_716 = arith.addi %iota3A, %add3A_715 : vector<16xi32>
      %broadcast_in_dim3A_717 = arith.constant 0 : i32
      %broadcast_in_dim3A_718 = vector.broadcast %broadcast_in_dim3A_717 : i32 to vector<16xi32>
      %gather3A_719 = tpu.vector_load_idx %arg14[%add3A_716, %broadcast_in_dim3A_718] : memref<32x17xf32, #tpu.memory_space<vmem>>[vector<16xi32>, vector<16xi32>], vector<16xf32>,
      %add3A_720 = arith.addf %broadcast_in_dim3A_3, %gather3A_719 : vector<16xf32>
      %broadcast_in_dim3A_721 = arith.constant 1 : i32
      %broadcast_in_dim3A_722 = vector.broadcast %broadcast_in_dim3A_721 : i32 to vector<16xi32>
      %gather3A_723 = tpu.vector_load_idx %arg14[%add3A_716, %broadcast_in_dim3A_722] : memref<32x17xf32, #tpu.memory_space<vmem>>[vector<16xi32>, vector<16xi32>], vector<16xf32>,
      %add3A_724 = arith.addf %add3A_720, %gather3A_723 : vector<16xf32>
      %broadcast_in_dim3A_725 = arith.constant 2 : i32
      %broadcast_in_dim3A_726 = vector.broadcast %broadcast_in_dim3A_725 : i32 to vector<16xi32>
      %gather3A_727 = tpu.vector_load_idx %arg14[%add3A_716, %broadcast_in_dim3A_726] : memref<32x17xf32, #tpu.memory_space<vmem>>[vector<16xi32>, vector<16xi32>], vector<16xf32>,
      %add3A_728 = arith.addf %add3A_724, %gather3A_727 : vector<16xf32>
      %broadcast_in_dim3A_729 = arith.constant 3 : i32
      %broadcast_in_dim3A_730 = vector.broadcast %broadcast_in_dim3A_729 : i32 to vector<16xi32>
      %gather3A_731 = tpu.vector_load_idx %arg14[%add3A_716, %broadcast_in_dim3A_730] : memref<32x17xf32, #tpu.memory_space<vmem>>[vector<16xi32>, vector<16xi32>], vector<16xf32>,
      %add3A_732 = arith.addf %add3A_728, %gather3A_731 : vector<16xf32>
      %broadcast_in_dim3A_733 = arith.constant 4 : i32
      %broadcast_in_dim3A_734 = vector.broadcast %broadcast_in_dim3A_733 : i32 to vector<16xi32>
      %gather3A_735 = tpu.vector_load_idx %arg14[%add3A_716, %broadcast_in_dim3A_734] : memref<32x17xf32, #tpu.memory_space<vmem>>[vector<16xi32>, vector<16xi32>], vector<16xf32>,
      %add3A_736 = arith.addf %add3A_732, %gather3A_735 : vector<16xf32>
      %broadcast_in_dim3A_737 = arith.constant 5 : i32
      %broadcast_in_dim3A_738 = vector.broadcast %broadcast_in_dim3A_737 : i32 to vector<16xi32>
      %gather3A_739 = tpu.vector_load_idx %arg14[%add3A_716, %broadcast_in_dim3A_738] : memref<32x17xf32, #tpu.memory_space<vmem>>[vector<16xi32>, vector<16xi32>], vector<16xf32>,
      %add3A_740 = arith.addf %add3A_736, %gather3A_739 : vector<16xf32>
      %broadcast_in_dim3A_741 = arith.constant 6 : i32
      %broadcast_in_dim3A_742 = vector.broadcast %broadcast_in_dim3A_741 : i32 to vector<16xi32>
      %gather3A_743 = tpu.vector_load_idx %arg14[%add3A_716, %broadcast_in_dim3A_742] : memref<32x17xf32, #tpu.memory_space<vmem>>[vector<16xi32>, vector<16xi32>], vector<16xf32>,
      %add3A_744 = arith.addf %add3A_740, %gather3A_743 : vector<16xf32>
      %broadcast_in_dim3A_745 = arith.constant 7 : i32
      %broadcast_in_dim3A_746 = vector.broadcast %broadcast_in_dim3A_745 : i32 to vector<16xi32>
      %gather3A_747 = tpu.vector_load_idx %arg14[%add3A_716, %broadcast_in_dim3A_746] : memref<32x17xf32, #tpu.memory_space<vmem>>[vector<16xi32>, vector<16xi32>], vector<16xf32>,
      %add3A_748 = arith.addf %add3A_744, %gather3A_747 : vector<16xf32>
      %broadcast_in_dim3A_749 = arith.constant 8 : i32
      %broadcast_in_dim3A_750 = vector.broadcast %broadcast_in_dim3A_749 : i32 to vector<16xi32>
      %gather3A_751 = tpu.vector_load_idx %arg14[%add3A_716, %broadcast_in_dim3A_750] : memref<32x17xf32, #tpu.memory_space<vmem>>[vector<16xi32>, vector<16xi32>], vector<16xf32>,
      %add3A_752 = arith.addf %add3A_748, %gather3A_751 : vector<16xf32>
      %broadcast_in_dim3A_753 = arith.constant 9 : i32
      %broadcast_in_dim3A_754 = vector.broadcast %broadcast_in_dim3A_753 : i32 to vector<16xi32>
      %gather3A_755 = tpu.vector_load_idx %arg14[%add3A_716, %broadcast_in_dim3A_754] : memref<32x17xf32, #tpu.memory_space<vmem>>[vector<16xi32>, vector<16xi32>], vector<16xf32>,
      %add3A_756 = arith.addf %add3A_752, %gather3A_755 : vector<16xf32>
      %broadcast_in_dim3A_757 = arith.constant 10 : i32
      %broadcast_in_dim3A_758 = vector.broadcast %broadcast_in_dim3A_757 : i32 to vector<16xi32>
      %gather3A_759 = tpu.vector_load_idx %arg14[%add3A_716, %broadcast_in_dim3A_758] : memref<32x17xf32, #tpu.memory_space<vmem>>[vector<16xi32>, vector<16xi32>], vector<16xf32>,
      %add3A_760 = arith.addf %add3A_756, %gather3A_759 : vector<16xf32>
      %broadcast_in_dim3A_761 = arith.constant 11 : i32
      %broadcast_in_dim3A_762 = vector.broadcast %broadcast_in_dim3A_761 : i32 to vector<16xi32>
      %gather3A_763 = tpu.vector_load_idx %arg14[%add3A_716, %broadcast_in_dim3A_762] : memref<32x17xf32, #tpu.memory_space<vmem>>[vector<16xi32>, vector<16xi32>], vector<16xf32>,
      %add3A_764 = arith.addf %add3A_760, %gather3A_763 : vector<16xf32>
      %broadcast_in_dim3A_765 = arith.constant 12 : i32
      %broadcast_in_dim3A_766 = vector.broadcast %broadcast_in_dim3A_765 : i32 to vector<16xi32>
      %gather3A_767 = tpu.vector_load_idx %arg14[%add3A_716, %broadcast_in_dim3A_766] : memref<32x17xf32, #tpu.memory_space<vmem>>[vector<16xi32>, vector<16xi32>], vector<16xf32>,
      %add3A_768 = arith.addf %add3A_764, %gather3A_767 : vector<16xf32>
      %broadcast_in_dim3A_769 = arith.constant 13 : i32
      %broadcast_in_dim3A_770 = vector.broadcast %broadcast_in_dim3A_769 : i32 to vector<16xi32>
      %gather3A_771 = tpu.vector_load_idx %arg14[%add3A_716, %broadcast_in_dim3A_770] : memref<32x17xf32, #tpu.memory_space<vmem>>[vector<16xi32>, vector<16xi32>], vector<16xf32>,
      %add3A_772 = arith.addf %add3A_768, %gather3A_771 : vector<16xf32>
      %broadcast_in_dim3A_773 = arith.constant 14 : i32
      %broadcast_in_dim3A_774 = vector.broadcast %broadcast_in_dim3A_773 : i32 to vector<16xi32>
      %gather3A_775 = tpu.vector_load_idx %arg14[%add3A_716, %broadcast_in_dim3A_774] : memref<32x17xf32, #tpu.memory_space<vmem>>[vector<16xi32>, vector<16xi32>], vector<16xf32>,
      %add3A_776 = arith.addf %add3A_772, %gather3A_775 : vector<16xf32>
      %broadcast_in_dim3A_777 = arith.constant 15 : i32
      %broadcast_in_dim3A_778 = vector.broadcast %broadcast_in_dim3A_777 : i32 to vector<16xi32>
      %gather3A_779 = tpu.vector_load_idx %arg14[%add3A_716, %broadcast_in_dim3A_778] : memref<32x17xf32, #tpu.memory_space<vmem>>[vector<16xi32>, vector<16xi32>], vector<16xf32>,
      %add3A_780 = arith.addf %add3A_776, %gather3A_779 : vector<16xf32>
      %add3A_781 = arith.constant 16 : i32
      %add3A_782 = vector.broadcast %add3A_781 : i32 to vector<16xi32>
      %add3A_783 = arith.addi %iota3A, %add3A_782 : vector<16xi32>
      %broadcast_in_dim3A_784 = arith.constant 0 : i32
      %broadcast_in_dim3A_785 = vector.broadcast %broadcast_in_dim3A_784 : i32 to vector<16xi32>
      %gather3A_786 = tpu.vector_load_idx %arg14[%add3A_783, %broadcast_in_dim3A_785] : memref<32x17xf32, #tpu.memory_space<vmem>>[vector<16xi32>, vector<16xi32>], vector<16xf32>,
      %add3A_787 = arith.addf %broadcast_in_dim3A_3, %gather3A_786 : vector<16xf32>
      %broadcast_in_dim3A_788 = arith.constant 1 : i32
      %broadcast_in_dim3A_789 = vector.broadcast %broadcast_in_dim3A_788 : i32 to vector<16xi32>
      %gather3A_790 = tpu.vector_load_idx %arg14[%add3A_783, %broadcast_in_dim3A_789] : memref<32x17xf32, #tpu.memory_space<vmem>>[vector<16xi32>, vector<16xi32>], vector<16xf32>,
      %add3A_791 = arith.addf %add3A_787, %gather3A_790 : vector<16xf32>
      %broadcast_in_dim3A_792 = arith.constant 2 : i32
      %broadcast_in_dim3A_793 = vector.broadcast %broadcast_in_dim3A_792 : i32 to vector<16xi32>
      %gather3A_794 = tpu.vector_load_idx %arg14[%add3A_783, %broadcast_in_dim3A_793] : memref<32x17xf32, #tpu.memory_space<vmem>>[vector<16xi32>, vector<16xi32>], vector<16xf32>,
      %add3A_795 = arith.addf %add3A_791, %gather3A_794 : vector<16xf32>
      %broadcast_in_dim3A_796 = arith.constant 3 : i32
      %broadcast_in_dim3A_797 = vector.broadcast %broadcast_in_dim3A_796 : i32 to vector<16xi32>
      %gather3A_798 = tpu.vector_load_idx %arg14[%add3A_783, %broadcast_in_dim3A_797] : memref<32x17xf32, #tpu.memory_space<vmem>>[vector<16xi32>, vector<16xi32>], vector<16xf32>,
      %add3A_799 = arith.addf %add3A_795, %gather3A_798 : vector<16xf32>
      %broadcast_in_dim3A_800 = arith.constant 4 : i32
      %broadcast_in_dim3A_801 = vector.broadcast %broadcast_in_dim3A_800 : i32 to vector<16xi32>
      %gather3A_802 = tpu.vector_load_idx %arg14[%add3A_783, %broadcast_in_dim3A_801] : memref<32x17xf32, #tpu.memory_space<vmem>>[vector<16xi32>, vector<16xi32>], vector<16xf32>,
      %add3A_803 = arith.addf %add3A_799, %gather3A_802 : vector<16xf32>
      %broadcast_in_dim3A_804 = arith.constant 5 : i32
      %broadcast_in_dim3A_805 = vector.broadcast %broadcast_in_dim3A_804 : i32 to vector<16xi32>
      %gather3A_806 = tpu.vector_load_idx %arg14[%add3A_783, %broadcast_in_dim3A_805] : memref<32x17xf32, #tpu.memory_space<vmem>>[vector<16xi32>, vector<16xi32>], vector<16xf32>,
      %add3A_807 = arith.addf %add3A_803, %gather3A_806 : vector<16xf32>
      %broadcast_in_dim3A_808 = arith.constant 6 : i32
      %broadcast_in_dim3A_809 = vector.broadcast %broadcast_in_dim3A_808 : i32 to vector<16xi32>
      %gather3A_810 = tpu.vector_load_idx %arg14[%add3A_783, %broadcast_in_dim3A_809] : memref<32x17xf32, #tpu.memory_space<vmem>>[vector<16xi32>, vector<16xi32>], vector<16xf32>,
      %add3A_811 = arith.addf %add3A_807, %gather3A_810 : vector<16xf32>
      %broadcast_in_dim3A_812 = arith.constant 7 : i32
      %broadcast_in_dim3A_813 = vector.broadcast %broadcast_in_dim3A_812 : i32 to vector<16xi32>
      %gather3A_814 = tpu.vector_load_idx %arg14[%add3A_783, %broadcast_in_dim3A_813] : memref<32x17xf32, #tpu.memory_space<vmem>>[vector<16xi32>, vector<16xi32>], vector<16xf32>,
      %add3A_815 = arith.addf %add3A_811, %gather3A_814 : vector<16xf32>
      %broadcast_in_dim3A_816 = arith.constant 8 : i32
      %broadcast_in_dim3A_817 = vector.broadcast %broadcast_in_dim3A_816 : i32 to vector<16xi32>
      %gather3A_818 = tpu.vector_load_idx %arg14[%add3A_783, %broadcast_in_dim3A_817] : memref<32x17xf32, #tpu.memory_space<vmem>>[vector<16xi32>, vector<16xi32>], vector<16xf32>,
      %add3A_819 = arith.addf %add3A_815, %gather3A_818 : vector<16xf32>
      %broadcast_in_dim3A_820 = arith.constant 9 : i32
      %broadcast_in_dim3A_821 = vector.broadcast %broadcast_in_dim3A_820 : i32 to vector<16xi32>
      %gather3A_822 = tpu.vector_load_idx %arg14[%add3A_783, %broadcast_in_dim3A_821] : memref<32x17xf32, #tpu.memory_space<vmem>>[vector<16xi32>, vector<16xi32>], vector<16xf32>,
      %add3A_823 = arith.addf %add3A_819, %gather3A_822 : vector<16xf32>
      %broadcast_in_dim3A_824 = arith.constant 10 : i32
      %broadcast_in_dim3A_825 = vector.broadcast %broadcast_in_dim3A_824 : i32 to vector<16xi32>
      %gather3A_826 = tpu.vector_load_idx %arg14[%add3A_783, %broadcast_in_dim3A_825] : memref<32x17xf32, #tpu.memory_space<vmem>>[vector<16xi32>, vector<16xi32>], vector<16xf32>,
      %add3A_827 = arith.addf %add3A_823, %gather3A_826 : vector<16xf32>
      %broadcast_in_dim3A_828 = arith.constant 11 : i32
      %broadcast_in_dim3A_829 = vector.broadcast %broadcast_in_dim3A_828 : i32 to vector<16xi32>
      %gather3A_830 = tpu.vector_load_idx %arg14[%add3A_783, %broadcast_in_dim3A_829] : memref<32x17xf32, #tpu.memory_space<vmem>>[vector<16xi32>, vector<16xi32>], vector<16xf32>,
      %add3A_831 = arith.addf %add3A_827, %gather3A_830 : vector<16xf32>
      %broadcast_in_dim3A_832 = arith.constant 12 : i32
      %broadcast_in_dim3A_833 = vector.broadcast %broadcast_in_dim3A_832 : i32 to vector<16xi32>
      %gather3A_834 = tpu.vector_load_idx %arg14[%add3A_783, %broadcast_in_dim3A_833] : memref<32x17xf32, #tpu.memory_space<vmem>>[vector<16xi32>, vector<16xi32>], vector<16xf32>,
      %add3A_835 = arith.addf %add3A_831, %gather3A_834 : vector<16xf32>
      %broadcast_in_dim3A_836 = arith.constant 13 : i32
      %broadcast_in_dim3A_837 = vector.broadcast %broadcast_in_dim3A_836 : i32 to vector<16xi32>
      %gather3A_838 = tpu.vector_load_idx %arg14[%add3A_783, %broadcast_in_dim3A_837] : memref<32x17xf32, #tpu.memory_space<vmem>>[vector<16xi32>, vector<16xi32>], vector<16xf32>,
      %add3A_839 = arith.addf %add3A_835, %gather3A_838 : vector<16xf32>
      %broadcast_in_dim3A_840 = arith.constant 14 : i32
      %broadcast_in_dim3A_841 = vector.broadcast %broadcast_in_dim3A_840 : i32 to vector<16xi32>
      %gather3A_842 = tpu.vector_load_idx %arg14[%add3A_783, %broadcast_in_dim3A_841] : memref<32x17xf32, #tpu.memory_space<vmem>>[vector<16xi32>, vector<16xi32>], vector<16xf32>,
      %add3A_843 = arith.addf %add3A_839, %gather3A_842 : vector<16xf32>
      %broadcast_in_dim3A_844 = arith.constant 15 : i32
      %broadcast_in_dim3A_845 = vector.broadcast %broadcast_in_dim3A_844 : i32 to vector<16xi32>
      %gather3A_846 = tpu.vector_load_idx %arg14[%add3A_783, %broadcast_in_dim3A_845] : memref<32x17xf32, #tpu.memory_space<vmem>>[vector<16xi32>, vector<16xi32>], vector<16xf32>,
      %add3A_847 = arith.addf %add3A_843, %gather3A_846 : vector<16xf32>
      %exp3A_848 = math.exp %add3A_780 : vector<16xf32>
      %add3A_849 = arith.constant 1.000000e+00 : f32
      %add3A_850 = vector.broadcast %add3A_849 : f32 to vector<16xf32>
      %add3A_851 = arith.addf %add3A_850, %exp3A_848 : vector<16xf32>
      %div3A_852 = arith.constant 1.000000e+00 : f32
      %div3A_853 = vector.broadcast %div3A_852 : f32 to vector<16xf32>
      %div3A_854 = arith.divf %div3A_853, %add3A_851 : vector<16xf32>
      %exp3A_855 = math.exp %add3A_847 : vector<16xf32>
      %add3A_856 = arith.constant 1.000000e+00 : f32
      %add3A_857 = vector.broadcast %add3A_856 : f32 to vector<16xf32>
      %add3A_858 = arith.addf %add3A_857, %exp3A_855 : vector<16xf32>
      %div3A_859 = arith.constant 1.000000e+00 : f32
      %div3A_860 = vector.broadcast %div3A_859 : f32 to vector<16xf32>
      %div3A_861 = arith.divf %div3A_860, %add3A_858 : vector<16xf32>
      %pack3A_862 = tpu.pack_subelements %div3A_854, %div3A_861 {pack_format = #tpu.pack_format<interleaved>, positions = array<i32: 0, 1>} : vector<16xf32>, vector<16xf32> -> vector<32xbf16>
      %add3A_863 = arith.constant 0 : i32
      %add3A_864 = arith.addi %mul3A_710, %add3A_863 : i32
      %swap3A_865 = arith.index_cast %add3A_864 : i32 to index
      %swap3A_866 = tpu.vector_load %arg15[%swap3A_865] {strides = array<i32>} : memref<5120xbf16, #tpu.memory_space<vmem>>, vector<32xbf16>,
      tpu.vector_store %arg15[%swap3A_865], %pack3A_862 {strides = array<i32>} : memref<5120xbf16, #tpu.memory_space<vmem>>, vector<32xbf16>,
      %add3A_867 = arith.constant 2 : i32
      %add3A_868 = arith.addi %mul3A_698, %add3A_867 : i32
      %mul3A_869 = arith.constant 32 : i32
      %mul3A_870 = arith.muli %add3A_868, %mul3A_869 : i32
      %dma_start3A_871 = tpu.memref_slice %arg8[%mul3A_870] : memref<5120xi32, #tpu.memory_space<vmem>> -> memref<32xi32, #tpu.memory_space<vmem>>
      %dma_start3A_872 = arith.constant 0 : i32
      %dma_start3A_873 = arith.constant 0 : i32
      %dma_start3A_874 = tpu.memref_slice %arg7[%dma_start3A_872, %dma_start3A_873] : memref<10000x128xi32, #tpu.memory_space<vmem_shared>> -> memref<10000x128xi32, #tpu.memory_space<vmem_shared>>
      tpu.enqueue_indirect_dma source(%dma_start3A_874 : memref<10000x128xi32, #tpu.memory_space<vmem_shared>>) target(%arg10 : memref<32x128xi32, #tpu.memory_space<vmem>>) offsets(%dma_start3A_871 : memref<32xi32, #tpu.memory_space<vmem>>) semaphore(%arg17 : memref<!tpu.dma_semaphore, #tpu.memory_space<semaphore_mem>>)
      %dma_start3A_875 = tpu.memref_slice %arg9[%mul3A_870] : memref<5120xi32, #tpu.memory_space<vmem>> -> memref<32xi32, #tpu.memory_space<vmem>>
      %dma_start3A_876 = arith.constant 0 : i32
      %dma_start3A_877 = arith.constant 0 : i32
      %dma_start3A_878 = tpu.memref_slice %arg7[%dma_start3A_876, %dma_start3A_877] : memref<10000x128xi32, #tpu.memory_space<vmem_shared>> -> memref<10000x128xi32, #tpu.memory_space<vmem_shared>>
      tpu.enqueue_indirect_dma source(%dma_start3A_878 : memref<10000x128xi32, #tpu.memory_space<vmem_shared>>) target(%arg11 : memref<32x128xi32, #tpu.memory_space<vmem>>) offsets(%dma_start3A_875 : memref<32xi32, #tpu.memory_space<vmem>>) semaphore(%arg17 : memref<!tpu.dma_semaphore, #tpu.memory_space<semaphore_mem>>)
      %dma_wait3A_879 = arith.constant 0 : i32
      %dma_wait3A_880 = tpu.memref_slice %arg8[%dma_wait3A_879] : memref<5120xi32, #tpu.memory_space<vmem>> -> memref<32xi32, #tpu.memory_space<vmem>>
      %dma_wait3A_881 = arith.constant 0 : i32
      %dma_wait3A_882 = arith.constant 0 : i32
      %dma_wait3A_883 = tpu.memref_slice %arg7[%dma_wait3A_881, %dma_wait3A_882] : memref<10000x128xi32, #tpu.memory_space<vmem_shared>> -> memref<10000x128xi32, #tpu.memory_space<vmem_shared>>
      tpu.wait_indirect_dma semaphore(%arg18 : memref<!tpu.dma_semaphore, #tpu.memory_space<semaphore_mem>>) src(%dma_wait3A_883 : memref<10000x128xi32, #tpu.memory_space<vmem_shared>>) dst(%arg12 : memref<32x128xi32, #tpu.memory_space<vmem>>)
      %dma_wait3A_884 = arith.constant 0 : i32
      %dma_wait3A_885 = tpu.memref_slice %arg8[%dma_wait3A_884] : memref<5120xi32, #tpu.memory_space<vmem>> -> memref<32xi32, #tpu.memory_space<vmem>>
      %dma_wait3A_886 = arith.constant 0 : i32
      %dma_wait3A_887 = arith.constant 0 : i32
      %dma_wait3A_888 = tpu.memref_slice %arg7[%dma_wait3A_886, %dma_wait3A_887] : memref<10000x128xi32, #tpu.memory_space<vmem_shared>> -> memref<10000x128xi32, #tpu.memory_space<vmem_shared>>
      tpu.wait_indirect_dma semaphore(%arg18 : memref<!tpu.dma_semaphore, #tpu.memory_space<semaphore_mem>>) src(%dma_wait3A_888 : memref<10000x128xi32, #tpu.memory_space<vmem_shared>>) dst(%arg13 : memref<32x128xi32, #tpu.memory_space<vmem>>)
      %add3A_889 = arith.constant 1 : i32
      %add3A_890 = arith.addi %mul3A_698, %add3A_889 : i32
      %mul3A_891 = arith.constant 32 : i32
      %mul3A_892 = arith.muli %add3A_890, %mul3A_891 : i32
      %parallel_loop3A_893 = arith.constant 0 : i32
      %parallel_loop3A_894 = arith.constant 32 : i32
      %parallel_loop3A_895 = arith.constant 1 : i32
      scf.for %parallel_loop3A_1061 = %parallel_loop3A_893 to %parallel_loop3A_894 step %parallel_loop3A_895  : i32 {
        %parallel_loop3A_1062 = arith.index_cast %parallel_loop3A_1061 : i32 to index
        %parallel_loop3A_1063 = arith.constant 0 : index
        %parallel_loop3A_1064 = tpu.vector_load %arg12[%parallel_loop3A_1062, %parallel_loop3A_1063] {strides = array<i32>} : memref<32x128xi32, #tpu.memory_space<vmem>>, vector<16xi32>,
        %parallel_loop3A_1065 = vector.bitcast %parallel_loop3A_1064 : vector<16xi32> to vector<32xbf16>
        %parallel_loop3A_1066 = arith.index_cast %parallel_loop3A_1061 : i32 to index
        %parallel_loop3A_1067 = arith.constant 0 : index
        %parallel_loop3A_1068 = tpu.vector_load %arg13[%parallel_loop3A_1066, %parallel_loop3A_1067] {strides = array<i32>} : memref<32x128xi32, #tpu.memory_space<vmem>>, vector<16xi32>,
        %parallel_loop3A_1069 = vector.bitcast %parallel_loop3A_1068 : vector<16xi32> to vector<32xbf16>
        %parallel_loop3A_1070 = arith.mulf %parallel_loop3A_1065, %parallel_loop3A_1069 : vector<32xbf16>
        %parallel_loop3A_1071 = arith.addf %broadcast_in_dim3A_5, %parallel_loop3A_1070 : vector<32xbf16>
        %parallel_loop3A_1072 = arith.index_cast %parallel_loop3A_1061 : i32 to index
        %parallel_loop3A_1073 = arith.constant 16 : index
        %parallel_loop3A_1074 = tpu.vector_load %arg12[%parallel_loop3A_1072, %parallel_loop3A_1073] {strides = array<i32>} : memref<32x128xi32, #tpu.memory_space<vmem>>, vector<16xi32>,
        %parallel_loop3A_1075 = vector.bitcast %parallel_loop3A_1074 : vector<16xi32> to vector<32xbf16>
        %parallel_loop3A_1076 = arith.index_cast %parallel_loop3A_1061 : i32 to index
        %parallel_loop3A_1077 = arith.constant 16 : index
        %parallel_loop3A_1078 = tpu.vector_load %arg13[%parallel_loop3A_1076, %parallel_loop3A_1077] {strides = array<i32>} : memref<32x128xi32, #tpu.memory_space<vmem>>, vector<16xi32>,
        %parallel_loop3A_1079 = vector.bitcast %parallel_loop3A_1078 : vector<16xi32> to vector<32xbf16>
        %parallel_loop3A_1080 = arith.mulf %parallel_loop3A_1075, %parallel_loop3A_1079 : vector<32xbf16>
        %parallel_loop3A_1081 = arith.addf %broadcast_in_dim3A_5, %parallel_loop3A_1080 : vector<32xbf16>
        %parallel_loop3A_1082 = arith.index_cast %parallel_loop3A_1061 : i32 to index
        %parallel_loop3A_1083 = arith.constant 32 : index
        %parallel_loop3A_1084 = tpu.vector_load %arg12[%parallel_loop3A_1082, %parallel_loop3A_1083] {strides = array<i32>} : memref<32x128xi32, #tpu.memory_space<vmem>>, vector<16xi32>,
        %parallel_loop3A_1085 = vector.bitcast %parallel_loop3A_1084 : vector<16xi32> to vector<32xbf16>
        %parallel_loop3A_1086 = arith.index_cast %parallel_loop3A_1061 : i32 to index
        %parallel_loop3A_1087 = arith.constant 32 : index
        %parallel_loop3A_1088 = tpu.vector_load %arg13[%parallel_loop3A_1086, %parallel_loop3A_1087] {strides = array<i32>} : memref<32x128xi32, #tpu.memory_space<vmem>>, vector<16xi32>,
        %parallel_loop3A_1089 = vector.bitcast %parallel_loop3A_1088 : vector<16xi32> to vector<32xbf16>
        %parallel_loop3A_1090 = arith.mulf %parallel_loop3A_1085, %parallel_loop3A_1089 : vector<32xbf16>
        %parallel_loop3A_1091 = arith.addf %parallel_loop3A_1071, %parallel_loop3A_1090 : vector<32xbf16>
        %parallel_loop3A_1092 = arith.index_cast %parallel_loop3A_1061 : i32 to index
        %parallel_loop3A_1093 = arith.constant 48 : index
        %parallel_loop3A_1094 = tpu.vector_load %arg12[%parallel_loop3A_1092, %parallel_loop3A_1093] {strides = array<i32>} : memref<32x128xi32, #tpu.memory_space<vmem>>, vector<16xi32>,
        %parallel_loop3A_1095 = vector.bitcast %parallel_loop3A_1094 : vector<16xi32> to vector<32xbf16>
        %parallel_loop3A_1096 = arith.index_cast %parallel_loop3A_1061 : i32 to index
        %parallel_loop3A_1097 = arith.constant 48 : index
        %parallel_loop3A_1098 = tpu.vector_load %arg13[%parallel_loop3A_1096, %parallel_loop3A_1097] {strides = array<i32>} : memref<32x128xi32, #tpu.memory_space<vmem>>, vector<16xi32>,
        %parallel_loop3A_1099 = vector.bitcast %parallel_loop3A_1098 : vector<16xi32> to vector<32xbf16>
        %parallel_loop3A_1100 = arith.mulf %parallel_loop3A_1095, %parallel_loop3A_1099 : vector<32xbf16>
        %parallel_loop3A_1101 = arith.addf %parallel_loop3A_1081, %parallel_loop3A_1100 : vector<32xbf16>
        %parallel_loop3A_1102 = arith.index_cast %parallel_loop3A_1061 : i32 to index
        %parallel_loop3A_1103 = arith.constant 64 : index
        %parallel_loop3A_1104 = tpu.vector_load %arg12[%parallel_loop3A_1102, %parallel_loop3A_1103] {strides = array<i32>} : memref<32x128xi32, #tpu.memory_space<vmem>>, vector<16xi32>,
        %parallel_loop3A_1105 = vector.bitcast %parallel_loop3A_1104 : vector<16xi32> to vector<32xbf16>
        %parallel_loop3A_1106 = arith.index_cast %parallel_loop3A_1061 : i32 to index
        %parallel_loop3A_1107 = arith.constant 64 : index
        %parallel_loop3A_1108 = tpu.vector_load %arg13[%parallel_loop3A_1106, %parallel_loop3A_1107] {strides = array<i32>} : memref<32x128xi32, #tpu.memory_space<vmem>>, vector<16xi32>,
        %parallel_loop3A_1109 = vector.bitcast %parallel_loop3A_1108 : vector<16xi32> to vector<32xbf16>
        %parallel_loop3A_1110 = arith.mulf %parallel_loop3A_1105, %parallel_loop3A_1109 : vector<32xbf16>
        %parallel_loop3A_1111 = arith.addf %parallel_loop3A_1091, %parallel_loop3A_1110 : vector<32xbf16>
        %parallel_loop3A_1112 = arith.index_cast %parallel_loop3A_1061 : i32 to index
        %parallel_loop3A_1113 = arith.constant 80 : index
        %parallel_loop3A_1114 = tpu.vector_load %arg12[%parallel_loop3A_1112, %parallel_loop3A_1113] {strides = array<i32>} : memref<32x128xi32, #tpu.memory_space<vmem>>, vector<16xi32>,
        %parallel_loop3A_1115 = vector.bitcast %parallel_loop3A_1114 : vector<16xi32> to vector<32xbf16>
        %parallel_loop3A_1116 = arith.index_cast %parallel_loop3A_1061 : i32 to index
        %parallel_loop3A_1117 = arith.constant 80 : index
        %parallel_loop3A_1118 = tpu.vector_load %arg13[%parallel_loop3A_1116, %parallel_loop3A_1117] {strides = array<i32>} : memref<32x128xi32, #tpu.memory_space<vmem>>, vector<16xi32>,
        %parallel_loop3A_1119 = vector.bitcast %parallel_loop3A_1118 : vector<16xi32> to vector<32xbf16>
        %parallel_loop3A_1120 = arith.mulf %parallel_loop3A_1115, %parallel_loop3A_1119 : vector<32xbf16>
        %parallel_loop3A_1121 = arith.addf %parallel_loop3A_1101, %parallel_loop3A_1120 : vector<32xbf16>
        %parallel_loop3A_1122 = arith.index_cast %parallel_loop3A_1061 : i32 to index
        %parallel_loop3A_1123 = arith.constant 96 : index
        %parallel_loop3A_1124 = tpu.vector_load %arg12[%parallel_loop3A_1122, %parallel_loop3A_1123] {strides = array<i32>} : memref<32x128xi32, #tpu.memory_space<vmem>>, vector<16xi32>,
        %parallel_loop3A_1125 = vector.bitcast %parallel_loop3A_1124 : vector<16xi32> to vector<32xbf16>
        %parallel_loop3A_1126 = arith.index_cast %parallel_loop3A_1061 : i32 to index
        %parallel_loop3A_1127 = arith.constant 96 : index
        %parallel_loop3A_1128 = tpu.vector_load %arg13[%parallel_loop3A_1126, %parallel_loop3A_1127] {strides = array<i32>} : memref<32x128xi32, #tpu.memory_space<vmem>>, vector<16xi32>,
        %parallel_loop3A_1129 = vector.bitcast %parallel_loop3A_1128 : vector<16xi32> to vector<32xbf16>
        %parallel_loop3A_1130 = arith.mulf %parallel_loop3A_1125, %parallel_loop3A_1129 : vector<32xbf16>
        %parallel_loop3A_1131 = arith.addf %parallel_loop3A_1111, %parallel_loop3A_1130 : vector<32xbf16>
        %parallel_loop3A_1132 = arith.index_cast %parallel_loop3A_1061 : i32 to index
        %parallel_loop3A_1133 = arith.constant 112 : index
        %parallel_loop3A_1134 = tpu.vector_load %arg12[%parallel_loop3A_1132, %parallel_loop3A_1133] {strides = array<i32>} : memref<32x128xi32, #tpu.memory_space<vmem>>, vector<16xi32>,
        %parallel_loop3A_1135 = vector.bitcast %parallel_loop3A_1134 : vector<16xi32> to vector<32xbf16>
        %parallel_loop3A_1136 = arith.index_cast %parallel_loop3A_1061 : i32 to index
        %parallel_loop3A_1137 = arith.constant 112 : index
        %parallel_loop3A_1138 = tpu.vector_load %arg13[%parallel_loop3A_1136, %parallel_loop3A_1137] {strides = array<i32>} : memref<32x128xi32, #tpu.memory_space<vmem>>, vector<16xi32>,
        %parallel_loop3A_1139 = vector.bitcast %parallel_loop3A_1138 : vector<16xi32> to vector<32xbf16>
        %parallel_loop3A_1140 = arith.mulf %parallel_loop3A_1135, %parallel_loop3A_1139 : vector<32xbf16>
        %parallel_loop3A_1141 = arith.addf %parallel_loop3A_1121, %parallel_loop3A_1140 : vector<32xbf16>
        %parallel_loop3A_1142 = arith.addf %parallel_loop3A_1131, %parallel_loop3A_1141 : vector<32xbf16>
        %parallel_loop3A_1143 = tpu.unpack_subelements %parallel_loop3A_1142, 0 {pack_format = #tpu.pack_format<interleaved>} : vector<32xbf16> -> vector<16xf32>
        %parallel_loop3A_1144 = tpu.unpack_subelements %parallel_loop3A_1142, 1 {pack_format = #tpu.pack_format<interleaved>} : vector<32xbf16> -> vector<16xf32>
        %parallel_loop3A_1145 = arith.addf %parallel_loop3A_1143, %parallel_loop3A_1144 : vector<16xf32>
        %parallel_loop3A_1146 = arith.index_cast %parallel_loop3A_1061 : i32 to index
        %parallel_loop3A_1147 = arith.constant 0 : index
        %parallel_loop3A_1148 = tpu.vector_load %arg14[%parallel_loop3A_1146, %parallel_loop3A_1147] {strides = array<i32>} : memref<32x17xf32, #tpu.memory_space<vmem>>, vector<16xf32>,
        tpu.vector_store %arg14[%parallel_loop3A_1146, %parallel_loop3A_1147], %parallel_loop3A_1145 {strides = array<i32>} : memref<32x17xf32, #tpu.memory_space<vmem>>, vector<16xf32>,
      } {sc.loop_unroll_factor = 2 : i64, sc.parallel_access}
      %add3A_896 = arith.constant 0 : i32
      %add3A_897 = vector.broadcast %add3A_896 : i32 to vector<16xi32>
      %add3A_898 = arith.addi %iota3A, %add3A_897 : vector<16xi32>
      %broadcast_in_dim3A_899 = arith.constant 0 : i32
      %broadcast_in_dim3A_900 = vector.broadcast %broadcast_in_dim3A_899 : i32 to vector<16xi32>
      %gather3A_901 = tpu.vector_load_idx %arg14[%add3A_898, %broadcast_in_dim3A_900] : memref<32x17xf32, #tpu.memory_space<vmem>>[vector<16xi32>, vector<16xi32>], vector<16xf32>,
      %add3A_902 = arith.addf %broadcast_in_dim3A_3, %gather3A_901 : vector<16xf32>
      %broadcast_in_dim3A_903 = arith.constant 1 : i32
      %broadcast_in_dim3A_904 = vector.broadcast %broadcast_in_dim3A_903 : i32 to vector<16xi32>
      %gather3A_905 = tpu.vector_load_idx %arg14[%add3A_898, %broadcast_in_dim3A_904] : memref<32x17xf32, #tpu.memory_space<vmem>>[vector<16xi32>, vector<16xi32>], vector<16xf32>,
      %add3A_906 = arith.addf %add3A_902, %gather3A_905 : vector<16xf32>
      %broadcast_in_dim3A_907 = arith.constant 2 : i32
      %broadcast_in_dim3A_908 = vector.broadcast %broadcast_in_dim3A_907 : i32 to vector<16xi32>
      %gather3A_909 = tpu.vector_load_idx %arg14[%add3A_898, %broadcast_in_dim3A_908] : memref<32x17xf32, #tpu.memory_space<vmem>>[vector<16xi32>, vector<16xi32>], vector<16xf32>,
      %add3A_910 = arith.addf %add3A_906, %gather3A_909 : vector<16xf32>
      %broadcast_in_dim3A_911 = arith.constant 3 : i32
      %broadcast_in_dim3A_912 = vector.broadcast %broadcast_in_dim3A_911 : i32 to vector<16xi32>
      %gather3A_913 = tpu.vector_load_idx %arg14[%add3A_898, %broadcast_in_dim3A_912] : memref<32x17xf32, #tpu.memory_space<vmem>>[vector<16xi32>, vector<16xi32>], vector<16xf32>,
      %add3A_914 = arith.addf %add3A_910, %gather3A_913 : vector<16xf32>
      %broadcast_in_dim3A_915 = arith.constant 4 : i32
      %broadcast_in_dim3A_916 = vector.broadcast %broadcast_in_dim3A_915 : i32 to vector<16xi32>
      %gather3A_917 = tpu.vector_load_idx %arg14[%add3A_898, %broadcast_in_dim3A_916] : memref<32x17xf32, #tpu.memory_space<vmem>>[vector<16xi32>, vector<16xi32>], vector<16xf32>,
      %add3A_918 = arith.addf %add3A_914, %gather3A_917 : vector<16xf32>
      %broadcast_in_dim3A_919 = arith.constant 5 : i32
      %broadcast_in_dim3A_920 = vector.broadcast %broadcast_in_dim3A_919 : i32 to vector<16xi32>
      %gather3A_921 = tpu.vector_load_idx %arg14[%add3A_898, %broadcast_in_dim3A_920] : memref<32x17xf32, #tpu.memory_space<vmem>>[vector<16xi32>, vector<16xi32>], vector<16xf32>,
      %add3A_922 = arith.addf %add3A_918, %gather3A_921 : vector<16xf32>
      %broadcast_in_dim3A_923 = arith.constant 6 : i32
      %broadcast_in_dim3A_924 = vector.broadcast %broadcast_in_dim3A_923 : i32 to vector<16xi32>
      %gather3A_925 = tpu.vector_load_idx %arg14[%add3A_898, %broadcast_in_dim3A_924] : memref<32x17xf32, #tpu.memory_space<vmem>>[vector<16xi32>, vector<16xi32>], vector<16xf32>,
      %add3A_926 = arith.addf %add3A_922, %gather3A_925 : vector<16xf32>
      %broadcast_in_dim3A_927 = arith.constant 7 : i32
      %broadcast_in_dim3A_928 = vector.broadcast %broadcast_in_dim3A_927 : i32 to vector<16xi32>
      %gather3A_929 = tpu.vector_load_idx %arg14[%add3A_898, %broadcast_in_dim3A_928] : memref<32x17xf32, #tpu.memory_space<vmem>>[vector<16xi32>, vector<16xi32>], vector<16xf32>,
      %add3A_930 = arith.addf %add3A_926, %gather3A_929 : vector<16xf32>
      %broadcast_in_dim3A_931 = arith.constant 8 : i32
      %broadcast_in_dim3A_932 = vector.broadcast %broadcast_in_dim3A_931 : i32 to vector<16xi32>
      %gather3A_933 = tpu.vector_load_idx %arg14[%add3A_898, %broadcast_in_dim3A_932] : memref<32x17xf32, #tpu.memory_space<vmem>>[vector<16xi32>, vector<16xi32>], vector<16xf32>,
      %add3A_934 = arith.addf %add3A_930, %gather3A_933 : vector<16xf32>
      %broadcast_in_dim3A_935 = arith.constant 9 : i32
      %broadcast_in_dim3A_936 = vector.broadcast %broadcast_in_dim3A_935 : i32 to vector<16xi32>
      %gather3A_937 = tpu.vector_load_idx %arg14[%add3A_898, %broadcast_in_dim3A_936] : memref<32x17xf32, #tpu.memory_space<vmem>>[vector<16xi32>, vector<16xi32>], vector<16xf32>,
      %add3A_938 = arith.addf %add3A_934, %gather3A_937 : vector<16xf32>
      %broadcast_in_dim3A_939 = arith.constant 10 : i32
      %broadcast_in_dim3A_940 = vector.broadcast %broadcast_in_dim3A_939 : i32 to vector<16xi32>
      %gather3A_941 = tpu.vector_load_idx %arg14[%add3A_898, %broadcast_in_dim3A_940] : memref<32x17xf32, #tpu.memory_space<vmem>>[vector<16xi32>, vector<16xi32>], vector<16xf32>,
      %add3A_942 = arith.addf %add3A_938, %gather3A_941 : vector<16xf32>
      %broadcast_in_dim3A_943 = arith.constant 11 : i32
      %broadcast_in_dim3A_944 = vector.broadcast %broadcast_in_dim3A_943 : i32 to vector<16xi32>
      %gather3A_945 = tpu.vector_load_idx %arg14[%add3A_898, %broadcast_in_dim3A_944] : memref<32x17xf32, #tpu.memory_space<vmem>>[vector<16xi32>, vector<16xi32>], vector<16xf32>,
      %add3A_946 = arith.addf %add3A_942, %gather3A_945 : vector<16xf32>
      %broadcast_in_dim3A_947 = arith.constant 12 : i32
      %broadcast_in_dim3A_948 = vector.broadcast %broadcast_in_dim3A_947 : i32 to vector<16xi32>
      %gather3A_949 = tpu.vector_load_idx %arg14[%add3A_898, %broadcast_in_dim3A_948] : memref<32x17xf32, #tpu.memory_space<vmem>>[vector<16xi32>, vector<16xi32>], vector<16xf32>,
      %add3A_950 = arith.addf %add3A_946, %gather3A_949 : vector<16xf32>
      %broadcast_in_dim3A_951 = arith.constant 13 : i32
      %broadcast_in_dim3A_952 = vector.broadcast %broadcast_in_dim3A_951 : i32 to vector<16xi32>
      %gather3A_953 = tpu.vector_load_idx %arg14[%add3A_898, %broadcast_in_dim3A_952] : memref<32x17xf32, #tpu.memory_space<vmem>>[vector<16xi32>, vector<16xi32>], vector<16xf32>,
      %add3A_954 = arith.addf %add3A_950, %gather3A_953 : vector<16xf32>
      %broadcast_in_dim3A_955 = arith.constant 14 : i32
      %broadcast_in_dim3A_956 = vector.broadcast %broadcast_in_dim3A_955 : i32 to vector<16xi32>
      %gather3A_957 = tpu.vector_load_idx %arg14[%add3A_898, %broadcast_in_dim3A_956] : memref<32x17xf32, #tpu.memory_space<vmem>>[vector<16xi32>, vector<16xi32>], vector<16xf32>,
      %add3A_958 = arith.addf %add3A_954, %gather3A_957 : vector<16xf32>
      %broadcast_in_dim3A_959 = arith.constant 15 : i32
      %broadcast_in_dim3A_960 = vector.broadcast %broadcast_in_dim3A_959 : i32 to vector<16xi32>
      %gather3A_961 = tpu.vector_load_idx %arg14[%add3A_898, %broadcast_in_dim3A_960] : memref<32x17xf32, #tpu.memory_space<vmem>>[vector<16xi32>, vector<16xi32>], vector<16xf32>,
      %add3A_962 = arith.addf %add3A_958, %gather3A_961 : vector<16xf32>
      %add3A_963 = arith.constant 16 : i32
      %add3A_964 = vector.broadcast %add3A_963 : i32 to vector<16xi32>
      %add3A_965 = arith.addi %iota3A, %add3A_964 : vector<16xi32>
      %broadcast_in_dim3A_966 = arith.constant 0 : i32
      %broadcast_in_dim3A_967 = vector.broadcast %broadcast_in_dim3A_966 : i32 to vector<16xi32>
      %gather3A_968 = tpu.vector_load_idx %arg14[%add3A_965, %broadcast_in_dim3A_967] : memref<32x17xf32, #tpu.memory_space<vmem>>[vector<16xi32>, vector<16xi32>], vector<16xf32>,
      %add3A_969 = arith.addf %broadcast_in_dim3A_3, %gather3A_968 : vector<16xf32>
      %broadcast_in_dim3A_970 = arith.constant 1 : i32
      %broadcast_in_dim3A_971 = vector.broadcast %broadcast_in_dim3A_970 : i32 to vector<16xi32>
      %gather3A_972 = tpu.vector_load_idx %arg14[%add3A_965, %broadcast_in_dim3A_971] : memref<32x17xf32, #tpu.memory_space<vmem>>[vector<16xi32>, vector<16xi32>], vector<16xf32>,
      %add3A_973 = arith.addf %add3A_969, %gather3A_972 : vector<16xf32>
      %broadcast_in_dim3A_974 = arith.constant 2 : i32
      %broadcast_in_dim3A_975 = vector.broadcast %broadcast_in_dim3A_974 : i32 to vector<16xi32>
      %gather3A_976 = tpu.vector_load_idx %arg14[%add3A_965, %broadcast_in_dim3A_975] : memref<32x17xf32, #tpu.memory_space<vmem>>[vector<16xi32>, vector<16xi32>], vector<16xf32>,
      %add3A_977 = arith.addf %add3A_973, %gather3A_976 : vector<16xf32>
      %broadcast_in_dim3A_978 = arith.constant 3 : i32
      %broadcast_in_dim3A_979 = vector.broadcast %broadcast_in_dim3A_978 : i32 to vector<16xi32>
      %gather3A_980 = tpu.vector_load_idx %arg14[%add3A_965, %broadcast_in_dim3A_979] : memref<32x17xf32, #tpu.memory_space<vmem>>[vector<16xi32>, vector<16xi32>], vector<16xf32>,
      %add3A_981 = arith.addf %add3A_977, %gather3A_980 : vector<16xf32>
      %broadcast_in_dim3A_982 = arith.constant 4 : i32
      %broadcast_in_dim3A_983 = vector.broadcast %broadcast_in_dim3A_982 : i32 to vector<16xi32>
      %gather3A_984 = tpu.vector_load_idx %arg14[%add3A_965, %broadcast_in_dim3A_983] : memref<32x17xf32, #tpu.memory_space<vmem>>[vector<16xi32>, vector<16xi32>], vector<16xf32>,
      %add3A_985 = arith.addf %add3A_981, %gather3A_984 : vector<16xf32>
      %broadcast_in_dim3A_986 = arith.constant 5 : i32
      %broadcast_in_dim3A_987 = vector.broadcast %broadcast_in_dim3A_986 : i32 to vector<16xi32>
      %gather3A_988 = tpu.vector_load_idx %arg14[%add3A_965, %broadcast_in_dim3A_987] : memref<32x17xf32, #tpu.memory_space<vmem>>[vector<16xi32>, vector<16xi32>], vector<16xf32>,
      %add3A_989 = arith.addf %add3A_985, %gather3A_988 : vector<16xf32>
      %broadcast_in_dim3A_990 = arith.constant 6 : i32
      %broadcast_in_dim3A_991 = vector.broadcast %broadcast_in_dim3A_990 : i32 to vector<16xi32>
      %gather3A_992 = tpu.vector_load_idx %arg14[%add3A_965, %broadcast_in_dim3A_991] : memref<32x17xf32, #tpu.memory_space<vmem>>[vector<16xi32>, vector<16xi32>], vector<16xf32>,
      %add3A_993 = arith.addf %add3A_989, %gather3A_992 : vector<16xf32>
      %broadcast_in_dim3A_994 = arith.constant 7 : i32
      %broadcast_in_dim3A_995 = vector.broadcast %broadcast_in_dim3A_994 : i32 to vector<16xi32>
      %gather3A_996 = tpu.vector_load_idx %arg14[%add3A_965, %broadcast_in_dim3A_995] : memref<32x17xf32, #tpu.memory_space<vmem>>[vector<16xi32>, vector<16xi32>], vector<16xf32>,
      %add3A_997 = arith.addf %add3A_993, %gather3A_996 : vector<16xf32>
      %broadcast_in_dim3A_998 = arith.constant 8 : i32
      %broadcast_in_dim3A_999 = vector.broadcast %broadcast_in_dim3A_998 : i32 to vector<16xi32>
      %gather3A_1000 = tpu.vector_load_idx %arg14[%add3A_965, %broadcast_in_dim3A_999] : memref<32x17xf32, #tpu.memory_space<vmem>>[vector<16xi32>, vector<16xi32>], vector<16xf32>,
      %add3A_1001 = arith.addf %add3A_997, %gather3A_1000 : vector<16xf32>
      %broadcast_in_dim3A_1002 = arith.constant 9 : i32
      %broadcast_in_dim3A_1003 = vector.broadcast %broadcast_in_dim3A_1002 : i32 to vector<16xi32>
      %gather3A_1004 = tpu.vector_load_idx %arg14[%add3A_965, %broadcast_in_dim3A_1003] : memref<32x17xf32, #tpu.memory_space<vmem>>[vector<16xi32>, vector<16xi32>], vector<16xf32>,
      %add3A_1005 = arith.addf %add3A_1001, %gather3A_1004 : vector<16xf32>
      %broadcast_in_dim3A_1006 = arith.constant 10 : i32
      %broadcast_in_dim3A_1007 = vector.broadcast %broadcast_in_dim3A_1006 : i32 to vector<16xi32>
      %gather3A_1008 = tpu.vector_load_idx %arg14[%add3A_965, %broadcast_in_dim3A_1007] : memref<32x17xf32, #tpu.memory_space<vmem>>[vector<16xi32>, vector<16xi32>], vector<16xf32>,
      %add3A_1009 = arith.addf %add3A_1005, %gather3A_1008 : vector<16xf32>
      %broadcast_in_dim3A_1010 = arith.constant 11 : i32
      %broadcast_in_dim3A_1011 = vector.broadcast %broadcast_in_dim3A_1010 : i32 to vector<16xi32>
      %gather3A_1012 = tpu.vector_load_idx %arg14[%add3A_965, %broadcast_in_dim3A_1011] : memref<32x17xf32, #tpu.memory_space<vmem>>[vector<16xi32>, vector<16xi32>], vector<16xf32>,
      %add3A_1013 = arith.addf %add3A_1009, %gather3A_1012 : vector<16xf32>
      %broadcast_in_dim3A_1014 = arith.constant 12 : i32
      %broadcast_in_dim3A_1015 = vector.broadcast %broadcast_in_dim3A_1014 : i32 to vector<16xi32>
      %gather3A_1016 = tpu.vector_load_idx %arg14[%add3A_965, %broadcast_in_dim3A_1015] : memref<32x17xf32, #tpu.memory_space<vmem>>[vector<16xi32>, vector<16xi32>], vector<16xf32>,
      %add3A_1017 = arith.addf %add3A_1013, %gather3A_1016 : vector<16xf32>
      %broadcast_in_dim3A_1018 = arith.constant 13 : i32
      %broadcast_in_dim3A_1019 = vector.broadcast %broadcast_in_dim3A_1018 : i32 to vector<16xi32>
      %gather3A_1020 = tpu.vector_load_idx %arg14[%add3A_965, %broadcast_in_dim3A_1019] : memref<32x17xf32, #tpu.memory_space<vmem>>[vector<16xi32>, vector<16xi32>], vector<16xf32>,
      %add3A_1021 = arith.addf %add3A_1017, %gather3A_1020 : vector<16xf32>
      %broadcast_in_dim3A_1022 = arith.constant 14 : i32
      %broadcast_in_dim3A_1023 = vector.broadcast %broadcast_in_dim3A_1022 : i32 to vector<16xi32>
      %gather3A_1024 = tpu.vector_load_idx %arg14[%add3A_965, %broadcast_in_dim3A_1023] : memref<32x17xf32, #tpu.memory_space<vmem>>[vector<16xi32>, vector<16xi32>], vector<16xf32>,
      %add3A_1025 = arith.addf %add3A_1021, %gather3A_1024 : vector<16xf32>
      %broadcast_in_dim3A_1026 = arith.constant 15 : i32
      %broadcast_in_dim3A_1027 = vector.broadcast %broadcast_in_dim3A_1026 : i32 to vector<16xi32>
      %gather3A_1028 = tpu.vector_load_idx %arg14[%add3A_965, %broadcast_in_dim3A_1027] : memref<32x17xf32, #tpu.memory_space<vmem>>[vector<16xi32>, vector<16xi32>], vector<16xf32>,
      %add3A_1029 = arith.addf %add3A_1025, %gather3A_1028 : vector<16xf32>
      %exp3A_1030 = math.exp %add3A_962 : vector<16xf32>
      %add3A_1031 = arith.constant 1.000000e+00 : f32
      %add3A_1032 = vector.broadcast %add3A_1031 : f32 to vector<16xf32>
      %add3A_1033 = arith.addf %add3A_1032, %exp3A_1030 : vector<16xf32>
      %div3A_1034 = arith.constant 1.000000e+00 : f32
      %div3A_1035 = vector.broadcast %div3A_1034 : f32 to vector<16xf32>
      %div3A_1036 = arith.divf %div3A_1035, %add3A_1033 : vector<16xf32>
      %exp3A_1037 = math.exp %add3A_1029 : vector<16xf32>
      %add3A_1038 = arith.constant 1.000000e+00 : f32
      %add3A_1039 = vector.broadcast %add3A_1038 : f32 to vector<16xf32>
      %add3A_1040 = arith.addf %add3A_1039, %exp3A_1037 : vector<16xf32>
      %div3A_1041 = arith.constant 1.000000e+00 : f32
      %div3A_1042 = vector.broadcast %div3A_1041 : f32 to vector<16xf32>
      %div3A_1043 = arith.divf %div3A_1042, %add3A_1040 : vector<16xf32>
      %pack3A_1044 = tpu.pack_subelements %div3A_1036, %div3A_1043 {pack_format = #tpu.pack_format<interleaved>, positions = array<i32: 0, 1>} : vector<16xf32>, vector<16xf32> -> vector<32xbf16>
      %add3A_1045 = arith.constant 0 : i32
      %add3A_1046 = arith.addi %mul3A_892, %add3A_1045 : i32
      %swap3A_1047 = arith.index_cast %add3A_1046 : i32 to index
      %swap3A_1048 = tpu.vector_load %arg15[%swap3A_1047] {strides = array<i32>} : memref<5120xbf16, #tpu.memory_space<vmem>>, vector<32xbf16>,
      tpu.vector_store %arg15[%swap3A_1047], %pack3A_1044 {strides = array<i32>} : memref<5120xbf16, #tpu.memory_space<vmem>>, vector<32xbf16>,
      %add3A_1049 = arith.constant 3 : i32
      %add3A_1050 = arith.addi %mul3A_698, %add3A_1049 : i32
      %mul3A_1051 = arith.constant 32 : i32
      %mul3A_1052 = arith.muli %add3A_1050, %mul3A_1051 : i32
      %dma_start3A_1053 = tpu.memref_slice %arg8[%mul3A_1052] : memref<5120xi32, #tpu.memory_space<vmem>> -> memref<32xi32, #tpu.memory_space<vmem>>
      %dma_start3A_1054 = arith.constant 0 : i32
      %dma_start3A_1055 = arith.constant 0 : i32
      %dma_start3A_1056 = tpu.memref_slice %arg7[%dma_start3A_1054, %dma_start3A_1055] : memref<10000x128xi32, #tpu.memory_space<vmem_shared>> -> memref<10000x128xi32, #tpu.memory_space<vmem_shared>>
      tpu.enqueue_indirect_dma source(%dma_start3A_1056 : memref<10000x128xi32, #tpu.memory_space<vmem_shared>>) target(%arg12 : memref<32x128xi32, #tpu.memory_space<vmem>>) offsets(%dma_start3A_1053 : memref<32xi32, #tpu.memory_space<vmem>>) semaphore(%arg18 : memref<!tpu.dma_semaphore, #tpu.memory_space<semaphore_mem>>)
      %dma_start3A_1057 = tpu.memref_slice %arg9[%mul3A_1052] : memref<5120xi32, #tpu.memory_space<vmem>> -> memref<32xi32, #tpu.memory_space<vmem>>
      %dma_start3A_1058 = arith.constant 0 : i32
      %dma_start3A_1059 = arith.constant 0 : i32
      %dma_start3A_1060 = tpu.memref_slice %arg7[%dma_start3A_1058, %dma_start3A_1059] : memref<10000x128xi32, #tpu.memory_space<vmem_shared>> -> memref<10000x128xi32, #tpu.memory_space<vmem_shared>>
      tpu.enqueue_indirect_dma source(%dma_start3A_1060 : memref<10000x128xi32, #tpu.memory_space<vmem_shared>>) target(%arg13 : memref<32x128xi32, #tpu.memory_space<vmem>>) offsets(%dma_start3A_1057 : memref<32xi32, #tpu.memory_space<vmem>>) semaphore(%arg18 : memref<!tpu.dma_semaphore, #tpu.memory_space<semaphore_mem>>)
    }
    %scan3A_31 = arith.constant 79 : i32
    %dma_wait3A = arith.constant 0 : i32
    %dma_wait3A_32 = tpu.memref_slice %arg8[%dma_wait3A] : memref<5120xi32, #tpu.memory_space<vmem>> -> memref<32xi32, #tpu.memory_space<vmem>>
    %dma_wait3A_33 = arith.constant 0 : i32
    %dma_wait3A_34 = arith.constant 0 : i32
    %dma_wait3A_35 = tpu.memref_slice %arg7[%dma_wait3A_33, %dma_wait3A_34] : memref<10000x128xi32, #tpu.memory_space<vmem_shared>> -> memref<10000x128xi32, #tpu.memory_space<vmem_shared>>
    tpu.wait_indirect_dma semaphore(%arg17 : memref<!tpu.dma_semaphore, #tpu.memory_space<semaphore_mem>>) src(%dma_wait3A_35 : memref<10000x128xi32, #tpu.memory_space<vmem_shared>>) dst(%arg10 : memref<32x128xi32, #tpu.memory_space<vmem>>)
    %dma_wait3A_36 = arith.constant 0 : i32
    %dma_wait3A_37 = tpu.memref_slice %arg8[%dma_wait3A_36] : memref<5120xi32, #tpu.memory_space<vmem>> -> memref<32xi32, #tpu.memory_space<vmem>>
    %dma_wait3A_38 = arith.constant 0 : i32
    %dma_wait3A_39 = arith.constant 0 : i32
    %dma_wait3A_40 = tpu.memref_slice %arg7[%dma_wait3A_38, %dma_wait3A_39] : memref<10000x128xi32, #tpu.memory_space<vmem_shared>> -> memref<10000x128xi32, #tpu.memory_space<vmem_shared>>
    tpu.wait_indirect_dma semaphore(%arg17 : memref<!tpu.dma_semaphore, #tpu.memory_space<semaphore_mem>>) src(%dma_wait3A_40 : memref<10000x128xi32, #tpu.memory_space<vmem_shared>>) dst(%arg11 : memref<32x128xi32, #tpu.memory_space<vmem>>)
    %parallel_loop3A = arith.constant 0 : i32
    %parallel_loop3A_41 = arith.constant 32 : i32
    %parallel_loop3A_42 = arith.constant 1 : i32
    scf.for %parallel_loop3A_696 = %parallel_loop3A to %parallel_loop3A_41 step %parallel_loop3A_42  : i32 {
      %parallel_loop3A_697 = arith.index_cast %parallel_loop3A_696 : i32 to index
      %parallel_loop3A_698 = arith.constant 0 : index
      %parallel_loop3A_699 = tpu.vector_load %arg10[%parallel_loop3A_697, %parallel_loop3A_698] {strides = array<i32>} : memref<32x128xi32, #tpu.memory_space<vmem>>, vector<16xi32>,
      %parallel_loop3A_700 = vector.bitcast %parallel_loop3A_699 : vector<16xi32> to vector<32xbf16>
      %parallel_loop3A_701 = arith.index_cast %parallel_loop3A_696 : i32 to index
      %parallel_loop3A_702 = arith.constant 0 : index
      %parallel_loop3A_703 = tpu.vector_load %arg11[%parallel_loop3A_701, %parallel_loop3A_702] {strides = array<i32>} : memref<32x128xi32, #tpu.memory_space<vmem>>, vector<16xi32>,
      %parallel_loop3A_704 = vector.bitcast %parallel_loop3A_703 : vector<16xi32> to vector<32xbf16>
      %parallel_loop3A_705 = arith.mulf %parallel_loop3A_700, %parallel_loop3A_704 : vector<32xbf16>
      %parallel_loop3A_706 = arith.addf %broadcast_in_dim3A_5, %parallel_loop3A_705 : vector<32xbf16>
      %parallel_loop3A_707 = arith.index_cast %parallel_loop3A_696 : i32 to index
      %parallel_loop3A_708 = arith.constant 16 : index
      %parallel_loop3A_709 = tpu.vector_load %arg10[%parallel_loop3A_707, %parallel_loop3A_708] {strides = array<i32>} : memref<32x128xi32, #tpu.memory_space<vmem>>, vector<16xi32>,
      %parallel_loop3A_710 = vector.bitcast %parallel_loop3A_709 : vector<16xi32> to vector<32xbf16>
      %parallel_loop3A_711 = arith.index_cast %parallel_loop3A_696 : i32 to index
      %parallel_loop3A_712 = arith.constant 16 : index
      %parallel_loop3A_713 = tpu.vector_load %arg11[%parallel_loop3A_711, %parallel_loop3A_712] {strides = array<i32>} : memref<32x128xi32, #tpu.memory_space<vmem>>, vector<16xi32>,
      %parallel_loop3A_714 = vector.bitcast %parallel_loop3A_713 : vector<16xi32> to vector<32xbf16>
      %parallel_loop3A_715 = arith.mulf %parallel_loop3A_710, %parallel_loop3A_714 : vector<32xbf16>
      %parallel_loop3A_716 = arith.addf %broadcast_in_dim3A_5, %parallel_loop3A_715 : vector<32xbf16>
      %parallel_loop3A_717 = arith.index_cast %parallel_loop3A_696 : i32 to index
      %parallel_loop3A_718 = arith.constant 32 : index
      %parallel_loop3A_719 = tpu.vector_load %arg10[%parallel_loop3A_717, %parallel_loop3A_718] {strides = array<i32>} : memref<32x128xi32, #tpu.memory_space<vmem>>, vector<16xi32>,
      %parallel_loop3A_720 = vector.bitcast %parallel_loop3A_719 : vector<16xi32> to vector<32xbf16>
      %parallel_loop3A_721 = arith.index_cast %parallel_loop3A_696 : i32 to index
      %parallel_loop3A_722 = arith.constant 32 : index
      %parallel_loop3A_723 = tpu.vector_load %arg11[%parallel_loop3A_721, %parallel_loop3A_722] {strides = array<i32>} : memref<32x128xi32, #tpu.memory_space<vmem>>, vector<16xi32>,
      %parallel_loop3A_724 = vector.bitcast %parallel_loop3A_723 : vector<16xi32> to vector<32xbf16>
      %parallel_loop3A_725 = arith.mulf %parallel_loop3A_720, %parallel_loop3A_724 : vector<32xbf16>
      %parallel_loop3A_726 = arith.addf %parallel_loop3A_706, %parallel_loop3A_725 : vector<32xbf16>
      %parallel_loop3A_727 = arith.index_cast %parallel_loop3A_696 : i32 to index
      %parallel_loop3A_728 = arith.constant 48 : index
      %parallel_loop3A_729 = tpu.vector_load %arg10[%parallel_loop3A_727, %parallel_loop3A_728] {strides = array<i32>} : memref<32x128xi32, #tpu.memory_space<vmem>>, vector<16xi32>,
      %parallel_loop3A_730 = vector.bitcast %parallel_loop3A_729 : vector<16xi32> to vector<32xbf16>
      %parallel_loop3A_731 = arith.index_cast %parallel_loop3A_696 : i32 to index
      %parallel_loop3A_732 = arith.constant 48 : index
      %parallel_loop3A_733 = tpu.vector_load %arg11[%parallel_loop3A_731, %parallel_loop3A_732] {strides = array<i32>} : memref<32x128xi32, #tpu.memory_space<vmem>>, vector<16xi32>,
      %parallel_loop3A_734 = vector.bitcast %parallel_loop3A_733 : vector<16xi32> to vector<32xbf16>
      %parallel_loop3A_735 = arith.mulf %parallel_loop3A_730, %parallel_loop3A_734 : vector<32xbf16>
      %parallel_loop3A_736 = arith.addf %parallel_loop3A_716, %parallel_loop3A_735 : vector<32xbf16>
      %parallel_loop3A_737 = arith.index_cast %parallel_loop3A_696 : i32 to index
      %parallel_loop3A_738 = arith.constant 64 : index
      %parallel_loop3A_739 = tpu.vector_load %arg10[%parallel_loop3A_737, %parallel_loop3A_738] {strides = array<i32>} : memref<32x128xi32, #tpu.memory_space<vmem>>, vector<16xi32>,
      %parallel_loop3A_740 = vector.bitcast %parallel_loop3A_739 : vector<16xi32> to vector<32xbf16>
      %parallel_loop3A_741 = arith.index_cast %parallel_loop3A_696 : i32 to index
      %parallel_loop3A_742 = arith.constant 64 : index
      %parallel_loop3A_743 = tpu.vector_load %arg11[%parallel_loop3A_741, %parallel_loop3A_742] {strides = array<i32>} : memref<32x128xi32, #tpu.memory_space<vmem>>, vector<16xi32>,
      %parallel_loop3A_744 = vector.bitcast %parallel_loop3A_743 : vector<16xi32> to vector<32xbf16>
      %parallel_loop3A_745 = arith.mulf %parallel_loop3A_740, %parallel_loop3A_744 : vector<32xbf16>
      %parallel_loop3A_746 = arith.addf %parallel_loop3A_726, %parallel_loop3A_745 : vector<32xbf16>
      %parallel_loop3A_747 = arith.index_cast %parallel_loop3A_696 : i32 to index
      %parallel_loop3A_748 = arith.constant 80 : index
      %parallel_loop3A_749 = tpu.vector_load %arg10[%parallel_loop3A_747, %parallel_loop3A_748] {strides = array<i32>} : memref<32x128xi32, #tpu.memory_space<vmem>>, vector<16xi32>,
      %parallel_loop3A_750 = vector.bitcast %parallel_loop3A_749 : vector<16xi32> to vector<32xbf16>
      %parallel_loop3A_751 = arith.index_cast %parallel_loop3A_696 : i32 to index
      %parallel_loop3A_752 = arith.constant 80 : index
      %parallel_loop3A_753 = tpu.vector_load %arg11[%parallel_loop3A_751, %parallel_loop3A_752] {strides = array<i32>} : memref<32x128xi32, #tpu.memory_space<vmem>>, vector<16xi32>,
      %parallel_loop3A_754 = vector.bitcast %parallel_loop3A_753 : vector<16xi32> to vector<32xbf16>
      %parallel_loop3A_755 = arith.mulf %parallel_loop3A_750, %parallel_loop3A_754 : vector<32xbf16>
      %parallel_loop3A_756 = arith.addf %parallel_loop3A_736, %parallel_loop3A_755 : vector<32xbf16>
      %parallel_loop3A_757 = arith.index_cast %parallel_loop3A_696 : i32 to index
      %parallel_loop3A_758 = arith.constant 96 : index
      %parallel_loop3A_759 = tpu.vector_load %arg10[%parallel_loop3A_757, %parallel_loop3A_758] {strides = array<i32>} : memref<32x128xi32, #tpu.memory_space<vmem>>, vector<16xi32>,
      %parallel_loop3A_760 = vector.bitcast %parallel_loop3A_759 : vector<16xi32> to vector<32xbf16>
      %parallel_loop3A_761 = arith.index_cast %parallel_loop3A_696 : i32 to index
      %parallel_loop3A_762 = arith.constant 96 : index
      %parallel_loop3A_763 = tpu.vector_load %arg11[%parallel_loop3A_761, %parallel_loop3A_762] {strides = array<i32>} : memref<32x128xi32, #tpu.memory_space<vmem>>, vector<16xi32>,
      %parallel_loop3A_764 = vector.bitcast %parallel_loop3A_763 : vector<16xi32> to vector<32xbf16>
      %parallel_loop3A_765 = arith.mulf %parallel_loop3A_760, %parallel_loop3A_764 : vector<32xbf16>
      %parallel_loop3A_766 = arith.addf %parallel_loop3A_746, %parallel_loop3A_765 : vector<32xbf16>
      %parallel_loop3A_767 = arith.index_cast %parallel_loop3A_696 : i32 to index
      %parallel_loop3A_768 = arith.constant 112 : index
      %parallel_loop3A_769 = tpu.vector_load %arg10[%parallel_loop3A_767, %parallel_loop3A_768] {strides = array<i32>} : memref<32x128xi32, #tpu.memory_space<vmem>>, vector<16xi32>,
      %parallel_loop3A_770 = vector.bitcast %parallel_loop3A_769 : vector<16xi32> to vector<32xbf16>
      %parallel_loop3A_771 = arith.index_cast %parallel_loop3A_696 : i32 to index
      %parallel_loop3A_772 = arith.constant 112 : index
      %parallel_loop3A_773 = tpu.vector_load %arg11[%parallel_loop3A_771, %parallel_loop3A_772] {strides = array<i32>} : memref<32x128xi32, #tpu.memory_space<vmem>>, vector<16xi32>,
      %parallel_loop3A_774 = vector.bitcast %parallel_loop3A_773 : vector<16xi32> to vector<32xbf16>
      %parallel_loop3A_775 = arith.mulf %parallel_loop3A_770, %parallel_loop3A_774 : vector<32xbf16>
      %parallel_loop3A_776 = arith.addf %parallel_loop3A_756, %parallel_loop3A_775 : vector<32xbf16>
      %parallel_loop3A_777 = arith.addf %parallel_loop3A_766, %parallel_loop3A_776 : vector<32xbf16>
      %parallel_loop3A_778 = tpu.unpack_subelements %parallel_loop3A_777, 0 {pack_format = #tpu.pack_format<interleaved>} : vector<32xbf16> -> vector<16xf32>
      %parallel_loop3A_779 = tpu.unpack_subelements %parallel_loop3A_777, 1 {pack_format = #tpu.pack_format<interleaved>} : vector<32xbf16> -> vector<16xf32>
      %parallel_loop3A_780 = arith.addf %parallel_loop3A_778, %parallel_loop3A_779 : vector<16xf32>
      %parallel_loop3A_781 = arith.index_cast %parallel_loop3A_696 : i32 to index
      %parallel_loop3A_782 = arith.constant 0 : index
      %parallel_loop3A_783 = tpu.vector_load %arg14[%parallel_loop3A_781, %parallel_loop3A_782] {strides = array<i32>} : memref<32x17xf32, #tpu.memory_space<vmem>>, vector<16xf32>,
      tpu.vector_store %arg14[%parallel_loop3A_781, %parallel_loop3A_782], %parallel_loop3A_780 {strides = array<i32>} : memref<32x17xf32, #tpu.memory_space<vmem>>, vector<16xf32>,
    } {sc.loop_unroll_factor = 2 : i64, sc.parallel_access}
    %add3A_43 = arith.constant 0 : i32
    %add3A_44 = vector.broadcast %add3A_43 : i32 to vector<16xi32>
    %add3A_45 = arith.addi %iota3A, %add3A_44 : vector<16xi32>
    %broadcast_in_dim3A_46 = arith.constant 0 : i32
    %broadcast_in_dim3A_47 = vector.broadcast %broadcast_in_dim3A_46 : i32 to vector<16xi32>
    %gather3A = tpu.vector_load_idx %arg14[%add3A_45, %broadcast_in_dim3A_47] : memref<32x17xf32, #tpu.memory_space<vmem>>[vector<16xi32>, vector<16xi32>], vector<16xf32>,
    %add3A_48 = arith.addf %broadcast_in_dim3A_3, %gather3A : vector<16xf32>
    %broadcast_in_dim3A_49 = arith.constant 1 : i32
    %broadcast_in_dim3A_50 = vector.broadcast %broadcast_in_dim3A_49 : i32 to vector<16xi32>
    %gather3A_51 = tpu.vector_load_idx %arg14[%add3A_45, %broadcast_in_dim3A_50] : memref<32x17xf32, #tpu.memory_space<vmem>>[vector<16xi32>, vector<16xi32>], vector<16xf32>,
    %add3A_52 = arith.addf %add3A_48, %gather3A_51 : vector<16xf32>
    %broadcast_in_dim3A_53 = arith.constant 2 : i32
    %broadcast_in_dim3A_54 = vector.broadcast %broadcast_in_dim3A_53 : i32 to vector<16xi32>
    %gather3A_55 = tpu.vector_load_idx %arg14[%add3A_45, %broadcast_in_dim3A_54] : memref<32x17xf32, #tpu.memory_space<vmem>>[vector<16xi32>, vector<16xi32>], vector<16xf32>,
    %add3A_56 = arith.addf %add3A_52, %gather3A_55 : vector<16xf32>
    %broadcast_in_dim3A_57 = arith.constant 3 : i32
    %broadcast_in_dim3A_58 = vector.broadcast %broadcast_in_dim3A_57 : i32 to vector<16xi32>
    %gather3A_59 = tpu.vector_load_idx %arg14[%add3A_45, %broadcast_in_dim3A_58] : memref<32x17xf32, #tpu.memory_space<vmem>>[vector<16xi32>, vector<16xi32>], vector<16xf32>,
    %add3A_60 = arith.addf %add3A_56, %gather3A_59 : vector<16xf32>
    %broadcast_in_dim3A_61 = arith.constant 4 : i32
    %broadcast_in_dim3A_62 = vector.broadcast %broadcast_in_dim3A_61 : i32 to vector<16xi32>
    %gather3A_63 = tpu.vector_load_idx %arg14[%add3A_45, %broadcast_in_dim3A_62] : memref<32x17xf32, #tpu.memory_space<vmem>>[vector<16xi32>, vector<16xi32>], vector<16xf32>,
    %add3A_64 = arith.addf %add3A_60, %gather3A_63 : vector<16xf32>
    %broadcast_in_dim3A_65 = arith.constant 5 : i32
    %broadcast_in_dim3A_66 = vector.broadcast %broadcast_in_dim3A_65 : i32 to vector<16xi32>
    %gather3A_67 = tpu.vector_load_idx %arg14[%add3A_45, %broadcast_in_dim3A_66] : memref<32x17xf32, #tpu.memory_space<vmem>>[vector<16xi32>, vector<16xi32>], vector<16xf32>,
    %add3A_68 = arith.addf %add3A_64, %gather3A_67 : vector<16xf32>
    %broadcast_in_dim3A_69 = arith.constant 6 : i32
    %broadcast_in_dim3A_70 = vector.broadcast %broadcast_in_dim3A_69 : i32 to vector<16xi32>
    %gather3A_71 = tpu.vector_load_idx %arg14[%add3A_45, %broadcast_in_dim3A_70] : memref<32x17xf32, #tpu.memory_space<vmem>>[vector<16xi32>, vector<16xi32>], vector<16xf32>,
    %add3A_72 = arith.addf %add3A_68, %gather3A_71 : vector<16xf32>
    %broadcast_in_dim3A_73 = arith.constant 7 : i32
    %broadcast_in_dim3A_74 = vector.broadcast %broadcast_in_dim3A_73 : i32 to vector<16xi32>
    %gather3A_75 = tpu.vector_load_idx %arg14[%add3A_45, %broadcast_in_dim3A_74] : memref<32x17xf32, #tpu.memory_space<vmem>>[vector<16xi32>, vector<16xi32>], vector<16xf32>,
    %add3A_76 = arith.addf %add3A_72, %gather3A_75 : vector<16xf32>
    %broadcast_in_dim3A_77 = arith.constant 8 : i32
    %broadcast_in_dim3A_78 = vector.broadcast %broadcast_in_dim3A_77 : i32 to vector<16xi32>
    %gather3A_79 = tpu.vector_load_idx %arg14[%add3A_45, %broadcast_in_dim3A_78] : memref<32x17xf32, #tpu.memory_space<vmem>>[vector<16xi32>, vector<16xi32>], vector<16xf32>,
    %add3A_80 = arith.addf %add3A_76, %gather3A_79 : vector<16xf32>
    %broadcast_in_dim3A_81 = arith.constant 9 : i32
    %broadcast_in_dim3A_82 = vector.broadcast %broadcast_in_dim3A_81 : i32 to vector<16xi32>
    %gather3A_83 = tpu.vector_load_idx %arg14[%add3A_45, %broadcast_in_dim3A_82] : memref<32x17xf32, #tpu.memory_space<vmem>>[vector<16xi32>, vector<16xi32>], vector<16xf32>,
    %add3A_84 = arith.addf %add3A_80, %gather3A_83 : vector<16xf32>
    %broadcast_in_dim3A_85 = arith.constant 10 : i32
    %broadcast_in_dim3A_86 = vector.broadcast %broadcast_in_dim3A_85 : i32 to vector<16xi32>
    %gather3A_87 = tpu.vector_load_idx %arg14[%add3A_45, %broadcast_in_dim3A_86] : memref<32x17xf32, #tpu.memory_space<vmem>>[vector<16xi32>, vector<16xi32>], vector<16xf32>,
    %add3A_88 = arith.addf %add3A_84, %gather3A_87 : vector<16xf32>
    %broadcast_in_dim3A_89 = arith.constant 11 : i32
    %broadcast_in_dim3A_90 = vector.broadcast %broadcast_in_dim3A_89 : i32 to vector<16xi32>
    %gather3A_91 = tpu.vector_load_idx %arg14[%add3A_45, %broadcast_in_dim3A_90] : memref<32x17xf32, #tpu.memory_space<vmem>>[vector<16xi32>, vector<16xi32>], vector<16xf32>,
    %add3A_92 = arith.addf %add3A_88, %gather3A_91 : vector<16xf32>
    %broadcast_in_dim3A_93 = arith.constant 12 : i32
    %broadcast_in_dim3A_94 = vector.broadcast %broadcast_in_dim3A_93 : i32 to vector<16xi32>
    %gather3A_95 = tpu.vector_load_idx %arg14[%add3A_45, %broadcast_in_dim3A_94] : memref<32x17xf32, #tpu.memory_space<vmem>>[vector<16xi32>, vector<16xi32>], vector<16xf32>,
    %add3A_96 = arith.addf %add3A_92, %gather3A_95 : vector<16xf32>
    %broadcast_in_dim3A_97 = arith.constant 13 : i32
    %broadcast_in_dim3A_98 = vector.broadcast %broadcast_in_dim3A_97 : i32 to vector<16xi32>
    %gather3A_99 = tpu.vector_load_idx %arg14[%add3A_45, %broadcast_in_dim3A_98] : memref<32x17xf32, #tpu.memory_space<vmem>>[vector<16xi32>, vector<16xi32>], vector<16xf32>,
    %add3A_100 = arith.addf %add3A_96, %gather3A_99 : vector<16xf32>
    %broadcast_in_dim3A_101 = arith.constant 14 : i32
    %broadcast_in_dim3A_102 = vector.broadcast %broadcast_in_dim3A_101 : i32 to vector<16xi32>
    %gather3A_103 = tpu.vector_load_idx %arg14[%add3A_45, %broadcast_in_dim3A_102] : memref<32x17xf32, #tpu.memory_space<vmem>>[vector<16xi32>, vector<16xi32>], vector<16xf32>,
    %add3A_104 = arith.addf %add3A_100, %gather3A_103 : vector<16xf32>
    %broadcast_in_dim3A_105 = arith.constant 15 : i32
    %broadcast_in_dim3A_106 = vector.broadcast %broadcast_in_dim3A_105 : i32 to vector<16xi32>
    %gather3A_107 = tpu.vector_load_idx %arg14[%add3A_45, %broadcast_in_dim3A_106] : memref<32x17xf32, #tpu.memory_space<vmem>>[vector<16xi32>, vector<16xi32>], vector<16xf32>,
    %add3A_108 = arith.addf %add3A_104, %gather3A_107 : vector<16xf32>
    %add3A_109 = arith.constant 16 : i32
    %add3A_110 = vector.broadcast %add3A_109 : i32 to vector<16xi32>
    %add3A_111 = arith.addi %iota3A, %add3A_110 : vector<16xi32>
    %broadcast_in_dim3A_112 = arith.constant 0 : i32
    %broadcast_in_dim3A_113 = vector.broadcast %broadcast_in_dim3A_112 : i32 to vector<16xi32>
    %gather3A_114 = tpu.vector_load_idx %arg14[%add3A_111, %broadcast_in_dim3A_113] : memref<32x17xf32, #tpu.memory_space<vmem>>[vector<16xi32>, vector<16xi32>], vector<16xf32>,
    %add3A_115 = arith.addf %broadcast_in_dim3A_3, %gather3A_114 : vector<16xf32>
    %broadcast_in_dim3A_116 = arith.constant 1 : i32
    %broadcast_in_dim3A_117 = vector.broadcast %broadcast_in_dim3A_116 : i32 to vector<16xi32>
    %gather3A_118 = tpu.vector_load_idx %arg14[%add3A_111, %broadcast_in_dim3A_117] : memref<32x17xf32, #tpu.memory_space<vmem>>[vector<16xi32>, vector<16xi32>], vector<16xf32>,
    %add3A_119 = arith.addf %add3A_115, %gather3A_118 : vector<16xf32>
    %broadcast_in_dim3A_120 = arith.constant 2 : i32
    %broadcast_in_dim3A_121 = vector.broadcast %broadcast_in_dim3A_120 : i32 to vector<16xi32>
    %gather3A_122 = tpu.vector_load_idx %arg14[%add3A_111, %broadcast_in_dim3A_121] : memref<32x17xf32, #tpu.memory_space<vmem>>[vector<16xi32>, vector<16xi32>], vector<16xf32>,
    %add3A_123 = arith.addf %add3A_119, %gather3A_122 : vector<16xf32>
    %broadcast_in_dim3A_124 = arith.constant 3 : i32
    %broadcast_in_dim3A_125 = vector.broadcast %broadcast_in_dim3A_124 : i32 to vector<16xi32>
    %gather3A_126 = tpu.vector_load_idx %arg14[%add3A_111, %broadcast_in_dim3A_125] : memref<32x17xf32, #tpu.memory_space<vmem>>[vector<16xi32>, vector<16xi32>], vector<16xf32>,
    %add3A_127 = arith.addf %add3A_123, %gather3A_126 : vector<16xf32>
    %broadcast_in_dim3A_128 = arith.constant 4 : i32
    %broadcast_in_dim3A_129 = vector.broadcast %broadcast_in_dim3A_128 : i32 to vector<16xi32>
    %gather3A_130 = tpu.vector_load_idx %arg14[%add3A_111, %broadcast_in_dim3A_129] : memref<32x17xf32, #tpu.memory_space<vmem>>[vector<16xi32>, vector<16xi32>], vector<16xf32>,
    %add3A_131 = arith.addf %add3A_127, %gather3A_130 : vector<16xf32>
    %broadcast_in_dim3A_132 = arith.constant 5 : i32
    %broadcast_in_dim3A_133 = vector.broadcast %broadcast_in_dim3A_132 : i32 to vector<16xi32>
    %gather3A_134 = tpu.vector_load_idx %arg14[%add3A_111, %broadcast_in_dim3A_133] : memref<32x17xf32, #tpu.memory_space<vmem>>[vector<16xi32>, vector<16xi32>], vector<16xf32>,
    %add3A_135 = arith.addf %add3A_131, %gather3A_134 : vector<16xf32>
    %broadcast_in_dim3A_136 = arith.constant 6 : i32
    %broadcast_in_dim3A_137 = vector.broadcast %broadcast_in_dim3A_136 : i32 to vector<16xi32>
    %gather3A_138 = tpu.vector_load_idx %arg14[%add3A_111, %broadcast_in_dim3A_137] : memref<32x17xf32, #tpu.memory_space<vmem>>[vector<16xi32>, vector<16xi32>], vector<16xf32>,
    %add3A_139 = arith.addf %add3A_135, %gather3A_138 : vector<16xf32>
    %broadcast_in_dim3A_140 = arith.constant 7 : i32
    %broadcast_in_dim3A_141 = vector.broadcast %broadcast_in_dim3A_140 : i32 to vector<16xi32>
    %gather3A_142 = tpu.vector_load_idx %arg14[%add3A_111, %broadcast_in_dim3A_141] : memref<32x17xf32, #tpu.memory_space<vmem>>[vector<16xi32>, vector<16xi32>], vector<16xf32>,
    %add3A_143 = arith.addf %add3A_139, %gather3A_142 : vector<16xf32>
    %broadcast_in_dim3A_144 = arith.constant 8 : i32
    %broadcast_in_dim3A_145 = vector.broadcast %broadcast_in_dim3A_144 : i32 to vector<16xi32>
    %gather3A_146 = tpu.vector_load_idx %arg14[%add3A_111, %broadcast_in_dim3A_145] : memref<32x17xf32, #tpu.memory_space<vmem>>[vector<16xi32>, vector<16xi32>], vector<16xf32>,
    %add3A_147 = arith.addf %add3A_143, %gather3A_146 : vector<16xf32>
    %broadcast_in_dim3A_148 = arith.constant 9 : i32
    %broadcast_in_dim3A_149 = vector.broadcast %broadcast_in_dim3A_148 : i32 to vector<16xi32>
    %gather3A_150 = tpu.vector_load_idx %arg14[%add3A_111, %broadcast_in_dim3A_149] : memref<32x17xf32, #tpu.memory_space<vmem>>[vector<16xi32>, vector<16xi32>], vector<16xf32>,
    %add3A_151 = arith.addf %add3A_147, %gather3A_150 : vector<16xf32>
    %broadcast_in_dim3A_152 = arith.constant 10 : i32
    %broadcast_in_dim3A_153 = vector.broadcast %broadcast_in_dim3A_152 : i32 to vector<16xi32>
    %gather3A_154 = tpu.vector_load_idx %arg14[%add3A_111, %broadcast_in_dim3A_153] : memref<32x17xf32, #tpu.memory_space<vmem>>[vector<16xi32>, vector<16xi32>], vector<16xf32>,
    %add3A_155 = arith.addf %add3A_151, %gather3A_154 : vector<16xf32>
    %broadcast_in_dim3A_156 = arith.constant 11 : i32
    %broadcast_in_dim3A_157 = vector.broadcast %broadcast_in_dim3A_156 : i32 to vector<16xi32>
    %gather3A_158 = tpu.vector_load_idx %arg14[%add3A_111, %broadcast_in_dim3A_157] : memref<32x17xf32, #tpu.memory_space<vmem>>[vector<16xi32>, vector<16xi32>], vector<16xf32>,
    %add3A_159 = arith.addf %add3A_155, %gather3A_158 : vector<16xf32>
    %broadcast_in_dim3A_160 = arith.constant 12 : i32
    %broadcast_in_dim3A_161 = vector.broadcast %broadcast_in_dim3A_160 : i32 to vector<16xi32>
    %gather3A_162 = tpu.vector_load_idx %arg14[%add3A_111, %broadcast_in_dim3A_161] : memref<32x17xf32, #tpu.memory_space<vmem>>[vector<16xi32>, vector<16xi32>], vector<16xf32>,
    %add3A_163 = arith.addf %add3A_159, %gather3A_162 : vector<16xf32>
    %broadcast_in_dim3A_164 = arith.constant 13 : i32
    %broadcast_in_dim3A_165 = vector.broadcast %broadcast_in_dim3A_164 : i32 to vector<16xi32>
    %gather3A_166 = tpu.vector_load_idx %arg14[%add3A_111, %broadcast_in_dim3A_165] : memref<32x17xf32, #tpu.memory_space<vmem>>[vector<16xi32>, vector<16xi32>], vector<16xf32>,
    %add3A_167 = arith.addf %add3A_163, %gather3A_166 : vector<16xf32>
    %broadcast_in_dim3A_168 = arith.constant 14 : i32
    %broadcast_in_dim3A_169 = vector.broadcast %broadcast_in_dim3A_168 : i32 to vector<16xi32>
    %gather3A_170 = tpu.vector_load_idx %arg14[%add3A_111, %broadcast_in_dim3A_169] : memref<32x17xf32, #tpu.memory_space<vmem>>[vector<16xi32>, vector<16xi32>], vector<16xf32>,
    %add3A_171 = arith.addf %add3A_167, %gather3A_170 : vector<16xf32>
    %broadcast_in_dim3A_172 = arith.constant 15 : i32
    %broadcast_in_dim3A_173 = vector.broadcast %broadcast_in_dim3A_172 : i32 to vector<16xi32>
    %gather3A_174 = tpu.vector_load_idx %arg14[%add3A_111, %broadcast_in_dim3A_173] : memref<32x17xf32, #tpu.memory_space<vmem>>[vector<16xi32>, vector<16xi32>], vector<16xf32>,
    %add3A_175 = arith.addf %add3A_171, %gather3A_174 : vector<16xf32>
    %exp3A = math.exp %add3A_108 : vector<16xf32>
    %add3A_176 = arith.constant 1.000000e+00 : f32
    %add3A_177 = vector.broadcast %add3A_176 : f32 to vector<16xf32>
    %add3A_178 = arith.addf %add3A_177, %exp3A : vector<16xf32>
    %div3A = arith.constant 1.000000e+00 : f32
    %div3A_179 = vector.broadcast %div3A : f32 to vector<16xf32>
    %div3A_180 = arith.divf %div3A_179, %add3A_178 : vector<16xf32>
    %exp3A_181 = math.exp %add3A_175 : vector<16xf32>
    %add3A_182 = arith.constant 1.000000e+00 : f32
    %add3A_183 = vector.broadcast %add3A_182 : f32 to vector<16xf32>
    %add3A_184 = arith.addf %add3A_183, %exp3A_181 : vector<16xf32>
    %div3A_185 = arith.constant 1.000000e+00 : f32
    %div3A_186 = vector.broadcast %div3A_185 : f32 to vector<16xf32>
    %div3A_187 = arith.divf %div3A_186, %add3A_184 : vector<16xf32>
    %pack3A = tpu.pack_subelements %div3A_180, %div3A_187 {pack_format = #tpu.pack_format<interleaved>, positions = array<i32: 0, 1>} : vector<16xf32>, vector<16xf32> -> vector<32xbf16>
    %swap3A = arith.constant 5056 : index
    %swap3A_188 = tpu.vector_load %arg15[%swap3A] {strides = array<i32>} : memref<5120xbf16, #tpu.memory_space<vmem>>, vector<32xbf16>,
    tpu.vector_store %arg15[%swap3A], %pack3A {strides = array<i32>} : memref<5120xbf16, #tpu.memory_space<vmem>>, vector<32xbf16>,
    %dma_wait3A_189 = arith.constant 0 : i32
    %dma_wait3A_190 = tpu.memref_slice %arg8[%dma_wait3A_189] : memref<5120xi32, #tpu.memory_space<vmem>> -> memref<32xi32, #tpu.memory_space<vmem>>
    %dma_wait3A_191 = arith.constant 0 : i32
    %dma_wait3A_192 = arith.constant 0 : i32
    %dma_wait3A_193 = tpu.memref_slice %arg7[%dma_wait3A_191, %dma_wait3A_192] : memref<10000x128xi32, #tpu.memory_space<vmem_shared>> -> memref<10000x128xi32, #tpu.memory_space<vmem_shared>>
    tpu.wait_indirect_dma semaphore(%arg18 : memref<!tpu.dma_semaphore, #tpu.memory_space<semaphore_mem>>) src(%dma_wait3A_193 : memref<10000x128xi32, #tpu.memory_space<vmem_shared>>) dst(%arg12 : memref<32x128xi32, #tpu.memory_space<vmem>>)
    %dma_wait3A_194 = arith.constant 0 : i32
    %dma_wait3A_195 = tpu.memref_slice %arg8[%dma_wait3A_194] : memref<5120xi32, #tpu.memory_space<vmem>> -> memref<32xi32, #tpu.memory_space<vmem>>
    %dma_wait3A_196 = arith.constant 0 : i32
    %dma_wait3A_197 = arith.constant 0 : i32
    %dma_wait3A_198 = tpu.memref_slice %arg7[%dma_wait3A_196, %dma_wait3A_197] : memref<10000x128xi32, #tpu.memory_space<vmem_shared>> -> memref<10000x128xi32, #tpu.memory_space<vmem_shared>>
    tpu.wait_indirect_dma semaphore(%arg18 : memref<!tpu.dma_semaphore, #tpu.memory_space<semaphore_mem>>) src(%dma_wait3A_198 : memref<10000x128xi32, #tpu.memory_space<vmem_shared>>) dst(%arg13 : memref<32x128xi32, #tpu.memory_space<vmem>>)
    %parallel_loop3A_199 = arith.constant 0 : i32
    %parallel_loop3A_200 = arith.constant 32 : i32
    %parallel_loop3A_201 = arith.constant 1 : i32
    scf.for %parallel_loop3A_696 = %parallel_loop3A_199 to %parallel_loop3A_200 step %parallel_loop3A_201  : i32 {
      %parallel_loop3A_697 = arith.index_cast %parallel_loop3A_696 : i32 to index
      %parallel_loop3A_698 = arith.constant 0 : index
      %parallel_loop3A_699 = tpu.vector_load %arg12[%parallel_loop3A_697, %parallel_loop3A_698] {strides = array<i32>} : memref<32x128xi32, #tpu.memory_space<vmem>>, vector<16xi32>,
      %parallel_loop3A_700 = vector.bitcast %parallel_loop3A_699 : vector<16xi32> to vector<32xbf16>
      %parallel_loop3A_701 = arith.index_cast %parallel_loop3A_696 : i32 to index
      %parallel_loop3A_702 = arith.constant 0 : index
      %parallel_loop3A_703 = tpu.vector_load %arg13[%parallel_loop3A_701, %parallel_loop3A_702] {strides = array<i32>} : memref<32x128xi32, #tpu.memory_space<vmem>>, vector<16xi32>,
      %parallel_loop3A_704 = vector.bitcast %parallel_loop3A_703 : vector<16xi32> to vector<32xbf16>
      %parallel_loop3A_705 = arith.mulf %parallel_loop3A_700, %parallel_loop3A_704 : vector<32xbf16>
      %parallel_loop3A_706 = arith.addf %broadcast_in_dim3A_5, %parallel_loop3A_705 : vector<32xbf16>
      %parallel_loop3A_707 = arith.index_cast %parallel_loop3A_696 : i32 to index
      %parallel_loop3A_708 = arith.constant 16 : index
      %parallel_loop3A_709 = tpu.vector_load %arg12[%parallel_loop3A_707, %parallel_loop3A_708] {strides = array<i32>} : memref<32x128xi32, #tpu.memory_space<vmem>>, vector<16xi32>,
      %parallel_loop3A_710 = vector.bitcast %parallel_loop3A_709 : vector<16xi32> to vector<32xbf16>
      %parallel_loop3A_711 = arith.index_cast %parallel_loop3A_696 : i32 to index
      %parallel_loop3A_712 = arith.constant 16 : index
      %parallel_loop3A_713 = tpu.vector_load %arg13[%parallel_loop3A_711, %parallel_loop3A_712] {strides = array<i32>} : memref<32x128xi32, #tpu.memory_space<vmem>>, vector<16xi32>,
      %parallel_loop3A_714 = vector.bitcast %parallel_loop3A_713 : vector<16xi32> to vector<32xbf16>
      %parallel_loop3A_715 = arith.mulf %parallel_loop3A_710, %parallel_loop3A_714 : vector<32xbf16>
      %parallel_loop3A_716 = arith.addf %broadcast_in_dim3A_5, %parallel_loop3A_715 : vector<32xbf16>
      %parallel_loop3A_717 = arith.index_cast %parallel_loop3A_696 : i32 to index
      %parallel_loop3A_718 = arith.constant 32 : index
      %parallel_loop3A_719 = tpu.vector_load %arg12[%parallel_loop3A_717, %parallel_loop3A_718] {strides = array<i32>} : memref<32x128xi32, #tpu.memory_space<vmem>>, vector<16xi32>,
      %parallel_loop3A_720 = vector.bitcast %parallel_loop3A_719 : vector<16xi32> to vector<32xbf16>
      %parallel_loop3A_721 = arith.index_cast %parallel_loop3A_696 : i32 to index
      %parallel_loop3A_722 = arith.constant 32 : index
      %parallel_loop3A_723 = tpu.vector_load %arg13[%parallel_loop3A_721, %parallel_loop3A_722] {strides = array<i32>} : memref<32x128xi32, #tpu.memory_space<vmem>>, vector<16xi32>,
      %parallel_loop3A_724 = vector.bitcast %parallel_loop3A_723 : vector<16xi32> to vector<32xbf16>
      %parallel_loop3A_725 = arith.mulf %parallel_loop3A_720, %parallel_loop3A_724 : vector<32xbf16>
      %parallel_loop3A_726 = arith.addf %parallel_loop3A_706, %parallel_loop3A_725 : vector<32xbf16>
      %parallel_loop3A_727 = arith.index_cast %parallel_loop3A_696 : i32 to index
      %parallel_loop3A_728 = arith.constant 48 : index
      %parallel_loop3A_729 = tpu.vector_load %arg12[%parallel_loop3A_727, %parallel_loop3A_728] {strides = array<i32>} : memref<32x128xi32, #tpu.memory_space<vmem>>, vector<16xi32>,
      %parallel_loop3A_730 = vector.bitcast %parallel_loop3A_729 : vector<16xi32> to vector<32xbf16>
      %parallel_loop3A_731 = arith.index_cast %parallel_loop3A_696 : i32 to index
      %parallel_loop3A_732 = arith.constant 48 : index
      %parallel_loop3A_733 = tpu.vector_load %arg13[%parallel_loop3A_731, %parallel_loop3A_732] {strides = array<i32>} : memref<32x128xi32, #tpu.memory_space<vmem>>, vector<16xi32>,
      %parallel_loop3A_734 = vector.bitcast %parallel_loop3A_733 : vector<16xi32> to vector<32xbf16>
      %parallel_loop3A_735 = arith.mulf %parallel_loop3A_730, %parallel_loop3A_734 : vector<32xbf16>
      %parallel_loop3A_736 = arith.addf %parallel_loop3A_716, %parallel_loop3A_735 : vector<32xbf16>
      %parallel_loop3A_737 = arith.index_cast %parallel_loop3A_696 : i32 to index
      %parallel_loop3A_738 = arith.constant 64 : index
      %parallel_loop3A_739 = tpu.vector_load %arg12[%parallel_loop3A_737, %parallel_loop3A_738] {strides = array<i32>} : memref<32x128xi32, #tpu.memory_space<vmem>>, vector<16xi32>,
      %parallel_loop3A_740 = vector.bitcast %parallel_loop3A_739 : vector<16xi32> to vector<32xbf16>
      %parallel_loop3A_741 = arith.index_cast %parallel_loop3A_696 : i32 to index
      %parallel_loop3A_742 = arith.constant 64 : index
      %parallel_loop3A_743 = tpu.vector_load %arg13[%parallel_loop3A_741, %parallel_loop3A_742] {strides = array<i32>} : memref<32x128xi32, #tpu.memory_space<vmem>>, vector<16xi32>,
      %parallel_loop3A_744 = vector.bitcast %parallel_loop3A_743 : vector<16xi32> to vector<32xbf16>
      %parallel_loop3A_745 = arith.mulf %parallel_loop3A_740, %parallel_loop3A_744 : vector<32xbf16>
      %parallel_loop3A_746 = arith.addf %parallel_loop3A_726, %parallel_loop3A_745 : vector<32xbf16>
      %parallel_loop3A_747 = arith.index_cast %parallel_loop3A_696 : i32 to index
      %parallel_loop3A_748 = arith.constant 80 : index
      %parallel_loop3A_749 = tpu.vector_load %arg12[%parallel_loop3A_747, %parallel_loop3A_748] {strides = array<i32>} : memref<32x128xi32, #tpu.memory_space<vmem>>, vector<16xi32>,
      %parallel_loop3A_750 = vector.bitcast %parallel_loop3A_749 : vector<16xi32> to vector<32xbf16>
      %parallel_loop3A_751 = arith.index_cast %parallel_loop3A_696 : i32 to index
      %parallel_loop3A_752 = arith.constant 80 : index
      %parallel_loop3A_753 = tpu.vector_load %arg13[%parallel_loop3A_751, %parallel_loop3A_752] {strides = array<i32>} : memref<32x128xi32, #tpu.memory_space<vmem>>, vector<16xi32>,
      %parallel_loop3A_754 = vector.bitcast %parallel_loop3A_753 : vector<16xi32> to vector<32xbf16>
      %parallel_loop3A_755 = arith.mulf %parallel_loop3A_750, %parallel_loop3A_754 : vector<32xbf16>
      %parallel_loop3A_756 = arith.addf %parallel_loop3A_736, %parallel_loop3A_755 : vector<32xbf16>
      %parallel_loop3A_757 = arith.index_cast %parallel_loop3A_696 : i32 to index
      %parallel_loop3A_758 = arith.constant 96 : index
      %parallel_loop3A_759 = tpu.vector_load %arg12[%parallel_loop3A_757, %parallel_loop3A_758] {strides = array<i32>} : memref<32x128xi32, #tpu.memory_space<vmem>>, vector<16xi32>,
      %parallel_loop3A_760 = vector.bitcast %parallel_loop3A_759 : vector<16xi32> to vector<32xbf16>
      %parallel_loop3A_761 = arith.index_cast %parallel_loop3A_696 : i32 to index
      %parallel_loop3A_762 = arith.constant 96 : index
      %parallel_loop3A_763 = tpu.vector_load %arg13[%parallel_loop3A_761, %parallel_loop3A_762] {strides = array<i32>} : memref<32x128xi32, #tpu.memory_space<vmem>>, vector<16xi32>,
      %parallel_loop3A_764 = vector.bitcast %parallel_loop3A_763 : vector<16xi32> to vector<32xbf16>
      %parallel_loop3A_765 = arith.mulf %parallel_loop3A_760, %parallel_loop3A_764 : vector<32xbf16>
      %parallel_loop3A_766 = arith.addf %parallel_loop3A_746, %parallel_loop3A_765 : vector<32xbf16>
      %parallel_loop3A_767 = arith.index_cast %parallel_loop3A_696 : i32 to index
      %parallel_loop3A_768 = arith.constant 112 : index
      %parallel_loop3A_769 = tpu.vector_load %arg12[%parallel_loop3A_767, %parallel_loop3A_768] {strides = array<i32>} : memref<32x128xi32, #tpu.memory_space<vmem>>, vector<16xi32>,
      %parallel_loop3A_770 = vector.bitcast %parallel_loop3A_769 : vector<16xi32> to vector<32xbf16>
      %parallel_loop3A_771 = arith.index_cast %parallel_loop3A_696 : i32 to index
      %parallel_loop3A_772 = arith.constant 112 : index
      %parallel_loop3A_773 = tpu.vector_load %arg13[%parallel_loop3A_771, %parallel_loop3A_772] {strides = array<i32>} : memref<32x128xi32, #tpu.memory_space<vmem>>, vector<16xi32>,
      %parallel_loop3A_774 = vector.bitcast %parallel_loop3A_773 : vector<16xi32> to vector<32xbf16>
      %parallel_loop3A_775 = arith.mulf %parallel_loop3A_770, %parallel_loop3A_774 : vector<32xbf16>
      %parallel_loop3A_776 = arith.addf %parallel_loop3A_756, %parallel_loop3A_775 : vector<32xbf16>
      %parallel_loop3A_777 = arith.addf %parallel_loop3A_766, %parallel_loop3A_776 : vector<32xbf16>
      %parallel_loop3A_778 = tpu.unpack_subelements %parallel_loop3A_777, 0 {pack_format = #tpu.pack_format<interleaved>} : vector<32xbf16> -> vector<16xf32>
      %parallel_loop3A_779 = tpu.unpack_subelements %parallel_loop3A_777, 1 {pack_format = #tpu.pack_format<interleaved>} : vector<32xbf16> -> vector<16xf32>
      %parallel_loop3A_780 = arith.addf %parallel_loop3A_778, %parallel_loop3A_779 : vector<16xf32>
      %parallel_loop3A_781 = arith.index_cast %parallel_loop3A_696 : i32 to index
      %parallel_loop3A_782 = arith.constant 0 : index
      %parallel_loop3A_783 = tpu.vector_load %arg14[%parallel_loop3A_781, %parallel_loop3A_782] {strides = array<i32>} : memref<32x17xf32, #tpu.memory_space<vmem>>, vector<16xf32>,
      tpu.vector_store %arg14[%parallel_loop3A_781, %parallel_loop3A_782], %parallel_loop3A_780 {strides = array<i32>} : memref<32x17xf32, #tpu.memory_space<vmem>>, vector<16xf32>,
    } {sc.loop_unroll_factor = 2 : i64, sc.parallel_access}
    %add3A_202 = arith.constant 0 : i32
    %add3A_203 = vector.broadcast %add3A_202 : i32 to vector<16xi32>
    %add3A_204 = arith.addi %iota3A, %add3A_203 : vector<16xi32>
    %broadcast_in_dim3A_205 = arith.constant 0 : i32
    %broadcast_in_dim3A_206 = vector.broadcast %broadcast_in_dim3A_205 : i32 to vector<16xi32>
    %gather3A_207 = tpu.vector_load_idx %arg14[%add3A_204, %broadcast_in_dim3A_206] : memref<32x17xf32, #tpu.memory_space<vmem>>[vector<16xi32>, vector<16xi32>], vector<16xf32>,
    %add3A_208 = arith.addf %broadcast_in_dim3A_3, %gather3A_207 : vector<16xf32>
    %broadcast_in_dim3A_209 = arith.constant 1 : i32
    %broadcast_in_dim3A_210 = vector.broadcast %broadcast_in_dim3A_209 : i32 to vector<16xi32>
    %gather3A_211 = tpu.vector_load_idx %arg14[%add3A_204, %broadcast_in_dim3A_210] : memref<32x17xf32, #tpu.memory_space<vmem>>[vector<16xi32>, vector<16xi32>], vector<16xf32>,
    %add3A_212 = arith.addf %add3A_208, %gather3A_211 : vector<16xf32>
    %broadcast_in_dim3A_213 = arith.constant 2 : i32
    %broadcast_in_dim3A_214 = vector.broadcast %broadcast_in_dim3A_213 : i32 to vector<16xi32>
    %gather3A_215 = tpu.vector_load_idx %arg14[%add3A_204, %broadcast_in_dim3A_214] : memref<32x17xf32, #tpu.memory_space<vmem>>[vector<16xi32>, vector<16xi32>], vector<16xf32>,
    %add3A_216 = arith.addf %add3A_212, %gather3A_215 : vector<16xf32>
    %broadcast_in_dim3A_217 = arith.constant 3 : i32
    %broadcast_in_dim3A_218 = vector.broadcast %broadcast_in_dim3A_217 : i32 to vector<16xi32>
    %gather3A_219 = tpu.vector_load_idx %arg14[%add3A_204, %broadcast_in_dim3A_218] : memref<32x17xf32, #tpu.memory_space<vmem>>[vector<16xi32>, vector<16xi32>], vector<16xf32>,
    %add3A_220 = arith.addf %add3A_216, %gather3A_219 : vector<16xf32>
    %broadcast_in_dim3A_221 = arith.constant 4 : i32
    %broadcast_in_dim3A_222 = vector.broadcast %broadcast_in_dim3A_221 : i32 to vector<16xi32>
    %gather3A_223 = tpu.vector_load_idx %arg14[%add3A_204, %broadcast_in_dim3A_222] : memref<32x17xf32, #tpu.memory_space<vmem>>[vector<16xi32>, vector<16xi32>], vector<16xf32>,
    %add3A_224 = arith.addf %add3A_220, %gather3A_223 : vector<16xf32>
    %broadcast_in_dim3A_225 = arith.constant 5 : i32
    %broadcast_in_dim3A_226 = vector.broadcast %broadcast_in_dim3A_225 : i32 to vector<16xi32>
    %gather3A_227 = tpu.vector_load_idx %arg14[%add3A_204, %broadcast_in_dim3A_226] : memref<32x17xf32, #tpu.memory_space<vmem>>[vector<16xi32>, vector<16xi32>], vector<16xf32>,
    %add3A_228 = arith.addf %add3A_224, %gather3A_227 : vector<16xf32>
    %broadcast_in_dim3A_229 = arith.constant 6 : i32
    %broadcast_in_dim3A_230 = vector.broadcast %broadcast_in_dim3A_229 : i32 to vector<16xi32>
    %gather3A_231 = tpu.vector_load_idx %arg14[%add3A_204, %broadcast_in_dim3A_230] : memref<32x17xf32, #tpu.memory_space<vmem>>[vector<16xi32>, vector<16xi32>], vector<16xf32>,
    %add3A_232 = arith.addf %add3A_228, %gather3A_231 : vector<16xf32>
    %broadcast_in_dim3A_233 = arith.constant 7 : i32
    %broadcast_in_dim3A_234 = vector.broadcast %broadcast_in_dim3A_233 : i32 to vector<16xi32>
    %gather3A_235 = tpu.vector_load_idx %arg14[%add3A_204, %broadcast_in_dim3A_234] : memref<32x17xf32, #tpu.memory_space<vmem>>[vector<16xi32>, vector<16xi32>], vector<16xf32>,
    %add3A_236 = arith.addf %add3A_232, %gather3A_235 : vector<16xf32>
    %broadcast_in_dim3A_237 = arith.constant 8 : i32
    %broadcast_in_dim3A_238 = vector.broadcast %broadcast_in_dim3A_237 : i32 to vector<16xi32>
    %gather3A_239 = tpu.vector_load_idx %arg14[%add3A_204, %broadcast_in_dim3A_238] : memref<32x17xf32, #tpu.memory_space<vmem>>[vector<16xi32>, vector<16xi32>], vector<16xf32>,
    %add3A_240 = arith.addf %add3A_236, %gather3A_239 : vector<16xf32>
    %broadcast_in_dim3A_241 = arith.constant 9 : i32
    %broadcast_in_dim3A_242 = vector.broadcast %broadcast_in_dim3A_241 : i32 to vector<16xi32>
    %gather3A_243 = tpu.vector_load_idx %arg14[%add3A_204, %broadcast_in_dim3A_242] : memref<32x17xf32, #tpu.memory_space<vmem>>[vector<16xi32>, vector<16xi32>], vector<16xf32>,
    %add3A_244 = arith.addf %add3A_240, %gather3A_243 : vector<16xf32>
    %broadcast_in_dim3A_245 = arith.constant 10 : i32
    %broadcast_in_dim3A_246 = vector.broadcast %broadcast_in_dim3A_245 : i32 to vector<16xi32>
    %gather3A_247 = tpu.vector_load_idx %arg14[%add3A_204, %broadcast_in_dim3A_246] : memref<32x17xf32, #tpu.memory_space<vmem>>[vector<16xi32>, vector<16xi32>], vector<16xf32>,
    %add3A_248 = arith.addf %add3A_244, %gather3A_247 : vector<16xf32>
    %broadcast_in_dim3A_249 = arith.constant 11 : i32
    %broadcast_in_dim3A_250 = vector.broadcast %broadcast_in_dim3A_249 : i32 to vector<16xi32>
    %gather3A_251 = tpu.vector_load_idx %arg14[%add3A_204, %broadcast_in_dim3A_250] : memref<32x17xf32, #tpu.memory_space<vmem>>[vector<16xi32>, vector<16xi32>], vector<16xf32>,
    %add3A_252 = arith.addf %add3A_248, %gather3A_251 : vector<16xf32>
    %broadcast_in_dim3A_253 = arith.constant 12 : i32
    %broadcast_in_dim3A_254 = vector.broadcast %broadcast_in_dim3A_253 : i32 to vector<16xi32>
    %gather3A_255 = tpu.vector_load_idx %arg14[%add3A_204, %broadcast_in_dim3A_254] : memref<32x17xf32, #tpu.memory_space<vmem>>[vector<16xi32>, vector<16xi32>], vector<16xf32>,
    %add3A_256 = arith.addf %add3A_252, %gather3A_255 : vector<16xf32>
    %broadcast_in_dim3A_257 = arith.constant 13 : i32
    %broadcast_in_dim3A_258 = vector.broadcast %broadcast_in_dim3A_257 : i32 to vector<16xi32>
    %gather3A_259 = tpu.vector_load_idx %arg14[%add3A_204, %broadcast_in_dim3A_258] : memref<32x17xf32, #tpu.memory_space<vmem>>[vector<16xi32>, vector<16xi32>], vector<16xf32>,
    %add3A_260 = arith.addf %add3A_256, %gather3A_259 : vector<16xf32>
    %broadcast_in_dim3A_261 = arith.constant 14 : i32
    %broadcast_in_dim3A_262 = vector.broadcast %broadcast_in_dim3A_261 : i32 to vector<16xi32>
    %gather3A_263 = tpu.vector_load_idx %arg14[%add3A_204, %broadcast_in_dim3A_262] : memref<32x17xf32, #tpu.memory_space<vmem>>[vector<16xi32>, vector<16xi32>], vector<16xf32>,
    %add3A_264 = arith.addf %add3A_260, %gather3A_263 : vector<16xf32>
    %broadcast_in_dim3A_265 = arith.constant 15 : i32
    %broadcast_in_dim3A_266 = vector.broadcast %broadcast_in_dim3A_265 : i32 to vector<16xi32>
    %gather3A_267 = tpu.vector_load_idx %arg14[%add3A_204, %broadcast_in_dim3A_266] : memref<32x17xf32, #tpu.memory_space<vmem>>[vector<16xi32>, vector<16xi32>], vector<16xf32>,
    %add3A_268 = arith.addf %add3A_264, %gather3A_267 : vector<16xf32>
    %add3A_269 = arith.constant 16 : i32
    %add3A_270 = vector.broadcast %add3A_269 : i32 to vector<16xi32>
    %add3A_271 = arith.addi %iota3A, %add3A_270 : vector<16xi32>
    %broadcast_in_dim3A_272 = arith.constant 0 : i32
    %broadcast_in_dim3A_273 = vector.broadcast %broadcast_in_dim3A_272 : i32 to vector<16xi32>
    %gather3A_274 = tpu.vector_load_idx %arg14[%add3A_271, %broadcast_in_dim3A_273] : memref<32x17xf32, #tpu.memory_space<vmem>>[vector<16xi32>, vector<16xi32>], vector<16xf32>,
    %add3A_275 = arith.addf %broadcast_in_dim3A_3, %gather3A_274 : vector<16xf32>
    %broadcast_in_dim3A_276 = arith.constant 1 : i32
    %broadcast_in_dim3A_277 = vector.broadcast %broadcast_in_dim3A_276 : i32 to vector<16xi32>
    %gather3A_278 = tpu.vector_load_idx %arg14[%add3A_271, %broadcast_in_dim3A_277] : memref<32x17xf32, #tpu.memory_space<vmem>>[vector<16xi32>, vector<16xi32>], vector<16xf32>,
    %add3A_279 = arith.addf %add3A_275, %gather3A_278 : vector<16xf32>
    %broadcast_in_dim3A_280 = arith.constant 2 : i32
    %broadcast_in_dim3A_281 = vector.broadcast %broadcast_in_dim3A_280 : i32 to vector<16xi32>
    %gather3A_282 = tpu.vector_load_idx %arg14[%add3A_271, %broadcast_in_dim3A_281] : memref<32x17xf32, #tpu.memory_space<vmem>>[vector<16xi32>, vector<16xi32>], vector<16xf32>,
    %add3A_283 = arith.addf %add3A_279, %gather3A_282 : vector<16xf32>
    %broadcast_in_dim3A_284 = arith.constant 3 : i32
    %broadcast_in_dim3A_285 = vector.broadcast %broadcast_in_dim3A_284 : i32 to vector<16xi32>
    %gather3A_286 = tpu.vector_load_idx %arg14[%add3A_271, %broadcast_in_dim3A_285] : memref<32x17xf32, #tpu.memory_space<vmem>>[vector<16xi32>, vector<16xi32>], vector<16xf32>,
    %add3A_287 = arith.addf %add3A_283, %gather3A_286 : vector<16xf32>
    %broadcast_in_dim3A_288 = arith.constant 4 : i32
    %broadcast_in_dim3A_289 = vector.broadcast %broadcast_in_dim3A_288 : i32 to vector<16xi32>
    %gather3A_290 = tpu.vector_load_idx %arg14[%add3A_271, %broadcast_in_dim3A_289] : memref<32x17xf32, #tpu.memory_space<vmem>>[vector<16xi32>, vector<16xi32>], vector<16xf32>,
    %add3A_291 = arith.addf %add3A_287, %gather3A_290 : vector<16xf32>
    %broadcast_in_dim3A_292 = arith.constant 5 : i32
    %broadcast_in_dim3A_293 = vector.broadcast %broadcast_in_dim3A_292 : i32 to vector<16xi32>
    %gather3A_294 = tpu.vector_load_idx %arg14[%add3A_271, %broadcast_in_dim3A_293] : memref<32x17xf32, #tpu.memory_space<vmem>>[vector<16xi32>, vector<16xi32>], vector<16xf32>,
    %add3A_295 = arith.addf %add3A_291, %gather3A_294 : vector<16xf32>
    %broadcast_in_dim3A_296 = arith.constant 6 : i32
    %broadcast_in_dim3A_297 = vector.broadcast %broadcast_in_dim3A_296 : i32 to vector<16xi32>
    %gather3A_298 = tpu.vector_load_idx %arg14[%add3A_271, %broadcast_in_dim3A_297] : memref<32x17xf32, #tpu.memory_space<vmem>>[vector<16xi32>, vector<16xi32>], vector<16xf32>,
    %add3A_299 = arith.addf %add3A_295, %gather3A_298 : vector<16xf32>
    %broadcast_in_dim3A_300 = arith.constant 7 : i32
    %broadcast_in_dim3A_301 = vector.broadcast %broadcast_in_dim3A_300 : i32 to vector<16xi32>
    %gather3A_302 = tpu.vector_load_idx %arg14[%add3A_271, %broadcast_in_dim3A_301] : memref<32x17xf32, #tpu.memory_space<vmem>>[vector<16xi32>, vector<16xi32>], vector<16xf32>,
    %add3A_303 = arith.addf %add3A_299, %gather3A_302 : vector<16xf32>
    %broadcast_in_dim3A_304 = arith.constant 8 : i32
    %broadcast_in_dim3A_305 = vector.broadcast %broadcast_in_dim3A_304 : i32 to vector<16xi32>
    %gather3A_306 = tpu.vector_load_idx %arg14[%add3A_271, %broadcast_in_dim3A_305] : memref<32x17xf32, #tpu.memory_space<vmem>>[vector<16xi32>, vector<16xi32>], vector<16xf32>,
    %add3A_307 = arith.addf %add3A_303, %gather3A_306 : vector<16xf32>
    %broadcast_in_dim3A_308 = arith.constant 9 : i32
    %broadcast_in_dim3A_309 = vector.broadcast %broadcast_in_dim3A_308 : i32 to vector<16xi32>
    %gather3A_310 = tpu.vector_load_idx %arg14[%add3A_271, %broadcast_in_dim3A_309] : memref<32x17xf32, #tpu.memory_space<vmem>>[vector<16xi32>, vector<16xi32>], vector<16xf32>,
    %add3A_311 = arith.addf %add3A_307, %gather3A_310 : vector<16xf32>
    %broadcast_in_dim3A_312 = arith.constant 10 : i32
    %broadcast_in_dim3A_313 = vector.broadcast %broadcast_in_dim3A_312 : i32 to vector<16xi32>
    %gather3A_314 = tpu.vector_load_idx %arg14[%add3A_271, %broadcast_in_dim3A_313] : memref<32x17xf32, #tpu.memory_space<vmem>>[vector<16xi32>, vector<16xi32>], vector<16xf32>,
    %add3A_315 = arith.addf %add3A_311, %gather3A_314 : vector<16xf32>
    %broadcast_in_dim3A_316 = arith.constant 11 : i32
    %broadcast_in_dim3A_317 = vector.broadcast %broadcast_in_dim3A_316 : i32 to vector<16xi32>
    %gather3A_318 = tpu.vector_load_idx %arg14[%add3A_271, %broadcast_in_dim3A_317] : memref<32x17xf32, #tpu.memory_space<vmem>>[vector<16xi32>, vector<16xi32>], vector<16xf32>,
    %add3A_319 = arith.addf %add3A_315, %gather3A_318 : vector<16xf32>
    %broadcast_in_dim3A_320 = arith.constant 12 : i32
    %broadcast_in_dim3A_321 = vector.broadcast %broadcast_in_dim3A_320 : i32 to vector<16xi32>
    %gather3A_322 = tpu.vector_load_idx %arg14[%add3A_271, %broadcast_in_dim3A_321] : memref<32x17xf32, #tpu.memory_space<vmem>>[vector<16xi32>, vector<16xi32>], vector<16xf32>,
    %add3A_323 = arith.addf %add3A_319, %gather3A_322 : vector<16xf32>
    %broadcast_in_dim3A_324 = arith.constant 13 : i32
    %broadcast_in_dim3A_325 = vector.broadcast %broadcast_in_dim3A_324 : i32 to vector<16xi32>
    %gather3A_326 = tpu.vector_load_idx %arg14[%add3A_271, %broadcast_in_dim3A_325] : memref<32x17xf32, #tpu.memory_space<vmem>>[vector<16xi32>, vector<16xi32>], vector<16xf32>,
    %add3A_327 = arith.addf %add3A_323, %gather3A_326 : vector<16xf32>
    %broadcast_in_dim3A_328 = arith.constant 14 : i32
    %broadcast_in_dim3A_329 = vector.broadcast %broadcast_in_dim3A_328 : i32 to vector<16xi32>
    %gather3A_330 = tpu.vector_load_idx %arg14[%add3A_271, %broadcast_in_dim3A_329] : memref<32x17xf32, #tpu.memory_space<vmem>>[vector<16xi32>, vector<16xi32>], vector<16xf32>,
    %add3A_331 = arith.addf %add3A_327, %gather3A_330 : vector<16xf32>
    %broadcast_in_dim3A_332 = arith.constant 15 : i32
    %broadcast_in_dim3A_333 = vector.broadcast %broadcast_in_dim3A_332 : i32 to vector<16xi32>
    %gather3A_334 = tpu.vector_load_idx %arg14[%add3A_271, %broadcast_in_dim3A_333] : memref<32x17xf32, #tpu.memory_space<vmem>>[vector<16xi32>, vector<16xi32>], vector<16xf32>,
    %add3A_335 = arith.addf %add3A_331, %gather3A_334 : vector<16xf32>
    %exp3A_336 = math.exp %add3A_268 : vector<16xf32>
    %add3A_337 = arith.constant 1.000000e+00 : f32
    %add3A_338 = vector.broadcast %add3A_337 : f32 to vector<16xf32>
    %add3A_339 = arith.addf %add3A_338, %exp3A_336 : vector<16xf32>
    %div3A_340 = arith.constant 1.000000e+00 : f32
    %div3A_341 = vector.broadcast %div3A_340 : f32 to vector<16xf32>
    %div3A_342 = arith.divf %div3A_341, %add3A_339 : vector<16xf32>
    %exp3A_343 = math.exp %add3A_335 : vector<16xf32>
    %add3A_344 = arith.constant 1.000000e+00 : f32
    %add3A_345 = vector.broadcast %add3A_344 : f32 to vector<16xf32>
    %add3A_346 = arith.addf %add3A_345, %exp3A_343 : vector<16xf32>
    %div3A_347 = arith.constant 1.000000e+00 : f32
    %div3A_348 = vector.broadcast %div3A_347 : f32 to vector<16xf32>
    %div3A_349 = arith.divf %div3A_348, %add3A_346 : vector<16xf32>
    %pack3A_350 = tpu.pack_subelements %div3A_342, %div3A_349 {pack_format = #tpu.pack_format<interleaved>, positions = array<i32: 0, 1>} : vector<16xf32>, vector<16xf32> -> vector<32xbf16>
    %swap3A_351 = arith.constant 5088 : index
    %swap3A_352 = tpu.vector_load %arg15[%swap3A_351] {strides = array<i32>} : memref<5120xbf16, #tpu.memory_space<vmem>>, vector<32xbf16>,
    tpu.vector_store %arg15[%swap3A_351], %pack3A_350 {strides = array<i32>} : memref<5120xbf16, #tpu.memory_space<vmem>>, vector<32xbf16>,
    %barrier3A_353 = arith.constant 0 : index
    tpu.barrier barrier_id(%barrier3A_353)
    %eq3A_354 = arith.constant 0 : i32
    %eq3A_355 = arith.cmpi eq, %arg1, %eq3A_354 : i32
    %convert_element_type3A_356 = arith.extui %eq3A_355 : i1 to i32
    %cond3A_357 = arith.constant 0 : i32
    %cond3A_358 = arith.cmpi ne, %convert_element_type3A_356, %cond3A_357 : i32
    scf.if %cond3A_358 {
      "tpu.region"() ({
        %run_scoped3A = tpu.sem_alloc : memref<!tpu.dma_semaphore, #tpu.memory_space<semaphore_mem>>
        tpu.enqueue_dma source(%arg3 : memref<10000x128xi32, #tpu.memory_space<hbm>>) target(%arg7 : memref<10000x128xi32, #tpu.memory_space<vmem_shared>>) target_semaphore(%run_scoped3A : memref<!tpu.dma_semaphore, #tpu.memory_space<semaphore_mem>>)
        tpu.wait_dma2 semaphore(%run_scoped3A : memref<!tpu.dma_semaphore, #tpu.memory_space<semaphore_mem>>) src(%arg3 : memref<10000x128xi32, #tpu.memory_space<hbm>>) dst(%arg7 : memref<10000x128xi32, #tpu.memory_space<vmem_shared>>)
        tpu.yield
      }) : () -> ()
    } else {
    }
    %barrier3A_359 = arith.constant 0 : index
    tpu.barrier barrier_id(%barrier3A_359)
    %dma_start3A_360 = arith.constant 0 : i32
    %dma_start3A_361 = tpu.memref_slice %arg8[%dma_start3A_360] : memref<5120xi32, #tpu.memory_space<vmem>> -> memref<32xi32, #tpu.memory_space<vmem>>
    %dma_start3A_362 = arith.constant 0 : i32
    %dma_start3A_363 = arith.constant 0 : i32
    %dma_start3A_364 = tpu.memref_slice %arg7[%dma_start3A_362, %dma_start3A_363] : memref<10000x128xi32, #tpu.memory_space<vmem_shared>> -> memref<10000x128xi32, #tpu.memory_space<vmem_shared>>
    tpu.enqueue_indirect_dma source(%dma_start3A_364 : memref<10000x128xi32, #tpu.memory_space<vmem_shared>>) target(%arg10 : memref<32x128xi32, #tpu.memory_space<vmem>>) offsets(%dma_start3A_361 : memref<32xi32, #tpu.memory_space<vmem>>) semaphore(%arg17 : memref<!tpu.dma_semaphore, #tpu.memory_space<semaphore_mem>>)
    %dma_start3A_365 = arith.constant 0 : i32
    %dma_start3A_366 = tpu.memref_slice %arg9[%dma_start3A_365] : memref<5120xi32, #tpu.memory_space<vmem>> -> memref<32xi32, #tpu.memory_space<vmem>>
    %dma_start3A_367 = arith.constant 0 : i32
    %dma_start3A_368 = arith.constant 0 : i32
    %dma_start3A_369 = tpu.memref_slice %arg7[%dma_start3A_367, %dma_start3A_368] : memref<10000x128xi32, #tpu.memory_space<vmem_shared>> -> memref<10000x128xi32, #tpu.memory_space<vmem_shared>>
    tpu.enqueue_indirect_dma source(%dma_start3A_369 : memref<10000x128xi32, #tpu.memory_space<vmem_shared>>) target(%arg11 : memref<32x128xi32, #tpu.memory_space<vmem>>) offsets(%dma_start3A_366 : memref<32xi32, #tpu.memory_space<vmem>>) semaphore(%arg17 : memref<!tpu.dma_semaphore, #tpu.memory_space<semaphore_mem>>)
    %dma_start3A_370 = arith.constant 32 : i32
    %dma_start3A_371 = tpu.memref_slice %arg8[%dma_start3A_370] : memref<5120xi32, #tpu.memory_space<vmem>> -> memref<32xi32, #tpu.memory_space<vmem>>
    %dma_start3A_372 = arith.constant 0 : i32
    %dma_start3A_373 = arith.constant 0 : i32
    %dma_start3A_374 = tpu.memref_slice %arg7[%dma_start3A_372, %dma_start3A_373] : memref<10000x128xi32, #tpu.memory_space<vmem_shared>> -> memref<10000x128xi32, #tpu.memory_space<vmem_shared>>
    tpu.enqueue_indirect_dma source(%dma_start3A_374 : memref<10000x128xi32, #tpu.memory_space<vmem_shared>>) target(%arg12 : memref<32x128xi32, #tpu.memory_space<vmem>>) offsets(%dma_start3A_371 : memref<32xi32, #tpu.memory_space<vmem>>) semaphore(%arg18 : memref<!tpu.dma_semaphore, #tpu.memory_space<semaphore_mem>>)
    %dma_start3A_375 = arith.constant 32 : i32
    %dma_start3A_376 = tpu.memref_slice %arg9[%dma_start3A_375] : memref<5120xi32, #tpu.memory_space<vmem>> -> memref<32xi32, #tpu.memory_space<vmem>>
    %dma_start3A_377 = arith.constant 0 : i32
    %dma_start3A_378 = arith.constant 0 : i32
    %dma_start3A_379 = tpu.memref_slice %arg7[%dma_start3A_377, %dma_start3A_378] : memref<10000x128xi32, #tpu.memory_space<vmem_shared>> -> memref<10000x128xi32, #tpu.memory_space<vmem_shared>>
    tpu.enqueue_indirect_dma source(%dma_start3A_379 : memref<10000x128xi32, #tpu.memory_space<vmem_shared>>) target(%arg13 : memref<32x128xi32, #tpu.memory_space<vmem>>) offsets(%dma_start3A_376 : memref<32xi32, #tpu.memory_space<vmem>>) semaphore(%arg18 : memref<!tpu.dma_semaphore, #tpu.memory_space<semaphore_mem>>)
    %scan3A_380 = arith.constant 0 : i32
    %scan3A_381 = arith.constant 79 : i32
    %scan3A_382 = arith.addi %scan3A_380, %scan3A_381 : i32
    %scan3A_383 = arith.constant 1 : i32
    %scan3A_384 = scf.for %scan3A_696 = %scan3A_380 to %scan3A_382 step %scan3A_383 iter_args(%scan3A_697 = %broadcast_in_dim3A_3) -> (vector<16xf32>)  : i32 {
      %mul3A_698 = arith.constant 2 : i32
      %mul3A_699 = arith.muli %scan3A_696, %mul3A_698 : i32
      %dma_wait3A_700 = arith.constant 0 : i32
      %dma_wait3A_701 = tpu.memref_slice %arg8[%dma_wait3A_700] : memref<5120xi32, #tpu.memory_space<vmem>> -> memref<32xi32, #tpu.memory_space<vmem>>
      %dma_wait3A_702 = arith.constant 0 : i32
      %dma_wait3A_703 = arith.constant 0 : i32
      %dma_wait3A_704 = tpu.memref_slice %arg7[%dma_wait3A_702, %dma_wait3A_703] : memref<10000x128xi32, #tpu.memory_space<vmem_shared>> -> memref<10000x128xi32, #tpu.memory_space<vmem_shared>>
      tpu.wait_indirect_dma semaphore(%arg17 : memref<!tpu.dma_semaphore, #tpu.memory_space<semaphore_mem>>) src(%dma_wait3A_704 : memref<10000x128xi32, #tpu.memory_space<vmem_shared>>) dst(%arg10 : memref<32x128xi32, #tpu.memory_space<vmem>>)
      %dma_wait3A_705 = arith.constant 0 : i32
      %dma_wait3A_706 = tpu.memref_slice %arg8[%dma_wait3A_705] : memref<5120xi32, #tpu.memory_space<vmem>> -> memref<32xi32, #tpu.memory_space<vmem>>
      %dma_wait3A_707 = arith.constant 0 : i32
      %dma_wait3A_708 = arith.constant 0 : i32
      %dma_wait3A_709 = tpu.memref_slice %arg7[%dma_wait3A_707, %dma_wait3A_708] : memref<10000x128xi32, #tpu.memory_space<vmem_shared>> -> memref<10000x128xi32, #tpu.memory_space<vmem_shared>>
      tpu.wait_indirect_dma semaphore(%arg17 : memref<!tpu.dma_semaphore, #tpu.memory_space<semaphore_mem>>) src(%dma_wait3A_709 : memref<10000x128xi32, #tpu.memory_space<vmem_shared>>) dst(%arg11 : memref<32x128xi32, #tpu.memory_space<vmem>>)
      %mul3A_710 = arith.constant 32 : i32
      %mul3A_711 = arith.muli %mul3A_699, %mul3A_710 : i32
      %parallel_loop3A_712 = arith.constant 0 : i32
      %parallel_loop3A_713 = arith.constant 32 : i32
      %parallel_loop3A_714 = arith.constant 1 : i32
      scf.for %parallel_loop3A_1044 = %parallel_loop3A_712 to %parallel_loop3A_713 step %parallel_loop3A_714  : i32 {
        %parallel_loop3A_1045 = arith.index_cast %parallel_loop3A_1044 : i32 to index
        %parallel_loop3A_1046 = arith.constant 0 : index
        %parallel_loop3A_1047 = tpu.vector_load %arg10[%parallel_loop3A_1045, %parallel_loop3A_1046] {strides = array<i32>} : memref<32x128xi32, #tpu.memory_space<vmem>>, vector<16xi32>,
        %parallel_loop3A_1048 = vector.bitcast %parallel_loop3A_1047 : vector<16xi32> to vector<32xbf16>
        %parallel_loop3A_1049 = arith.index_cast %parallel_loop3A_1044 : i32 to index
        %parallel_loop3A_1050 = arith.constant 0 : index
        %parallel_loop3A_1051 = tpu.vector_load %arg11[%parallel_loop3A_1049, %parallel_loop3A_1050] {strides = array<i32>} : memref<32x128xi32, #tpu.memory_space<vmem>>, vector<16xi32>,
        %parallel_loop3A_1052 = vector.bitcast %parallel_loop3A_1051 : vector<16xi32> to vector<32xbf16>
        %parallel_loop3A_1053 = arith.subf %parallel_loop3A_1048, %parallel_loop3A_1052 : vector<32xbf16>
        %parallel_loop3A_1054 = arith.mulf %parallel_loop3A_1053, %parallel_loop3A_1053 : vector<32xbf16>
        %parallel_loop3A_1055 = arith.addf %broadcast_in_dim3A_5, %parallel_loop3A_1054 : vector<32xbf16>
        %parallel_loop3A_1056 = arith.index_cast %parallel_loop3A_1044 : i32 to index
        %parallel_loop3A_1057 = arith.constant 16 : index
        %parallel_loop3A_1058 = tpu.vector_load %arg10[%parallel_loop3A_1056, %parallel_loop3A_1057] {strides = array<i32>} : memref<32x128xi32, #tpu.memory_space<vmem>>, vector<16xi32>,
        %parallel_loop3A_1059 = vector.bitcast %parallel_loop3A_1058 : vector<16xi32> to vector<32xbf16>
        %parallel_loop3A_1060 = arith.index_cast %parallel_loop3A_1044 : i32 to index
        %parallel_loop3A_1061 = arith.constant 16 : index
        %parallel_loop3A_1062 = tpu.vector_load %arg11[%parallel_loop3A_1060, %parallel_loop3A_1061] {strides = array<i32>} : memref<32x128xi32, #tpu.memory_space<vmem>>, vector<16xi32>,
        %parallel_loop3A_1063 = vector.bitcast %parallel_loop3A_1062 : vector<16xi32> to vector<32xbf16>
        %parallel_loop3A_1064 = arith.subf %parallel_loop3A_1059, %parallel_loop3A_1063 : vector<32xbf16>
        %parallel_loop3A_1065 = arith.mulf %parallel_loop3A_1064, %parallel_loop3A_1064 : vector<32xbf16>
        %parallel_loop3A_1066 = arith.addf %broadcast_in_dim3A_5, %parallel_loop3A_1065 : vector<32xbf16>
        %parallel_loop3A_1067 = arith.index_cast %parallel_loop3A_1044 : i32 to index
        %parallel_loop3A_1068 = arith.constant 32 : index
        %parallel_loop3A_1069 = tpu.vector_load %arg10[%parallel_loop3A_1067, %parallel_loop3A_1068] {strides = array<i32>} : memref<32x128xi32, #tpu.memory_space<vmem>>, vector<16xi32>,
        %parallel_loop3A_1070 = vector.bitcast %parallel_loop3A_1069 : vector<16xi32> to vector<32xbf16>
        %parallel_loop3A_1071 = arith.index_cast %parallel_loop3A_1044 : i32 to index
        %parallel_loop3A_1072 = arith.constant 32 : index
        %parallel_loop3A_1073 = tpu.vector_load %arg11[%parallel_loop3A_1071, %parallel_loop3A_1072] {strides = array<i32>} : memref<32x128xi32, #tpu.memory_space<vmem>>, vector<16xi32>,
        %parallel_loop3A_1074 = vector.bitcast %parallel_loop3A_1073 : vector<16xi32> to vector<32xbf16>
        %parallel_loop3A_1075 = arith.subf %parallel_loop3A_1070, %parallel_loop3A_1074 : vector<32xbf16>
        %parallel_loop3A_1076 = arith.mulf %parallel_loop3A_1075, %parallel_loop3A_1075 : vector<32xbf16>
        %parallel_loop3A_1077 = arith.addf %parallel_loop3A_1055, %parallel_loop3A_1076 : vector<32xbf16>
        %parallel_loop3A_1078 = arith.index_cast %parallel_loop3A_1044 : i32 to index
        %parallel_loop3A_1079 = arith.constant 48 : index
        %parallel_loop3A_1080 = tpu.vector_load %arg10[%parallel_loop3A_1078, %parallel_loop3A_1079] {strides = array<i32>} : memref<32x128xi32, #tpu.memory_space<vmem>>, vector<16xi32>,
        %parallel_loop3A_1081 = vector.bitcast %parallel_loop3A_1080 : vector<16xi32> to vector<32xbf16>
        %parallel_loop3A_1082 = arith.index_cast %parallel_loop3A_1044 : i32 to index
        %parallel_loop3A_1083 = arith.constant 48 : index
        %parallel_loop3A_1084 = tpu.vector_load %arg11[%parallel_loop3A_1082, %parallel_loop3A_1083] {strides = array<i32>} : memref<32x128xi32, #tpu.memory_space<vmem>>, vector<16xi32>,
        %parallel_loop3A_1085 = vector.bitcast %parallel_loop3A_1084 : vector<16xi32> to vector<32xbf16>
        %parallel_loop3A_1086 = arith.subf %parallel_loop3A_1081, %parallel_loop3A_1085 : vector<32xbf16>
        %parallel_loop3A_1087 = arith.mulf %parallel_loop3A_1086, %parallel_loop3A_1086 : vector<32xbf16>
        %parallel_loop3A_1088 = arith.addf %parallel_loop3A_1066, %parallel_loop3A_1087 : vector<32xbf16>
        %parallel_loop3A_1089 = arith.index_cast %parallel_loop3A_1044 : i32 to index
        %parallel_loop3A_1090 = arith.constant 64 : index
        %parallel_loop3A_1091 = tpu.vector_load %arg10[%parallel_loop3A_1089, %parallel_loop3A_1090] {strides = array<i32>} : memref<32x128xi32, #tpu.memory_space<vmem>>, vector<16xi32>,
        %parallel_loop3A_1092 = vector.bitcast %parallel_loop3A_1091 : vector<16xi32> to vector<32xbf16>
        %parallel_loop3A_1093 = arith.index_cast %parallel_loop3A_1044 : i32 to index
        %parallel_loop3A_1094 = arith.constant 64 : index
        %parallel_loop3A_1095 = tpu.vector_load %arg11[%parallel_loop3A_1093, %parallel_loop3A_1094] {strides = array<i32>} : memref<32x128xi32, #tpu.memory_space<vmem>>, vector<16xi32>,
        %parallel_loop3A_1096 = vector.bitcast %parallel_loop3A_1095 : vector<16xi32> to vector<32xbf16>
        %parallel_loop3A_1097 = arith.subf %parallel_loop3A_1092, %parallel_loop3A_1096 : vector<32xbf16>
        %parallel_loop3A_1098 = arith.mulf %parallel_loop3A_1097, %parallel_loop3A_1097 : vector<32xbf16>
        %parallel_loop3A_1099 = arith.addf %parallel_loop3A_1077, %parallel_loop3A_1098 : vector<32xbf16>
        %parallel_loop3A_1100 = arith.index_cast %parallel_loop3A_1044 : i32 to index
        %parallel_loop3A_1101 = arith.constant 80 : index
        %parallel_loop3A_1102 = tpu.vector_load %arg10[%parallel_loop3A_1100, %parallel_loop3A_1101] {strides = array<i32>} : memref<32x128xi32, #tpu.memory_space<vmem>>, vector<16xi32>,
        %parallel_loop3A_1103 = vector.bitcast %parallel_loop3A_1102 : vector<16xi32> to vector<32xbf16>
        %parallel_loop3A_1104 = arith.index_cast %parallel_loop3A_1044 : i32 to index
        %parallel_loop3A_1105 = arith.constant 80 : index
        %parallel_loop3A_1106 = tpu.vector_load %arg11[%parallel_loop3A_1104, %parallel_loop3A_1105] {strides = array<i32>} : memref<32x128xi32, #tpu.memory_space<vmem>>, vector<16xi32>,
        %parallel_loop3A_1107 = vector.bitcast %parallel_loop3A_1106 : vector<16xi32> to vector<32xbf16>
        %parallel_loop3A_1108 = arith.subf %parallel_loop3A_1103, %parallel_loop3A_1107 : vector<32xbf16>
        %parallel_loop3A_1109 = arith.mulf %parallel_loop3A_1108, %parallel_loop3A_1108 : vector<32xbf16>
        %parallel_loop3A_1110 = arith.addf %parallel_loop3A_1088, %parallel_loop3A_1109 : vector<32xbf16>
        %parallel_loop3A_1111 = arith.index_cast %parallel_loop3A_1044 : i32 to index
        %parallel_loop3A_1112 = arith.constant 96 : index
        %parallel_loop3A_1113 = tpu.vector_load %arg10[%parallel_loop3A_1111, %parallel_loop3A_1112] {strides = array<i32>} : memref<32x128xi32, #tpu.memory_space<vmem>>, vector<16xi32>,
        %parallel_loop3A_1114 = vector.bitcast %parallel_loop3A_1113 : vector<16xi32> to vector<32xbf16>
        %parallel_loop3A_1115 = arith.index_cast %parallel_loop3A_1044 : i32 to index
        %parallel_loop3A_1116 = arith.constant 96 : index
        %parallel_loop3A_1117 = tpu.vector_load %arg11[%parallel_loop3A_1115, %parallel_loop3A_1116] {strides = array<i32>} : memref<32x128xi32, #tpu.memory_space<vmem>>, vector<16xi32>,
        %parallel_loop3A_1118 = vector.bitcast %parallel_loop3A_1117 : vector<16xi32> to vector<32xbf16>
        %parallel_loop3A_1119 = arith.subf %parallel_loop3A_1114, %parallel_loop3A_1118 : vector<32xbf16>
        %parallel_loop3A_1120 = arith.mulf %parallel_loop3A_1119, %parallel_loop3A_1119 : vector<32xbf16>
        %parallel_loop3A_1121 = arith.addf %parallel_loop3A_1099, %parallel_loop3A_1120 : vector<32xbf16>
        %parallel_loop3A_1122 = arith.index_cast %parallel_loop3A_1044 : i32 to index
        %parallel_loop3A_1123 = arith.constant 112 : index
        %parallel_loop3A_1124 = tpu.vector_load %arg10[%parallel_loop3A_1122, %parallel_loop3A_1123] {strides = array<i32>} : memref<32x128xi32, #tpu.memory_space<vmem>>, vector<16xi32>,
        %parallel_loop3A_1125 = vector.bitcast %parallel_loop3A_1124 : vector<16xi32> to vector<32xbf16>
        %parallel_loop3A_1126 = arith.index_cast %parallel_loop3A_1044 : i32 to index
        %parallel_loop3A_1127 = arith.constant 112 : index
        %parallel_loop3A_1128 = tpu.vector_load %arg11[%parallel_loop3A_1126, %parallel_loop3A_1127] {strides = array<i32>} : memref<32x128xi32, #tpu.memory_space<vmem>>, vector<16xi32>,
        %parallel_loop3A_1129 = vector.bitcast %parallel_loop3A_1128 : vector<16xi32> to vector<32xbf16>
        %parallel_loop3A_1130 = arith.subf %parallel_loop3A_1125, %parallel_loop3A_1129 : vector<32xbf16>
        %parallel_loop3A_1131 = arith.mulf %parallel_loop3A_1130, %parallel_loop3A_1130 : vector<32xbf16>
        %parallel_loop3A_1132 = arith.addf %parallel_loop3A_1110, %parallel_loop3A_1131 : vector<32xbf16>
        %parallel_loop3A_1133 = arith.addf %parallel_loop3A_1121, %parallel_loop3A_1132 : vector<32xbf16>
        %parallel_loop3A_1134 = tpu.unpack_subelements %parallel_loop3A_1133, 0 {pack_format = #tpu.pack_format<interleaved>} : vector<32xbf16> -> vector<16xf32>
        %parallel_loop3A_1135 = tpu.unpack_subelements %parallel_loop3A_1133, 1 {pack_format = #tpu.pack_format<interleaved>} : vector<32xbf16> -> vector<16xf32>
        %parallel_loop3A_1136 = arith.addf %parallel_loop3A_1134, %parallel_loop3A_1135 : vector<16xf32>
        %parallel_loop3A_1137 = arith.index_cast %parallel_loop3A_1044 : i32 to index
        %parallel_loop3A_1138 = arith.constant 0 : index
        %parallel_loop3A_1139 = tpu.vector_load %arg14[%parallel_loop3A_1137, %parallel_loop3A_1138] {strides = array<i32>} : memref<32x17xf32, #tpu.memory_space<vmem>>, vector<16xf32>,
        tpu.vector_store %arg14[%parallel_loop3A_1137, %parallel_loop3A_1138], %parallel_loop3A_1136 {strides = array<i32>} : memref<32x17xf32, #tpu.memory_space<vmem>>, vector<16xf32>,
      } {sc.loop_unroll_factor = 2 : i64, sc.parallel_access}
      %add3A_715 = arith.constant 0 : i32
      %add3A_716 = vector.broadcast %add3A_715 : i32 to vector<16xi32>
      %add3A_717 = arith.addi %iota3A, %add3A_716 : vector<16xi32>
      %broadcast_in_dim3A_718 = arith.constant 0 : i32
      %broadcast_in_dim3A_719 = vector.broadcast %broadcast_in_dim3A_718 : i32 to vector<16xi32>
      %gather3A_720 = tpu.vector_load_idx %arg14[%add3A_717, %broadcast_in_dim3A_719] : memref<32x17xf32, #tpu.memory_space<vmem>>[vector<16xi32>, vector<16xi32>], vector<16xf32>,
      %add3A_721 = arith.addf %broadcast_in_dim3A_3, %gather3A_720 : vector<16xf32>
      %broadcast_in_dim3A_722 = arith.constant 1 : i32
      %broadcast_in_dim3A_723 = vector.broadcast %broadcast_in_dim3A_722 : i32 to vector<16xi32>
      %gather3A_724 = tpu.vector_load_idx %arg14[%add3A_717, %broadcast_in_dim3A_723] : memref<32x17xf32, #tpu.memory_space<vmem>>[vector<16xi32>, vector<16xi32>], vector<16xf32>,
      %add3A_725 = arith.addf %add3A_721, %gather3A_724 : vector<16xf32>
      %broadcast_in_dim3A_726 = arith.constant 2 : i32
      %broadcast_in_dim3A_727 = vector.broadcast %broadcast_in_dim3A_726 : i32 to vector<16xi32>
      %gather3A_728 = tpu.vector_load_idx %arg14[%add3A_717, %broadcast_in_dim3A_727] : memref<32x17xf32, #tpu.memory_space<vmem>>[vector<16xi32>, vector<16xi32>], vector<16xf32>,
      %add3A_729 = arith.addf %add3A_725, %gather3A_728 : vector<16xf32>
      %broadcast_in_dim3A_730 = arith.constant 3 : i32
      %broadcast_in_dim3A_731 = vector.broadcast %broadcast_in_dim3A_730 : i32 to vector<16xi32>
      %gather3A_732 = tpu.vector_load_idx %arg14[%add3A_717, %broadcast_in_dim3A_731] : memref<32x17xf32, #tpu.memory_space<vmem>>[vector<16xi32>, vector<16xi32>], vector<16xf32>,
      %add3A_733 = arith.addf %add3A_729, %gather3A_732 : vector<16xf32>
      %broadcast_in_dim3A_734 = arith.constant 4 : i32
      %broadcast_in_dim3A_735 = vector.broadcast %broadcast_in_dim3A_734 : i32 to vector<16xi32>
      %gather3A_736 = tpu.vector_load_idx %arg14[%add3A_717, %broadcast_in_dim3A_735] : memref<32x17xf32, #tpu.memory_space<vmem>>[vector<16xi32>, vector<16xi32>], vector<16xf32>,
      %add3A_737 = arith.addf %add3A_733, %gather3A_736 : vector<16xf32>
      %broadcast_in_dim3A_738 = arith.constant 5 : i32
      %broadcast_in_dim3A_739 = vector.broadcast %broadcast_in_dim3A_738 : i32 to vector<16xi32>
      %gather3A_740 = tpu.vector_load_idx %arg14[%add3A_717, %broadcast_in_dim3A_739] : memref<32x17xf32, #tpu.memory_space<vmem>>[vector<16xi32>, vector<16xi32>], vector<16xf32>,
      %add3A_741 = arith.addf %add3A_737, %gather3A_740 : vector<16xf32>
      %broadcast_in_dim3A_742 = arith.constant 6 : i32
      %broadcast_in_dim3A_743 = vector.broadcast %broadcast_in_dim3A_742 : i32 to vector<16xi32>
      %gather3A_744 = tpu.vector_load_idx %arg14[%add3A_717, %broadcast_in_dim3A_743] : memref<32x17xf32, #tpu.memory_space<vmem>>[vector<16xi32>, vector<16xi32>], vector<16xf32>,
      %add3A_745 = arith.addf %add3A_741, %gather3A_744 : vector<16xf32>
      %broadcast_in_dim3A_746 = arith.constant 7 : i32
      %broadcast_in_dim3A_747 = vector.broadcast %broadcast_in_dim3A_746 : i32 to vector<16xi32>
      %gather3A_748 = tpu.vector_load_idx %arg14[%add3A_717, %broadcast_in_dim3A_747] : memref<32x17xf32, #tpu.memory_space<vmem>>[vector<16xi32>, vector<16xi32>], vector<16xf32>,
      %add3A_749 = arith.addf %add3A_745, %gather3A_748 : vector<16xf32>
      %broadcast_in_dim3A_750 = arith.constant 8 : i32
      %broadcast_in_dim3A_751 = vector.broadcast %broadcast_in_dim3A_750 : i32 to vector<16xi32>
      %gather3A_752 = tpu.vector_load_idx %arg14[%add3A_717, %broadcast_in_dim3A_751] : memref<32x17xf32, #tpu.memory_space<vmem>>[vector<16xi32>, vector<16xi32>], vector<16xf32>,
      %add3A_753 = arith.addf %add3A_749, %gather3A_752 : vector<16xf32>
      %broadcast_in_dim3A_754 = arith.constant 9 : i32
      %broadcast_in_dim3A_755 = vector.broadcast %broadcast_in_dim3A_754 : i32 to vector<16xi32>
      %gather3A_756 = tpu.vector_load_idx %arg14[%add3A_717, %broadcast_in_dim3A_755] : memref<32x17xf32, #tpu.memory_space<vmem>>[vector<16xi32>, vector<16xi32>], vector<16xf32>,
      %add3A_757 = arith.addf %add3A_753, %gather3A_756 : vector<16xf32>
      %broadcast_in_dim3A_758 = arith.constant 10 : i32
      %broadcast_in_dim3A_759 = vector.broadcast %broadcast_in_dim3A_758 : i32 to vector<16xi32>
      %gather3A_760 = tpu.vector_load_idx %arg14[%add3A_717, %broadcast_in_dim3A_759] : memref<32x17xf32, #tpu.memory_space<vmem>>[vector<16xi32>, vector<16xi32>], vector<16xf32>,
      %add3A_761 = arith.addf %add3A_757, %gather3A_760 : vector<16xf32>
      %broadcast_in_dim3A_762 = arith.constant 11 : i32
      %broadcast_in_dim3A_763 = vector.broadcast %broadcast_in_dim3A_762 : i32 to vector<16xi32>
      %gather3A_764 = tpu.vector_load_idx %arg14[%add3A_717, %broadcast_in_dim3A_763] : memref<32x17xf32, #tpu.memory_space<vmem>>[vector<16xi32>, vector<16xi32>], vector<16xf32>,
      %add3A_765 = arith.addf %add3A_761, %gather3A_764 : vector<16xf32>
      %broadcast_in_dim3A_766 = arith.constant 12 : i32
      %broadcast_in_dim3A_767 = vector.broadcast %broadcast_in_dim3A_766 : i32 to vector<16xi32>
      %gather3A_768 = tpu.vector_load_idx %arg14[%add3A_717, %broadcast_in_dim3A_767] : memref<32x17xf32, #tpu.memory_space<vmem>>[vector<16xi32>, vector<16xi32>], vector<16xf32>,
      %add3A_769 = arith.addf %add3A_765, %gather3A_768 : vector<16xf32>
      %broadcast_in_dim3A_770 = arith.constant 13 : i32
      %broadcast_in_dim3A_771 = vector.broadcast %broadcast_in_dim3A_770 : i32 to vector<16xi32>
      %gather3A_772 = tpu.vector_load_idx %arg14[%add3A_717, %broadcast_in_dim3A_771] : memref<32x17xf32, #tpu.memory_space<vmem>>[vector<16xi32>, vector<16xi32>], vector<16xf32>,
      %add3A_773 = arith.addf %add3A_769, %gather3A_772 : vector<16xf32>
      %broadcast_in_dim3A_774 = arith.constant 14 : i32
      %broadcast_in_dim3A_775 = vector.broadcast %broadcast_in_dim3A_774 : i32 to vector<16xi32>
      %gather3A_776 = tpu.vector_load_idx %arg14[%add3A_717, %broadcast_in_dim3A_775] : memref<32x17xf32, #tpu.memory_space<vmem>>[vector<16xi32>, vector<16xi32>], vector<16xf32>,
      %add3A_777 = arith.addf %add3A_773, %gather3A_776 : vector<16xf32>
      %broadcast_in_dim3A_778 = arith.constant 15 : i32
      %broadcast_in_dim3A_779 = vector.broadcast %broadcast_in_dim3A_778 : i32 to vector<16xi32>
      %gather3A_780 = tpu.vector_load_idx %arg14[%add3A_717, %broadcast_in_dim3A_779] : memref<32x17xf32, #tpu.memory_space<vmem>>[vector<16xi32>, vector<16xi32>], vector<16xf32>,
      %add3A_781 = arith.addf %add3A_777, %gather3A_780 : vector<16xf32>
      %add3A_782 = arith.constant 16 : i32
      %add3A_783 = vector.broadcast %add3A_782 : i32 to vector<16xi32>
      %add3A_784 = arith.addi %iota3A, %add3A_783 : vector<16xi32>
      %broadcast_in_dim3A_785 = arith.constant 0 : i32
      %broadcast_in_dim3A_786 = vector.broadcast %broadcast_in_dim3A_785 : i32 to vector<16xi32>
      %gather3A_787 = tpu.vector_load_idx %arg14[%add3A_784, %broadcast_in_dim3A_786] : memref<32x17xf32, #tpu.memory_space<vmem>>[vector<16xi32>, vector<16xi32>], vector<16xf32>,
      %add3A_788 = arith.addf %broadcast_in_dim3A_3, %gather3A_787 : vector<16xf32>
      %broadcast_in_dim3A_789 = arith.constant 1 : i32
      %broadcast_in_dim3A_790 = vector.broadcast %broadcast_in_dim3A_789 : i32 to vector<16xi32>
      %gather3A_791 = tpu.vector_load_idx %arg14[%add3A_784, %broadcast_in_dim3A_790] : memref<32x17xf32, #tpu.memory_space<vmem>>[vector<16xi32>, vector<16xi32>], vector<16xf32>,
      %add3A_792 = arith.addf %add3A_788, %gather3A_791 : vector<16xf32>
      %broadcast_in_dim3A_793 = arith.constant 2 : i32
      %broadcast_in_dim3A_794 = vector.broadcast %broadcast_in_dim3A_793 : i32 to vector<16xi32>
      %gather3A_795 = tpu.vector_load_idx %arg14[%add3A_784, %broadcast_in_dim3A_794] : memref<32x17xf32, #tpu.memory_space<vmem>>[vector<16xi32>, vector<16xi32>], vector<16xf32>,
      %add3A_796 = arith.addf %add3A_792, %gather3A_795 : vector<16xf32>
      %broadcast_in_dim3A_797 = arith.constant 3 : i32
      %broadcast_in_dim3A_798 = vector.broadcast %broadcast_in_dim3A_797 : i32 to vector<16xi32>
      %gather3A_799 = tpu.vector_load_idx %arg14[%add3A_784, %broadcast_in_dim3A_798] : memref<32x17xf32, #tpu.memory_space<vmem>>[vector<16xi32>, vector<16xi32>], vector<16xf32>,
      %add3A_800 = arith.addf %add3A_796, %gather3A_799 : vector<16xf32>
      %broadcast_in_dim3A_801 = arith.constant 4 : i32
      %broadcast_in_dim3A_802 = vector.broadcast %broadcast_in_dim3A_801 : i32 to vector<16xi32>
      %gather3A_803 = tpu.vector_load_idx %arg14[%add3A_784, %broadcast_in_dim3A_802] : memref<32x17xf32, #tpu.memory_space<vmem>>[vector<16xi32>, vector<16xi32>], vector<16xf32>,
      %add3A_804 = arith.addf %add3A_800, %gather3A_803 : vector<16xf32>
      %broadcast_in_dim3A_805 = arith.constant 5 : i32
      %broadcast_in_dim3A_806 = vector.broadcast %broadcast_in_dim3A_805 : i32 to vector<16xi32>
      %gather3A_807 = tpu.vector_load_idx %arg14[%add3A_784, %broadcast_in_dim3A_806] : memref<32x17xf32, #tpu.memory_space<vmem>>[vector<16xi32>, vector<16xi32>], vector<16xf32>,
      %add3A_808 = arith.addf %add3A_804, %gather3A_807 : vector<16xf32>
      %broadcast_in_dim3A_809 = arith.constant 6 : i32
      %broadcast_in_dim3A_810 = vector.broadcast %broadcast_in_dim3A_809 : i32 to vector<16xi32>
      %gather3A_811 = tpu.vector_load_idx %arg14[%add3A_784, %broadcast_in_dim3A_810] : memref<32x17xf32, #tpu.memory_space<vmem>>[vector<16xi32>, vector<16xi32>], vector<16xf32>,
      %add3A_812 = arith.addf %add3A_808, %gather3A_811 : vector<16xf32>
      %broadcast_in_dim3A_813 = arith.constant 7 : i32
      %broadcast_in_dim3A_814 = vector.broadcast %broadcast_in_dim3A_813 : i32 to vector<16xi32>
      %gather3A_815 = tpu.vector_load_idx %arg14[%add3A_784, %broadcast_in_dim3A_814] : memref<32x17xf32, #tpu.memory_space<vmem>>[vector<16xi32>, vector<16xi32>], vector<16xf32>,
      %add3A_816 = arith.addf %add3A_812, %gather3A_815 : vector<16xf32>
      %broadcast_in_dim3A_817 = arith.constant 8 : i32
      %broadcast_in_dim3A_818 = vector.broadcast %broadcast_in_dim3A_817 : i32 to vector<16xi32>
      %gather3A_819 = tpu.vector_load_idx %arg14[%add3A_784, %broadcast_in_dim3A_818] : memref<32x17xf32, #tpu.memory_space<vmem>>[vector<16xi32>, vector<16xi32>], vector<16xf32>,
      %add3A_820 = arith.addf %add3A_816, %gather3A_819 : vector<16xf32>
      %broadcast_in_dim3A_821 = arith.constant 9 : i32
      %broadcast_in_dim3A_822 = vector.broadcast %broadcast_in_dim3A_821 : i32 to vector<16xi32>
      %gather3A_823 = tpu.vector_load_idx %arg14[%add3A_784, %broadcast_in_dim3A_822] : memref<32x17xf32, #tpu.memory_space<vmem>>[vector<16xi32>, vector<16xi32>], vector<16xf32>,
      %add3A_824 = arith.addf %add3A_820, %gather3A_823 : vector<16xf32>
      %broadcast_in_dim3A_825 = arith.constant 10 : i32
      %broadcast_in_dim3A_826 = vector.broadcast %broadcast_in_dim3A_825 : i32 to vector<16xi32>
      %gather3A_827 = tpu.vector_load_idx %arg14[%add3A_784, %broadcast_in_dim3A_826] : memref<32x17xf32, #tpu.memory_space<vmem>>[vector<16xi32>, vector<16xi32>], vector<16xf32>,
      %add3A_828 = arith.addf %add3A_824, %gather3A_827 : vector<16xf32>
      %broadcast_in_dim3A_829 = arith.constant 11 : i32
      %broadcast_in_dim3A_830 = vector.broadcast %broadcast_in_dim3A_829 : i32 to vector<16xi32>
      %gather3A_831 = tpu.vector_load_idx %arg14[%add3A_784, %broadcast_in_dim3A_830] : memref<32x17xf32, #tpu.memory_space<vmem>>[vector<16xi32>, vector<16xi32>], vector<16xf32>,
      %add3A_832 = arith.addf %add3A_828, %gather3A_831 : vector<16xf32>
      %broadcast_in_dim3A_833 = arith.constant 12 : i32
      %broadcast_in_dim3A_834 = vector.broadcast %broadcast_in_dim3A_833 : i32 to vector<16xi32>
      %gather3A_835 = tpu.vector_load_idx %arg14[%add3A_784, %broadcast_in_dim3A_834] : memref<32x17xf32, #tpu.memory_space<vmem>>[vector<16xi32>, vector<16xi32>], vector<16xf32>,
      %add3A_836 = arith.addf %add3A_832, %gather3A_835 : vector<16xf32>
      %broadcast_in_dim3A_837 = arith.constant 13 : i32
      %broadcast_in_dim3A_838 = vector.broadcast %broadcast_in_dim3A_837 : i32 to vector<16xi32>
      %gather3A_839 = tpu.vector_load_idx %arg14[%add3A_784, %broadcast_in_dim3A_838] : memref<32x17xf32, #tpu.memory_space<vmem>>[vector<16xi32>, vector<16xi32>], vector<16xf32>,
      %add3A_840 = arith.addf %add3A_836, %gather3A_839 : vector<16xf32>
      %broadcast_in_dim3A_841 = arith.constant 14 : i32
      %broadcast_in_dim3A_842 = vector.broadcast %broadcast_in_dim3A_841 : i32 to vector<16xi32>
      %gather3A_843 = tpu.vector_load_idx %arg14[%add3A_784, %broadcast_in_dim3A_842] : memref<32x17xf32, #tpu.memory_space<vmem>>[vector<16xi32>, vector<16xi32>], vector<16xf32>,
      %add3A_844 = arith.addf %add3A_840, %gather3A_843 : vector<16xf32>
      %broadcast_in_dim3A_845 = arith.constant 15 : i32
      %broadcast_in_dim3A_846 = vector.broadcast %broadcast_in_dim3A_845 : i32 to vector<16xi32>
      %gather3A_847 = tpu.vector_load_idx %arg14[%add3A_784, %broadcast_in_dim3A_846] : memref<32x17xf32, #tpu.memory_space<vmem>>[vector<16xi32>, vector<16xi32>], vector<16xf32>,
      %add3A_848 = arith.addf %add3A_844, %gather3A_847 : vector<16xf32>
      %add3A_849 = arith.constant 0 : i32
      %add3A_850 = arith.addi %mul3A_711, %add3A_849 : i32
      %get3A_851 = arith.index_cast %add3A_850 : i32 to index
      %get3A_852 = tpu.vector_load %arg15[%get3A_851] {strides = array<i32>} : memref<5120xbf16, #tpu.memory_space<vmem>>, vector<32xbf16>,
      %unpack3A_853 = tpu.unpack_subelements %get3A_852, 0 {pack_format = #tpu.pack_format<interleaved>} : vector<32xbf16> -> vector<16xf32>
      %unpack3A_854 = tpu.unpack_subelements %get3A_852, 1 {pack_format = #tpu.pack_format<interleaved>} : vector<32xbf16> -> vector<16xf32>
      %mul3A_855 = arith.mulf %unpack3A_853, %add3A_781 : vector<16xf32>
      %add3A_856 = arith.addf %scan3A_697, %mul3A_855 : vector<16xf32>
      %mul3A_857 = arith.mulf %unpack3A_854, %add3A_848 : vector<16xf32>
      %add3A_858 = arith.addf %add3A_856, %mul3A_857 : vector<16xf32>
      %add3A_859 = arith.constant 2 : i32
      %add3A_860 = arith.addi %mul3A_699, %add3A_859 : i32
      %mul3A_861 = arith.constant 32 : i32
      %mul3A_862 = arith.muli %add3A_860, %mul3A_861 : i32
      %dma_start3A_863 = tpu.memref_slice %arg8[%mul3A_862] : memref<5120xi32, #tpu.memory_space<vmem>> -> memref<32xi32, #tpu.memory_space<vmem>>
      %dma_start3A_864 = arith.constant 0 : i32
      %dma_start3A_865 = arith.constant 0 : i32
      %dma_start3A_866 = tpu.memref_slice %arg7[%dma_start3A_864, %dma_start3A_865] : memref<10000x128xi32, #tpu.memory_space<vmem_shared>> -> memref<10000x128xi32, #tpu.memory_space<vmem_shared>>
      tpu.enqueue_indirect_dma source(%dma_start3A_866 : memref<10000x128xi32, #tpu.memory_space<vmem_shared>>) target(%arg10 : memref<32x128xi32, #tpu.memory_space<vmem>>) offsets(%dma_start3A_863 : memref<32xi32, #tpu.memory_space<vmem>>) semaphore(%arg17 : memref<!tpu.dma_semaphore, #tpu.memory_space<semaphore_mem>>)
      %dma_start3A_867 = tpu.memref_slice %arg9[%mul3A_862] : memref<5120xi32, #tpu.memory_space<vmem>> -> memref<32xi32, #tpu.memory_space<vmem>>
      %dma_start3A_868 = arith.constant 0 : i32
      %dma_start3A_869 = arith.constant 0 : i32
      %dma_start3A_870 = tpu.memref_slice %arg7[%dma_start3A_868, %dma_start3A_869] : memref<10000x128xi32, #tpu.memory_space<vmem_shared>> -> memref<10000x128xi32, #tpu.memory_space<vmem_shared>>
      tpu.enqueue_indirect_dma source(%dma_start3A_870 : memref<10000x128xi32, #tpu.memory_space<vmem_shared>>) target(%arg11 : memref<32x128xi32, #tpu.memory_space<vmem>>) offsets(%dma_start3A_867 : memref<32xi32, #tpu.memory_space<vmem>>) semaphore(%arg17 : memref<!tpu.dma_semaphore, #tpu.memory_space<semaphore_mem>>)
      %dma_wait3A_871 = arith.constant 0 : i32
      %dma_wait3A_872 = tpu.memref_slice %arg8[%dma_wait3A_871] : memref<5120xi32, #tpu.memory_space<vmem>> -> memref<32xi32, #tpu.memory_space<vmem>>
      %dma_wait3A_873 = arith.constant 0 : i32
      %dma_wait3A_874 = arith.constant 0 : i32
      %dma_wait3A_875 = tpu.memref_slice %arg7[%dma_wait3A_873, %dma_wait3A_874] : memref<10000x128xi32, #tpu.memory_space<vmem_shared>> -> memref<10000x128xi32, #tpu.memory_space<vmem_shared>>
      tpu.wait_indirect_dma semaphore(%arg18 : memref<!tpu.dma_semaphore, #tpu.memory_space<semaphore_mem>>) src(%dma_wait3A_875 : memref<10000x128xi32, #tpu.memory_space<vmem_shared>>) dst(%arg12 : memref<32x128xi32, #tpu.memory_space<vmem>>)
      %dma_wait3A_876 = arith.constant 0 : i32
      %dma_wait3A_877 = tpu.memref_slice %arg8[%dma_wait3A_876] : memref<5120xi32, #tpu.memory_space<vmem>> -> memref<32xi32, #tpu.memory_space<vmem>>
      %dma_wait3A_878 = arith.constant 0 : i32
      %dma_wait3A_879 = arith.constant 0 : i32
      %dma_wait3A_880 = tpu.memref_slice %arg7[%dma_wait3A_878, %dma_wait3A_879] : memref<10000x128xi32, #tpu.memory_space<vmem_shared>> -> memref<10000x128xi32, #tpu.memory_space<vmem_shared>>
      tpu.wait_indirect_dma semaphore(%arg18 : memref<!tpu.dma_semaphore, #tpu.memory_space<semaphore_mem>>) src(%dma_wait3A_880 : memref<10000x128xi32, #tpu.memory_space<vmem_shared>>) dst(%arg13 : memref<32x128xi32, #tpu.memory_space<vmem>>)
      %add3A_881 = arith.constant 1 : i32
      %add3A_882 = arith.addi %mul3A_699, %add3A_881 : i32
      %mul3A_883 = arith.constant 32 : i32
      %mul3A_884 = arith.muli %add3A_882, %mul3A_883 : i32
      %parallel_loop3A_885 = arith.constant 0 : i32
      %parallel_loop3A_886 = arith.constant 32 : i32
      %parallel_loop3A_887 = arith.constant 1 : i32
      scf.for %parallel_loop3A_1044 = %parallel_loop3A_885 to %parallel_loop3A_886 step %parallel_loop3A_887  : i32 {
        %parallel_loop3A_1045 = arith.index_cast %parallel_loop3A_1044 : i32 to index
        %parallel_loop3A_1046 = arith.constant 0 : index
        %parallel_loop3A_1047 = tpu.vector_load %arg12[%parallel_loop3A_1045, %parallel_loop3A_1046] {strides = array<i32>} : memref<32x128xi32, #tpu.memory_space<vmem>>, vector<16xi32>,
        %parallel_loop3A_1048 = vector.bitcast %parallel_loop3A_1047 : vector<16xi32> to vector<32xbf16>
        %parallel_loop3A_1049 = arith.index_cast %parallel_loop3A_1044 : i32 to index
        %parallel_loop3A_1050 = arith.constant 0 : index
        %parallel_loop3A_1051 = tpu.vector_load %arg13[%parallel_loop3A_1049, %parallel_loop3A_1050] {strides = array<i32>} : memref<32x128xi32, #tpu.memory_space<vmem>>, vector<16xi32>,
        %parallel_loop3A_1052 = vector.bitcast %parallel_loop3A_1051 : vector<16xi32> to vector<32xbf16>
        %parallel_loop3A_1053 = arith.subf %parallel_loop3A_1048, %parallel_loop3A_1052 : vector<32xbf16>
        %parallel_loop3A_1054 = arith.mulf %parallel_loop3A_1053, %parallel_loop3A_1053 : vector<32xbf16>
        %parallel_loop3A_1055 = arith.addf %broadcast_in_dim3A_5, %parallel_loop3A_1054 : vector<32xbf16>
        %parallel_loop3A_1056 = arith.index_cast %parallel_loop3A_1044 : i32 to index
        %parallel_loop3A_1057 = arith.constant 16 : index
        %parallel_loop3A_1058 = tpu.vector_load %arg12[%parallel_loop3A_1056, %parallel_loop3A_1057] {strides = array<i32>} : memref<32x128xi32, #tpu.memory_space<vmem>>, vector<16xi32>,
        %parallel_loop3A_1059 = vector.bitcast %parallel_loop3A_1058 : vector<16xi32> to vector<32xbf16>
        %parallel_loop3A_1060 = arith.index_cast %parallel_loop3A_1044 : i32 to index
        %parallel_loop3A_1061 = arith.constant 16 : index
        %parallel_loop3A_1062 = tpu.vector_load %arg13[%parallel_loop3A_1060, %parallel_loop3A_1061] {strides = array<i32>} : memref<32x128xi32, #tpu.memory_space<vmem>>, vector<16xi32>,
        %parallel_loop3A_1063 = vector.bitcast %parallel_loop3A_1062 : vector<16xi32> to vector<32xbf16>
        %parallel_loop3A_1064 = arith.subf %parallel_loop3A_1059, %parallel_loop3A_1063 : vector<32xbf16>
        %parallel_loop3A_1065 = arith.mulf %parallel_loop3A_1064, %parallel_loop3A_1064 : vector<32xbf16>
        %parallel_loop3A_1066 = arith.addf %broadcast_in_dim3A_5, %parallel_loop3A_1065 : vector<32xbf16>
        %parallel_loop3A_1067 = arith.index_cast %parallel_loop3A_1044 : i32 to index
        %parallel_loop3A_1068 = arith.constant 32 : index
        %parallel_loop3A_1069 = tpu.vector_load %arg12[%parallel_loop3A_1067, %parallel_loop3A_1068] {strides = array<i32>} : memref<32x128xi32, #tpu.memory_space<vmem>>, vector<16xi32>,
        %parallel_loop3A_1070 = vector.bitcast %parallel_loop3A_1069 : vector<16xi32> to vector<32xbf16>
        %parallel_loop3A_1071 = arith.index_cast %parallel_loop3A_1044 : i32 to index
        %parallel_loop3A_1072 = arith.constant 32 : index
        %parallel_loop3A_1073 = tpu.vector_load %arg13[%parallel_loop3A_1071, %parallel_loop3A_1072] {strides = array<i32>} : memref<32x128xi32, #tpu.memory_space<vmem>>, vector<16xi32>,
        %parallel_loop3A_1074 = vector.bitcast %parallel_loop3A_1073 : vector<16xi32> to vector<32xbf16>
        %parallel_loop3A_1075 = arith.subf %parallel_loop3A_1070, %parallel_loop3A_1074 : vector<32xbf16>
        %parallel_loop3A_1076 = arith.mulf %parallel_loop3A_1075, %parallel_loop3A_1075 : vector<32xbf16>
        %parallel_loop3A_1077 = arith.addf %parallel_loop3A_1055, %parallel_loop3A_1076 : vector<32xbf16>
        %parallel_loop3A_1078 = arith.index_cast %parallel_loop3A_1044 : i32 to index
        %parallel_loop3A_1079 = arith.constant 48 : index
        %parallel_loop3A_1080 = tpu.vector_load %arg12[%parallel_loop3A_1078, %parallel_loop3A_1079] {strides = array<i32>} : memref<32x128xi32, #tpu.memory_space<vmem>>, vector<16xi32>,
        %parallel_loop3A_1081 = vector.bitcast %parallel_loop3A_1080 : vector<16xi32> to vector<32xbf16>
        %parallel_loop3A_1082 = arith.index_cast %parallel_loop3A_1044 : i32 to index
        %parallel_loop3A_1083 = arith.constant 48 : index
        %parallel_loop3A_1084 = tpu.vector_load %arg13[%parallel_loop3A_1082, %parallel_loop3A_1083] {strides = array<i32>} : memref<32x128xi32, #tpu.memory_space<vmem>>, vector<16xi32>,
        %parallel_loop3A_1085 = vector.bitcast %parallel_loop3A_1084 : vector<16xi32> to vector<32xbf16>
        %parallel_loop3A_1086 = arith.subf %parallel_loop3A_1081, %parallel_loop3A_1085 : vector<32xbf16>
        %parallel_loop3A_1087 = arith.mulf %parallel_loop3A_1086, %parallel_loop3A_1086 : vector<32xbf16>
        %parallel_loop3A_1088 = arith.addf %parallel_loop3A_1066, %parallel_loop3A_1087 : vector<32xbf16>
        %parallel_loop3A_1089 = arith.index_cast %parallel_loop3A_1044 : i32 to index
        %parallel_loop3A_1090 = arith.constant 64 : index
        %parallel_loop3A_1091 = tpu.vector_load %arg12[%parallel_loop3A_1089, %parallel_loop3A_1090] {strides = array<i32>} : memref<32x128xi32, #tpu.memory_space<vmem>>, vector<16xi32>,
        %parallel_loop3A_1092 = vector.bitcast %parallel_loop3A_1091 : vector<16xi32> to vector<32xbf16>
        %parallel_loop3A_1093 = arith.index_cast %parallel_loop3A_1044 : i32 to index
        %parallel_loop3A_1094 = arith.constant 64 : index
        %parallel_loop3A_1095 = tpu.vector_load %arg13[%parallel_loop3A_1093, %parallel_loop3A_1094] {strides = array<i32>} : memref<32x128xi32, #tpu.memory_space<vmem>>, vector<16xi32>,
        %parallel_loop3A_1096 = vector.bitcast %parallel_loop3A_1095 : vector<16xi32> to vector<32xbf16>
        %parallel_loop3A_1097 = arith.subf %parallel_loop3A_1092, %parallel_loop3A_1096 : vector<32xbf16>
        %parallel_loop3A_1098 = arith.mulf %parallel_loop3A_1097, %parallel_loop3A_1097 : vector<32xbf16>
        %parallel_loop3A_1099 = arith.addf %parallel_loop3A_1077, %parallel_loop3A_1098 : vector<32xbf16>
        %parallel_loop3A_1100 = arith.index_cast %parallel_loop3A_1044 : i32 to index
        %parallel_loop3A_1101 = arith.constant 80 : index
        %parallel_loop3A_1102 = tpu.vector_load %arg12[%parallel_loop3A_1100, %parallel_loop3A_1101] {strides = array<i32>} : memref<32x128xi32, #tpu.memory_space<vmem>>, vector<16xi32>,
        %parallel_loop3A_1103 = vector.bitcast %parallel_loop3A_1102 : vector<16xi32> to vector<32xbf16>
        %parallel_loop3A_1104 = arith.index_cast %parallel_loop3A_1044 : i32 to index
        %parallel_loop3A_1105 = arith.constant 80 : index
        %parallel_loop3A_1106 = tpu.vector_load %arg13[%parallel_loop3A_1104, %parallel_loop3A_1105] {strides = array<i32>} : memref<32x128xi32, #tpu.memory_space<vmem>>, vector<16xi32>,
        %parallel_loop3A_1107 = vector.bitcast %parallel_loop3A_1106 : vector<16xi32> to vector<32xbf16>
        %parallel_loop3A_1108 = arith.subf %parallel_loop3A_1103, %parallel_loop3A_1107 : vector<32xbf16>
        %parallel_loop3A_1109 = arith.mulf %parallel_loop3A_1108, %parallel_loop3A_1108 : vector<32xbf16>
        %parallel_loop3A_1110 = arith.addf %parallel_loop3A_1088, %parallel_loop3A_1109 : vector<32xbf16>
        %parallel_loop3A_1111 = arith.index_cast %parallel_loop3A_1044 : i32 to index
        %parallel_loop3A_1112 = arith.constant 96 : index
        %parallel_loop3A_1113 = tpu.vector_load %arg12[%parallel_loop3A_1111, %parallel_loop3A_1112] {strides = array<i32>} : memref<32x128xi32, #tpu.memory_space<vmem>>, vector<16xi32>,
        %parallel_loop3A_1114 = vector.bitcast %parallel_loop3A_1113 : vector<16xi32> to vector<32xbf16>
        %parallel_loop3A_1115 = arith.index_cast %parallel_loop3A_1044 : i32 to index
        %parallel_loop3A_1116 = arith.constant 96 : index
        %parallel_loop3A_1117 = tpu.vector_load %arg13[%parallel_loop3A_1115, %parallel_loop3A_1116] {strides = array<i32>} : memref<32x128xi32, #tpu.memory_space<vmem>>, vector<16xi32>,
        %parallel_loop3A_1118 = vector.bitcast %parallel_loop3A_1117 : vector<16xi32> to vector<32xbf16>
        %parallel_loop3A_1119 = arith.subf %parallel_loop3A_1114, %parallel_loop3A_1118 : vector<32xbf16>
        %parallel_loop3A_1120 = arith.mulf %parallel_loop3A_1119, %parallel_loop3A_1119 : vector<32xbf16>
        %parallel_loop3A_1121 = arith.addf %parallel_loop3A_1099, %parallel_loop3A_1120 : vector<32xbf16>
        %parallel_loop3A_1122 = arith.index_cast %parallel_loop3A_1044 : i32 to index
        %parallel_loop3A_1123 = arith.constant 112 : index
        %parallel_loop3A_1124 = tpu.vector_load %arg12[%parallel_loop3A_1122, %parallel_loop3A_1123] {strides = array<i32>} : memref<32x128xi32, #tpu.memory_space<vmem>>, vector<16xi32>,
        %parallel_loop3A_1125 = vector.bitcast %parallel_loop3A_1124 : vector<16xi32> to vector<32xbf16>
        %parallel_loop3A_1126 = arith.index_cast %parallel_loop3A_1044 : i32 to index
        %parallel_loop3A_1127 = arith.constant 112 : index
        %parallel_loop3A_1128 = tpu.vector_load %arg13[%parallel_loop3A_1126, %parallel_loop3A_1127] {strides = array<i32>} : memref<32x128xi32, #tpu.memory_space<vmem>>, vector<16xi32>,
        %parallel_loop3A_1129 = vector.bitcast %parallel_loop3A_1128 : vector<16xi32> to vector<32xbf16>
        %parallel_loop3A_1130 = arith.subf %parallel_loop3A_1125, %parallel_loop3A_1129 : vector<32xbf16>
        %parallel_loop3A_1131 = arith.mulf %parallel_loop3A_1130, %parallel_loop3A_1130 : vector<32xbf16>
        %parallel_loop3A_1132 = arith.addf %parallel_loop3A_1110, %parallel_loop3A_1131 : vector<32xbf16>
        %parallel_loop3A_1133 = arith.addf %parallel_loop3A_1121, %parallel_loop3A_1132 : vector<32xbf16>
        %parallel_loop3A_1134 = tpu.unpack_subelements %parallel_loop3A_1133, 0 {pack_format = #tpu.pack_format<interleaved>} : vector<32xbf16> -> vector<16xf32>
        %parallel_loop3A_1135 = tpu.unpack_subelements %parallel_loop3A_1133, 1 {pack_format = #tpu.pack_format<interleaved>} : vector<32xbf16> -> vector<16xf32>
        %parallel_loop3A_1136 = arith.addf %parallel_loop3A_1134, %parallel_loop3A_1135 : vector<16xf32>
        %parallel_loop3A_1137 = arith.index_cast %parallel_loop3A_1044 : i32 to index
        %parallel_loop3A_1138 = arith.constant 0 : index
        %parallel_loop3A_1139 = tpu.vector_load %arg14[%parallel_loop3A_1137, %parallel_loop3A_1138] {strides = array<i32>} : memref<32x17xf32, #tpu.memory_space<vmem>>, vector<16xf32>,
        tpu.vector_store %arg14[%parallel_loop3A_1137, %parallel_loop3A_1138], %parallel_loop3A_1136 {strides = array<i32>} : memref<32x17xf32, #tpu.memory_space<vmem>>, vector<16xf32>,
      } {sc.loop_unroll_factor = 2 : i64, sc.parallel_access}
      %add3A_888 = arith.constant 0 : i32
      %add3A_889 = vector.broadcast %add3A_888 : i32 to vector<16xi32>
      %add3A_890 = arith.addi %iota3A, %add3A_889 : vector<16xi32>
      %broadcast_in_dim3A_891 = arith.constant 0 : i32
      %broadcast_in_dim3A_892 = vector.broadcast %broadcast_in_dim3A_891 : i32 to vector<16xi32>
      %gather3A_893 = tpu.vector_load_idx %arg14[%add3A_890, %broadcast_in_dim3A_892] : memref<32x17xf32, #tpu.memory_space<vmem>>[vector<16xi32>, vector<16xi32>], vector<16xf32>,
      %add3A_894 = arith.addf %broadcast_in_dim3A_3, %gather3A_893 : vector<16xf32>
      %broadcast_in_dim3A_895 = arith.constant 1 : i32
      %broadcast_in_dim3A_896 = vector.broadcast %broadcast_in_dim3A_895 : i32 to vector<16xi32>
      %gather3A_897 = tpu.vector_load_idx %arg14[%add3A_890, %broadcast_in_dim3A_896] : memref<32x17xf32, #tpu.memory_space<vmem>>[vector<16xi32>, vector<16xi32>], vector<16xf32>,
      %add3A_898 = arith.addf %add3A_894, %gather3A_897 : vector<16xf32>
      %broadcast_in_dim3A_899 = arith.constant 2 : i32
      %broadcast_in_dim3A_900 = vector.broadcast %broadcast_in_dim3A_899 : i32 to vector<16xi32>
      %gather3A_901 = tpu.vector_load_idx %arg14[%add3A_890, %broadcast_in_dim3A_900] : memref<32x17xf32, #tpu.memory_space<vmem>>[vector<16xi32>, vector<16xi32>], vector<16xf32>,
      %add3A_902 = arith.addf %add3A_898, %gather3A_901 : vector<16xf32>
      %broadcast_in_dim3A_903 = arith.constant 3 : i32
      %broadcast_in_dim3A_904 = vector.broadcast %broadcast_in_dim3A_903 : i32 to vector<16xi32>
      %gather3A_905 = tpu.vector_load_idx %arg14[%add3A_890, %broadcast_in_dim3A_904] : memref<32x17xf32, #tpu.memory_space<vmem>>[vector<16xi32>, vector<16xi32>], vector<16xf32>,
      %add3A_906 = arith.addf %add3A_902, %gather3A_905 : vector<16xf32>
      %broadcast_in_dim3A_907 = arith.constant 4 : i32
      %broadcast_in_dim3A_908 = vector.broadcast %broadcast_in_dim3A_907 : i32 to vector<16xi32>
      %gather3A_909 = tpu.vector_load_idx %arg14[%add3A_890, %broadcast_in_dim3A_908] : memref<32x17xf32, #tpu.memory_space<vmem>>[vector<16xi32>, vector<16xi32>], vector<16xf32>,
      %add3A_910 = arith.addf %add3A_906, %gather3A_909 : vector<16xf32>
      %broadcast_in_dim3A_911 = arith.constant 5 : i32
      %broadcast_in_dim3A_912 = vector.broadcast %broadcast_in_dim3A_911 : i32 to vector<16xi32>
      %gather3A_913 = tpu.vector_load_idx %arg14[%add3A_890, %broadcast_in_dim3A_912] : memref<32x17xf32, #tpu.memory_space<vmem>>[vector<16xi32>, vector<16xi32>], vector<16xf32>,
      %add3A_914 = arith.addf %add3A_910, %gather3A_913 : vector<16xf32>
      %broadcast_in_dim3A_915 = arith.constant 6 : i32
      %broadcast_in_dim3A_916 = vector.broadcast %broadcast_in_dim3A_915 : i32 to vector<16xi32>
      %gather3A_917 = tpu.vector_load_idx %arg14[%add3A_890, %broadcast_in_dim3A_916] : memref<32x17xf32, #tpu.memory_space<vmem>>[vector<16xi32>, vector<16xi32>], vector<16xf32>,
      %add3A_918 = arith.addf %add3A_914, %gather3A_917 : vector<16xf32>
      %broadcast_in_dim3A_919 = arith.constant 7 : i32
      %broadcast_in_dim3A_920 = vector.broadcast %broadcast_in_dim3A_919 : i32 to vector<16xi32>
      %gather3A_921 = tpu.vector_load_idx %arg14[%add3A_890, %broadcast_in_dim3A_920] : memref<32x17xf32, #tpu.memory_space<vmem>>[vector<16xi32>, vector<16xi32>], vector<16xf32>,
      %add3A_922 = arith.addf %add3A_918, %gather3A_921 : vector<16xf32>
      %broadcast_in_dim3A_923 = arith.constant 8 : i32
      %broadcast_in_dim3A_924 = vector.broadcast %broadcast_in_dim3A_923 : i32 to vector<16xi32>
      %gather3A_925 = tpu.vector_load_idx %arg14[%add3A_890, %broadcast_in_dim3A_924] : memref<32x17xf32, #tpu.memory_space<vmem>>[vector<16xi32>, vector<16xi32>], vector<16xf32>,
      %add3A_926 = arith.addf %add3A_922, %gather3A_925 : vector<16xf32>
      %broadcast_in_dim3A_927 = arith.constant 9 : i32
      %broadcast_in_dim3A_928 = vector.broadcast %broadcast_in_dim3A_927 : i32 to vector<16xi32>
      %gather3A_929 = tpu.vector_load_idx %arg14[%add3A_890, %broadcast_in_dim3A_928] : memref<32x17xf32, #tpu.memory_space<vmem>>[vector<16xi32>, vector<16xi32>], vector<16xf32>,
      %add3A_930 = arith.addf %add3A_926, %gather3A_929 : vector<16xf32>
      %broadcast_in_dim3A_931 = arith.constant 10 : i32
      %broadcast_in_dim3A_932 = vector.broadcast %broadcast_in_dim3A_931 : i32 to vector<16xi32>
      %gather3A_933 = tpu.vector_load_idx %arg14[%add3A_890, %broadcast_in_dim3A_932] : memref<32x17xf32, #tpu.memory_space<vmem>>[vector<16xi32>, vector<16xi32>], vector<16xf32>,
      %add3A_934 = arith.addf %add3A_930, %gather3A_933 : vector<16xf32>
      %broadcast_in_dim3A_935 = arith.constant 11 : i32
      %broadcast_in_dim3A_936 = vector.broadcast %broadcast_in_dim3A_935 : i32 to vector<16xi32>
      %gather3A_937 = tpu.vector_load_idx %arg14[%add3A_890, %broadcast_in_dim3A_936] : memref<32x17xf32, #tpu.memory_space<vmem>>[vector<16xi32>, vector<16xi32>], vector<16xf32>,
      %add3A_938 = arith.addf %add3A_934, %gather3A_937 : vector<16xf32>
      %broadcast_in_dim3A_939 = arith.constant 12 : i32
      %broadcast_in_dim3A_940 = vector.broadcast %broadcast_in_dim3A_939 : i32 to vector<16xi32>
      %gather3A_941 = tpu.vector_load_idx %arg14[%add3A_890, %broadcast_in_dim3A_940] : memref<32x17xf32, #tpu.memory_space<vmem>>[vector<16xi32>, vector<16xi32>], vector<16xf32>,
      %add3A_942 = arith.addf %add3A_938, %gather3A_941 : vector<16xf32>
      %broadcast_in_dim3A_943 = arith.constant 13 : i32
      %broadcast_in_dim3A_944 = vector.broadcast %broadcast_in_dim3A_943 : i32 to vector<16xi32>
      %gather3A_945 = tpu.vector_load_idx %arg14[%add3A_890, %broadcast_in_dim3A_944] : memref<32x17xf32, #tpu.memory_space<vmem>>[vector<16xi32>, vector<16xi32>], vector<16xf32>,
      %add3A_946 = arith.addf %add3A_942, %gather3A_945 : vector<16xf32>
      %broadcast_in_dim3A_947 = arith.constant 14 : i32
      %broadcast_in_dim3A_948 = vector.broadcast %broadcast_in_dim3A_947 : i32 to vector<16xi32>
      %gather3A_949 = tpu.vector_load_idx %arg14[%add3A_890, %broadcast_in_dim3A_948] : memref<32x17xf32, #tpu.memory_space<vmem>>[vector<16xi32>, vector<16xi32>], vector<16xf32>,
      %add3A_950 = arith.addf %add3A_946, %gather3A_949 : vector<16xf32>
      %broadcast_in_dim3A_951 = arith.constant 15 : i32
      %broadcast_in_dim3A_952 = vector.broadcast %broadcast_in_dim3A_951 : i32 to vector<16xi32>
      %gather3A_953 = tpu.vector_load_idx %arg14[%add3A_890, %broadcast_in_dim3A_952] : memref<32x17xf32, #tpu.memory_space<vmem>>[vector<16xi32>, vector<16xi32>], vector<16xf32>,
      %add3A_954 = arith.addf %add3A_950, %gather3A_953 : vector<16xf32>
      %add3A_955 = arith.constant 16 : i32
      %add3A_956 = vector.broadcast %add3A_955 : i32 to vector<16xi32>
      %add3A_957 = arith.addi %iota3A, %add3A_956 : vector<16xi32>
      %broadcast_in_dim3A_958 = arith.constant 0 : i32
      %broadcast_in_dim3A_959 = vector.broadcast %broadcast_in_dim3A_958 : i32 to vector<16xi32>
      %gather3A_960 = tpu.vector_load_idx %arg14[%add3A_957, %broadcast_in_dim3A_959] : memref<32x17xf32, #tpu.memory_space<vmem>>[vector<16xi32>, vector<16xi32>], vector<16xf32>,
      %add3A_961 = arith.addf %broadcast_in_dim3A_3, %gather3A_960 : vector<16xf32>
      %broadcast_in_dim3A_962 = arith.constant 1 : i32
      %broadcast_in_dim3A_963 = vector.broadcast %broadcast_in_dim3A_962 : i32 to vector<16xi32>
      %gather3A_964 = tpu.vector_load_idx %arg14[%add3A_957, %broadcast_in_dim3A_963] : memref<32x17xf32, #tpu.memory_space<vmem>>[vector<16xi32>, vector<16xi32>], vector<16xf32>,
      %add3A_965 = arith.addf %add3A_961, %gather3A_964 : vector<16xf32>
      %broadcast_in_dim3A_966 = arith.constant 2 : i32
      %broadcast_in_dim3A_967 = vector.broadcast %broadcast_in_dim3A_966 : i32 to vector<16xi32>
      %gather3A_968 = tpu.vector_load_idx %arg14[%add3A_957, %broadcast_in_dim3A_967] : memref<32x17xf32, #tpu.memory_space<vmem>>[vector<16xi32>, vector<16xi32>], vector<16xf32>,
      %add3A_969 = arith.addf %add3A_965, %gather3A_968 : vector<16xf32>
      %broadcast_in_dim3A_970 = arith.constant 3 : i32
      %broadcast_in_dim3A_971 = vector.broadcast %broadcast_in_dim3A_970 : i32 to vector<16xi32>
      %gather3A_972 = tpu.vector_load_idx %arg14[%add3A_957, %broadcast_in_dim3A_971] : memref<32x17xf32, #tpu.memory_space<vmem>>[vector<16xi32>, vector<16xi32>], vector<16xf32>,
      %add3A_973 = arith.addf %add3A_969, %gather3A_972 : vector<16xf32>
      %broadcast_in_dim3A_974 = arith.constant 4 : i32
      %broadcast_in_dim3A_975 = vector.broadcast %broadcast_in_dim3A_974 : i32 to vector<16xi32>
      %gather3A_976 = tpu.vector_load_idx %arg14[%add3A_957, %broadcast_in_dim3A_975] : memref<32x17xf32, #tpu.memory_space<vmem>>[vector<16xi32>, vector<16xi32>], vector<16xf32>,
      %add3A_977 = arith.addf %add3A_973, %gather3A_976 : vector<16xf32>
      %broadcast_in_dim3A_978 = arith.constant 5 : i32
      %broadcast_in_dim3A_979 = vector.broadcast %broadcast_in_dim3A_978 : i32 to vector<16xi32>
      %gather3A_980 = tpu.vector_load_idx %arg14[%add3A_957, %broadcast_in_dim3A_979] : memref<32x17xf32, #tpu.memory_space<vmem>>[vector<16xi32>, vector<16xi32>], vector<16xf32>,
      %add3A_981 = arith.addf %add3A_977, %gather3A_980 : vector<16xf32>
      %broadcast_in_dim3A_982 = arith.constant 6 : i32
      %broadcast_in_dim3A_983 = vector.broadcast %broadcast_in_dim3A_982 : i32 to vector<16xi32>
      %gather3A_984 = tpu.vector_load_idx %arg14[%add3A_957, %broadcast_in_dim3A_983] : memref<32x17xf32, #tpu.memory_space<vmem>>[vector<16xi32>, vector<16xi32>], vector<16xf32>,
      %add3A_985 = arith.addf %add3A_981, %gather3A_984 : vector<16xf32>
      %broadcast_in_dim3A_986 = arith.constant 7 : i32
      %broadcast_in_dim3A_987 = vector.broadcast %broadcast_in_dim3A_986 : i32 to vector<16xi32>
      %gather3A_988 = tpu.vector_load_idx %arg14[%add3A_957, %broadcast_in_dim3A_987] : memref<32x17xf32, #tpu.memory_space<vmem>>[vector<16xi32>, vector<16xi32>], vector<16xf32>,
      %add3A_989 = arith.addf %add3A_985, %gather3A_988 : vector<16xf32>
      %broadcast_in_dim3A_990 = arith.constant 8 : i32
      %broadcast_in_dim3A_991 = vector.broadcast %broadcast_in_dim3A_990 : i32 to vector<16xi32>
      %gather3A_992 = tpu.vector_load_idx %arg14[%add3A_957, %broadcast_in_dim3A_991] : memref<32x17xf32, #tpu.memory_space<vmem>>[vector<16xi32>, vector<16xi32>], vector<16xf32>,
      %add3A_993 = arith.addf %add3A_989, %gather3A_992 : vector<16xf32>
      %broadcast_in_dim3A_994 = arith.constant 9 : i32
      %broadcast_in_dim3A_995 = vector.broadcast %broadcast_in_dim3A_994 : i32 to vector<16xi32>
      %gather3A_996 = tpu.vector_load_idx %arg14[%add3A_957, %broadcast_in_dim3A_995] : memref<32x17xf32, #tpu.memory_space<vmem>>[vector<16xi32>, vector<16xi32>], vector<16xf32>,
      %add3A_997 = arith.addf %add3A_993, %gather3A_996 : vector<16xf32>
      %broadcast_in_dim3A_998 = arith.constant 10 : i32
      %broadcast_in_dim3A_999 = vector.broadcast %broadcast_in_dim3A_998 : i32 to vector<16xi32>
      %gather3A_1000 = tpu.vector_load_idx %arg14[%add3A_957, %broadcast_in_dim3A_999] : memref<32x17xf32, #tpu.memory_space<vmem>>[vector<16xi32>, vector<16xi32>], vector<16xf32>,
      %add3A_1001 = arith.addf %add3A_997, %gather3A_1000 : vector<16xf32>
      %broadcast_in_dim3A_1002 = arith.constant 11 : i32
      %broadcast_in_dim3A_1003 = vector.broadcast %broadcast_in_dim3A_1002 : i32 to vector<16xi32>
      %gather3A_1004 = tpu.vector_load_idx %arg14[%add3A_957, %broadcast_in_dim3A_1003] : memref<32x17xf32, #tpu.memory_space<vmem>>[vector<16xi32>, vector<16xi32>], vector<16xf32>,
      %add3A_1005 = arith.addf %add3A_1001, %gather3A_1004 : vector<16xf32>
      %broadcast_in_dim3A_1006 = arith.constant 12 : i32
      %broadcast_in_dim3A_1007 = vector.broadcast %broadcast_in_dim3A_1006 : i32 to vector<16xi32>
      %gather3A_1008 = tpu.vector_load_idx %arg14[%add3A_957, %broadcast_in_dim3A_1007] : memref<32x17xf32, #tpu.memory_space<vmem>>[vector<16xi32>, vector<16xi32>], vector<16xf32>,
      %add3A_1009 = arith.addf %add3A_1005, %gather3A_1008 : vector<16xf32>
      %broadcast_in_dim3A_1010 = arith.constant 13 : i32
      %broadcast_in_dim3A_1011 = vector.broadcast %broadcast_in_dim3A_1010 : i32 to vector<16xi32>
      %gather3A_1012 = tpu.vector_load_idx %arg14[%add3A_957, %broadcast_in_dim3A_1011] : memref<32x17xf32, #tpu.memory_space<vmem>>[vector<16xi32>, vector<16xi32>], vector<16xf32>,
      %add3A_1013 = arith.addf %add3A_1009, %gather3A_1012 : vector<16xf32>
      %broadcast_in_dim3A_1014 = arith.constant 14 : i32
      %broadcast_in_dim3A_1015 = vector.broadcast %broadcast_in_dim3A_1014 : i32 to vector<16xi32>
      %gather3A_1016 = tpu.vector_load_idx %arg14[%add3A_957, %broadcast_in_dim3A_1015] : memref<32x17xf32, #tpu.memory_space<vmem>>[vector<16xi32>, vector<16xi32>], vector<16xf32>,
      %add3A_1017 = arith.addf %add3A_1013, %gather3A_1016 : vector<16xf32>
      %broadcast_in_dim3A_1018 = arith.constant 15 : i32
      %broadcast_in_dim3A_1019 = vector.broadcast %broadcast_in_dim3A_1018 : i32 to vector<16xi32>
      %gather3A_1020 = tpu.vector_load_idx %arg14[%add3A_957, %broadcast_in_dim3A_1019] : memref<32x17xf32, #tpu.memory_space<vmem>>[vector<16xi32>, vector<16xi32>], vector<16xf32>,
      %add3A_1021 = arith.addf %add3A_1017, %gather3A_1020 : vector<16xf32>
      %add3A_1022 = arith.constant 0 : i32
      %add3A_1023 = arith.addi %mul3A_884, %add3A_1022 : i32
      %get3A_1024 = arith.index_cast %add3A_1023 : i32 to index
      %get3A_1025 = tpu.vector_load %arg15[%get3A_1024] {strides = array<i32>} : memref<5120xbf16, #tpu.memory_space<vmem>>, vector<32xbf16>,
      %unpack3A_1026 = tpu.unpack_subelements %get3A_1025, 0 {pack_format = #tpu.pack_format<interleaved>} : vector<32xbf16> -> vector<16xf32>
      %unpack3A_1027 = tpu.unpack_subelements %get3A_1025, 1 {pack_format = #tpu.pack_format<interleaved>} : vector<32xbf16> -> vector<16xf32>
      %mul3A_1028 = arith.mulf %unpack3A_1026, %add3A_954 : vector<16xf32>
      %add3A_1029 = arith.addf %add3A_858, %mul3A_1028 : vector<16xf32>
      %mul3A_1030 = arith.mulf %unpack3A_1027, %add3A_1021 : vector<16xf32>
      %add3A_1031 = arith.addf %add3A_1029, %mul3A_1030 : vector<16xf32>
      %add3A_1032 = arith.constant 3 : i32
      %add3A_1033 = arith.addi %mul3A_699, %add3A_1032 : i32
      %mul3A_1034 = arith.constant 32 : i32
      %mul3A_1035 = arith.muli %add3A_1033, %mul3A_1034 : i32
      %dma_start3A_1036 = tpu.memref_slice %arg8[%mul3A_1035] : memref<5120xi32, #tpu.memory_space<vmem>> -> memref<32xi32, #tpu.memory_space<vmem>>
      %dma_start3A_1037 = arith.constant 0 : i32
      %dma_start3A_1038 = arith.constant 0 : i32
      %dma_start3A_1039 = tpu.memref_slice %arg7[%dma_start3A_1037, %dma_start3A_1038] : memref<10000x128xi32, #tpu.memory_space<vmem_shared>> -> memref<10000x128xi32, #tpu.memory_space<vmem_shared>>
      tpu.enqueue_indirect_dma source(%dma_start3A_1039 : memref<10000x128xi32, #tpu.memory_space<vmem_shared>>) target(%arg12 : memref<32x128xi32, #tpu.memory_space<vmem>>) offsets(%dma_start3A_1036 : memref<32xi32, #tpu.memory_space<vmem>>) semaphore(%arg18 : memref<!tpu.dma_semaphore, #tpu.memory_space<semaphore_mem>>)
      %dma_start3A_1040 = tpu.memref_slice %arg9[%mul3A_1035] : memref<5120xi32, #tpu.memory_space<vmem>> -> memref<32xi32, #tpu.memory_space<vmem>>
      %dma_start3A_1041 = arith.constant 0 : i32
      %dma_start3A_1042 = arith.constant 0 : i32
      %dma_start3A_1043 = tpu.memref_slice %arg7[%dma_start3A_1041, %dma_start3A_1042] : memref<10000x128xi32, #tpu.memory_space<vmem_shared>> -> memref<10000x128xi32, #tpu.memory_space<vmem_shared>>
      tpu.enqueue_indirect_dma source(%dma_start3A_1043 : memref<10000x128xi32, #tpu.memory_space<vmem_shared>>) target(%arg13 : memref<32x128xi32, #tpu.memory_space<vmem>>) offsets(%dma_start3A_1040 : memref<32xi32, #tpu.memory_space<vmem>>) semaphore(%arg18 : memref<!tpu.dma_semaphore, #tpu.memory_space<semaphore_mem>>)
      scf.yield %add3A_1031 : vector<16xf32>
    }
    %scan3A_385 = arith.constant 79 : i32
    %dma_wait3A_386 = arith.constant 0 : i32
    %dma_wait3A_387 = tpu.memref_slice %arg8[%dma_wait3A_386] : memref<5120xi32, #tpu.memory_space<vmem>> -> memref<32xi32, #tpu.memory_space<vmem>>
    %dma_wait3A_388 = arith.constant 0 : i32
    %dma_wait3A_389 = arith.constant 0 : i32
    %dma_wait3A_390 = tpu.memref_slice %arg7[%dma_wait3A_388, %dma_wait3A_389] : memref<10000x128xi32, #tpu.memory_space<vmem_shared>> -> memref<10000x128xi32, #tpu.memory_space<vmem_shared>>
    tpu.wait_indirect_dma semaphore(%arg17 : memref<!tpu.dma_semaphore, #tpu.memory_space<semaphore_mem>>) src(%dma_wait3A_390 : memref<10000x128xi32, #tpu.memory_space<vmem_shared>>) dst(%arg10 : memref<32x128xi32, #tpu.memory_space<vmem>>)
    %dma_wait3A_391 = arith.constant 0 : i32
    %dma_wait3A_392 = tpu.memref_slice %arg8[%dma_wait3A_391] : memref<5120xi32, #tpu.memory_space<vmem>> -> memref<32xi32, #tpu.memory_space<vmem>>
    %dma_wait3A_393 = arith.constant 0 : i32
    %dma_wait3A_394 = arith.constant 0 : i32
    %dma_wait3A_395 = tpu.memref_slice %arg7[%dma_wait3A_393, %dma_wait3A_394] : memref<10000x128xi32, #tpu.memory_space<vmem_shared>> -> memref<10000x128xi32, #tpu.memory_space<vmem_shared>>
    tpu.wait_indirect_dma semaphore(%arg17 : memref<!tpu.dma_semaphore, #tpu.memory_space<semaphore_mem>>) src(%dma_wait3A_395 : memref<10000x128xi32, #tpu.memory_space<vmem_shared>>) dst(%arg11 : memref<32x128xi32, #tpu.memory_space<vmem>>)
    %parallel_loop3A_396 = arith.constant 0 : i32
    %parallel_loop3A_397 = arith.constant 32 : i32
    %parallel_loop3A_398 = arith.constant 1 : i32
    scf.for %parallel_loop3A_696 = %parallel_loop3A_396 to %parallel_loop3A_397 step %parallel_loop3A_398  : i32 {
      %parallel_loop3A_697 = arith.index_cast %parallel_loop3A_696 : i32 to index
      %parallel_loop3A_698 = arith.constant 0 : index
      %parallel_loop3A_699 = tpu.vector_load %arg10[%parallel_loop3A_697, %parallel_loop3A_698] {strides = array<i32>} : memref<32x128xi32, #tpu.memory_space<vmem>>, vector<16xi32>,
      %parallel_loop3A_700 = vector.bitcast %parallel_loop3A_699 : vector<16xi32> to vector<32xbf16>
      %parallel_loop3A_701 = arith.index_cast %parallel_loop3A_696 : i32 to index
      %parallel_loop3A_702 = arith.constant 0 : index
      %parallel_loop3A_703 = tpu.vector_load %arg11[%parallel_loop3A_701, %parallel_loop3A_702] {strides = array<i32>} : memref<32x128xi32, #tpu.memory_space<vmem>>, vector<16xi32>,
      %parallel_loop3A_704 = vector.bitcast %parallel_loop3A_703 : vector<16xi32> to vector<32xbf16>
      %parallel_loop3A_705 = arith.subf %parallel_loop3A_700, %parallel_loop3A_704 : vector<32xbf16>
      %parallel_loop3A_706 = arith.mulf %parallel_loop3A_705, %parallel_loop3A_705 : vector<32xbf16>
      %parallel_loop3A_707 = arith.addf %broadcast_in_dim3A_5, %parallel_loop3A_706 : vector<32xbf16>
      %parallel_loop3A_708 = arith.index_cast %parallel_loop3A_696 : i32 to index
      %parallel_loop3A_709 = arith.constant 16 : index
      %parallel_loop3A_710 = tpu.vector_load %arg10[%parallel_loop3A_708, %parallel_loop3A_709] {strides = array<i32>} : memref<32x128xi32, #tpu.memory_space<vmem>>, vector<16xi32>,
      %parallel_loop3A_711 = vector.bitcast %parallel_loop3A_710 : vector<16xi32> to vector<32xbf16>
      %parallel_loop3A_712 = arith.index_cast %parallel_loop3A_696 : i32 to index
      %parallel_loop3A_713 = arith.constant 16 : index
      %parallel_loop3A_714 = tpu.vector_load %arg11[%parallel_loop3A_712, %parallel_loop3A_713] {strides = array<i32>} : memref<32x128xi32, #tpu.memory_space<vmem>>, vector<16xi32>,
      %parallel_loop3A_715 = vector.bitcast %parallel_loop3A_714 : vector<16xi32> to vector<32xbf16>
      %parallel_loop3A_716 = arith.subf %parallel_loop3A_711, %parallel_loop3A_715 : vector<32xbf16>
      %parallel_loop3A_717 = arith.mulf %parallel_loop3A_716, %parallel_loop3A_716 : vector<32xbf16>
      %parallel_loop3A_718 = arith.addf %broadcast_in_dim3A_5, %parallel_loop3A_717 : vector<32xbf16>
      %parallel_loop3A_719 = arith.index_cast %parallel_loop3A_696 : i32 to index
      %parallel_loop3A_720 = arith.constant 32 : index
      %parallel_loop3A_721 = tpu.vector_load %arg10[%parallel_loop3A_719, %parallel_loop3A_720] {strides = array<i32>} : memref<32x128xi32, #tpu.memory_space<vmem>>, vector<16xi32>,
      %parallel_loop3A_722 = vector.bitcast %parallel_loop3A_721 : vector<16xi32> to vector<32xbf16>
      %parallel_loop3A_723 = arith.index_cast %parallel_loop3A_696 : i32 to index
      %parallel_loop3A_724 = arith.constant 32 : index
      %parallel_loop3A_725 = tpu.vector_load %arg11[%parallel_loop3A_723, %parallel_loop3A_724] {strides = array<i32>} : memref<32x128xi32, #tpu.memory_space<vmem>>, vector<16xi32>,
      %parallel_loop3A_726 = vector.bitcast %parallel_loop3A_725 : vector<16xi32> to vector<32xbf16>
      %parallel_loop3A_727 = arith.subf %parallel_loop3A_722, %parallel_loop3A_726 : vector<32xbf16>
      %parallel_loop3A_728 = arith.mulf %parallel_loop3A_727, %parallel_loop3A_727 : vector<32xbf16>
      %parallel_loop3A_729 = arith.addf %parallel_loop3A_707, %parallel_loop3A_728 : vector<32xbf16>
      %parallel_loop3A_730 = arith.index_cast %parallel_loop3A_696 : i32 to index
      %parallel_loop3A_731 = arith.constant 48 : index
      %parallel_loop3A_732 = tpu.vector_load %arg10[%parallel_loop3A_730, %parallel_loop3A_731] {strides = array<i32>} : memref<32x128xi32, #tpu.memory_space<vmem>>, vector<16xi32>,
      %parallel_loop3A_733 = vector.bitcast %parallel_loop3A_732 : vector<16xi32> to vector<32xbf16>
      %parallel_loop3A_734 = arith.index_cast %parallel_loop3A_696 : i32 to index
      %parallel_loop3A_735 = arith.constant 48 : index
      %parallel_loop3A_736 = tpu.vector_load %arg11[%parallel_loop3A_734, %parallel_loop3A_735] {strides = array<i32>} : memref<32x128xi32, #tpu.memory_space<vmem>>, vector<16xi32>,
      %parallel_loop3A_737 = vector.bitcast %parallel_loop3A_736 : vector<16xi32> to vector<32xbf16>
      %parallel_loop3A_738 = arith.subf %parallel_loop3A_733, %parallel_loop3A_737 : vector<32xbf16>
      %parallel_loop3A_739 = arith.mulf %parallel_loop3A_738, %parallel_loop3A_738 : vector<32xbf16>
      %parallel_loop3A_740 = arith.addf %parallel_loop3A_718, %parallel_loop3A_739 : vector<32xbf16>
      %parallel_loop3A_741 = arith.index_cast %parallel_loop3A_696 : i32 to index
      %parallel_loop3A_742 = arith.constant 64 : index
      %parallel_loop3A_743 = tpu.vector_load %arg10[%parallel_loop3A_741, %parallel_loop3A_742] {strides = array<i32>} : memref<32x128xi32, #tpu.memory_space<vmem>>, vector<16xi32>,
      %parallel_loop3A_744 = vector.bitcast %parallel_loop3A_743 : vector<16xi32> to vector<32xbf16>
      %parallel_loop3A_745 = arith.index_cast %parallel_loop3A_696 : i32 to index
      %parallel_loop3A_746 = arith.constant 64 : index
      %parallel_loop3A_747 = tpu.vector_load %arg11[%parallel_loop3A_745, %parallel_loop3A_746] {strides = array<i32>} : memref<32x128xi32, #tpu.memory_space<vmem>>, vector<16xi32>,
      %parallel_loop3A_748 = vector.bitcast %parallel_loop3A_747 : vector<16xi32> to vector<32xbf16>
      %parallel_loop3A_749 = arith.subf %parallel_loop3A_744, %parallel_loop3A_748 : vector<32xbf16>
      %parallel_loop3A_750 = arith.mulf %parallel_loop3A_749, %parallel_loop3A_749 : vector<32xbf16>
      %parallel_loop3A_751 = arith.addf %parallel_loop3A_729, %parallel_loop3A_750 : vector<32xbf16>
      %parallel_loop3A_752 = arith.index_cast %parallel_loop3A_696 : i32 to index
      %parallel_loop3A_753 = arith.constant 80 : index
      %parallel_loop3A_754 = tpu.vector_load %arg10[%parallel_loop3A_752, %parallel_loop3A_753] {strides = array<i32>} : memref<32x128xi32, #tpu.memory_space<vmem>>, vector<16xi32>,
      %parallel_loop3A_755 = vector.bitcast %parallel_loop3A_754 : vector<16xi32> to vector<32xbf16>
      %parallel_loop3A_756 = arith.index_cast %parallel_loop3A_696 : i32 to index
      %parallel_loop3A_757 = arith.constant 80 : index
      %parallel_loop3A_758 = tpu.vector_load %arg11[%parallel_loop3A_756, %parallel_loop3A_757] {strides = array<i32>} : memref<32x128xi32, #tpu.memory_space<vmem>>, vector<16xi32>,
      %parallel_loop3A_759 = vector.bitcast %parallel_loop3A_758 : vector<16xi32> to vector<32xbf16>
      %parallel_loop3A_760 = arith.subf %parallel_loop3A_755, %parallel_loop3A_759 : vector<32xbf16>
      %parallel_loop3A_761 = arith.mulf %parallel_loop3A_760, %parallel_loop3A_760 : vector<32xbf16>
      %parallel_loop3A_762 = arith.addf %parallel_loop3A_740, %parallel_loop3A_761 : vector<32xbf16>
      %parallel_loop3A_763 = arith.index_cast %parallel_loop3A_696 : i32 to index
      %parallel_loop3A_764 = arith.constant 96 : index
      %parallel_loop3A_765 = tpu.vector_load %arg10[%parallel_loop3A_763, %parallel_loop3A_764] {strides = array<i32>} : memref<32x128xi32, #tpu.memory_space<vmem>>, vector<16xi32>,
      %parallel_loop3A_766 = vector.bitcast %parallel_loop3A_765 : vector<16xi32> to vector<32xbf16>
      %parallel_loop3A_767 = arith.index_cast %parallel_loop3A_696 : i32 to index
      %parallel_loop3A_768 = arith.constant 96 : index
      %parallel_loop3A_769 = tpu.vector_load %arg11[%parallel_loop3A_767, %parallel_loop3A_768] {strides = array<i32>} : memref<32x128xi32, #tpu.memory_space<vmem>>, vector<16xi32>,
      %parallel_loop3A_770 = vector.bitcast %parallel_loop3A_769 : vector<16xi32> to vector<32xbf16>
      %parallel_loop3A_771 = arith.subf %parallel_loop3A_766, %parallel_loop3A_770 : vector<32xbf16>
      %parallel_loop3A_772 = arith.mulf %parallel_loop3A_771, %parallel_loop3A_771 : vector<32xbf16>
      %parallel_loop3A_773 = arith.addf %parallel_loop3A_751, %parallel_loop3A_772 : vector<32xbf16>
      %parallel_loop3A_774 = arith.index_cast %parallel_loop3A_696 : i32 to index
      %parallel_loop3A_775 = arith.constant 112 : index
      %parallel_loop3A_776 = tpu.vector_load %arg10[%parallel_loop3A_774, %parallel_loop3A_775] {strides = array<i32>} : memref<32x128xi32, #tpu.memory_space<vmem>>, vector<16xi32>,
      %parallel_loop3A_777 = vector.bitcast %parallel_loop3A_776 : vector<16xi32> to vector<32xbf16>
      %parallel_loop3A_778 = arith.index_cast %parallel_loop3A_696 : i32 to index
      %parallel_loop3A_779 = arith.constant 112 : index
      %parallel_loop3A_780 = tpu.vector_load %arg11[%parallel_loop3A_778, %parallel_loop3A_779] {strides = array<i32>} : memref<32x128xi32, #tpu.memory_space<vmem>>, vector<16xi32>,
      %parallel_loop3A_781 = vector.bitcast %parallel_loop3A_780 : vector<16xi32> to vector<32xbf16>
      %parallel_loop3A_782 = arith.subf %parallel_loop3A_777, %parallel_loop3A_781 : vector<32xbf16>
      %parallel_loop3A_783 = arith.mulf %parallel_loop3A_782, %parallel_loop3A_782 : vector<32xbf16>
      %parallel_loop3A_784 = arith.addf %parallel_loop3A_762, %parallel_loop3A_783 : vector<32xbf16>
      %parallel_loop3A_785 = arith.addf %parallel_loop3A_773, %parallel_loop3A_784 : vector<32xbf16>
      %parallel_loop3A_786 = tpu.unpack_subelements %parallel_loop3A_785, 0 {pack_format = #tpu.pack_format<interleaved>} : vector<32xbf16> -> vector<16xf32>
      %parallel_loop3A_787 = tpu.unpack_subelements %parallel_loop3A_785, 1 {pack_format = #tpu.pack_format<interleaved>} : vector<32xbf16> -> vector<16xf32>
      %parallel_loop3A_788 = arith.addf %parallel_loop3A_786, %parallel_loop3A_787 : vector<16xf32>
      %parallel_loop3A_789 = arith.index_cast %parallel_loop3A_696 : i32 to index
      %parallel_loop3A_790 = arith.constant 0 : index
      %parallel_loop3A_791 = tpu.vector_load %arg14[%parallel_loop3A_789, %parallel_loop3A_790] {strides = array<i32>} : memref<32x17xf32, #tpu.memory_space<vmem>>, vector<16xf32>,
      tpu.vector_store %arg14[%parallel_loop3A_789, %parallel_loop3A_790], %parallel_loop3A_788 {strides = array<i32>} : memref<32x17xf32, #tpu.memory_space<vmem>>, vector<16xf32>,
    } {sc.loop_unroll_factor = 2 : i64, sc.parallel_access}
    %add3A_399 = arith.constant 0 : i32
    %add3A_400 = vector.broadcast %add3A_399 : i32 to vector<16xi32>
    %add3A_401 = arith.addi %iota3A, %add3A_400 : vector<16xi32>
    %broadcast_in_dim3A_402 = arith.constant 0 : i32
    %broadcast_in_dim3A_403 = vector.broadcast %broadcast_in_dim3A_402 : i32 to vector<16xi32>
    %gather3A_404 = tpu.vector_load_idx %arg14[%add3A_401, %broadcast_in_dim3A_403] : memref<32x17xf32, #tpu.memory_space<vmem>>[vector<16xi32>, vector<16xi32>], vector<16xf32>,
    %add3A_405 = arith.addf %broadcast_in_dim3A_3, %gather3A_404 : vector<16xf32>
    %broadcast_in_dim3A_406 = arith.constant 1 : i32
    %broadcast_in_dim3A_407 = vector.broadcast %broadcast_in_dim3A_406 : i32 to vector<16xi32>
    %gather3A_408 = tpu.vector_load_idx %arg14[%add3A_401, %broadcast_in_dim3A_407] : memref<32x17xf32, #tpu.memory_space<vmem>>[vector<16xi32>, vector<16xi32>], vector<16xf32>,
    %add3A_409 = arith.addf %add3A_405, %gather3A_408 : vector<16xf32>
    %broadcast_in_dim3A_410 = arith.constant 2 : i32
    %broadcast_in_dim3A_411 = vector.broadcast %broadcast_in_dim3A_410 : i32 to vector<16xi32>
    %gather3A_412 = tpu.vector_load_idx %arg14[%add3A_401, %broadcast_in_dim3A_411] : memref<32x17xf32, #tpu.memory_space<vmem>>[vector<16xi32>, vector<16xi32>], vector<16xf32>,
    %add3A_413 = arith.addf %add3A_409, %gather3A_412 : vector<16xf32>
    %broadcast_in_dim3A_414 = arith.constant 3 : i32
    %broadcast_in_dim3A_415 = vector.broadcast %broadcast_in_dim3A_414 : i32 to vector<16xi32>
    %gather3A_416 = tpu.vector_load_idx %arg14[%add3A_401, %broadcast_in_dim3A_415] : memref<32x17xf32, #tpu.memory_space<vmem>>[vector<16xi32>, vector<16xi32>], vector<16xf32>,
    %add3A_417 = arith.addf %add3A_413, %gather3A_416 : vector<16xf32>
    %broadcast_in_dim3A_418 = arith.constant 4 : i32
    %broadcast_in_dim3A_419 = vector.broadcast %broadcast_in_dim3A_418 : i32 to vector<16xi32>
    %gather3A_420 = tpu.vector_load_idx %arg14[%add3A_401, %broadcast_in_dim3A_419] : memref<32x17xf32, #tpu.memory_space<vmem>>[vector<16xi32>, vector<16xi32>], vector<16xf32>,
    %add3A_421 = arith.addf %add3A_417, %gather3A_420 : vector<16xf32>
    %broadcast_in_dim3A_422 = arith.constant 5 : i32
    %broadcast_in_dim3A_423 = vector.broadcast %broadcast_in_dim3A_422 : i32 to vector<16xi32>
    %gather3A_424 = tpu.vector_load_idx %arg14[%add3A_401, %broadcast_in_dim3A_423] : memref<32x17xf32, #tpu.memory_space<vmem>>[vector<16xi32>, vector<16xi32>], vector<16xf32>,
    %add3A_425 = arith.addf %add3A_421, %gather3A_424 : vector<16xf32>
    %broadcast_in_dim3A_426 = arith.constant 6 : i32
    %broadcast_in_dim3A_427 = vector.broadcast %broadcast_in_dim3A_426 : i32 to vector<16xi32>
    %gather3A_428 = tpu.vector_load_idx %arg14[%add3A_401, %broadcast_in_dim3A_427] : memref<32x17xf32, #tpu.memory_space<vmem>>[vector<16xi32>, vector<16xi32>], vector<16xf32>,
    %add3A_429 = arith.addf %add3A_425, %gather3A_428 : vector<16xf32>
    %broadcast_in_dim3A_430 = arith.constant 7 : i32
    %broadcast_in_dim3A_431 = vector.broadcast %broadcast_in_dim3A_430 : i32 to vector<16xi32>
    %gather3A_432 = tpu.vector_load_idx %arg14[%add3A_401, %broadcast_in_dim3A_431] : memref<32x17xf32, #tpu.memory_space<vmem>>[vector<16xi32>, vector<16xi32>], vector<16xf32>,
    %add3A_433 = arith.addf %add3A_429, %gather3A_432 : vector<16xf32>
    %broadcast_in_dim3A_434 = arith.constant 8 : i32
    %broadcast_in_dim3A_435 = vector.broadcast %broadcast_in_dim3A_434 : i32 to vector<16xi32>
    %gather3A_436 = tpu.vector_load_idx %arg14[%add3A_401, %broadcast_in_dim3A_435] : memref<32x17xf32, #tpu.memory_space<vmem>>[vector<16xi32>, vector<16xi32>], vector<16xf32>,
    %add3A_437 = arith.addf %add3A_433, %gather3A_436 : vector<16xf32>
    %broadcast_in_dim3A_438 = arith.constant 9 : i32
    %broadcast_in_dim3A_439 = vector.broadcast %broadcast_in_dim3A_438 : i32 to vector<16xi32>
    %gather3A_440 = tpu.vector_load_idx %arg14[%add3A_401, %broadcast_in_dim3A_439] : memref<32x17xf32, #tpu.memory_space<vmem>>[vector<16xi32>, vector<16xi32>], vector<16xf32>,
    %add3A_441 = arith.addf %add3A_437, %gather3A_440 : vector<16xf32>
    %broadcast_in_dim3A_442 = arith.constant 10 : i32
    %broadcast_in_dim3A_443 = vector.broadcast %broadcast_in_dim3A_442 : i32 to vector<16xi32>
    %gather3A_444 = tpu.vector_load_idx %arg14[%add3A_401, %broadcast_in_dim3A_443] : memref<32x17xf32, #tpu.memory_space<vmem>>[vector<16xi32>, vector<16xi32>], vector<16xf32>,
    %add3A_445 = arith.addf %add3A_441, %gather3A_444 : vector<16xf32>
    %broadcast_in_dim3A_446 = arith.constant 11 : i32
    %broadcast_in_dim3A_447 = vector.broadcast %broadcast_in_dim3A_446 : i32 to vector<16xi32>
    %gather3A_448 = tpu.vector_load_idx %arg14[%add3A_401, %broadcast_in_dim3A_447] : memref<32x17xf32, #tpu.memory_space<vmem>>[vector<16xi32>, vector<16xi32>], vector<16xf32>,
    %add3A_449 = arith.addf %add3A_445, %gather3A_448 : vector<16xf32>
    %broadcast_in_dim3A_450 = arith.constant 12 : i32
    %broadcast_in_dim3A_451 = vector.broadcast %broadcast_in_dim3A_450 : i32 to vector<16xi32>
    %gather3A_452 = tpu.vector_load_idx %arg14[%add3A_401, %broadcast_in_dim3A_451] : memref<32x17xf32, #tpu.memory_space<vmem>>[vector<16xi32>, vector<16xi32>], vector<16xf32>,
    %add3A_453 = arith.addf %add3A_449, %gather3A_452 : vector<16xf32>
    %broadcast_in_dim3A_454 = arith.constant 13 : i32
    %broadcast_in_dim3A_455 = vector.broadcast %broadcast_in_dim3A_454 : i32 to vector<16xi32>
    %gather3A_456 = tpu.vector_load_idx %arg14[%add3A_401, %broadcast_in_dim3A_455] : memref<32x17xf32, #tpu.memory_space<vmem>>[vector<16xi32>, vector<16xi32>], vector<16xf32>,
    %add3A_457 = arith.addf %add3A_453, %gather3A_456 : vector<16xf32>
    %broadcast_in_dim3A_458 = arith.constant 14 : i32
    %broadcast_in_dim3A_459 = vector.broadcast %broadcast_in_dim3A_458 : i32 to vector<16xi32>
    %gather3A_460 = tpu.vector_load_idx %arg14[%add3A_401, %broadcast_in_dim3A_459] : memref<32x17xf32, #tpu.memory_space<vmem>>[vector<16xi32>, vector<16xi32>], vector<16xf32>,
    %add3A_461 = arith.addf %add3A_457, %gather3A_460 : vector<16xf32>
    %broadcast_in_dim3A_462 = arith.constant 15 : i32
    %broadcast_in_dim3A_463 = vector.broadcast %broadcast_in_dim3A_462 : i32 to vector<16xi32>
    %gather3A_464 = tpu.vector_load_idx %arg14[%add3A_401, %broadcast_in_dim3A_463] : memref<32x17xf32, #tpu.memory_space<vmem>>[vector<16xi32>, vector<16xi32>], vector<16xf32>,
    %add3A_465 = arith.addf %add3A_461, %gather3A_464 : vector<16xf32>
    %add3A_466 = arith.constant 16 : i32
    %add3A_467 = vector.broadcast %add3A_466 : i32 to vector<16xi32>
    %add3A_468 = arith.addi %iota3A, %add3A_467 : vector<16xi32>
    %broadcast_in_dim3A_469 = arith.constant 0 : i32
    %broadcast_in_dim3A_470 = vector.broadcast %broadcast_in_dim3A_469 : i32 to vector<16xi32>
    %gather3A_471 = tpu.vector_load_idx %arg14[%add3A_468, %broadcast_in_dim3A_470] : memref<32x17xf32, #tpu.memory_space<vmem>>[vector<16xi32>, vector<16xi32>], vector<16xf32>,
    %add3A_472 = arith.addf %broadcast_in_dim3A_3, %gather3A_471 : vector<16xf32>
    %broadcast_in_dim3A_473 = arith.constant 1 : i32
    %broadcast_in_dim3A_474 = vector.broadcast %broadcast_in_dim3A_473 : i32 to vector<16xi32>
    %gather3A_475 = tpu.vector_load_idx %arg14[%add3A_468, %broadcast_in_dim3A_474] : memref<32x17xf32, #tpu.memory_space<vmem>>[vector<16xi32>, vector<16xi32>], vector<16xf32>,
    %add3A_476 = arith.addf %add3A_472, %gather3A_475 : vector<16xf32>
    %broadcast_in_dim3A_477 = arith.constant 2 : i32
    %broadcast_in_dim3A_478 = vector.broadcast %broadcast_in_dim3A_477 : i32 to vector<16xi32>
    %gather3A_479 = tpu.vector_load_idx %arg14[%add3A_468, %broadcast_in_dim3A_478] : memref<32x17xf32, #tpu.memory_space<vmem>>[vector<16xi32>, vector<16xi32>], vector<16xf32>,
    %add3A_480 = arith.addf %add3A_476, %gather3A_479 : vector<16xf32>
    %broadcast_in_dim3A_481 = arith.constant 3 : i32
    %broadcast_in_dim3A_482 = vector.broadcast %broadcast_in_dim3A_481 : i32 to vector<16xi32>
    %gather3A_483 = tpu.vector_load_idx %arg14[%add3A_468, %broadcast_in_dim3A_482] : memref<32x17xf32, #tpu.memory_space<vmem>>[vector<16xi32>, vector<16xi32>], vector<16xf32>,
    %add3A_484 = arith.addf %add3A_480, %gather3A_483 : vector<16xf32>
    %broadcast_in_dim3A_485 = arith.constant 4 : i32
    %broadcast_in_dim3A_486 = vector.broadcast %broadcast_in_dim3A_485 : i32 to vector<16xi32>
    %gather3A_487 = tpu.vector_load_idx %arg14[%add3A_468, %broadcast_in_dim3A_486] : memref<32x17xf32, #tpu.memory_space<vmem>>[vector<16xi32>, vector<16xi32>], vector<16xf32>,
    %add3A_488 = arith.addf %add3A_484, %gather3A_487 : vector<16xf32>
    %broadcast_in_dim3A_489 = arith.constant 5 : i32
    %broadcast_in_dim3A_490 = vector.broadcast %broadcast_in_dim3A_489 : i32 to vector<16xi32>
    %gather3A_491 = tpu.vector_load_idx %arg14[%add3A_468, %broadcast_in_dim3A_490] : memref<32x17xf32, #tpu.memory_space<vmem>>[vector<16xi32>, vector<16xi32>], vector<16xf32>,
    %add3A_492 = arith.addf %add3A_488, %gather3A_491 : vector<16xf32>
    %broadcast_in_dim3A_493 = arith.constant 6 : i32
    %broadcast_in_dim3A_494 = vector.broadcast %broadcast_in_dim3A_493 : i32 to vector<16xi32>
    %gather3A_495 = tpu.vector_load_idx %arg14[%add3A_468, %broadcast_in_dim3A_494] : memref<32x17xf32, #tpu.memory_space<vmem>>[vector<16xi32>, vector<16xi32>], vector<16xf32>,
    %add3A_496 = arith.addf %add3A_492, %gather3A_495 : vector<16xf32>
    %broadcast_in_dim3A_497 = arith.constant 7 : i32
    %broadcast_in_dim3A_498 = vector.broadcast %broadcast_in_dim3A_497 : i32 to vector<16xi32>
    %gather3A_499 = tpu.vector_load_idx %arg14[%add3A_468, %broadcast_in_dim3A_498] : memref<32x17xf32, #tpu.memory_space<vmem>>[vector<16xi32>, vector<16xi32>], vector<16xf32>,
    %add3A_500 = arith.addf %add3A_496, %gather3A_499 : vector<16xf32>
    %broadcast_in_dim3A_501 = arith.constant 8 : i32
    %broadcast_in_dim3A_502 = vector.broadcast %broadcast_in_dim3A_501 : i32 to vector<16xi32>
    %gather3A_503 = tpu.vector_load_idx %arg14[%add3A_468, %broadcast_in_dim3A_502] : memref<32x17xf32, #tpu.memory_space<vmem>>[vector<16xi32>, vector<16xi32>], vector<16xf32>,
    %add3A_504 = arith.addf %add3A_500, %gather3A_503 : vector<16xf32>
    %broadcast_in_dim3A_505 = arith.constant 9 : i32
    %broadcast_in_dim3A_506 = vector.broadcast %broadcast_in_dim3A_505 : i32 to vector<16xi32>
    %gather3A_507 = tpu.vector_load_idx %arg14[%add3A_468, %broadcast_in_dim3A_506] : memref<32x17xf32, #tpu.memory_space<vmem>>[vector<16xi32>, vector<16xi32>], vector<16xf32>,
    %add3A_508 = arith.addf %add3A_504, %gather3A_507 : vector<16xf32>
    %broadcast_in_dim3A_509 = arith.constant 10 : i32
    %broadcast_in_dim3A_510 = vector.broadcast %broadcast_in_dim3A_509 : i32 to vector<16xi32>
    %gather3A_511 = tpu.vector_load_idx %arg14[%add3A_468, %broadcast_in_dim3A_510] : memref<32x17xf32, #tpu.memory_space<vmem>>[vector<16xi32>, vector<16xi32>], vector<16xf32>,
    %add3A_512 = arith.addf %add3A_508, %gather3A_511 : vector<16xf32>
    %broadcast_in_dim3A_513 = arith.constant 11 : i32
    %broadcast_in_dim3A_514 = vector.broadcast %broadcast_in_dim3A_513 : i32 to vector<16xi32>
    %gather3A_515 = tpu.vector_load_idx %arg14[%add3A_468, %broadcast_in_dim3A_514] : memref<32x17xf32, #tpu.memory_space<vmem>>[vector<16xi32>, vector<16xi32>], vector<16xf32>,
    %add3A_516 = arith.addf %add3A_512, %gather3A_515 : vector<16xf32>
    %broadcast_in_dim3A_517 = arith.constant 12 : i32
    %broadcast_in_dim3A_518 = vector.broadcast %broadcast_in_dim3A_517 : i32 to vector<16xi32>
    %gather3A_519 = tpu.vector_load_idx %arg14[%add3A_468, %broadcast_in_dim3A_518] : memref<32x17xf32, #tpu.memory_space<vmem>>[vector<16xi32>, vector<16xi32>], vector<16xf32>,
    %add3A_520 = arith.addf %add3A_516, %gather3A_519 : vector<16xf32>
    %broadcast_in_dim3A_521 = arith.constant 13 : i32
    %broadcast_in_dim3A_522 = vector.broadcast %broadcast_in_dim3A_521 : i32 to vector<16xi32>
    %gather3A_523 = tpu.vector_load_idx %arg14[%add3A_468, %broadcast_in_dim3A_522] : memref<32x17xf32, #tpu.memory_space<vmem>>[vector<16xi32>, vector<16xi32>], vector<16xf32>,
    %add3A_524 = arith.addf %add3A_520, %gather3A_523 : vector<16xf32>
    %broadcast_in_dim3A_525 = arith.constant 14 : i32
    %broadcast_in_dim3A_526 = vector.broadcast %broadcast_in_dim3A_525 : i32 to vector<16xi32>
    %gather3A_527 = tpu.vector_load_idx %arg14[%add3A_468, %broadcast_in_dim3A_526] : memref<32x17xf32, #tpu.memory_space<vmem>>[vector<16xi32>, vector<16xi32>], vector<16xf32>,
    %add3A_528 = arith.addf %add3A_524, %gather3A_527 : vector<16xf32>
    %broadcast_in_dim3A_529 = arith.constant 15 : i32
    %broadcast_in_dim3A_530 = vector.broadcast %broadcast_in_dim3A_529 : i32 to vector<16xi32>
    %gather3A_531 = tpu.vector_load_idx %arg14[%add3A_468, %broadcast_in_dim3A_530] : memref<32x17xf32, #tpu.memory_space<vmem>>[vector<16xi32>, vector<16xi32>], vector<16xf32>,
    %add3A_532 = arith.addf %add3A_528, %gather3A_531 : vector<16xf32>
    %get3A = arith.constant 5056 : index
    %get3A_533 = tpu.vector_load %arg15[%get3A] {strides = array<i32>} : memref<5120xbf16, #tpu.memory_space<vmem>>, vector<32xbf16>,
    %unpack3A = tpu.unpack_subelements %get3A_533, 0 {pack_format = #tpu.pack_format<interleaved>} : vector<32xbf16> -> vector<16xf32>
    %unpack3A_534 = tpu.unpack_subelements %get3A_533, 1 {pack_format = #tpu.pack_format<interleaved>} : vector<32xbf16> -> vector<16xf32>
    %mul3A_535 = arith.mulf %unpack3A, %add3A_465 : vector<16xf32>
    %add3A_536 = arith.addf %scan3A_384, %mul3A_535 : vector<16xf32>
    %mul3A_537 = arith.mulf %unpack3A_534, %add3A_532 : vector<16xf32>
    %add3A_538 = arith.addf %add3A_536, %mul3A_537 : vector<16xf32>
    %dma_wait3A_539 = arith.constant 0 : i32
    %dma_wait3A_540 = tpu.memref_slice %arg8[%dma_wait3A_539] : memref<5120xi32, #tpu.memory_space<vmem>> -> memref<32xi32, #tpu.memory_space<vmem>>
    %dma_wait3A_541 = arith.constant 0 : i32
    %dma_wait3A_542 = arith.constant 0 : i32
    %dma_wait3A_543 = tpu.memref_slice %arg7[%dma_wait3A_541, %dma_wait3A_542] : memref<10000x128xi32, #tpu.memory_space<vmem_shared>> -> memref<10000x128xi32, #tpu.memory_space<vmem_shared>>
    tpu.wait_indirect_dma semaphore(%arg18 : memref<!tpu.dma_semaphore, #tpu.memory_space<semaphore_mem>>) src(%dma_wait3A_543 : memref<10000x128xi32, #tpu.memory_space<vmem_shared>>) dst(%arg12 : memref<32x128xi32, #tpu.memory_space<vmem>>)
    %dma_wait3A_544 = arith.constant 0 : i32
    %dma_wait3A_545 = tpu.memref_slice %arg8[%dma_wait3A_544] : memref<5120xi32, #tpu.memory_space<vmem>> -> memref<32xi32, #tpu.memory_space<vmem>>
    %dma_wait3A_546 = arith.constant 0 : i32
    %dma_wait3A_547 = arith.constant 0 : i32
    %dma_wait3A_548 = tpu.memref_slice %arg7[%dma_wait3A_546, %dma_wait3A_547] : memref<10000x128xi32, #tpu.memory_space<vmem_shared>> -> memref<10000x128xi32, #tpu.memory_space<vmem_shared>>
    tpu.wait_indirect_dma semaphore(%arg18 : memref<!tpu.dma_semaphore, #tpu.memory_space<semaphore_mem>>) src(%dma_wait3A_548 : memref<10000x128xi32, #tpu.memory_space<vmem_shared>>) dst(%arg13 : memref<32x128xi32, #tpu.memory_space<vmem>>)
    %parallel_loop3A_549 = arith.constant 0 : i32
    %parallel_loop3A_550 = arith.constant 32 : i32
    %parallel_loop3A_551 = arith.constant 1 : i32
    scf.for %parallel_loop3A_696 = %parallel_loop3A_549 to %parallel_loop3A_550 step %parallel_loop3A_551  : i32 {
      %parallel_loop3A_697 = arith.index_cast %parallel_loop3A_696 : i32 to index
      %parallel_loop3A_698 = arith.constant 0 : index
      %parallel_loop3A_699 = tpu.vector_load %arg12[%parallel_loop3A_697, %parallel_loop3A_698] {strides = array<i32>} : memref<32x128xi32, #tpu.memory_space<vmem>>, vector<16xi32>,
      %parallel_loop3A_700 = vector.bitcast %parallel_loop3A_699 : vector<16xi32> to vector<32xbf16>
      %parallel_loop3A_701 = arith.index_cast %parallel_loop3A_696 : i32 to index
      %parallel_loop3A_702 = arith.constant 0 : index
      %parallel_loop3A_703 = tpu.vector_load %arg13[%parallel_loop3A_701, %parallel_loop3A_702] {strides = array<i32>} : memref<32x128xi32, #tpu.memory_space<vmem>>, vector<16xi32>,
      %parallel_loop3A_704 = vector.bitcast %parallel_loop3A_703 : vector<16xi32> to vector<32xbf16>
      %parallel_loop3A_705 = arith.subf %parallel_loop3A_700, %parallel_loop3A_704 : vector<32xbf16>
      %parallel_loop3A_706 = arith.mulf %parallel_loop3A_705, %parallel_loop3A_705 : vector<32xbf16>
      %parallel_loop3A_707 = arith.addf %broadcast_in_dim3A_5, %parallel_loop3A_706 : vector<32xbf16>
      %parallel_loop3A_708 = arith.index_cast %parallel_loop3A_696 : i32 to index
      %parallel_loop3A_709 = arith.constant 16 : index
      %parallel_loop3A_710 = tpu.vector_load %arg12[%parallel_loop3A_708, %parallel_loop3A_709] {strides = array<i32>} : memref<32x128xi32, #tpu.memory_space<vmem>>, vector<16xi32>,
      %parallel_loop3A_711 = vector.bitcast %parallel_loop3A_710 : vector<16xi32> to vector<32xbf16>
      %parallel_loop3A_712 = arith.index_cast %parallel_loop3A_696 : i32 to index
      %parallel_loop3A_713 = arith.constant 16 : index
      %parallel_loop3A_714 = tpu.vector_load %arg13[%parallel_loop3A_712, %parallel_loop3A_713] {strides = array<i32>} : memref<32x128xi32, #tpu.memory_space<vmem>>, vector<16xi32>,
      %parallel_loop3A_715 = vector.bitcast %parallel_loop3A_714 : vector<16xi32> to vector<32xbf16>
      %parallel_loop3A_716 = arith.subf %parallel_loop3A_711, %parallel_loop3A_715 : vector<32xbf16>
      %parallel_loop3A_717 = arith.mulf %parallel_loop3A_716, %parallel_loop3A_716 : vector<32xbf16>
      %parallel_loop3A_718 = arith.addf %broadcast_in_dim3A_5, %parallel_loop3A_717 : vector<32xbf16>
      %parallel_loop3A_719 = arith.index_cast %parallel_loop3A_696 : i32 to index
      %parallel_loop3A_720 = arith.constant 32 : index
      %parallel_loop3A_721 = tpu.vector_load %arg12[%parallel_loop3A_719, %parallel_loop3A_720] {strides = array<i32>} : memref<32x128xi32, #tpu.memory_space<vmem>>, vector<16xi32>,
      %parallel_loop3A_722 = vector.bitcast %parallel_loop3A_721 : vector<16xi32> to vector<32xbf16>
      %parallel_loop3A_723 = arith.index_cast %parallel_loop3A_696 : i32 to index
      %parallel_loop3A_724 = arith.constant 32 : index
      %parallel_loop3A_725 = tpu.vector_load %arg13[%parallel_loop3A_723, %parallel_loop3A_724] {strides = array<i32>} : memref<32x128xi32, #tpu.memory_space<vmem>>, vector<16xi32>,
      %parallel_loop3A_726 = vector.bitcast %parallel_loop3A_725 : vector<16xi32> to vector<32xbf16>
      %parallel_loop3A_727 = arith.subf %parallel_loop3A_722, %parallel_loop3A_726 : vector<32xbf16>
      %parallel_loop3A_728 = arith.mulf %parallel_loop3A_727, %parallel_loop3A_727 : vector<32xbf16>
      %parallel_loop3A_729 = arith.addf %parallel_loop3A_707, %parallel_loop3A_728 : vector<32xbf16>
      %parallel_loop3A_730 = arith.index_cast %parallel_loop3A_696 : i32 to index
      %parallel_loop3A_731 = arith.constant 48 : index
      %parallel_loop3A_732 = tpu.vector_load %arg12[%parallel_loop3A_730, %parallel_loop3A_731] {strides = array<i32>} : memref<32x128xi32, #tpu.memory_space<vmem>>, vector<16xi32>,
      %parallel_loop3A_733 = vector.bitcast %parallel_loop3A_732 : vector<16xi32> to vector<32xbf16>
      %parallel_loop3A_734 = arith.index_cast %parallel_loop3A_696 : i32 to index
      %parallel_loop3A_735 = arith.constant 48 : index
      %parallel_loop3A_736 = tpu.vector_load %arg13[%parallel_loop3A_734, %parallel_loop3A_735] {strides = array<i32>} : memref<32x128xi32, #tpu.memory_space<vmem>>, vector<16xi32>,
      %parallel_loop3A_737 = vector.bitcast %parallel_loop3A_736 : vector<16xi32> to vector<32xbf16>
      %parallel_loop3A_738 = arith.subf %parallel_loop3A_733, %parallel_loop3A_737 : vector<32xbf16>
      %parallel_loop3A_739 = arith.mulf %parallel_loop3A_738, %parallel_loop3A_738 : vector<32xbf16>
      %parallel_loop3A_740 = arith.addf %parallel_loop3A_718, %parallel_loop3A_739 : vector<32xbf16>
      %parallel_loop3A_741 = arith.index_cast %parallel_loop3A_696 : i32 to index
      %parallel_loop3A_742 = arith.constant 64 : index
      %parallel_loop3A_743 = tpu.vector_load %arg12[%parallel_loop3A_741, %parallel_loop3A_742] {strides = array<i32>} : memref<32x128xi32, #tpu.memory_space<vmem>>, vector<16xi32>,
      %parallel_loop3A_744 = vector.bitcast %parallel_loop3A_743 : vector<16xi32> to vector<32xbf16>
      %parallel_loop3A_745 = arith.index_cast %parallel_loop3A_696 : i32 to index
      %parallel_loop3A_746 = arith.constant 64 : index
      %parallel_loop3A_747 = tpu.vector_load %arg13[%parallel_loop3A_745, %parallel_loop3A_746] {strides = array<i32>} : memref<32x128xi32, #tpu.memory_space<vmem>>, vector<16xi32>,
      %parallel_loop3A_748 = vector.bitcast %parallel_loop3A_747 : vector<16xi32> to vector<32xbf16>
      %parallel_loop3A_749 = arith.subf %parallel_loop3A_744, %parallel_loop3A_748 : vector<32xbf16>
      %parallel_loop3A_750 = arith.mulf %parallel_loop3A_749, %parallel_loop3A_749 : vector<32xbf16>
      %parallel_loop3A_751 = arith.addf %parallel_loop3A_729, %parallel_loop3A_750 : vector<32xbf16>
      %parallel_loop3A_752 = arith.index_cast %parallel_loop3A_696 : i32 to index
      %parallel_loop3A_753 = arith.constant 80 : index
      %parallel_loop3A_754 = tpu.vector_load %arg12[%parallel_loop3A_752, %parallel_loop3A_753] {strides = array<i32>} : memref<32x128xi32, #tpu.memory_space<vmem>>, vector<16xi32>,
      %parallel_loop3A_755 = vector.bitcast %parallel_loop3A_754 : vector<16xi32> to vector<32xbf16>
      %parallel_loop3A_756 = arith.index_cast %parallel_loop3A_696 : i32 to index
      %parallel_loop3A_757 = arith.constant 80 : index
      %parallel_loop3A_758 = tpu.vector_load %arg13[%parallel_loop3A_756, %parallel_loop3A_757] {strides = array<i32>} : memref<32x128xi32, #tpu.memory_space<vmem>>, vector<16xi32>,
      %parallel_loop3A_759 = vector.bitcast %parallel_loop3A_758 : vector<16xi32> to vector<32xbf16>
      %parallel_loop3A_760 = arith.subf %parallel_loop3A_755, %parallel_loop3A_759 : vector<32xbf16>
      %parallel_loop3A_761 = arith.mulf %parallel_loop3A_760, %parallel_loop3A_760 : vector<32xbf16>
      %parallel_loop3A_762 = arith.addf %parallel_loop3A_740, %parallel_loop3A_761 : vector<32xbf16>
      %parallel_loop3A_763 = arith.index_cast %parallel_loop3A_696 : i32 to index
      %parallel_loop3A_764 = arith.constant 96 : index
      %parallel_loop3A_765 = tpu.vector_load %arg12[%parallel_loop3A_763, %parallel_loop3A_764] {strides = array<i32>} : memref<32x128xi32, #tpu.memory_space<vmem>>, vector<16xi32>,
      %parallel_loop3A_766 = vector.bitcast %parallel_loop3A_765 : vector<16xi32> to vector<32xbf16>
      %parallel_loop3A_767 = arith.index_cast %parallel_loop3A_696 : i32 to index
      %parallel_loop3A_768 = arith.constant 96 : index
      %parallel_loop3A_769 = tpu.vector_load %arg13[%parallel_loop3A_767, %parallel_loop3A_768] {strides = array<i32>} : memref<32x128xi32, #tpu.memory_space<vmem>>, vector<16xi32>,
      %parallel_loop3A_770 = vector.bitcast %parallel_loop3A_769 : vector<16xi32> to vector<32xbf16>
      %parallel_loop3A_771 = arith.subf %parallel_loop3A_766, %parallel_loop3A_770 : vector<32xbf16>
      %parallel_loop3A_772 = arith.mulf %parallel_loop3A_771, %parallel_loop3A_771 : vector<32xbf16>
      %parallel_loop3A_773 = arith.addf %parallel_loop3A_751, %parallel_loop3A_772 : vector<32xbf16>
      %parallel_loop3A_774 = arith.index_cast %parallel_loop3A_696 : i32 to index
      %parallel_loop3A_775 = arith.constant 112 : index
      %parallel_loop3A_776 = tpu.vector_load %arg12[%parallel_loop3A_774, %parallel_loop3A_775] {strides = array<i32>} : memref<32x128xi32, #tpu.memory_space<vmem>>, vector<16xi32>,
      %parallel_loop3A_777 = vector.bitcast %parallel_loop3A_776 : vector<16xi32> to vector<32xbf16>
      %parallel_loop3A_778 = arith.index_cast %parallel_loop3A_696 : i32 to index
      %parallel_loop3A_779 = arith.constant 112 : index
      %parallel_loop3A_780 = tpu.vector_load %arg13[%parallel_loop3A_778, %parallel_loop3A_779] {strides = array<i32>} : memref<32x128xi32, #tpu.memory_space<vmem>>, vector<16xi32>,
      %parallel_loop3A_781 = vector.bitcast %parallel_loop3A_780 : vector<16xi32> to vector<32xbf16>
      %parallel_loop3A_782 = arith.subf %parallel_loop3A_777, %parallel_loop3A_781 : vector<32xbf16>
      %parallel_loop3A_783 = arith.mulf %parallel_loop3A_782, %parallel_loop3A_782 : vector<32xbf16>
      %parallel_loop3A_784 = arith.addf %parallel_loop3A_762, %parallel_loop3A_783 : vector<32xbf16>
      %parallel_loop3A_785 = arith.addf %parallel_loop3A_773, %parallel_loop3A_784 : vector<32xbf16>
      %parallel_loop3A_786 = tpu.unpack_subelements %parallel_loop3A_785, 0 {pack_format = #tpu.pack_format<interleaved>} : vector<32xbf16> -> vector<16xf32>
      %parallel_loop3A_787 = tpu.unpack_subelements %parallel_loop3A_785, 1 {pack_format = #tpu.pack_format<interleaved>} : vector<32xbf16> -> vector<16xf32>
      %parallel_loop3A_788 = arith.addf %parallel_loop3A_786, %parallel_loop3A_787 : vector<16xf32>
      %parallel_loop3A_789 = arith.index_cast %parallel_loop3A_696 : i32 to index
      %parallel_loop3A_790 = arith.constant 0 : index
      %parallel_loop3A_791 = tpu.vector_load %arg14[%parallel_loop3A_789, %parallel_loop3A_790] {strides = array<i32>} : memref<32x17xf32, #tpu.memory_space<vmem>>, vector<16xf32>,
      tpu.vector_store %arg14[%parallel_loop3A_789, %parallel_loop3A_790], %parallel_loop3A_788 {strides = array<i32>} : memref<32x17xf32, #tpu.memory_space<vmem>>, vector<16xf32>,
    } {sc.loop_unroll_factor = 2 : i64, sc.parallel_access}
    %add3A_552 = arith.constant 0 : i32
    %add3A_553 = vector.broadcast %add3A_552 : i32 to vector<16xi32>
    %add3A_554 = arith.addi %iota3A, %add3A_553 : vector<16xi32>
    %broadcast_in_dim3A_555 = arith.constant 0 : i32
    %broadcast_in_dim3A_556 = vector.broadcast %broadcast_in_dim3A_555 : i32 to vector<16xi32>
    %gather3A_557 = tpu.vector_load_idx %arg14[%add3A_554, %broadcast_in_dim3A_556] : memref<32x17xf32, #tpu.memory_space<vmem>>[vector<16xi32>, vector<16xi32>], vector<16xf32>,
    %add3A_558 = arith.addf %broadcast_in_dim3A_3, %gather3A_557 : vector<16xf32>
    %broadcast_in_dim3A_559 = arith.constant 1 : i32
    %broadcast_in_dim3A_560 = vector.broadcast %broadcast_in_dim3A_559 : i32 to vector<16xi32>
    %gather3A_561 = tpu.vector_load_idx %arg14[%add3A_554, %broadcast_in_dim3A_560] : memref<32x17xf32, #tpu.memory_space<vmem>>[vector<16xi32>, vector<16xi32>], vector<16xf32>,
    %add3A_562 = arith.addf %add3A_558, %gather3A_561 : vector<16xf32>
    %broadcast_in_dim3A_563 = arith.constant 2 : i32
    %broadcast_in_dim3A_564 = vector.broadcast %broadcast_in_dim3A_563 : i32 to vector<16xi32>
    %gather3A_565 = tpu.vector_load_idx %arg14[%add3A_554, %broadcast_in_dim3A_564] : memref<32x17xf32, #tpu.memory_space<vmem>>[vector<16xi32>, vector<16xi32>], vector<16xf32>,
    %add3A_566 = arith.addf %add3A_562, %gather3A_565 : vector<16xf32>
    %broadcast_in_dim3A_567 = arith.constant 3 : i32
    %broadcast_in_dim3A_568 = vector.broadcast %broadcast_in_dim3A_567 : i32 to vector<16xi32>
    %gather3A_569 = tpu.vector_load_idx %arg14[%add3A_554, %broadcast_in_dim3A_568] : memref<32x17xf32, #tpu.memory_space<vmem>>[vector<16xi32>, vector<16xi32>], vector<16xf32>,
    %add3A_570 = arith.addf %add3A_566, %gather3A_569 : vector<16xf32>
    %broadcast_in_dim3A_571 = arith.constant 4 : i32
    %broadcast_in_dim3A_572 = vector.broadcast %broadcast_in_dim3A_571 : i32 to vector<16xi32>
    %gather3A_573 = tpu.vector_load_idx %arg14[%add3A_554, %broadcast_in_dim3A_572] : memref<32x17xf32, #tpu.memory_space<vmem>>[vector<16xi32>, vector<16xi32>], vector<16xf32>,
    %add3A_574 = arith.addf %add3A_570, %gather3A_573 : vector<16xf32>
    %broadcast_in_dim3A_575 = arith.constant 5 : i32
    %broadcast_in_dim3A_576 = vector.broadcast %broadcast_in_dim3A_575 : i32 to vector<16xi32>
    %gather3A_577 = tpu.vector_load_idx %arg14[%add3A_554, %broadcast_in_dim3A_576] : memref<32x17xf32, #tpu.memory_space<vmem>>[vector<16xi32>, vector<16xi32>], vector<16xf32>,
    %add3A_578 = arith.addf %add3A_574, %gather3A_577 : vector<16xf32>
    %broadcast_in_dim3A_579 = arith.constant 6 : i32
    %broadcast_in_dim3A_580 = vector.broadcast %broadcast_in_dim3A_579 : i32 to vector<16xi32>
    %gather3A_581 = tpu.vector_load_idx %arg14[%add3A_554, %broadcast_in_dim3A_580] : memref<32x17xf32, #tpu.memory_space<vmem>>[vector<16xi32>, vector<16xi32>], vector<16xf32>,
    %add3A_582 = arith.addf %add3A_578, %gather3A_581 : vector<16xf32>
    %broadcast_in_dim3A_583 = arith.constant 7 : i32
    %broadcast_in_dim3A_584 = vector.broadcast %broadcast_in_dim3A_583 : i32 to vector<16xi32>
    %gather3A_585 = tpu.vector_load_idx %arg14[%add3A_554, %broadcast_in_dim3A_584] : memref<32x17xf32, #tpu.memory_space<vmem>>[vector<16xi32>, vector<16xi32>], vector<16xf32>,
    %add3A_586 = arith.addf %add3A_582, %gather3A_585 : vector<16xf32>
    %broadcast_in_dim3A_587 = arith.constant 8 : i32
    %broadcast_in_dim3A_588 = vector.broadcast %broadcast_in_dim3A_587 : i32 to vector<16xi32>
    %gather3A_589 = tpu.vector_load_idx %arg14[%add3A_554, %broadcast_in_dim3A_588] : memref<32x17xf32, #tpu.memory_space<vmem>>[vector<16xi32>, vector<16xi32>], vector<16xf32>,
    %add3A_590 = arith.addf %add3A_586, %gather3A_589 : vector<16xf32>
    %broadcast_in_dim3A_591 = arith.constant 9 : i32
    %broadcast_in_dim3A_592 = vector.broadcast %broadcast_in_dim3A_591 : i32 to vector<16xi32>
    %gather3A_593 = tpu.vector_load_idx %arg14[%add3A_554, %broadcast_in_dim3A_592] : memref<32x17xf32, #tpu.memory_space<vmem>>[vector<16xi32>, vector<16xi32>], vector<16xf32>,
    %add3A_594 = arith.addf %add3A_590, %gather3A_593 : vector<16xf32>
    %broadcast_in_dim3A_595 = arith.constant 10 : i32
    %broadcast_in_dim3A_596 = vector.broadcast %broadcast_in_dim3A_595 : i32 to vector<16xi32>
    %gather3A_597 = tpu.vector_load_idx %arg14[%add3A_554, %broadcast_in_dim3A_596] : memref<32x17xf32, #tpu.memory_space<vmem>>[vector<16xi32>, vector<16xi32>], vector<16xf32>,
    %add3A_598 = arith.addf %add3A_594, %gather3A_597 : vector<16xf32>
    %broadcast_in_dim3A_599 = arith.constant 11 : i32
    %broadcast_in_dim3A_600 = vector.broadcast %broadcast_in_dim3A_599 : i32 to vector<16xi32>
    %gather3A_601 = tpu.vector_load_idx %arg14[%add3A_554, %broadcast_in_dim3A_600] : memref<32x17xf32, #tpu.memory_space<vmem>>[vector<16xi32>, vector<16xi32>], vector<16xf32>,
    %add3A_602 = arith.addf %add3A_598, %gather3A_601 : vector<16xf32>
    %broadcast_in_dim3A_603 = arith.constant 12 : i32
    %broadcast_in_dim3A_604 = vector.broadcast %broadcast_in_dim3A_603 : i32 to vector<16xi32>
    %gather3A_605 = tpu.vector_load_idx %arg14[%add3A_554, %broadcast_in_dim3A_604] : memref<32x17xf32, #tpu.memory_space<vmem>>[vector<16xi32>, vector<16xi32>], vector<16xf32>,
    %add3A_606 = arith.addf %add3A_602, %gather3A_605 : vector<16xf32>
    %broadcast_in_dim3A_607 = arith.constant 13 : i32
    %broadcast_in_dim3A_608 = vector.broadcast %broadcast_in_dim3A_607 : i32 to vector<16xi32>
    %gather3A_609 = tpu.vector_load_idx %arg14[%add3A_554, %broadcast_in_dim3A_608] : memref<32x17xf32, #tpu.memory_space<vmem>>[vector<16xi32>, vector<16xi32>], vector<16xf32>,
    %add3A_610 = arith.addf %add3A_606, %gather3A_609 : vector<16xf32>
    %broadcast_in_dim3A_611 = arith.constant 14 : i32
    %broadcast_in_dim3A_612 = vector.broadcast %broadcast_in_dim3A_611 : i32 to vector<16xi32>
    %gather3A_613 = tpu.vector_load_idx %arg14[%add3A_554, %broadcast_in_dim3A_612] : memref<32x17xf32, #tpu.memory_space<vmem>>[vector<16xi32>, vector<16xi32>], vector<16xf32>,
    %add3A_614 = arith.addf %add3A_610, %gather3A_613 : vector<16xf32>
    %broadcast_in_dim3A_615 = arith.constant 15 : i32
    %broadcast_in_dim3A_616 = vector.broadcast %broadcast_in_dim3A_615 : i32 to vector<16xi32>
    %gather3A_617 = tpu.vector_load_idx %arg14[%add3A_554, %broadcast_in_dim3A_616] : memref<32x17xf32, #tpu.memory_space<vmem>>[vector<16xi32>, vector<16xi32>], vector<16xf32>,
    %add3A_618 = arith.addf %add3A_614, %gather3A_617 : vector<16xf32>
    %add3A_619 = arith.constant 16 : i32
    %add3A_620 = vector.broadcast %add3A_619 : i32 to vector<16xi32>
    %add3A_621 = arith.addi %iota3A, %add3A_620 : vector<16xi32>
    %broadcast_in_dim3A_622 = arith.constant 0 : i32
    %broadcast_in_dim3A_623 = vector.broadcast %broadcast_in_dim3A_622 : i32 to vector<16xi32>
    %gather3A_624 = tpu.vector_load_idx %arg14[%add3A_621, %broadcast_in_dim3A_623] : memref<32x17xf32, #tpu.memory_space<vmem>>[vector<16xi32>, vector<16xi32>], vector<16xf32>,
    %add3A_625 = arith.addf %broadcast_in_dim3A_3, %gather3A_624 : vector<16xf32>
    %broadcast_in_dim3A_626 = arith.constant 1 : i32
    %broadcast_in_dim3A_627 = vector.broadcast %broadcast_in_dim3A_626 : i32 to vector<16xi32>
    %gather3A_628 = tpu.vector_load_idx %arg14[%add3A_621, %broadcast_in_dim3A_627] : memref<32x17xf32, #tpu.memory_space<vmem>>[vector<16xi32>, vector<16xi32>], vector<16xf32>,
    %add3A_629 = arith.addf %add3A_625, %gather3A_628 : vector<16xf32>
    %broadcast_in_dim3A_630 = arith.constant 2 : i32
    %broadcast_in_dim3A_631 = vector.broadcast %broadcast_in_dim3A_630 : i32 to vector<16xi32>
    %gather3A_632 = tpu.vector_load_idx %arg14[%add3A_621, %broadcast_in_dim3A_631] : memref<32x17xf32, #tpu.memory_space<vmem>>[vector<16xi32>, vector<16xi32>], vector<16xf32>,
    %add3A_633 = arith.addf %add3A_629, %gather3A_632 : vector<16xf32>
    %broadcast_in_dim3A_634 = arith.constant 3 : i32
    %broadcast_in_dim3A_635 = vector.broadcast %broadcast_in_dim3A_634 : i32 to vector<16xi32>
    %gather3A_636 = tpu.vector_load_idx %arg14[%add3A_621, %broadcast_in_dim3A_635] : memref<32x17xf32, #tpu.memory_space<vmem>>[vector<16xi32>, vector<16xi32>], vector<16xf32>,
    %add3A_637 = arith.addf %add3A_633, %gather3A_636 : vector<16xf32>
    %broadcast_in_dim3A_638 = arith.constant 4 : i32
    %broadcast_in_dim3A_639 = vector.broadcast %broadcast_in_dim3A_638 : i32 to vector<16xi32>
    %gather3A_640 = tpu.vector_load_idx %arg14[%add3A_621, %broadcast_in_dim3A_639] : memref<32x17xf32, #tpu.memory_space<vmem>>[vector<16xi32>, vector<16xi32>], vector<16xf32>,
    %add3A_641 = arith.addf %add3A_637, %gather3A_640 : vector<16xf32>
    %broadcast_in_dim3A_642 = arith.constant 5 : i32
    %broadcast_in_dim3A_643 = vector.broadcast %broadcast_in_dim3A_642 : i32 to vector<16xi32>
    %gather3A_644 = tpu.vector_load_idx %arg14[%add3A_621, %broadcast_in_dim3A_643] : memref<32x17xf32, #tpu.memory_space<vmem>>[vector<16xi32>, vector<16xi32>], vector<16xf32>,
    %add3A_645 = arith.addf %add3A_641, %gather3A_644 : vector<16xf32>
    %broadcast_in_dim3A_646 = arith.constant 6 : i32
    %broadcast_in_dim3A_647 = vector.broadcast %broadcast_in_dim3A_646 : i32 to vector<16xi32>
    %gather3A_648 = tpu.vector_load_idx %arg14[%add3A_621, %broadcast_in_dim3A_647] : memref<32x17xf32, #tpu.memory_space<vmem>>[vector<16xi32>, vector<16xi32>], vector<16xf32>,
    %add3A_649 = arith.addf %add3A_645, %gather3A_648 : vector<16xf32>
    %broadcast_in_dim3A_650 = arith.constant 7 : i32
    %broadcast_in_dim3A_651 = vector.broadcast %broadcast_in_dim3A_650 : i32 to vector<16xi32>
    %gather3A_652 = tpu.vector_load_idx %arg14[%add3A_621, %broadcast_in_dim3A_651] : memref<32x17xf32, #tpu.memory_space<vmem>>[vector<16xi32>, vector<16xi32>], vector<16xf32>,
    %add3A_653 = arith.addf %add3A_649, %gather3A_652 : vector<16xf32>
    %broadcast_in_dim3A_654 = arith.constant 8 : i32
    %broadcast_in_dim3A_655 = vector.broadcast %broadcast_in_dim3A_654 : i32 to vector<16xi32>
    %gather3A_656 = tpu.vector_load_idx %arg14[%add3A_621, %broadcast_in_dim3A_655] : memref<32x17xf32, #tpu.memory_space<vmem>>[vector<16xi32>, vector<16xi32>], vector<16xf32>,
    %add3A_657 = arith.addf %add3A_653, %gather3A_656 : vector<16xf32>
    %broadcast_in_dim3A_658 = arith.constant 9 : i32
    %broadcast_in_dim3A_659 = vector.broadcast %broadcast_in_dim3A_658 : i32 to vector<16xi32>
    %gather3A_660 = tpu.vector_load_idx %arg14[%add3A_621, %broadcast_in_dim3A_659] : memref<32x17xf32, #tpu.memory_space<vmem>>[vector<16xi32>, vector<16xi32>], vector<16xf32>,
    %add3A_661 = arith.addf %add3A_657, %gather3A_660 : vector<16xf32>
    %broadcast_in_dim3A_662 = arith.constant 10 : i32
    %broadcast_in_dim3A_663 = vector.broadcast %broadcast_in_dim3A_662 : i32 to vector<16xi32>
    %gather3A_664 = tpu.vector_load_idx %arg14[%add3A_621, %broadcast_in_dim3A_663] : memref<32x17xf32, #tpu.memory_space<vmem>>[vector<16xi32>, vector<16xi32>], vector<16xf32>,
    %add3A_665 = arith.addf %add3A_661, %gather3A_664 : vector<16xf32>
    %broadcast_in_dim3A_666 = arith.constant 11 : i32
    %broadcast_in_dim3A_667 = vector.broadcast %broadcast_in_dim3A_666 : i32 to vector<16xi32>
    %gather3A_668 = tpu.vector_load_idx %arg14[%add3A_621, %broadcast_in_dim3A_667] : memref<32x17xf32, #tpu.memory_space<vmem>>[vector<16xi32>, vector<16xi32>], vector<16xf32>,
    %add3A_669 = arith.addf %add3A_665, %gather3A_668 : vector<16xf32>
    %broadcast_in_dim3A_670 = arith.constant 12 : i32
    %broadcast_in_dim3A_671 = vector.broadcast %broadcast_in_dim3A_670 : i32 to vector<16xi32>
    %gather3A_672 = tpu.vector_load_idx %arg14[%add3A_621, %broadcast_in_dim3A_671] : memref<32x17xf32, #tpu.memory_space<vmem>>[vector<16xi32>, vector<16xi32>], vector<16xf32>,
    %add3A_673 = arith.addf %add3A_669, %gather3A_672 : vector<16xf32>
    %broadcast_in_dim3A_674 = arith.constant 13 : i32
    %broadcast_in_dim3A_675 = vector.broadcast %broadcast_in_dim3A_674 : i32 to vector<16xi32>
    %gather3A_676 = tpu.vector_load_idx %arg14[%add3A_621, %broadcast_in_dim3A_675] : memref<32x17xf32, #tpu.memory_space<vmem>>[vector<16xi32>, vector<16xi32>], vector<16xf32>,
    %add3A_677 = arith.addf %add3A_673, %gather3A_676 : vector<16xf32>
    %broadcast_in_dim3A_678 = arith.constant 14 : i32
    %broadcast_in_dim3A_679 = vector.broadcast %broadcast_in_dim3A_678 : i32 to vector<16xi32>
    %gather3A_680 = tpu.vector_load_idx %arg14[%add3A_621, %broadcast_in_dim3A_679] : memref<32x17xf32, #tpu.memory_space<vmem>>[vector<16xi32>, vector<16xi32>], vector<16xf32>,
    %add3A_681 = arith.addf %add3A_677, %gather3A_680 : vector<16xf32>
    %broadcast_in_dim3A_682 = arith.constant 15 : i32
    %broadcast_in_dim3A_683 = vector.broadcast %broadcast_in_dim3A_682 : i32 to vector<16xi32>
    %gather3A_684 = tpu.vector_load_idx %arg14[%add3A_621, %broadcast_in_dim3A_683] : memref<32x17xf32, #tpu.memory_space<vmem>>[vector<16xi32>, vector<16xi32>], vector<16xf32>,
    %add3A_685 = arith.addf %add3A_681, %gather3A_684 : vector<16xf32>
    %get3A_686 = arith.constant 5088 : index
    %get3A_687 = tpu.vector_load %arg15[%get3A_686] {strides = array<i32>} : memref<5120xbf16, #tpu.memory_space<vmem>>, vector<32xbf16>,
    %unpack3A_688 = tpu.unpack_subelements %get3A_687, 0 {pack_format = #tpu.pack_format<interleaved>} : vector<32xbf16> -> vector<16xf32>
    %unpack3A_689 = tpu.unpack_subelements %get3A_687, 1 {pack_format = #tpu.pack_format<interleaved>} : vector<32xbf16> -> vector<16xf32>
    %mul3A_690 = arith.mulf %unpack3A_688, %add3A_618 : vector<16xf32>
    %add3A_691 = arith.addf %add3A_538, %mul3A_690 : vector<16xf32>
    %mul3A_692 = arith.mulf %unpack3A_689, %add3A_685 : vector<16xf32>
    %add3A_693 = arith.addf %add3A_691, %mul3A_692 : vector<16xf32>
    %swap3A_694 = arith.constant 0 : index
    %swap3A_695 = tpu.vector_load %arg16[%swap3A_694] {strides = array<i32>} : memref<16xf32, #tpu.memory_space<vmem>>, vector<16xf32>,
    tpu.vector_store %arg16[%swap3A_694], %add3A_693 {strides = array<i32>} : memref<16xf32, #tpu.memory_space<vmem>>, vector<16xf32>,
    "tpu.region"() ({
      %run_scoped3A = tpu.sem_alloc : memref<!tpu.dma_semaphore, #tpu.memory_space<semaphore_mem>>
      %dma_start3A_696 = arith.constant 0 : i32
      %dma_start3A_697 = tpu.memref_slice %arg6[%add3A, %dma_start3A_696] : memref<32x16xf32, #tpu.memory_space<hbm>> -> memref<1x16xf32, #tpu.memory_space<hbm>>
      %dma_start3A_698 = tpu.memref_squeeze %dma_start3A_697 : memref<1x16xf32, #tpu.memory_space<hbm>> -> memref<16xf32, #tpu.memory_space<hbm>>
      %dma_start3A_699 = arith.constant 0 : i32
      %dma_start3A_700 = tpu.memref_slice %arg6[%add3A, %dma_start3A_699] : memref<32x16xf32, #tpu.memory_space<hbm>> -> memref<1x16xf32, #tpu.memory_space<hbm>>
      %dma_start3A_701 = tpu.memref_squeeze %dma_start3A_700 : memref<1x16xf32, #tpu.memory_space<hbm>> -> memref<16xf32, #tpu.memory_space<hbm>>
      tpu.enqueue_dma source(%arg16 : memref<16xf32, #tpu.memory_space<vmem>>) target(%dma_start3A_701 : memref<16xf32, #tpu.memory_space<hbm>>) target_semaphore(%run_scoped3A : memref<!tpu.dma_semaphore, #tpu.memory_space<semaphore_mem>>)
      %dma_wait3A_702 = arith.constant 0 : i32
      %dma_wait3A_703 = tpu.memref_slice %arg6[%add3A, %dma_wait3A_702] : memref<32x16xf32, #tpu.memory_space<hbm>> -> memref<1x16xf32, #tpu.memory_space<hbm>>
      %dma_wait3A_704 = tpu.memref_squeeze %dma_wait3A_703 : memref<1x16xf32, #tpu.memory_space<hbm>> -> memref<16xf32, #tpu.memory_space<hbm>>
      %dma_wait3A_705 = arith.constant 0 : i32
      %dma_wait3A_706 = tpu.memref_slice %arg6[%add3A, %dma_wait3A_705] : memref<32x16xf32, #tpu.memory_space<hbm>> -> memref<1x16xf32, #tpu.memory_space<hbm>>
      %dma_wait3A_707 = tpu.memref_squeeze %dma_wait3A_706 : memref<1x16xf32, #tpu.memory_space<hbm>> -> memref<16xf32, #tpu.memory_space<hbm>>
      tpu.wait_dma2 semaphore(%run_scoped3A : memref<!tpu.dma_semaphore, #tpu.memory_space<semaphore_mem>>) src(%arg16 : memref<16xf32, #tpu.memory_space<vmem>>) dst(%dma_wait3A_707 : memref<16xf32, #tpu.memory_space<hbm>>)
      tpu.yield
    }) : () -> ()
    return
  }
}

</mosaic_0001>

<sc_bundles>
// kernel: kernel.3.cloned.1.call-start
scs
__scs_entry_jumppad:
0x0: {  	(pc) =	sbr.rel $0x88, $3  }
0x1: {  	(tag) =	ssettag $0x0;
	lr =	simm.s32 $0x1  }
0x2: {  	[smem:$0x3F9E] =	sst lr;
	_ =	strace $0xD0000000  }
0x3: {  	_ = 	snop  }
0x4: {  	_ = 	snop  }
0x5: {  	_ = 	snop  }
0x6: {  	_ = 	snop  }
0x7: {  	_ = 	snop  }
__scs_overlays_trampoline_lowered:
0x8: {  	[smem:$0x3FAD] =	sst s0  }
0x9: {  	[smem:$0x3FAE] =	sst s1  }
0xa: {  	[smem:$0x3FAF] =	sst s2  }
0xb: {  	[smem:$0x3FB0] =	sst s3  }
0xc: {  	[smem:$0x3FB1] =	sst s4  }
0xd: {  	[smem:$0x3FB2] =	sst s5  }
0xe: {  	[smem:$0x3FB3] =	sst s6  }
0xf: {  	[smem:$0x3FB4] =	sst s7  }
0x10: {  	[smem:$0x3FB5] =	sst s8  }
0x11: {  	[smem:$0x3FB6] =	sst s9;
	s0 =	simm.s32 @!p0 $0x0  }
0x12: {  	s1 =	sld [smem:$0x3F9C];
	s0 =	simm.s32 @p0 $0x1  }
0x13: {  	[smem:$0x3FB7] =	sst s0;
	s0 =	simm.s32 @!p1 $0x0  }
0x14: {  	s2 =	sld [smem:$0x3F9B];
	s0 =	simm.s32 @p1 $0x1  }
0x15: {  	[smem:$0x3FB8] =	sst s0;
	s0 =	simm.s32 @!p2 $0x0  }
0x16: {  	s3 =	sld [smem:$0x3FDB];
	s0 =	simm.s32 @p2 $0x1  }
0x17: {  	s4 =	simm.s32 $0x1BF5;
	[smem:$0x3FBA] =	sst s0  }
0x18: {  	s0 =	sld [smem:$0x3F9D];
	_ =	swait.ge [sflag:s4], $0x0  }
0x19: {  	s7 =	sld [smem:$0x3F9E]  }
0x1a: {  	s8 =	sadd.s32 $0xFFFFE003, lr  }
0x1b: {  	s9 =	sadd.s32 $0xFFFFFEF7, lr;
	s5 =	simm.s32 $0xFFFFFFFF;
	p2 =	slt.u32 s8, $0xFFFFF086  }
0x1c: {  	p1 =	slt.u32 s9, $0xF7A;
	s5 =	simm.s32 @!p2 $0x0  }
0x1d: {  	s5 =	simm.s32 @p1 $0x1;
	p0 =	seq.s32 s7, s2  }
0x1e: {  	s7 =	smul.u32 @!p0 $0xF7A, s2;
	p2 =	seq.s32 @!p0 s5, $0x0  }
0x1f: {  	s9 =	smul.u32 $0xF7A, s1;
	s8 =	simm.s32 @!p0 $0x1BF5;
	p2 =	por !p2, p0  }
0x20: {  	[sflag:s8] =	ssyncset.s32 @!p0 $0xFFFFF086;
	s6 =	sadd.s32 @!p0 s3, s7;
	s7 =	simm.s32 @!p0 $0x108  }
0x21: {  	s3 =	sadd.s32 s3, s9;
	s6 =	sadd.s32 @!p0 $0x88, s6;
	s7 =	simm.s32 @p2 $0x1082  }
0x22: {  	[simem:s7], [sflag:s8] =	dma.local @!p0 [hbm:s6], $0xF7A  }
0x23: {  	s9 =	sor.u32 $0xD0000000, s2;
	s6 =	simm.s32 $0x108;
	_ =	swait.ge @!p0 [sflag:s8], $0x0  }
0x24: {  	s3 =	sadd.s32 $0x88, s3;
	s6 =	simm.s32 @!p1 $0x1082;
	[sflag:s4] =	ssyncset.s32 $0xFFFFF086  }
0x25: {  	[simem:s6], [sflag:s4] =	dma.local [hbm:s3], $0xF7A  }
0x26: {  	[smem:$0x3F9E] =	sst s1;
	(tag) =	ssettag s2;
	_ =	strace s9  }
0x27: {  	s1 =	sld [smem:$0x3FAE]  }
0x28: {  	s2 =	sld [smem:$0x3FAF]  }
0x29: {  	s4 =	sld [smem:$0x3FB1]  }
0x2a: {  	p0 =	seq.s32 s5, $0x0;
	s5 =	sld [smem:$0x3FB2]  }
0x2b: {  	s6 =	sld [smem:$0x3FB3]  }
0x2c: {  	s7 =	sld [smem:$0x3FB4]  }
0x2d: {  	s3 =	simm.s32 $0x108;
	s8 =	sld [smem:$0x3FB5]  }
0x2e: {  	s3 =	simm.s32 @!p0 $0x1082;
	s9 =	sld [smem:$0x3FB6]  }
0x2f: {  	lr =	sadd.s32 s0, s3;
	s0 =	sld [smem:$0x3FAD]  }
0x30: {  	s3 =	sld [smem:$0x3FB0]  }
0x31: {  	[smem:$0x3FB9] =	sst s10  }
0x32: {  	s10 =	sld [smem:$0x3FB7];
	_ =	sdelay $0x3  }
0x33: {  	p0 =	seq.s32 s10, $0x1;
	s10 =	sld [smem:$0x3FB9];
	_ =	sdelay $0x3  }
0x34: {  	[smem:$0x3FB9] =	sst s10  }
0x35: {  	s10 =	sld [smem:$0x3FB8];
	_ =	sdelay $0x3  }
0x36: {  	p1 =	seq.s32 s10, $0x1;
	s10 =	sld [smem:$0x3FB9];
	_ =	sdelay $0x3  }
0x37: {  	[smem:$0x3FB9] =	sst s10  }
0x38: {  	s10 =	sld [smem:$0x3FBA]  }
0x39: {  	_ = 	snop;
	(pc) =	sbr.ind lr, $3  }
0x3a: {  	_ = 	snop  }
0x3b: {  	_ = 	snop  }
0x3c: {  	p2 =	seq.s32 s10, $0x1;
	s10 =	sld [smem:$0x3FB9]  }
0x3d: {  	_ =	shalt  }
0x3e: {  	_ =	shalt  }
0x3f: {  	_ =	shalt  }
0x40: {  	_ =	shalt  }
0x41: {  	_ =	shalt  }
0x42: {  	_ =	shalt  }
0x43: {  	_ =	shalt  }
0x44: {  	_ =	shalt  }
0x45: {  	_ =	shalt  }
0x46: {  	_ =	shalt  }
0x47: {  	_ =	shalt  }
0x48: {  	_ =	shalt  }
0x49: {  	_ =	shalt  }
0x4a: {  	_ =	shalt  }
0x4b: {  	_ =	shalt  }
0x4c: {  	_ =	shalt  }
0x4d: {  	_ =	shalt  }
0x4e: {  	_ =	shalt  }
0x4f: {  	_ =	shalt  }
0x50: {  	_ =	shalt  }
0x51: {  	_ =	shalt  }
0x52: {  	_ =	shalt  }
0x53: {  	_ =	shalt  }
0x54: {  	_ =	shalt  }
0x55: {  	_ =	shalt  }
0x56: {  	_ =	shalt  }
0x57: {  	_ =	shalt  }
0x58: {  	_ =	shalt  }
0x59: {  	_ =	shalt  }
0x5a: {  	_ =	shalt  }
0x5b: {  	_ =	shalt  }
0x5c: {  	_ =	shalt  }
0x5d: {  	_ =	shalt  }
0x5e: {  	_ =	shalt  }
0x5f: {  	_ =	shalt  }
0x60: {  	_ =	shalt  }
0x61: {  	_ =	shalt  }
0x62: {  	_ =	shalt  }
0x63: {  	_ =	shalt  }
0x64: {  	_ =	shalt  }
0x65: {  	_ =	shalt  }
0x66: {  	_ =	shalt  }
0x67: {  	_ =	shalt  }
0x68: {  	_ =	shalt  }
0x69: {  	_ =	shalt  }
0x6a: {  	_ =	shalt  }
0x6b: {  	_ =	shalt  }
0x6c: {  	_ =	shalt  }
0x6d: {  	_ =	shalt  }
0x6e: {  	_ =	shalt  }
0x6f: {  	_ =	shalt  }
0x70: {  	_ =	shalt  }
0x71: {  	_ =	shalt  }
0x72: {  	_ =	shalt  }
0x73: {  	_ =	shalt  }
0x74: {  	_ =	shalt  }
0x75: {  	_ =	shalt  }
0x76: {  	_ =	shalt  }
0x77: {  	_ =	shalt  }
0x78: {  	_ =	shalt  }
0x79: {  	_ =	shalt  }
0x7a: {  	_ =	shalt  }
0x7b: {  	_ =	shalt  }
0x7c: {  	_ =	shalt  }
0x7d: {  	_ =	shalt  }
0x7e: {  	_ =	shalt  }
0x7f: {  	_ =	shalt  }
0x80: {  	_ =	shalt  }
0x81: {  	_ =	shalt  }
0x82: {  	_ =	shalt  }
0x83: {  	_ =	shalt  }
0x84: {  	_ =	shalt  }
0x85: {  	_ =	shalt  }
0x86: {  	_ =	shalt  }
0x87: {  	_ =	shalt  }
.Lfunc_end0:
.L_simem_size_0:
called_computation_lowered:
.L_overlay_start_0:
0x88: {  	s2 =	sld [smem:$0x3FD9]  }
0x89: {  	s3 =	sld [smem:$0x3FFE];
	_ =	sdelay $0x1  }
0x8a: {  	s1 =	srdreg.scid  }
0x8b: {  	s0 =	sand.u32 $0x1, s1  }
0x8c: {  	s16 =	sshll.u32 s0, $0xA;
	s2 =	sadd.s32 s3, s2  }
0x8d: {  	s2 =	sadd.s32 s2, s16  }
0x8e: {  	[smem:$0x3FC5] =	sst s2  }
0x8f: {  	_ = 	snop  }
0x90: {  	(tm) =	ssettm $0x1  }
0x91: {  	s17 =	sld [smem:$0x3FFB];
	_ =	sdelay $0x3  }
0x92: {  	_ =	strace s17  }
0x93: {  	s2 =	sld [smem:$0x3FFC];
	_ =	sdelay $0x3  }
0x94: {  	_ =	strace s2  }
0x95: {  	s2 =	sld [smem:$0x3FFD];
	_ =	sdelay $0x3  }
0x96: {  	_ =	strace s2  }
0x97: {  	_ =	strace $0x8FFFFFFF  }
0x98: {  	s18 =	sld [smem:$0x3FDB];
	_ =	sdelay $0x1  }
0x99: {  	s19 =	simm.s32 $_scs_section_size  }
0x9a: {  	s4 =	simm.s32 $_size__tile_overlayer_lowered;
	s5 =	simm.s32 $_tile_overlayer_lowered  }
0x9b: {  	s22 =	simm.s32 $0x1BFF;
	s21 =	sshll.u32 s5, $0x1;
	s2 =	sadd.s32 s19, s18  }
0x9c: {  	s6 =	simm.s32 $0x0;
	s20 =	sshll.u32 s4, $0x1;
	s4 =	sadd.s32 s21, s2  }
0x9d: {  	[timem:s6], [sflag:s22] =	dma.local [hbm:s4], s20  }
0x9e: {  	_ =	swait.ge [sflag:s22], s20  }
0x9f: {  	s3 =	ssub.s32 $0x0, s20;
	[sflag:s22] =	ssyncset.done $0x0  }
0xa0: {  	[sflag:s22] =	ssyncadd.s32 s3;
	_ =	sdelay $0x1  }
0xa1: {  	s23 =	simm.s32 $0x1B8B  }
0xa2: {  	_ =	swait.ge [sflag:s23], $0x1  }
0xa3: {  	[sflag:s23] =	ssyncset.done $0x0  }
0xa4: {  	s25 =	simm.s32 $0x1B8E;
	s24 =	sld [smem:$0x3FFE];
	[sflag:s23] =	ssyncadd.s32 $0xFFFFFFFF  }
0xa5: {  	s26 =	simm.s32 $execute0_lowered;
	[smem:$0x3FD2] =	sst s25  }
0xa6: {  	s4 =	sshll.u32 s26, $0x1;
	_ =	strace $0x80000046;
	[dreg:$0x1] =	wrdreg $0xFFFFFFFF  }
0xa7: {  	s28 =	simm.s32 $_size_execute0_lowered;
	s2 =	sadd.s32 s2, s4;
	[dreg:$0x0] =	wrdreg $0x0  }
0xa8: {  	s4 =	sshll.u32 s28, $0x1;
	[dreg:$0x2] =	wrdreg s2  }
0xa9: {  	[dreg:$0x3] =	wrdreg s4  }
0xaa: {  	[dreg:$0x4] =	wrdreg $0xC0  }
0xab: {  	_ =	task [dreg:s6], $0x5FFFF  }
0xac: {  	[dreg:$0x1] =	wrdreg $0xFFFFFFFF  }
0xad: {  	[dreg:$0x0] =	wrdreg $0x60  }
0xae: {  	[dreg:$0x2] =	wrdreg s24  }
0xaf: {  	[dreg:$0x3] =	wrdreg $0x0  }
0xb0: {  	[dreg:$0x4] =	wrdreg $0x9  }
0xb1: {  	_ =	task.clear_ibuf [dreg:s6], $0x5FFFF;
	_ =	strace $0x90000046  }
0xb2: {  	s29 =	simm.s32 $0x9;
	_ =	strace $0x80000048  }
0xb3: {  	_ =	swait.ge [sflag:s29], $0x1  }
0xb4: {  	[sflag:s29] =	ssyncadd.s32 $0xFFFFFFFF  }
0xb5: {  	_ =	strace $0x90000048  }
0xb6: {  	_ =	sfence  }
0xb7: {  	s30 =	sld [smem:$0x0];
	_ =	sdelay $0x2  }
0xb8: {  	s31 =	sshll.u32 s1, $0xD;
	s1 =	sshrl.u32 s1, $0x2  }
0xb9: {  	s3 =	sand.u32 $0x4000, s31;
	s1 =	sadd.s32 s1, s30  }
0xba: {  	s0 =	sor.u32 s3, s0;
	s1 =	sshll.u32 s1, $0x11  }
0xbb: {  	s0 =	sor.u32 s1, s0  }
0xbc: {  	s0 =	sadd.s32 $0x8F2B, s0  }
0xbd: {  	[sflag:s0] =	ssyncadd.remote.s32 $0x1  }
0xbe: {  	_ =	sfence.sel $0xFFFF  }
0xbf: {  	[dreg:$0x0] =	wrdreg $0xFFFFFFFF;
	(pc) =	sbr.abs _section_cstart, $3  }
0xc0: {  	[dreg:$0x1] =	wrdreg $0xFFFFFFFF  }
0xc1: {  	_ =	task.clear_ibuf [dreg:s6], $0x2FFFF;
	_ =	strace $0x9FFFFFFF  }
0xc2: {  	(tm) =	ssettm $0x7FFFFFFF  }
0xc3: {  	_ =	shalt  }
tec
execute0_lowered:
.L_overlay_start_1:
0x0: {  	(tag) =	ssettag $0x1  }
0x1: {  	v0 =	vlaneseq.u32  }
0x2: {  	v19 =	vmul.u32 $0x18, v0  }
0x3: {  	s1 =	rddreg [dreg:$0x0];
	s3 =	simm.s32 $0x0  }
0x4: {  	[smem:$0x7FF] =	sst s3;
	v48 =	vadd.s32 $0xB, v19  }
0x5: {  	s2 =	rddreg [dreg:$0x1];
	_ =	strace $0x80000047;
	v46 =	vadd.s32 $0xC, v19;
	[tilespmem:$0x1FEB0] =	vst v48  }
0x6: {  	v44 =	vadd.s32 $0xD, v19;
	[tilespmem:$0x1FEC0] =	vst v46  }
0x7: {  	v42 =	vadd.s32 $0xE, v19;
	[tilespmem:$0x1FED0] =	vst v44  }
0x8: {  	v40 =	vadd.s32 $0xF, v19;
	[tilespmem:$0x1FEE0] =	vst v42  }
0x9: {  	v50 =	vadd.s32 $0xA, v19;
	[tilespmem:$0x1FEF0] =	vst v40  }
0xa: {  	v52 =	vadd.s32 $0x9, v19;
	[tilespmem:$0x1FF00] =	vst v50  }
0xb: {  	v22 =	vadd.s32 $0x182, v19;
	[tilespmem:$0x1FF10] =	vst v52  }
0xc: {  	v23 =	vadd.s32 $0x183, v19;
	[tilespmem:$0x1FF20] =	vst v22  }
0xd: {  	v24 =	vadd.s32 $0x184, v19;
	[tilespmem:$0x1FF30] =	vst v23  }
0xe: {  	s0 =	srdreg.scid;
	v25 =	vadd.s32 $0x185, v19;
	[tilespmem:$0x1FF40] =	vst v24  }
0xf: {  	s9 =	stileid.u32;
	s10 =	simm.s32 $0x3;
	s11 =	simm.s32 $0x14C80;
	v26 =	vadd.s32 $0x186, v19;
	[tilespmem:$0x1FF50] =	vst v25  }
0x10: {  	s13 =	simm.s32 $0x20;
	s14 =	simm.s32 $0x16080;
	s15 =	simm.s32 $0x17080;
	v27 =	vadd.s32 $0x187, v19;
	[tilespmem:$0x1FF60] =	vst v26  }
0x11: {  	s16 =	simm.s32 $0x138A0;
	s17 =	simm.s32 $0x18080;
	s18 =	simm.s32 $0x14CA0;
	v28 =	vadd.s32 $0x188, v19;
	[tilespmem:$0x1FF70] =	vst v27  }
0x12: {  	s19 =	simm.s32 $0x19080;
	s20 =	simm.s32 $0x1;
	s21 =	simm.s32 $0x2;
	v29 =	vadd.s32 $0x189, v19;
	[tilespmem:$0x1FF80] =	vst v28  }
0x13: {  	s22 =	simm.s32 $0x1A080;
	s23 =	simm.s32 $0x1AD80;
	s24 =	simm.s32 $0x0;
	v41 =	vadd.s32 $0x18A, v19;
	[tilespmem:$0x1FF90] =	vst v29  }
0x14: {  	s0 =	sand.u32 $0x1, s0;
	s4 =	sshll.u32 s9, $0x1;
	p0 =	sne.s32 s9, $0x0;
	v31 =	vadd.s32 $0x18B, v19;
	[tilespmem:$0x1FFA0] =	vst v41  }
0x15: {  	v1 =	vimm.bf16 $0.0e+00;
	s9 =	simm.s32 $0x13880;
	s5 =	sor.u32 s0, s4;
	s0 =	ssub.s32 $0x2, s0;
	v20 =	vor.u32 $0x1, v19;
	v32 =	vadd.s32 $0x18C, v19;
	[tilespmem:$0x1FFB0] =	vst v31  }
0x16: {  	s4 =	sadd.s32 $0x27200, s1;
	s6 =	smul.u32 $0x280, s5;
	v21 =	vor.u32 $0x2, v19;
	v16 =	vor.u32 $0x3, v19;
	s5 =	sshll.u32 s5, $0x1;
	v54 =	vadd.s32 $0x8, v19;
	[tilespmem:$0x1FFC0] =	vst v32  }
0x17: {  	s12 =	sshrl.u32 @!p0 s2, $0x3;
	v63 =	vor.u32 $0x4, v19;
	s7 =	sshrl.u32 s0, $0x1;
	v62 =	vor.u32 $0x5, v19;
	v38 =	vadd.s32 $0x18E, v19;
	s8 =	sadd.s32 s5, s1;
	[tilespmem:$0x1FFD0] =	vst v54  }
0x18: {  	v59 =	vor.u32 $0x6, v19;
	v56 =	vor.u32 $0x7, v19;
	v37 =	vadd.s32 $0x18F, v19;
	s0 =	ssub.s32 s0, s7;
	[tilespmem:$0x1FFE0] =	vst v38;
	s6 =	sadd.s32 s6, s1;
	s7 =	sadd.s32 $0x58400, s8  }
0x19: {  	v17 =	vadd.s32 $0x180, v19;
	v18 =	vadd.s32 $0x181, v19;
	v35 =	vadd.s32 $0x18D, v19;
	[tilespmem:$0x1FFF0] =	vst v37;
	s8 =	smax.u32 s0, $0x1;
	s5 =	sadd.s32 $0x4E400, s6;
	s6 =	sadd.s32 $0x53400, s6  }
.LBB2_1:
0x1a: {  	[tilespmem:s9], [sflag:$0x3] =	stream.linear.gather [hbm4b:s5+s3], $0x1400, $0x38;
	[tilespmem:$0x1AD90] =	vst v63  }
0x1b: {  	_ =	swait.ge [sflag:s10], $0x1400  }
0x1c: {  	[sflag:s10] =	ssyncset.done $0x0  }
0x1d: {  	[sflag:s10] =	ssyncadd.s32 $0xFFFFEC00  }
0x1e: {  	[tilespmem:s11], [sflag:$0x3] =	stream.linear.gather [hbm4b:s6+s3], $0x1400, $0x38;
	[tilespmem:$0x1AD90] =	vst v63  }
0x1f: {  	_ =	swait.ge [sflag:s10], $0x1400  }
0x20: {  	[sflag:s10] =	ssyncset.done $0x0  }
0x21: {  	[sflag:s10] =	ssyncadd.s32 $0xFFFFEC00  }
0x22: {  	s0 =	simm.s32 @!p0 $0x1C03;
	[bflag:$0x0] =	sbarrier.arrive $0xFFFF  }
0x23: {  	[spmem:s12], [sflag:s0] =	dma.local @!p0 [hbm:s1], $0x27100  }
0x24: {  	s0 =	simm.s32 @!p0 $0x3  }
0x25: {  	_ =	swait.ge @!p0 [sflag:s0], $0x27100  }
0x26: {  	[sflag:s0] =	ssyncset.done @!p0 $0x0  }
0x27: {  	[sflag:s0] =	ssyncadd.s32 @!p0 $0xFFFD8F00  }
0x28: {  	[bflag:$0x0] =	sbarrier.arrive $0xFFFF  }
0x29: {  	[tilespmem:s14], [sflag:$0x1] =	stream.indirect.gather [spmem:s2], $0x80, s9, s13, $0xb8;
	[tilespmem:$0x1AD90] =	vst v63  }
0x2a: {  	_ = 	snop  }
0x2b: {  	[tilespmem:s15], [sflag:$0x1] =	stream.indirect.gather [spmem:s2], $0x80, s11, s13, $0xb8;
	[tilespmem:$0x1AD90] =	vst v63  }
0x2c: {  	_ = 	snop  }
0x2d: {  	[tilespmem:s17], [sflag:$0x2] =	stream.indirect.gather [spmem:s2], $0x80, s16, s13, $0xb8;
	[tilespmem:$0x1AD90] =	vst v63  }
0x2e: {  	s25 =	simm.s32 $0x0  }
0x2f: {  	[tilespmem:s19], [sflag:$0x2] =	stream.indirect.gather [spmem:s2], $0x80, s18, s13, $0xb8;
	[tilespmem:$0x1AD90] =	vst v63  }
.LBB2_2:
0x30: {  	_ =	swait.ge [sflag:s20], $0x1000  }
0x31: {  	[sflag:s20] =	ssyncset.done $0x0  }
0x32: {  	[sflag:s20] =	ssyncadd.s32 $0xFFFFF000  }
0x33: {  	_ =	swait.ge [sflag:s20], $0x1000  }
0x34: {  	[sflag:s20] =	ssyncset.done $0x0  }
0x35: {  	s0 =	simm.s32 $0x16100;
	[sflag:s20] =	ssyncadd.s32 $0xFFFFF000  }
0x36: {  	s26 =	simm.s32 $0x17100;
	v0 =	vld [tilespmem:s0+$0x60]  }
0x37: {  	v2 =	vld [tilespmem:s26+$0x60]  }
0x38: {  	v3 =	vld [tilespmem:s0+$0x40]  }
0x39: {  	v4 =	vld [tilespmem:s26+$0x40]  }
0x3a: {  	v5 =	vld [tilespmem:s0+$0x20]  }
0x3b: {  	v6 =	vld [tilespmem:s26+$0x20]  }
0x3c: {  	v7 =	vld [tilespmem:s0+$0x0]  }
0x3d: {  	v8 =	vld [tilespmem:s26+$0x0]  }
0x3e: {  	v9 =	vld [tilespmem:s0+$0x10]  }
0x3f: {  	v10 =	vld [tilespmem:s26+$0x10]  }
0x40: {  	v11 =	vld [tilespmem:s0+$0x30]  }
0x41: {  	v12 =	vld [tilespmem:s26+$0x30]  }
0x42: {  	v13 =	vld [tilespmem:s0+$0x50]  }
0x43: {  	v14 =	vld [tilespmem:s26+$0x50]  }
0x44: {  	v15 =	vld [tilespmem:s0+$0x70]  }
0x45: {  	v33 =	vld [tilespmem:s26+$0x70]  }
0x46: {  	v58 =	vld [tilespmem:s26+$0xFFFFFFA0];
	v7 =	vmul.bf16 v8, v7;
	v8 =	vmul.bf16 v10, v9  }
0x47: {  	v9 =	vld [tilespmem:s26+$0xFFFFFF80];
	v5 =	vmul.bf16 v6, v5  }
0x48: {  	v6 =	vld [tilespmem:s0+$0xFFFFFF90];
	v10 =	vmul.bf16 v12, v11;
	v7 =	vadd.bf16 v1, v7;
	v8 =	vadd.bf16 v1, v8  }
0x49: {  	v11 =	vld [tilespmem:s26+$0xFFFFFF90];
	v3 =	vmul.bf16 v4, v3  }
0x4a: {  	v4 =	vld [tilespmem:s0+$0xFFFFFF80];
	v5 =	vadd.bf16 v5, v7;
	v7 =	vadd.bf16 v10, v8;
	v8 =	vmul.bf16 v14, v13  }
0x4b: {  	v0 =	vmul.bf16 v2, v0;
	v10 =	vld [tilespmem:s0+$0xFFFFFFA0]  }
0x4c: {  	v2 =	vadd.bf16 v3, v5;
	v3 =	vadd.bf16 v8, v7;
	v5 =	vmul.bf16 v33, v15;
	v7 =	vld [tilespmem:s0+$0xFFFFFFB0]  }
0x4d: {  	v8 =	vld [tilespmem:s26+$0xFFFFFFB0]  }
0x4e: {  	v60 =	vld [tilespmem:s0+$0xFFFFFFC0];
	v0 =	vadd.bf16 v0, v2;
	v2 =	vadd.bf16 v5, v3  }
0x4f: {  	v4 =	vmul.bf16 v9, v4;
	v3 =	vmul.bf16 v11, v6;
	v6 =	vld [tilespmem:s26+$0xFFFFFFC0]  }
0x50: {  	v2 =	vadd.bf16 v2, v0;
	v0 =	vld [tilespmem:s0+$0xFFFFFFD0]  }
0x51: {  	v11 =	vadd.bf16 v1, v4;
	v10 =	vmul.bf16 v58, v10;
	v9 =	vadd.bf16 v1, v3;
	v3 =	vld [tilespmem:s26+$0xFFFFFFD0]  }
0x52: {  	v7 =	vmul.bf16 v8, v7;
	v4 =	vunpack.i.u.bf16.f32 v2;
	v5 =	vunpack.i.l.bf16.f32 v2;
	v2 =	vld [tilespmem:s0+$0xFFFFFFE0]  }
0x53: {  	v61 =	vadd.f32 v5, v4;
	v4 =	vld [tilespmem:s26+$0xFFFFFFE0]  }
0x54: {  	s28 =	simm.s32 $0x1A080;
	v8 =	vadd.bf16 v10, v11;
	v5 =	vld [tilespmem:s0+$0xFFFFFFF0];
	v7 =	vadd.bf16 v7, v9;
	v9 =	vmul.bf16 v6, v60  }
0x55: {  	s29 =	simm.s32 $0x16200;
	s0 =	simm.s32 $0x0;
	v6 =	vld [tilespmem:s26+$0xFFFFFFF0];
	[tilespmem:s28+$0x18] =	vst v61  }
.LBB2_3:
0x56: {  	v10 =	vld [tilespmem:s29+$0x60];
	v8 =	vadd.bf16 v9, v8;
	v0 =	vmul.bf16 v3, v0;
	s26 =	sadd.s32 $0x100, s26  }
0x57: {  	v3 =	vld [tilespmem:s26+$0x60]  }
0x58: {  	v9 =	vld [tilespmem:s29+$0x40];
	v0 =	vadd.bf16 v0, v7;
	v2 =	vmul.bf16 v4, v2  }
0x59: {  	v4 =	vld [tilespmem:s26+$0x40]  }
0x5a: {  	v7 =	vld [tilespmem:s29+$0x20];
	v2 =	vadd.bf16 v2, v8;
	v5 =	vmul.bf16 v6, v5  }
0x5b: {  	v6 =	vld [tilespmem:s26+$0x20]  }
0x5c: {  	v8 =	vld [tilespmem:s29+$0x0];
	v0 =	vadd.bf16 v5, v0  }
0x5d: {  	v5 =	vld [tilespmem:s26+$0x0]  }
0x5e: {  	v11 =	vld [tilespmem:s29+$0x10];
	v0 =	vadd.bf16 v0, v2  }
0x5f: {  	s0 =	sadd.s32 $0x2, s0;
	v2 =	vld [tilespmem:s26+$0x10]  }
0x60: {  	p1 =	slt.u32 s0, $0x1E;
	v12 =	vld [tilespmem:s29+$0x30];
	v13 =	vunpack.i.u.bf16.f32 v0;
	v0 =	vunpack.i.l.bf16.f32 v0  }
0x61: {  	v14 =	vld [tilespmem:s26+$0x30];
	v0 =	vadd.f32 v0, v13  }
0x62: {  	v13 =	vld [tilespmem:s29+$0x50]  }
0x63: {  	v15 =	vld [tilespmem:s26+$0x50];
	[tilespmem:s28+$0x0] =	vst v0  }
0x64: {  	v0 =	vmul.bf16 v5, v8;
	v2 =	vmul.bf16 v2, v11;
	v5 =	vld [tilespmem:s29+$0x70]  }
0x65: {  	v6 =	vmul.bf16 v6, v7;
	v7 =	vld [tilespmem:s26+$0x70]  }
0x66: {  	v0 =	vadd.bf16 v1, v0;
	v8 =	vld [tilespmem:s26+$0xFFFFFF80];
	v2 =	vadd.bf16 v1, v2;
	v11 =	vmul.bf16 v14, v12  }
0x67: {  	v4 =	vmul.bf16 v4, v9;
	v12 =	vld [tilespmem:s29+$0xFFFFFF90]  }
0x68: {  	v0 =	vadd.bf16 v6, v0;
	v9 =	vld [tilespmem:s26+$0xFFFFFF90];
	v2 =	vadd.bf16 v11, v2;
	v6 =	vmul.bf16 v15, v13  }
0x69: {  	v3 =	vmul.bf16 v3, v10;
	v11 =	vld [tilespmem:s29+$0xFFFFFF80]  }
0x6a: {  	v0 =	vadd.bf16 v4, v0;
	v10 =	vld [tilespmem:s29+$0xFFFFFFA0];
	v2 =	vadd.bf16 v6, v2;
	v4 =	vmul.bf16 v7, v5  }
0x6b: {  	v5 =	vld [tilespmem:s26+$0xFFFFFFA0]  }
0x6c: {  	v0 =	vadd.bf16 v3, v0;
	v6 =	vld [tilespmem:s29+$0xFFFFFFB0];
	v2 =	vadd.bf16 v4, v2  }
0x6d: {  	v3 =	vmul.bf16 v9, v12;
	v4 =	vld [tilespmem:s26+$0xFFFFFFB0]  }
0x6e: {  	v7 =	vmul.bf16 v8, v11;
	v9 =	vld [tilespmem:s29+$0xFFFFFFC0];
	v2 =	vadd.bf16 v2, v0  }
0x6f: {  	v11 =	vadd.bf16 v1, v3;
	v12 =	vld [tilespmem:s26+$0xFFFFFFC0]  }
0x70: {  	v7 =	vadd.bf16 v1, v7;
	v0 =	vld [tilespmem:s29+$0xFFFFFFD0];
	v8 =	vunpack.i.u.bf16.f32 v2;
	v2 =	vunpack.i.l.bf16.f32 v2  }
.Ltmp0:
0x71: {  	v5 =	vmul.bf16 v5, v10;
	v3 =	vld [tilespmem:s26+$0xFFFFFFD0];
	v10 =	vadd.f32 v2, v8;
	(pc) =	sbr.rel @p1 .LBB2_3-.Ltmp0, $4  }
0x72: {  	s28 =	sadd.s32 $0x30, s28;
	v6 =	vmul.bf16 v4, v6;
	v2 =	vld [tilespmem:s29+$0xFFFFFFE0]  }
0x73: {  	v8 =	vadd.bf16 v5, v7;
	v4 =	vld [tilespmem:s26+$0xFFFFFFE0];
	[tilespmem:s28+$0x18] =	vst v10  }
0x74: {  	v7 =	vadd.bf16 v6, v11;
	v9 =	vmul.bf16 v12, v9;
	v5 =	vld [tilespmem:s29+$0xFFFFFFF0]  }
0x75: {  	s29 =	sadd.s32 $0x100, s29;
	v6 =	vld [tilespmem:s26+$0xFFFFFFF0]  }
0x76: {  	_ =	sdelay $0x1  }
0x77: {  	v0 =	vmul.bf16 v3, v0  }
0x78: {  	v3 =	vadd.bf16 v9, v8  }
0x79: {  	v0 =	vadd.bf16 v0, v7;
	v2 =	vmul.bf16 v4, v2;
	v4 =	vmul.bf16 v6, v5;
	_ =	sdelay $0x1  }
0x7a: {  	v2 =	vadd.bf16 v2, v3;
	v0 =	vadd.bf16 v4, v0;
	_ =	sdelay $0x1  }
0x7b: {  	v0 =	vadd.bf16 v0, v2;
	_ =	sdelay $0x1  }
0x7c: {  	v2 =	vunpack.i.u.bf16.f32 v0;
	v0 =	vunpack.i.l.bf16.f32 v0  }
0x7d: {  	v0 =	vadd.f32 v0, v2;
	_ =	sdelay $0x1  }
0x7e: {  	[tilespmem:s28+$0x0] =	vst v0;
	s28 =	simm.s32 $0x1A080  }
0x7f: {  	v0 =	vld.idx.msk [tilespmem:v19+s28+$0x0], $0xffff;
	_ =	sdelay $0x1  }
0x80: {  	v2 =	vld.idx.msk [tilespmem:v20+s28+$0x0], $0xffff;
	_ =	sdelay $0x1  }
0x81: {  	v3 =	vld.idx.msk [tilespmem:v21+s28+$0x0], $0xffff  }
0x82: {  	v0 =	vadd.f32 $0.0e+00, v0  }
0x83: {  	v4 =	vld.idx.msk [tilespmem:v16+s28+$0x0], $0xffff  }
0x84: {  	v0 =	vadd.f32 v2, v0  }
0x85: {  	v2 =	vld.idx.msk [tilespmem:v63+s28+$0x0], $0xffff  }
0x86: {  	v0 =	vadd.f32 v3, v0  }
0x87: {  	v3 =	vld.idx.msk [tilespmem:v62+s28+$0x0], $0xffff  }
0x88: {  	v0 =	vadd.f32 v4, v0  }
0x89: {  	v4 =	vld.idx.msk [tilespmem:v59+s28+$0x0], $0xffff  }
0x8a: {  	v0 =	vadd.f32 v2, v0;
	v2 =	vld.idx.msk [tilespmem:v17+s28+$0x0], $0xffff  }
0x8b: {  	v5 =	vld.idx.msk [tilespmem:v56+s28+$0x0], $0xffff  }
0x8c: {  	v0 =	vadd.f32 v3, v0;
	v3 =	vld.idx.msk [tilespmem:v18+s28+$0x0], $0xffff  }
0x8d: {  	v6 =	vld.idx.msk [tilespmem:v54+s28+$0x0], $0xffff  }
0x8e: {  	v0 =	vadd.f32 v4, v0;
	v4 =	vld.idx.msk [tilespmem:v22+s28+$0x0], $0xffff  }
0x8f: {  	v7 =	vld.idx.msk [tilespmem:v52+s28+$0x0], $0xffff;
	v2 =	vadd.f32 $0.0e+00, v2  }
0x90: {  	v0 =	vadd.f32 v5, v0;
	v5 =	vld.idx.msk [tilespmem:v23+s28+$0x0], $0xffff  }
0x91: {  	v8 =	vld.idx.msk [tilespmem:v50+s28+$0x0], $0xffff;
	v2 =	vadd.f32 v3, v2  }
0x92: {  	v3 =	vld.idx.msk [tilespmem:v24+s28+$0x0], $0xffff;
	v0 =	vadd.f32 v6, v0  }
0x93: {  	v6 =	vld.idx.msk [tilespmem:v48+s28+$0x0], $0xffff;
	v2 =	vadd.f32 v4, v2  }
0x94: {  	v4 =	vld.idx.msk [tilespmem:v25+s28+$0x0], $0xffff;
	v0 =	vadd.f32 v7, v0  }
0x95: {  	v7 =	vld.idx.msk [tilespmem:v46+s28+$0x0], $0xffff;
	v2 =	vadd.f32 v5, v2  }
0x96: {  	v5 =	vld.idx.msk [tilespmem:v26+s28+$0x0], $0xffff;
	v0 =	vadd.f32 v8, v0  }
0x97: {  	v8 =	vld.idx.msk [tilespmem:v44+s28+$0x0], $0xffff;
	v2 =	vadd.f32 v3, v2  }
0x98: {  	v3 =	vld.idx.msk [tilespmem:v27+s28+$0x0], $0xffff;
	v0 =	vadd.f32 v6, v0  }
0x99: {  	v6 =	vld.idx.msk [tilespmem:v42+s28+$0x0], $0xffff;
	v2 =	vadd.f32 v4, v2  }
0x9a: {  	v4 =	vld.idx.msk [tilespmem:v28+s28+$0x0], $0xffff;
	v0 =	vadd.f32 v7, v0  }
0x9b: {  	v7 =	vld.idx.msk [tilespmem:v40+s28+$0x0], $0xffff;
	v2 =	vadd.f32 v5, v2  }
0x9c: {  	v5 =	vld.idx.msk [tilespmem:v29+s28+$0x0], $0xffff;
	v0 =	vadd.f32 v8, v0  }
0x9d: {  	v2 =	vadd.f32 v3, v2  }
0x9e: {  	v3 =	vld.idx.msk [tilespmem:v41+s28+$0x0], $0xffff;
	v0 =	vadd.f32 v6, v0  }
0x9f: {  	v2 =	vadd.f32 v4, v2  }
0xa0: {  	v4 =	vld.idx.msk [tilespmem:v31+s28+$0x0], $0xffff;
	v0 =	vadd.f32 v7, v0  }
0xa1: {  	v2 =	vadd.f32 v5, v2  }
0xa2: {  	v5 =	vld.idx.msk [tilespmem:v32+s28+$0x0], $0xffff;
	v0 =	vmul.f32 $1.442695020e+00, v0  }
0xa3: {  	v2 =	vadd.f32 v3, v2  }
0xa4: {  	v3 =	vld.idx.msk [tilespmem:v35+s28+$0x0], $0xffff;
	(erf) = vpow2.f32 v0  }
0xa5: {  	v0 =	vadd.f32 v4, v2  }
0xa6: {  	v2 =	vld.idx.msk [tilespmem:v38+s28+$0x0], $0xffff  }
0xa7: {  	v0 =	vadd.f32 v5, v0  }
0xa8: {  	v4 =	vld.idx.msk [tilespmem:v37+s28+$0x0], $0xffff  }
0xa9: {  	v0 =	vadd.f32 v3, v0;
	_ =	sdelay $0x1  }
0xaa: {  	v0 =	vadd.f32 v2, v0;
	_ =	sdelay $0x1  }
0xab: {  	v0 =	vadd.f32 v4, v0;
	v2 =	vpop (erf)  }
0xac: {  	v2 =	vadd.f32 $1.000000000e+00, v2  }
0xad: {  	v0 =	vmul.f32 $1.442695020e+00, v0  }
0xae: {  	(erf) = vrcp.f32 v2  }
0xaf: {  	(erf) = vpow2.f32 v0;
	_ =	sdelay $0x7  }
0xb0: {  	v0 =	vpop (erf)  }
0xb1: {  	v2 =	vpop (erf)  }
0xb2: {  	v2 =	vadd.f32 $1.000000000e+00, v2;
	_ =	sdelay $0x1  }
0xb3: {  	(erf) = vrcp.f32 v2;
	_ =	sdelay $0x8  }
0xb4: {  	s0 =	sshll.u32 s25, $0x5;
	v2 =	vpop (erf)  }
0xb5: {  	s26 =	sshll.u32 s25, $0x6;
	s29 =	sand.u32 $0x3FFFFFE0, s0;
	v0 =	vpack.i.f32.bf16 v2, v0  }
0xb6: {  	s0 =	sadd.s32 $0x138C0, s26;
	[tilespmem:s29+$0x1A380] =	vst v0  }
0xb7: {  	[tilespmem:s14], [sflag:$0x1] =	stream.indirect.gather [spmem:s2], $0x80, s0, s13, $0xb8;
	[tilespmem:$0x1AD90] =	vst v63  }
0xb8: {  	s0 =	sadd.s32 $0x14CC0, s26  }
0xb9: {  	[tilespmem:s15], [sflag:$0x1] =	stream.indirect.gather [spmem:s2], $0x80, s0, s13, $0xb8;
	[tilespmem:$0x1AD90] =	vst v63  }
0xba: {  	_ =	swait.ge [sflag:s21], $0x1000  }
0xbb: {  	[sflag:s21] =	ssyncset.done $0x0  }
0xbc: {  	[sflag:s21] =	ssyncadd.s32 $0xFFFFF000  }
0xbd: {  	_ =	swait.ge [sflag:s21], $0x1000  }
0xbe: {  	[sflag:s21] =	ssyncset.done $0x0  }
0xbf: {  	s0 =	simm.s32 $0x18100;
	[sflag:s21] =	ssyncadd.s32 $0xFFFFF000  }
0xc0: {  	s30 =	simm.s32 $0x19100;
	v0 =	vld [tilespmem:s0+$0x60]  }
0xc1: {  	v2 =	vld [tilespmem:s30+$0x60]  }
0xc2: {  	v3 =	vld [tilespmem:s0+$0x40]  }
0xc3: {  	v4 =	vld [tilespmem:s30+$0x40]  }
0xc4: {  	v5 =	vld [tilespmem:s0+$0x20]  }
0xc5: {  	v6 =	vld [tilespmem:s30+$0x20]  }
0xc6: {  	v7 =	vld [tilespmem:s0+$0x0]  }
0xc7: {  	v8 =	vld [tilespmem:s30+$0x0]  }
0xc8: {  	v9 =	vld [tilespmem:s0+$0x10]  }
0xc9: {  	v10 =	vld [tilespmem:s30+$0x10]  }
0xca: {  	v11 =	vld [tilespmem:s0+$0x30]  }
0xcb: {  	v12 =	vld [tilespmem:s30+$0x30]  }
0xcc: {  	v13 =	vld [tilespmem:s0+$0x50]  }
0xcd: {  	v14 =	vld [tilespmem:s30+$0x50]  }
0xce: {  	v15 =	vld [tilespmem:s0+$0x70]  }
0xcf: {  	v33 =	vld [tilespmem:s30+$0x70]  }
0xd0: {  	v58 =	vld [tilespmem:s30+$0xFFFFFFA0];
	v7 =	vmul.bf16 v8, v7;
	v8 =	vmul.bf16 v10, v9  }
0xd1: {  	v9 =	vld [tilespmem:s30+$0xFFFFFF80];
	v5 =	vmul.bf16 v6, v5  }
0xd2: {  	v6 =	vld [tilespmem:s0+$0xFFFFFF90];
	v10 =	vmul.bf16 v12, v11;
	v7 =	vadd.bf16 v1, v7;
	v8 =	vadd.bf16 v1, v8  }
0xd3: {  	v11 =	vld [tilespmem:s30+$0xFFFFFF90];
	v3 =	vmul.bf16 v4, v3  }
0xd4: {  	v4 =	vld [tilespmem:s0+$0xFFFFFF80];
	v5 =	vadd.bf16 v5, v7;
	v7 =	vadd.bf16 v10, v8;
	v8 =	vmul.bf16 v14, v13  }
0xd5: {  	v0 =	vmul.bf16 v2, v0;
	v10 =	vld [tilespmem:s0+$0xFFFFFFA0]  }
0xd6: {  	v2 =	vadd.bf16 v3, v5;
	v3 =	vadd.bf16 v8, v7;
	v5 =	vmul.bf16 v33, v15;
	v7 =	vld [tilespmem:s0+$0xFFFFFFB0]  }
0xd7: {  	v8 =	vld [tilespmem:s30+$0xFFFFFFB0]  }
0xd8: {  	v60 =	vld [tilespmem:s0+$0xFFFFFFC0];
	v0 =	vadd.bf16 v0, v2;
	v2 =	vadd.bf16 v5, v3  }
0xd9: {  	v4 =	vmul.bf16 v9, v4;
	v3 =	vmul.bf16 v11, v6;
	v6 =	vld [tilespmem:s30+$0xFFFFFFC0]  }
0xda: {  	v2 =	vadd.bf16 v2, v0;
	v0 =	vld [tilespmem:s0+$0xFFFFFFD0]  }
0xdb: {  	v11 =	vadd.bf16 v1, v4;
	v10 =	vmul.bf16 v58, v10;
	v9 =	vadd.bf16 v1, v3;
	v3 =	vld [tilespmem:s30+$0xFFFFFFD0]  }
0xdc: {  	v7 =	vmul.bf16 v8, v7;
	v4 =	vunpack.i.u.bf16.f32 v2;
	v5 =	vunpack.i.l.bf16.f32 v2;
	v2 =	vld [tilespmem:s0+$0xFFFFFFE0]  }
0xdd: {  	v61 =	vadd.f32 v5, v4;
	v5 =	vld [tilespmem:s30+$0xFFFFFFE0]  }
0xde: {  	v8 =	vadd.bf16 v10, v11;
	v4 =	vld [tilespmem:s0+$0xFFFFFFF0];
	v7 =	vadd.bf16 v7, v9;
	v9 =	vmul.bf16 v6, v60  }
0xdf: {  	s31 =	simm.s32 $0x18200;
	s0 =	simm.s32 $0x0;
	v6 =	vld [tilespmem:s30+$0xFFFFFFF0];
	[tilespmem:s28+$0x18] =	vst v61  }
.LBB2_5:
0xe0: {  	v10 =	vld [tilespmem:s31+$0x60];
	v8 =	vadd.bf16 v9, v8;
	v0 =	vmul.bf16 v3, v0;
	s30 =	sadd.s32 $0x100, s30  }
0xe1: {  	v3 =	vld [tilespmem:s30+$0x60]  }
0xe2: {  	v9 =	vld [tilespmem:s31+$0x40];
	v0 =	vadd.bf16 v0, v7;
	v2 =	vmul.bf16 v5, v2  }
0xe3: {  	v5 =	vld [tilespmem:s30+$0x40]  }
0xe4: {  	v7 =	vld [tilespmem:s31+$0x20];
	v2 =	vadd.bf16 v2, v8;
	v4 =	vmul.bf16 v6, v4  }
0xe5: {  	v6 =	vld [tilespmem:s30+$0x20]  }
0xe6: {  	v8 =	vld [tilespmem:s31+$0x0];
	v0 =	vadd.bf16 v4, v0  }
0xe7: {  	v4 =	vld [tilespmem:s30+$0x0]  }
0xe8: {  	v11 =	vld [tilespmem:s31+$0x10];
	v0 =	vadd.bf16 v0, v2  }
0xe9: {  	s0 =	sadd.s32 $0x2, s0;
	v2 =	vld [tilespmem:s30+$0x10]  }
0xea: {  	p1 =	slt.u32 s0, $0x1E;
	v12 =	vld [tilespmem:s31+$0x30];
	v13 =	vunpack.i.u.bf16.f32 v0;
	v0 =	vunpack.i.l.bf16.f32 v0  }
0xeb: {  	v14 =	vld [tilespmem:s30+$0x30];
	v0 =	vadd.f32 v0, v13  }
0xec: {  	v13 =	vld [tilespmem:s31+$0x50]  }
0xed: {  	v15 =	vld [tilespmem:s30+$0x50];
	[tilespmem:s28+$0x0] =	vst v0  }
0xee: {  	v0 =	vmul.bf16 v4, v8;
	v2 =	vmul.bf16 v2, v11;
	v4 =	vld [tilespmem:s31+$0x70]  }
0xef: {  	v6 =	vmul.bf16 v6, v7;
	v7 =	vld [tilespmem:s30+$0x70]  }
0xf0: {  	v0 =	vadd.bf16 v1, v0;
	v8 =	vld [tilespmem:s30+$0xFFFFFF80];
	v2 =	vadd.bf16 v1, v2;
	v11 =	vmul.bf16 v14, v12  }
0xf1: {  	v5 =	vmul.bf16 v5, v9;
	v12 =	vld [tilespmem:s31+$0xFFFFFF90]  }
0xf2: {  	v0 =	vadd.bf16 v6, v0;
	v9 =	vld [tilespmem:s30+$0xFFFFFF90];
	v2 =	vadd.bf16 v11, v2;
	v6 =	vmul.bf16 v15, v13  }
0xf3: {  	v3 =	vmul.bf16 v3, v10;
	v11 =	vld [tilespmem:s31+$0xFFFFFF80]  }
0xf4: {  	v0 =	vadd.bf16 v5, v0;
	v10 =	vld [tilespmem:s31+$0xFFFFFFA0];
	v2 =	vadd.bf16 v6, v2;
	v4 =	vmul.bf16 v7, v4  }
0xf5: {  	v5 =	vld [tilespmem:s30+$0xFFFFFFA0]  }
0xf6: {  	v0 =	vadd.bf16 v3, v0;
	v6 =	vld [tilespmem:s31+$0xFFFFFFB0];
	v2 =	vadd.bf16 v4, v2  }
0xf7: {  	v3 =	vmul.bf16 v9, v12;
	v4 =	vld [tilespmem:s30+$0xFFFFFFB0]  }
0xf8: {  	v7 =	vmul.bf16 v8, v11;
	v9 =	vld [tilespmem:s31+$0xFFFFFFC0];
	v2 =	vadd.bf16 v2, v0  }
0xf9: {  	v11 =	vadd.bf16 v1, v3;
	v12 =	vld [tilespmem:s30+$0xFFFFFFC0]  }
0xfa: {  	v7 =	vadd.bf16 v1, v7;
	v0 =	vld [tilespmem:s31+$0xFFFFFFD0];
	v8 =	vunpack.i.u.bf16.f32 v2;
	v2 =	vunpack.i.l.bf16.f32 v2  }
.Ltmp1:
0xfb: {  	v5 =	vmul.bf16 v5, v10;
	v3 =	vld [tilespmem:s30+$0xFFFFFFD0];
	v10 =	vadd.f32 v2, v8;
	(pc) =	sbr.rel @p1 .LBB2_5-.Ltmp1, $4  }
0xfc: {  	s28 =	sadd.s32 $0x30, s28;
	v4 =	vmul.bf16 v4, v6;
	v2 =	vld [tilespmem:s31+$0xFFFFFFE0]  }
0xfd: {  	v8 =	vadd.bf16 v5, v7;
	v5 =	vld [tilespmem:s30+$0xFFFFFFE0];
	[tilespmem:s28+$0x18] =	vst v10  }
0xfe: {  	v7 =	vadd.bf16 v4, v11;
	v9 =	vmul.bf16 v12, v9;
	v4 =	vld [tilespmem:s31+$0xFFFFFFF0]  }
0xff: {  	s31 =	sadd.s32 $0x100, s31;
	v6 =	vld [tilespmem:s30+$0xFFFFFFF0]  }
0x100: {  	_ =	sdelay $0x1  }
0x101: {  	v0 =	vmul.bf16 v3, v0  }
0x102: {  	v3 =	vadd.bf16 v9, v8  }
0x103: {  	v0 =	vadd.bf16 v0, v7;
	v2 =	vmul.bf16 v5, v2;
	v4 =	vmul.bf16 v6, v4;
	_ =	sdelay $0x1  }
0x104: {  	v2 =	vadd.bf16 v2, v3;
	v0 =	vadd.bf16 v4, v0;
	_ =	sdelay $0x1  }
0x105: {  	v0 =	vadd.bf16 v0, v2;
	_ =	sdelay $0x1  }
0x106: {  	v2 =	vunpack.i.u.bf16.f32 v0;
	v0 =	vunpack.i.l.bf16.f32 v0  }
0x107: {  	v0 =	vadd.f32 v0, v2;
	_ =	sdelay $0x1  }
0x108: {  	[tilespmem:s28+$0x0] =	vst v0  }
0x109: {  	v0 =	vld.idx.msk [tilespmem:v19+s22+$0x0], $0xffff;
	_ =	sdelay $0x1  }
0x10a: {  	v2 =	vld.idx.msk [tilespmem:v20+s22+$0x0], $0xffff;
	_ =	sdelay $0x1  }
0x10b: {  	v3 =	vld.idx.msk [tilespmem:v21+s22+$0x0], $0xffff  }
0x10c: {  	v0 =	vadd.f32 $0.0e+00, v0  }
0x10d: {  	v10 =	vld.idx.msk [tilespmem:v16+s22+$0x0], $0xffff  }
0x10e: {  	v0 =	vadd.f32 v2, v0  }
0x10f: {  	v2 =	vld.idx.msk [tilespmem:v63+s22+$0x0], $0xffff  }
0x110: {  	v0 =	vadd.f32 v3, v0  }
0x111: {  	v3 =	vld.idx.msk [tilespmem:v62+s22+$0x0], $0xffff  }
0x112: {  	v0 =	vadd.f32 v10, v0  }
0x113: {  	v11 =	vld.idx.msk [tilespmem:v59+s22+$0x0], $0xffff  }
0x114: {  	v0 =	vadd.f32 v2, v0;
	v2 =	vld.idx.msk [tilespmem:v17+s22+$0x0], $0xffff  }
0x115: {  	v12 =	vld.idx.msk [tilespmem:v56+s22+$0x0], $0xffff  }
0x116: {  	v0 =	vadd.f32 v3, v0;
	v3 =	vld.idx.msk [tilespmem:v18+s22+$0x0], $0xffff  }
0x117: {  	v13 =	vld.idx.msk [tilespmem:v54+s22+$0x0], $0xffff  }
0x118: {  	v14 =	vld.idx.msk [tilespmem:v22+s22+$0x0], $0xffff;
	v0 =	vadd.f32 v11, v0  }
0x119: {  	v33 =	vld.idx.msk [tilespmem:v52+s22+$0x0], $0xffff;
	v2 =	vadd.f32 $0.0e+00, v2  }
0x11a: {  	v34 =	vld.idx.msk [tilespmem:v23+s22+$0x0], $0xffff;
	v0 =	vadd.f32 v12, v0  }
0x11b: {  	v36 =	vld.idx.msk [tilespmem:v50+s22+$0x0], $0xffff;
	v2 =	vadd.f32 v3, v2  }
0x11c: {  	v3 =	vld.idx.msk [tilespmem:v24+s22+$0x0], $0xffff;
	v0 =	vadd.f32 v13, v0  }
0x11d: {  	v39 =	vld.idx.msk [tilespmem:v48+s22+$0x0], $0xffff;
	v2 =	vadd.f32 v14, v2  }
0x11e: {  	v43 =	vld.idx.msk [tilespmem:v25+s22+$0x0], $0xffff;
	v0 =	vadd.f32 v33, v0  }
0x11f: {  	v45 =	vld.idx.msk [tilespmem:v46+s22+$0x0], $0xffff;
	v2 =	vadd.f32 v34, v2  }
0x120: {  	v47 =	vld.idx.msk [tilespmem:v26+s22+$0x0], $0xffff;
	v0 =	vadd.f32 v36, v0  }
0x121: {  	v49 =	vld.idx.msk [tilespmem:v44+s22+$0x0], $0xffff;
	v2 =	vadd.f32 v3, v2  }
0x122: {  	v3 =	vld.idx.msk [tilespmem:v27+s22+$0x0], $0xffff;
	v0 =	vadd.f32 v39, v0  }
0x123: {  	v51 =	vld.idx.msk [tilespmem:v42+s22+$0x0], $0xffff;
	v2 =	vadd.f32 v43, v2  }
0x124: {  	v53 =	vld.idx.msk [tilespmem:v28+s22+$0x0], $0xffff;
	v0 =	vadd.f32 v45, v0  }
0x125: {  	v55 =	vld.idx.msk [tilespmem:v40+s22+$0x0], $0xffff;
	v2 =	vadd.f32 v47, v2  }
0x126: {  	v57 =	vld.idx.msk [tilespmem:v29+s22+$0x0], $0xffff;
	v0 =	vadd.f32 v49, v0  }
0x127: {  	v2 =	vadd.f32 v3, v2  }
0x128: {  	v3 =	vld.idx.msk [tilespmem:v41+s22+$0x0], $0xffff;
	v0 =	vadd.f32 v51, v0  }
0x129: {  	v2 =	vadd.f32 v53, v2  }
0x12a: {  	v58 =	vld.idx.msk [tilespmem:v31+s22+$0x0], $0xffff;
	v0 =	vadd.f32 v55, v0  }
0x12b: {  	v2 =	vadd.f32 v57, v2  }
0x12c: {  	v60 =	vld.idx.msk [tilespmem:v32+s22+$0x0], $0xffff;
	v0 =	vmul.f32 $1.442695020e+00, v0  }
0x12d: {  	v2 =	vadd.f32 v3, v2  }
0x12e: {  	v3 =	vld.idx.msk [tilespmem:v35+s22+$0x0], $0xffff;
	(erf) = vpow2.f32 v0  }
0x12f: {  	v0 =	vadd.f32 v58, v2  }
0x130: {  	v2 =	vld.idx.msk [tilespmem:v38+s22+$0x0], $0xffff  }
0x131: {  	v0 =	vadd.f32 v60, v0  }
0x132: {  	v61 =	vld.idx.msk [tilespmem:v37+s22+$0x0], $0xffff  }
0x133: {  	v0 =	vadd.f32 v3, v0;
	_ =	sdelay $0x1  }
0x134: {  	v0 =	vadd.f32 v2, v0;
	_ =	sdelay $0x1  }
0x135: {  	v0 =	vadd.f32 v61, v0;
	v2 =	vpop (erf)  }
0x136: {  	v2 =	vadd.f32 $1.000000000e+00, v2  }
0x137: {  	v0 =	vmul.f32 $1.442695020e+00, v0  }
0x138: {  	(erf) = vrcp.f32 v2  }
0x139: {  	(erf) = vpow2.f32 v0;
	_ =	sdelay $0x7  }
0x13a: {  	v0 =	vpop (erf)  }
0x13b: {  	v2 =	vpop (erf)  }
0x13c: {  	v2 =	vadd.f32 $1.000000000e+00, v2;
	_ =	sdelay $0x1  }
0x13d: {  	(erf) = vrcp.f32 v2;
	_ =	sdelay $0x7  }
0x13e: {  	s25 =	sadd.s32 $0x1, s25  }
0x13f: {  	p1 =	sne.s32 s25, $0x4F;
	v2 =	vpop (erf)  }
.Ltmp2:
0x140: {  	v0 =	vpack.i.f32.bf16 v2, v0;
	(pc) =	sbr.rel @p1 .LBB2_2-.Ltmp2, $4  }
0x141: {  	s0 =	sadd.s32 $0x138E0, s26;
	[tilespmem:s29+$0x1A390] =	vst v0  }
0x142: {  	[tilespmem:s17], [sflag:$0x2] =	stream.indirect.gather [spmem:s2], $0x80, s0, s13, $0xb8;
	[tilespmem:$0x1AD90] =	vst v63  }
0x143: {  	s31 =	sadd.s32 $0x14CE0, s26  }
0x144: {  	[tilespmem:s19], [sflag:$0x2] =	stream.indirect.gather [spmem:s2], $0x80, s31, s13, $0xb8;
	[tilespmem:$0x1AD90] =	vst v63  }
0x145: {  	_ =	swait.ge [sflag:s20], $0x1000  }
0x146: {  	[sflag:s20] =	ssyncset.done $0x0  }
0x147: {  	[sflag:s20] =	ssyncadd.s32 $0xFFFFF000  }
0x148: {  	_ =	swait.ge [sflag:s20], $0x1000  }
0x149: {  	[sflag:s20] =	ssyncset.done $0x0  }
0x14a: {  	s0 =	simm.s32 $0x16100;
	[sflag:s20] =	ssyncadd.s32 $0xFFFFF000  }
0x14b: {  	s25 =	simm.s32 $0x17100;
	v0 =	vld [tilespmem:s0+$0x60]  }
0x14c: {  	v2 =	vld [tilespmem:s25+$0x60]  }
0x14d: {  	v3 =	vld [tilespmem:s0+$0x40]  }
0x14e: {  	v4 =	vld [tilespmem:s25+$0x40]  }
0x14f: {  	v5 =	vld [tilespmem:s0+$0x20]  }
0x150: {  	v6 =	vld [tilespmem:s25+$0x20]  }
0x151: {  	v7 =	vld [tilespmem:s0+$0x0]  }
0x152: {  	v8 =	vld [tilespmem:s25+$0x0]  }
0x153: {  	v9 =	vld [tilespmem:s0+$0x10]  }
0x154: {  	v10 =	vld [tilespmem:s25+$0x10]  }
0x155: {  	v11 =	vld [tilespmem:s0+$0x30]  }
0x156: {  	v12 =	vld [tilespmem:s25+$0x30]  }
0x157: {  	v13 =	vld [tilespmem:s0+$0x50]  }
0x158: {  	v14 =	vld [tilespmem:s25+$0x50]  }
0x159: {  	v15 =	vld [tilespmem:s0+$0x70]  }
0x15a: {  	v33 =	vld [tilespmem:s25+$0x70]  }
0x15b: {  	v58 =	vld [tilespmem:s25+$0xFFFFFFA0];
	v7 =	vmul.bf16 v8, v7;
	v8 =	vmul.bf16 v10, v9  }
0x15c: {  	v9 =	vld [tilespmem:s25+$0xFFFFFF80];
	v5 =	vmul.bf16 v6, v5  }
0x15d: {  	v6 =	vld [tilespmem:s0+$0xFFFFFF90];
	v10 =	vmul.bf16 v12, v11;
	v7 =	vadd.bf16 v1, v7;
	v8 =	vadd.bf16 v1, v8  }
0x15e: {  	v11 =	vld [tilespmem:s25+$0xFFFFFF90];
	v3 =	vmul.bf16 v4, v3  }
0x15f: {  	v4 =	vld [tilespmem:s0+$0xFFFFFF80];
	v5 =	vadd.bf16 v5, v7;
	v7 =	vadd.bf16 v10, v8;
	v8 =	vmul.bf16 v14, v13  }
0x160: {  	v0 =	vmul.bf16 v2, v0;
	v10 =	vld [tilespmem:s0+$0xFFFFFFA0]  }
0x161: {  	v2 =	vadd.bf16 v3, v5;
	v3 =	vadd.bf16 v8, v7;
	v5 =	vmul.bf16 v33, v15;
	v7 =	vld [tilespmem:s0+$0xFFFFFFB0]  }
0x162: {  	v8 =	vld [tilespmem:s25+$0xFFFFFFB0]  }
0x163: {  	v60 =	vld [tilespmem:s0+$0xFFFFFFC0];
	v0 =	vadd.bf16 v0, v2;
	v2 =	vadd.bf16 v5, v3  }
0x164: {  	v4 =	vmul.bf16 v9, v4;
	v3 =	vmul.bf16 v11, v6;
	v6 =	vld [tilespmem:s25+$0xFFFFFFC0]  }
0x165: {  	v2 =	vadd.bf16 v2, v0;
	v0 =	vld [tilespmem:s0+$0xFFFFFFD0]  }
0x166: {  	v11 =	vadd.bf16 v1, v4;
	v10 =	vmul.bf16 v58, v10;
	v9 =	vadd.bf16 v1, v3;
	v3 =	vld [tilespmem:s25+$0xFFFFFFD0]  }
0x167: {  	v7 =	vmul.bf16 v8, v7;
	v4 =	vunpack.i.u.bf16.f32 v2;
	v5 =	vunpack.i.l.bf16.f32 v2;
	v2 =	vld [tilespmem:s0+$0xFFFFFFE0]  }
0x168: {  	v61 =	vadd.f32 v5, v4;
	v4 =	vld [tilespmem:s25+$0xFFFFFFE0]  }
0x169: {  	s26 =	simm.s32 $0x1A080;
	v8 =	vadd.bf16 v10, v11;
	v5 =	vld [tilespmem:s0+$0xFFFFFFF0];
	v7 =	vadd.bf16 v7, v9;
	v9 =	vmul.bf16 v6, v60  }
0x16a: {  	s28 =	simm.s32 $0x16200;
	s0 =	simm.s32 $0x0;
	v6 =	vld [tilespmem:s25+$0xFFFFFFF0];
	[tilespmem:s26+$0x18] =	vst v61  }
.LBB2_8:
0x16b: {  	v10 =	vld [tilespmem:s28+$0x60];
	v8 =	vadd.bf16 v9, v8;
	v0 =	vmul.bf16 v3, v0;
	s25 =	sadd.s32 $0x100, s25  }
0x16c: {  	v3 =	vld [tilespmem:s25+$0x60]  }
0x16d: {  	v9 =	vld [tilespmem:s28+$0x40];
	v0 =	vadd.bf16 v0, v7;
	v2 =	vmul.bf16 v4, v2  }
0x16e: {  	v4 =	vld [tilespmem:s25+$0x40]  }
0x16f: {  	v7 =	vld [tilespmem:s28+$0x20];
	v2 =	vadd.bf16 v2, v8;
	v5 =	vmul.bf16 v6, v5  }
0x170: {  	v6 =	vld [tilespmem:s25+$0x20]  }
0x171: {  	v8 =	vld [tilespmem:s28+$0x0];
	v0 =	vadd.bf16 v5, v0  }
0x172: {  	v5 =	vld [tilespmem:s25+$0x0]  }
0x173: {  	v11 =	vld [tilespmem:s28+$0x10];
	v0 =	vadd.bf16 v0, v2  }
0x174: {  	s0 =	sadd.s32 $0x2, s0;
	v2 =	vld [tilespmem:s25+$0x10]  }
0x175: {  	p1 =	slt.u32 s0, $0x1E;
	v12 =	vld [tilespmem:s28+$0x30];
	v13 =	vunpack.i.u.bf16.f32 v0;
	v0 =	vunpack.i.l.bf16.f32 v0  }
0x176: {  	v14 =	vld [tilespmem:s25+$0x30];
	v0 =	vadd.f32 v0, v13  }
0x177: {  	v13 =	vld [tilespmem:s28+$0x50]  }
0x178: {  	v15 =	vld [tilespmem:s25+$0x50];
	[tilespmem:s26+$0x0] =	vst v0  }
0x179: {  	v0 =	vmul.bf16 v5, v8;
	v2 =	vmul.bf16 v2, v11;
	v5 =	vld [tilespmem:s28+$0x70]  }
0x17a: {  	v6 =	vmul.bf16 v6, v7;
	v7 =	vld [tilespmem:s25+$0x70]  }
0x17b: {  	v0 =	vadd.bf16 v1, v0;
	v8 =	vld [tilespmem:s25+$0xFFFFFF80];
	v2 =	vadd.bf16 v1, v2;
	v11 =	vmul.bf16 v14, v12  }
0x17c: {  	v4 =	vmul.bf16 v4, v9;
	v12 =	vld [tilespmem:s28+$0xFFFFFF90]  }
0x17d: {  	v0 =	vadd.bf16 v6, v0;
	v9 =	vld [tilespmem:s25+$0xFFFFFF90];
	v2 =	vadd.bf16 v11, v2;
	v6 =	vmul.bf16 v15, v13  }
0x17e: {  	v3 =	vmul.bf16 v3, v10;
	v11 =	vld [tilespmem:s28+$0xFFFFFF80]  }
0x17f: {  	v0 =	vadd.bf16 v4, v0;
	v10 =	vld [tilespmem:s28+$0xFFFFFFA0];
	v2 =	vadd.bf16 v6, v2;
	v4 =	vmul.bf16 v7, v5  }
0x180: {  	v5 =	vld [tilespmem:s25+$0xFFFFFFA0]  }
0x181: {  	v0 =	vadd.bf16 v3, v0;
	v6 =	vld [tilespmem:s28+$0xFFFFFFB0];
	v2 =	vadd.bf16 v4, v2  }
0x182: {  	v3 =	vmul.bf16 v9, v12;
	v4 =	vld [tilespmem:s25+$0xFFFFFFB0]  }
0x183: {  	v7 =	vmul.bf16 v8, v11;
	v9 =	vld [tilespmem:s28+$0xFFFFFFC0];
	v2 =	vadd.bf16 v2, v0  }
0x184: {  	v11 =	vadd.bf16 v1, v3;
	v12 =	vld [tilespmem:s25+$0xFFFFFFC0]  }
0x185: {  	v7 =	vadd.bf16 v1, v7;
	v0 =	vld [tilespmem:s28+$0xFFFFFFD0];
	v8 =	vunpack.i.u.bf16.f32 v2;
	v2 =	vunpack.i.l.bf16.f32 v2  }
.Ltmp3:
0x186: {  	v5 =	vmul.bf16 v5, v10;
	v3 =	vld [tilespmem:s25+$0xFFFFFFD0];
	v10 =	vadd.f32 v2, v8;
	(pc) =	sbr.rel @p1 .LBB2_8-.Ltmp3, $4  }
0x187: {  	s26 =	sadd.s32 $0x30, s26;
	v6 =	vmul.bf16 v4, v6;
	v2 =	vld [tilespmem:s28+$0xFFFFFFE0]  }
0x188: {  	v8 =	vadd.bf16 v5, v7;
	v4 =	vld [tilespmem:s25+$0xFFFFFFE0];
	[tilespmem:s26+$0x18] =	vst v10  }
0x189: {  	v7 =	vadd.bf16 v6, v11;
	v9 =	vmul.bf16 v12, v9;
	v5 =	vld [tilespmem:s28+$0xFFFFFFF0]  }
0x18a: {  	s28 =	sadd.s32 $0x100, s28;
	v6 =	vld [tilespmem:s25+$0xFFFFFFF0]  }
0x18b: {  	_ =	sdelay $0x1  }
0x18c: {  	v0 =	vmul.bf16 v3, v0  }
0x18d: {  	v3 =	vadd.bf16 v9, v8  }
0x18e: {  	v0 =	vadd.bf16 v0, v7;
	v2 =	vmul.bf16 v4, v2;
	v4 =	vmul.bf16 v6, v5;
	_ =	sdelay $0x1  }
0x18f: {  	v2 =	vadd.bf16 v2, v3;
	v0 =	vadd.bf16 v4, v0;
	_ =	sdelay $0x1  }
0x190: {  	v0 =	vadd.bf16 v0, v2;
	_ =	sdelay $0x1  }
0x191: {  	v2 =	vunpack.i.u.bf16.f32 v0;
	v0 =	vunpack.i.l.bf16.f32 v0  }
0x192: {  	v0 =	vadd.f32 v0, v2;
	_ =	sdelay $0x1  }
0x193: {  	s25 =	simm.s32 $0x1A080;
	[tilespmem:s26+$0x0] =	vst v0  }
0x194: {  	v0 =	vld.idx.msk [tilespmem:v19+s25+$0x0], $0xffff;
	_ =	sdelay $0x1  }
0x195: {  	v2 =	vld.idx.msk [tilespmem:v20+s25+$0x0], $0xffff;
	_ =	sdelay $0x1  }
0x196: {  	v3 =	vld.idx.msk [tilespmem:v21+s25+$0x0], $0xffff  }
0x197: {  	v0 =	vadd.f32 $0.0e+00, v0  }
0x198: {  	v4 =	vld.idx.msk [tilespmem:v16+s25+$0x0], $0xffff  }
0x199: {  	v0 =	vadd.f32 v2, v0  }
0x19a: {  	v2 =	vld.idx.msk [tilespmem:v63+s25+$0x0], $0xffff  }
0x19b: {  	v0 =	vadd.f32 v3, v0  }
0x19c: {  	v3 =	vld.idx.msk [tilespmem:v62+s25+$0x0], $0xffff  }
0x19d: {  	v0 =	vadd.f32 v4, v0  }
0x19e: {  	v4 =	vld.idx.msk [tilespmem:v59+s25+$0x0], $0xffff  }
0x19f: {  	v0 =	vadd.f32 v2, v0;
	v2 =	vld.idx.msk [tilespmem:v17+s25+$0x0], $0xffff  }
0x1a0: {  	v5 =	vld.idx.msk [tilespmem:v56+s25+$0x0], $0xffff  }
0x1a1: {  	v0 =	vadd.f32 v3, v0;
	v3 =	vld.idx.msk [tilespmem:v18+s25+$0x0], $0xffff  }
0x1a2: {  	v6 =	vld.idx.msk [tilespmem:v54+s25+$0x0], $0xffff  }
0x1a3: {  	v0 =	vadd.f32 v4, v0;
	v4 =	vld.idx.msk [tilespmem:v22+s25+$0x0], $0xffff  }
0x1a4: {  	v7 =	vld.idx.msk [tilespmem:v52+s25+$0x0], $0xffff;
	v2 =	vadd.f32 $0.0e+00, v2  }
0x1a5: {  	v0 =	vadd.f32 v5, v0;
	v5 =	vld.idx.msk [tilespmem:v23+s25+$0x0], $0xffff  }
0x1a6: {  	v8 =	vld.idx.msk [tilespmem:v50+s25+$0x0], $0xffff;
	v2 =	vadd.f32 v3, v2  }
0x1a7: {  	v3 =	vld.idx.msk [tilespmem:v24+s25+$0x0], $0xffff;
	v0 =	vadd.f32 v6, v0  }
0x1a8: {  	v6 =	vld.idx.msk [tilespmem:v48+s25+$0x0], $0xffff;
	v2 =	vadd.f32 v4, v2  }
0x1a9: {  	v4 =	vld.idx.msk [tilespmem:v25+s25+$0x0], $0xffff;
	v0 =	vadd.f32 v7, v0  }
0x1aa: {  	v7 =	vld.idx.msk [tilespmem:v46+s25+$0x0], $0xffff;
	v2 =	vadd.f32 v5, v2  }
0x1ab: {  	v5 =	vld.idx.msk [tilespmem:v26+s25+$0x0], $0xffff;
	v0 =	vadd.f32 v8, v0  }
0x1ac: {  	v8 =	vld.idx.msk [tilespmem:v44+s25+$0x0], $0xffff;
	v2 =	vadd.f32 v3, v2  }
0x1ad: {  	v3 =	vld.idx.msk [tilespmem:v27+s25+$0x0], $0xffff;
	v0 =	vadd.f32 v6, v0  }
0x1ae: {  	v6 =	vld.idx.msk [tilespmem:v42+s25+$0x0], $0xffff;
	v2 =	vadd.f32 v4, v2  }
0x1af: {  	v4 =	vld.idx.msk [tilespmem:v28+s25+$0x0], $0xffff;
	v0 =	vadd.f32 v7, v0  }
0x1b0: {  	v7 =	vld.idx.msk [tilespmem:v40+s25+$0x0], $0xffff;
	v2 =	vadd.f32 v5, v2  }
0x1b1: {  	v5 =	vld.idx.msk [tilespmem:v29+s25+$0x0], $0xffff;
	v0 =	vadd.f32 v8, v0  }
0x1b2: {  	v2 =	vadd.f32 v3, v2  }
0x1b3: {  	v3 =	vld.idx.msk [tilespmem:v41+s25+$0x0], $0xffff;
	v0 =	vadd.f32 v6, v0  }
0x1b4: {  	v2 =	vadd.f32 v4, v2  }
0x1b5: {  	v4 =	vld.idx.msk [tilespmem:v31+s25+$0x0], $0xffff;
	v0 =	vadd.f32 v7, v0  }
0x1b6: {  	v2 =	vadd.f32 v5, v2  }
0x1b7: {  	v5 =	vld.idx.msk [tilespmem:v32+s25+$0x0], $0xffff;
	v0 =	vmul.f32 $1.442695020e+00, v0  }
0x1b8: {  	v2 =	vadd.f32 v3, v2  }
0x1b9: {  	v3 =	vld.idx.msk [tilespmem:v35+s25+$0x0], $0xffff;
	(erf) = vpow2.f32 v0  }
0x1ba: {  	v0 =	vadd.f32 v4, v2  }
0x1bb: {  	v2 =	vld.idx.msk [tilespmem:v38+s25+$0x0], $0xffff  }
0x1bc: {  	v0 =	vadd.f32 v5, v0  }
0x1bd: {  	v4 =	vld.idx.msk [tilespmem:v37+s25+$0x0], $0xffff  }
0x1be: {  	v0 =	vadd.f32 v3, v0;
	_ =	sdelay $0x1  }
0x1bf: {  	v0 =	vadd.f32 v2, v0;
	_ =	sdelay $0x1  }
0x1c0: {  	v0 =	vadd.f32 v4, v0;
	v2 =	vpop (erf)  }
0x1c1: {  	v2 =	vadd.f32 $1.000000000e+00, v2  }
0x1c2: {  	v0 =	vmul.f32 $1.442695020e+00, v0  }
0x1c3: {  	(erf) = vrcp.f32 v2  }
0x1c4: {  	(erf) = vpow2.f32 v0;
	_ =	sdelay $0x7  }
0x1c5: {  	v0 =	vpop (erf)  }
0x1c6: {  	v2 =	vpop (erf)  }
0x1c7: {  	v2 =	vadd.f32 $1.000000000e+00, v2;
	_ =	sdelay $0x1  }
0x1c8: {  	(erf) = vrcp.f32 v2;
	_ =	sdelay $0x8  }
0x1c9: {  	v2 =	vpop (erf)  }
0x1ca: {  	v0 =	vpack.i.f32.bf16 v2, v0  }
0x1cb: {  	[tilespmem:$0x1AD60] =	vst v0  }
0x1cc: {  	_ =	swait.ge [sflag:s21], $0x1000  }
0x1cd: {  	[sflag:s21] =	ssyncset.done $0x0  }
0x1ce: {  	[sflag:s21] =	ssyncadd.s32 $0xFFFFF000  }
0x1cf: {  	_ =	swait.ge [sflag:s21], $0x1000  }
0x1d0: {  	[sflag:s21] =	ssyncset.done $0x0  }
0x1d1: {  	s0 =	simm.s32 $0x18100;
	[sflag:s21] =	ssyncadd.s32 $0xFFFFF000  }
0x1d2: {  	s26 =	simm.s32 $0x19100;
	v0 =	vld [tilespmem:s0+$0x60]  }
0x1d3: {  	v2 =	vld [tilespmem:s26+$0x60]  }
0x1d4: {  	v3 =	vld [tilespmem:s0+$0x40]  }
0x1d5: {  	v4 =	vld [tilespmem:s26+$0x40]  }
0x1d6: {  	v5 =	vld [tilespmem:s0+$0x20]  }
0x1d7: {  	v6 =	vld [tilespmem:s26+$0x20]  }
0x1d8: {  	v7 =	vld [tilespmem:s0+$0x0]  }
0x1d9: {  	v8 =	vld [tilespmem:s26+$0x0]  }
0x1da: {  	v9 =	vld [tilespmem:s0+$0x10]  }
0x1db: {  	v10 =	vld [tilespmem:s26+$0x10]  }
0x1dc: {  	v11 =	vld [tilespmem:s0+$0x30]  }
0x1dd: {  	v12 =	vld [tilespmem:s26+$0x30]  }
0x1de: {  	v13 =	vld [tilespmem:s0+$0x50]  }
0x1df: {  	v14 =	vld [tilespmem:s26+$0x50]  }
0x1e0: {  	v15 =	vld [tilespmem:s0+$0x70]  }
0x1e1: {  	v33 =	vld [tilespmem:s26+$0x70]  }
0x1e2: {  	v58 =	vld [tilespmem:s26+$0xFFFFFFA0];
	v7 =	vmul.bf16 v8, v7;
	v8 =	vmul.bf16 v10, v9  }
0x1e3: {  	v9 =	vld [tilespmem:s26+$0xFFFFFF80];
	v5 =	vmul.bf16 v6, v5  }
0x1e4: {  	v6 =	vld [tilespmem:s0+$0xFFFFFF90];
	v10 =	vmul.bf16 v12, v11;
	v7 =	vadd.bf16 v1, v7;
	v8 =	vadd.bf16 v1, v8  }
0x1e5: {  	v11 =	vld [tilespmem:s26+$0xFFFFFF90];
	v3 =	vmul.bf16 v4, v3  }
0x1e6: {  	v4 =	vld [tilespmem:s0+$0xFFFFFF80];
	v5 =	vadd.bf16 v5, v7;
	v7 =	vadd.bf16 v10, v8;
	v8 =	vmul.bf16 v14, v13  }
0x1e7: {  	v0 =	vmul.bf16 v2, v0;
	v10 =	vld [tilespmem:s0+$0xFFFFFFA0]  }
0x1e8: {  	v2 =	vadd.bf16 v3, v5;
	v3 =	vadd.bf16 v8, v7;
	v5 =	vmul.bf16 v33, v15;
	v7 =	vld [tilespmem:s0+$0xFFFFFFB0]  }
0x1e9: {  	v8 =	vld [tilespmem:s26+$0xFFFFFFB0]  }
0x1ea: {  	v60 =	vld [tilespmem:s0+$0xFFFFFFC0];
	v0 =	vadd.bf16 v0, v2;
	v2 =	vadd.bf16 v5, v3  }
0x1eb: {  	v4 =	vmul.bf16 v9, v4;
	v3 =	vmul.bf16 v11, v6;
	v6 =	vld [tilespmem:s26+$0xFFFFFFC0]  }
0x1ec: {  	v2 =	vadd.bf16 v2, v0;
	v0 =	vld [tilespmem:s0+$0xFFFFFFD0]  }
0x1ed: {  	v11 =	vadd.bf16 v1, v4;
	v10 =	vmul.bf16 v58, v10;
	v9 =	vadd.bf16 v1, v3;
	v3 =	vld [tilespmem:s26+$0xFFFFFFD0]  }
0x1ee: {  	v7 =	vmul.bf16 v8, v7;
	v4 =	vunpack.i.u.bf16.f32 v2;
	v5 =	vunpack.i.l.bf16.f32 v2;
	v2 =	vld [tilespmem:s0+$0xFFFFFFE0]  }
0x1ef: {  	v61 =	vadd.f32 v5, v4;
	v5 =	vld [tilespmem:s26+$0xFFFFFFE0]  }
0x1f0: {  	v8 =	vadd.bf16 v10, v11;
	v4 =	vld [tilespmem:s0+$0xFFFFFFF0];
	v7 =	vadd.bf16 v7, v9;
	v9 =	vmul.bf16 v6, v60  }
0x1f1: {  	s28 =	simm.s32 $0x18200;
	s0 =	simm.s32 $0x0;
	v6 =	vld [tilespmem:s26+$0xFFFFFFF0];
	[tilespmem:s25+$0x18] =	vst v61  }
.LBB2_10:
0x1f2: {  	v10 =	vld [tilespmem:s28+$0x60];
	v8 =	vadd.bf16 v9, v8;
	v0 =	vmul.bf16 v3, v0;
	s26 =	sadd.s32 $0x100, s26  }
0x1f3: {  	v3 =	vld [tilespmem:s26+$0x60]  }
0x1f4: {  	v9 =	vld [tilespmem:s28+$0x40];
	v0 =	vadd.bf16 v0, v7;
	v2 =	vmul.bf16 v5, v2  }
0x1f5: {  	v5 =	vld [tilespmem:s26+$0x40]  }
0x1f6: {  	v7 =	vld [tilespmem:s28+$0x20];
	v2 =	vadd.bf16 v2, v8;
	v4 =	vmul.bf16 v6, v4  }
0x1f7: {  	v6 =	vld [tilespmem:s26+$0x20]  }
0x1f8: {  	v8 =	vld [tilespmem:s28+$0x0];
	v0 =	vadd.bf16 v4, v0  }
0x1f9: {  	v4 =	vld [tilespmem:s26+$0x0]  }
0x1fa: {  	v11 =	vld [tilespmem:s28+$0x10];
	v0 =	vadd.bf16 v0, v2  }
0x1fb: {  	s0 =	sadd.s32 $0x2, s0;
	v2 =	vld [tilespmem:s26+$0x10]  }
0x1fc: {  	p1 =	slt.u32 s0, $0x1E;
	v12 =	vld [tilespmem:s28+$0x30];
	v13 =	vunpack.i.u.bf16.f32 v0;
	v0 =	vunpack.i.l.bf16.f32 v0  }
0x1fd: {  	v14 =	vld [tilespmem:s26+$0x30];
	v0 =	vadd.f32 v0, v13  }
0x1fe: {  	v13 =	vld [tilespmem:s28+$0x50]  }
0x1ff: {  	v15 =	vld [tilespmem:s26+$0x50];
	[tilespmem:s25+$0x0] =	vst v0  }
0x200: {  	v0 =	vmul.bf16 v4, v8;
	v2 =	vmul.bf16 v2, v11;
	v4 =	vld [tilespmem:s28+$0x70]  }
0x201: {  	v6 =	vmul.bf16 v6, v7;
	v7 =	vld [tilespmem:s26+$0x70]  }
0x202: {  	v0 =	vadd.bf16 v1, v0;
	v8 =	vld [tilespmem:s26+$0xFFFFFF80];
	v2 =	vadd.bf16 v1, v2;
	v11 =	vmul.bf16 v14, v12  }
0x203: {  	v5 =	vmul.bf16 v5, v9;
	v12 =	vld [tilespmem:s28+$0xFFFFFF90]  }
0x204: {  	v0 =	vadd.bf16 v6, v0;
	v9 =	vld [tilespmem:s26+$0xFFFFFF90];
	v2 =	vadd.bf16 v11, v2;
	v6 =	vmul.bf16 v15, v13  }
0x205: {  	v3 =	vmul.bf16 v3, v10;
	v11 =	vld [tilespmem:s28+$0xFFFFFF80]  }
0x206: {  	v0 =	vadd.bf16 v5, v0;
	v10 =	vld [tilespmem:s28+$0xFFFFFFA0];
	v2 =	vadd.bf16 v6, v2;
	v4 =	vmul.bf16 v7, v4  }
0x207: {  	v5 =	vld [tilespmem:s26+$0xFFFFFFA0]  }
0x208: {  	v0 =	vadd.bf16 v3, v0;
	v6 =	vld [tilespmem:s28+$0xFFFFFFB0];
	v2 =	vadd.bf16 v4, v2  }
0x209: {  	v3 =	vmul.bf16 v9, v12;
	v4 =	vld [tilespmem:s26+$0xFFFFFFB0]  }
0x20a: {  	v7 =	vmul.bf16 v8, v11;
	v9 =	vld [tilespmem:s28+$0xFFFFFFC0];
	v2 =	vadd.bf16 v2, v0  }
0x20b: {  	v11 =	vadd.bf16 v1, v3;
	v12 =	vld [tilespmem:s26+$0xFFFFFFC0]  }
0x20c: {  	v7 =	vadd.bf16 v1, v7;
	v0 =	vld [tilespmem:s28+$0xFFFFFFD0];
	v8 =	vunpack.i.u.bf16.f32 v2;
	v2 =	vunpack.i.l.bf16.f32 v2  }
.Ltmp4:
0x20d: {  	v5 =	vmul.bf16 v5, v10;
	v3 =	vld [tilespmem:s26+$0xFFFFFFD0];
	v10 =	vadd.f32 v2, v8;
	(pc) =	sbr.rel @p1 .LBB2_10-.Ltmp4, $4  }
0x20e: {  	s25 =	sadd.s32 $0x30, s25;
	v4 =	vmul.bf16 v4, v6;
	v2 =	vld [tilespmem:s28+$0xFFFFFFE0]  }
0x20f: {  	v8 =	vadd.bf16 v5, v7;
	v5 =	vld [tilespmem:s26+$0xFFFFFFE0];
	[tilespmem:s25+$0x18] =	vst v10  }
0x210: {  	v7 =	vadd.bf16 v4, v11;
	v9 =	vmul.bf16 v12, v9;
	v4 =	vld [tilespmem:s28+$0xFFFFFFF0]  }
0x211: {  	s28 =	sadd.s32 $0x100, s28;
	v6 =	vld [tilespmem:s26+$0xFFFFFFF0]  }
0x212: {  	_ =	sdelay $0x1  }
0x213: {  	v0 =	vmul.bf16 v3, v0  }
0x214: {  	v3 =	vadd.bf16 v9, v8  }
0x215: {  	v0 =	vadd.bf16 v0, v7;
	v2 =	vmul.bf16 v5, v2;
	v4 =	vmul.bf16 v6, v4;
	_ =	sdelay $0x1  }
0x216: {  	v2 =	vadd.bf16 v2, v3;
	v0 =	vadd.bf16 v4, v0;
	_ =	sdelay $0x1  }
0x217: {  	v0 =	vadd.bf16 v0, v2;
	_ =	sdelay $0x1  }
0x218: {  	v2 =	vunpack.i.u.bf16.f32 v0;
	v0 =	vunpack.i.l.bf16.f32 v0  }
0x219: {  	v0 =	vadd.f32 v0, v2;
	_ =	sdelay $0x1  }
0x21a: {  	[tilespmem:s25+$0x0] =	vst v0  }
0x21b: {  	v0 =	vld.idx.msk [tilespmem:v19+s22+$0x0], $0xffff;
	_ =	sdelay $0x1  }
0x21c: {  	v2 =	vld.idx.msk [tilespmem:v20+s22+$0x0], $0xffff;
	_ =	sdelay $0x1  }
0x21d: {  	v3 =	vld.idx.msk [tilespmem:v21+s22+$0x0], $0xffff  }
0x21e: {  	v0 =	vadd.f32 $0.0e+00, v0  }
0x21f: {  	v11 =	vld.idx.msk [tilespmem:v16+s22+$0x0], $0xffff  }
0x220: {  	v0 =	vadd.f32 v2, v0  }
0x221: {  	v2 =	vld.idx.msk [tilespmem:v63+s22+$0x0], $0xffff  }
0x222: {  	v0 =	vadd.f32 v3, v0  }
0x223: {  	v3 =	vld.idx.msk [tilespmem:v62+s22+$0x0], $0xffff  }
0x224: {  	v0 =	vadd.f32 v11, v0  }
0x225: {  	v12 =	vld.idx.msk [tilespmem:v59+s22+$0x0], $0xffff  }
0x226: {  	v0 =	vadd.f32 v2, v0;
	v2 =	vld.idx.msk [tilespmem:v17+s22+$0x0], $0xffff  }
0x227: {  	v13 =	vld.idx.msk [tilespmem:v56+s22+$0x0], $0xffff  }
0x228: {  	v0 =	vadd.f32 v3, v0;
	v3 =	vld.idx.msk [tilespmem:v18+s22+$0x0], $0xffff  }
0x229: {  	v14 =	vld.idx.msk [tilespmem:v54+s22+$0x0], $0xffff  }
0x22a: {  	v30 =	vld.idx.msk [tilespmem:v22+s22+$0x0], $0xffff;
	v0 =	vadd.f32 v12, v0  }
0x22b: {  	v33 =	vld.idx.msk [tilespmem:v52+s22+$0x0], $0xffff;
	v2 =	vadd.f32 $0.0e+00, v2  }
0x22c: {  	v34 =	vld.idx.msk [tilespmem:v23+s22+$0x0], $0xffff;
	v0 =	vadd.f32 v13, v0  }
0x22d: {  	v36 =	vld.idx.msk [tilespmem:v50+s22+$0x0], $0xffff;
	v2 =	vadd.f32 v3, v2  }
0x22e: {  	v3 =	vld.idx.msk [tilespmem:v24+s22+$0x0], $0xffff;
	v0 =	vadd.f32 v14, v0  }
0x22f: {  	v39 =	vld.idx.msk [tilespmem:v48+s22+$0x0], $0xffff;
	v2 =	vadd.f32 v30, v2  }
0x230: {  	v43 =	vld.idx.msk [tilespmem:v25+s22+$0x0], $0xffff;
	v0 =	vadd.f32 v33, v0  }
0x231: {  	v45 =	vld.idx.msk [tilespmem:v46+s22+$0x0], $0xffff;
	v2 =	vadd.f32 v34, v2  }
0x232: {  	v47 =	vld.idx.msk [tilespmem:v26+s22+$0x0], $0xffff;
	v0 =	vadd.f32 v36, v0  }
0x233: {  	v49 =	vld.idx.msk [tilespmem:v44+s22+$0x0], $0xffff;
	v2 =	vadd.f32 v3, v2  }
0x234: {  	v3 =	vld.idx.msk [tilespmem:v27+s22+$0x0], $0xffff;
	v0 =	vadd.f32 v39, v0  }
0x235: {  	v51 =	vld.idx.msk [tilespmem:v42+s22+$0x0], $0xffff;
	v2 =	vadd.f32 v43, v2  }
0x236: {  	v53 =	vld.idx.msk [tilespmem:v28+s22+$0x0], $0xffff;
	v0 =	vadd.f32 v45, v0  }
0x237: {  	v55 =	vld.idx.msk [tilespmem:v40+s22+$0x0], $0xffff;
	v2 =	vadd.f32 v47, v2  }
0x238: {  	v57 =	vld.idx.msk [tilespmem:v29+s22+$0x0], $0xffff;
	v0 =	vadd.f32 v49, v0  }
0x239: {  	v2 =	vadd.f32 v3, v2  }
0x23a: {  	v3 =	vld.idx.msk [tilespmem:v41+s22+$0x0], $0xffff;
	v0 =	vadd.f32 v51, v0  }
0x23b: {  	v2 =	vadd.f32 v53, v2  }
0x23c: {  	v58 =	vld.idx.msk [tilespmem:v31+s22+$0x0], $0xffff;
	v0 =	vadd.f32 v55, v0  }
0x23d: {  	v2 =	vadd.f32 v57, v2  }
0x23e: {  	v60 =	vld.idx.msk [tilespmem:v32+s22+$0x0], $0xffff;
	v0 =	vmul.f32 $1.442695020e+00, v0  }
0x23f: {  	v2 =	vadd.f32 v3, v2  }
0x240: {  	v3 =	vld.idx.msk [tilespmem:v35+s22+$0x0], $0xffff;
	(erf) = vpow2.f32 v0  }
0x241: {  	v0 =	vadd.f32 v58, v2  }
0x242: {  	v2 =	vld.idx.msk [tilespmem:v38+s22+$0x0], $0xffff  }
0x243: {  	v0 =	vadd.f32 v60, v0  }
0x244: {  	v61 =	vld.idx.msk [tilespmem:v37+s22+$0x0], $0xffff  }
0x245: {  	v0 =	vadd.f32 v3, v0;
	_ =	sdelay $0x1  }
0x246: {  	v0 =	vadd.f32 v2, v0;
	_ =	sdelay $0x1  }
0x247: {  	v0 =	vadd.f32 v61, v0;
	v2 =	vpop (erf)  }
0x248: {  	v2 =	vadd.f32 $1.000000000e+00, v2  }
0x249: {  	v0 =	vmul.f32 $1.442695020e+00, v0  }
0x24a: {  	(erf) = vrcp.f32 v2  }
0x24b: {  	(erf) = vpow2.f32 v0;
	_ =	sdelay $0x7  }
0x24c: {  	v0 =	vpop (erf)  }
0x24d: {  	v2 =	vpop (erf)  }
0x24e: {  	v2 =	vadd.f32 $1.000000000e+00, v2;
	_ =	sdelay $0x1  }
0x24f: {  	(erf) = vrcp.f32 v2;
	_ =	sdelay $0x8  }
0x250: {  	v2 =	vpop (erf)  }
0x251: {  	v0 =	vpack.i.f32.bf16 v2, v0  }
0x252: {  	[tilespmem:$0x1AD70] =	vst v0  }
0x253: {  	s0 =	simm.s32 @!p0 $0x1C03;
	[bflag:$0x0] =	sbarrier.arrive $0xFFFF  }
0x254: {  	[spmem:s12], [sflag:s0] =	dma.local @!p0 [hbm:s4], $0x27100  }
0x255: {  	s0 =	simm.s32 @!p0 $0x3  }
0x256: {  	_ =	swait.ge @!p0 [sflag:s0], $0x27100  }
0x257: {  	[sflag:s0] =	ssyncset.done @!p0 $0x0  }
0x258: {  	[sflag:s0] =	ssyncadd.s32 @!p0 $0xFFFD8F00  }
0x259: {  	[bflag:$0x0] =	sbarrier.arrive $0xFFFF  }
0x25a: {  	[tilespmem:s14], [sflag:$0x1] =	stream.indirect.gather [spmem:s2], $0x80, s9, s13, $0xb8;
	[tilespmem:$0x1AD90] =	vst v63  }
0x25b: {  	_ = 	snop  }
0x25c: {  	[tilespmem:s15], [sflag:$0x1] =	stream.indirect.gather [spmem:s2], $0x80, s11, s13, $0xb8;
	[tilespmem:$0x1AD90] =	vst v63  }
0x25d: {  	_ = 	snop  }
0x25e: {  	[tilespmem:s17], [sflag:$0x2] =	stream.indirect.gather [spmem:s2], $0x80, s16, s13, $0xb8;
	[tilespmem:$0x1AD90] =	vst v63  }
0x25f: {  	s25 =	simm.s32 $0x0  }
0x260: {  	v33 =	vimm.f32 $0.0e+00;
	[tilespmem:s19], [sflag:$0x2] =	stream.indirect.gather [spmem:s2], $0x80, s18, s13, $0xb8;
	[tilespmem:$0x1AD90] =	vst v63  }
.LBB2_12:
0x261: {  	_ =	swait.ge [sflag:s20], $0x1000  }
0x262: {  	[sflag:s20] =	ssyncset.done $0x0  }
0x263: {  	[sflag:s20] =	ssyncadd.s32 $0xFFFFF000  }
0x264: {  	_ =	swait.ge [sflag:s20], $0x1000  }
0x265: {  	[sflag:s20] =	ssyncset.done $0x0  }
0x266: {  	s0 =	simm.s32 $0x16100;
	[sflag:s20] =	ssyncadd.s32 $0xFFFFF000  }
0x267: {  	s26 =	simm.s32 $0x17100;
	v0 =	vld [tilespmem:s0+$0x60]  }
0x268: {  	v2 =	vld [tilespmem:s26+$0x60]  }
0x269: {  	v3 =	vld [tilespmem:s0+$0x70]  }
0x26a: {  	v4 =	vld [tilespmem:s0+$0x40]  }
0x26b: {  	v5 =	vld [tilespmem:s26+$0x40]  }
0x26c: {  	v6 =	vld [tilespmem:s0+$0x0]  }
0x26d: {  	v7 =	vld [tilespmem:s26+$0x0]  }
0x26e: {  	v8 =	vld [tilespmem:s0+$0x10]  }
0x26f: {  	v9 =	vld [tilespmem:s26+$0x10]  }
0x270: {  	v10 =	vld [tilespmem:s0+$0x20]  }
0x271: {  	v11 =	vld [tilespmem:s26+$0x20]  }
0x272: {  	v12 =	vld [tilespmem:s0+$0x30]  }
0x273: {  	v13 =	vld [tilespmem:s26+$0x30]  }
0x274: {  	v14 =	vld [tilespmem:s0+$0x50]  }
0x275: {  	v15 =	vld [tilespmem:s26+$0x50]  }
0x276: {  	v34 =	vld [tilespmem:s26+$0x70]  }
0x277: {  	v51 =	vld [tilespmem:s26+$0xFFFFFF80];
	v6 =	vsub.bf16 v6, v7;
	v7 =	vsub.bf16 v8, v9  }
0x278: {  	v55 =	vld [tilespmem:s26+$0xFFFFFFA0];
	v9 =	vsub.bf16 v10, v11;
	v10 =	vsub.bf16 v12, v13  }
0x279: {  	v8 =	vld [tilespmem:s0+$0xFFFFFF90];
	v4 =	vsub.bf16 v4, v5;
	v6 =	vmul.bf16 v6, v6;
	v7 =	vmul.bf16 v7, v7  }
0x27a: {  	v11 =	vld [tilespmem:s26+$0xFFFFFF90];
	v53 =	vsub.bf16 v14, v15;
	v9 =	vmul.bf16 v9, v9;
	v10 =	vmul.bf16 v10, v10  }
0x27b: {  	v57 =	vld [tilespmem:s0+$0xFFFFFF80];
	v0 =	vsub.bf16 v0, v2;
	v2 =	vsub.bf16 v3, v34;
	v4 =	vmul.bf16 v4, v4  }
0x27c: {  	v3 =	vld [tilespmem:s0+$0xFFFFFFB0];
	v6 =	vadd.bf16 v9, v6;
	v7 =	vadd.bf16 v10, v7;
	v9 =	vmul.bf16 v53, v53  }
0x27d: {  	v0 =	vmul.bf16 v0, v0;
	v10 =	vld [tilespmem:s26+$0xFFFFFFB0]  }
0x27e: {  	v5 =	vld [tilespmem:s0+$0xFFFFFFA0];
	v2 =	vmul.bf16 v2, v2;
	v4 =	vadd.bf16 v4, v6;
	v6 =	vadd.bf16 v9, v7  }
0x27f: {  	v8 =	vsub.bf16 v8, v11;
	v7 =	vld [tilespmem:s0+$0xFFFFFFC0]  }
0x280: {  	v9 =	vld [tilespmem:s26+$0xFFFFFFC0];
	v4 =	vadd.bf16 v0, v4;
	v6 =	vadd.bf16 v2, v6  }
0x281: {  	v11 =	vsub.bf16 v57, v51;
	v2 =	vld [tilespmem:s0+$0xFFFFFFD0]  }
0x282: {  	v58 =	vmul.bf16 v8, v8;
	v0 =	vld [tilespmem:s26+$0xFFFFFFD0];
	v10 =	vsub.bf16 v3, v10;
	v8 =	vadd.bf16 v6, v4  }
0x283: {  	v5 =	vsub.bf16 v5, v55;
	v11 =	vmul.bf16 v11, v11;
	v3 =	vld [tilespmem:s0+$0xFFFFFFE0]  }
0x284: {  	v4 =	vld [tilespmem:s26+$0xFFFFFFE0];
	v60 =	vmul.bf16 v10, v10;
	v61 =	vunpack.i.u.bf16.f32 v8;
	v8 =	vunpack.i.l.bf16.f32 v8  }
0x285: {  	v6 =	vmul.bf16 v5, v5;
	v5 =	vld [tilespmem:s0+$0xFFFFFFF0];
	v10 =	vsub.bf16 v7, v9;
	v8 =	vadd.f32 v8, v61  }
0x286: {  	v30 =	vmov v35;
	s28 =	simm.s32 $0x1A080;
	s29 =	simm.s32 $0x0;
	s30 =	simm.s32 $0x16200;
	v9 =	vld [tilespmem:s26+$0xFFFFFFF0];
	v7 =	vadd.bf16 v60, v58  }
.LBB2_13:
0x287: {  	v12 =	vld [tilespmem:s30+$0x60];
	v6 =	vadd.bf16 v6, v11;
	v10 =	vmul.bf16 v10, v10;
	v0 =	vsub.bf16 v2, v0;
	[tilespmem:s28+$0x18] =	vst v8;
	s26 =	sadd.s32 $0x100, s26  }
0x288: {  	v2 =	vld [tilespmem:s26+$0x60]  }
0x289: {  	v8 =	vld [tilespmem:s30+$0x70];
	v6 =	vadd.bf16 v10, v6;
	v0 =	vmul.bf16 v0, v0;
	v3 =	vsub.bf16 v3, v4  }
0x28a: {  	v4 =	vld [tilespmem:s30+$0x40]  }
0x28b: {  	v10 =	vld [tilespmem:s26+$0x40];
	v0 =	vadd.bf16 v0, v7;
	v3 =	vmul.bf16 v3, v3;
	v5 =	vsub.bf16 v5, v9  }
0x28c: {  	v7 =	vld [tilespmem:s30+$0x0]  }
0x28d: {  	v9 =	vld [tilespmem:s26+$0x0];
	v3 =	vadd.bf16 v3, v6;
	v5 =	vmul.bf16 v5, v5  }
0x28e: {  	v6 =	vld [tilespmem:s30+$0x10]  }
0x28f: {  	v11 =	vld [tilespmem:s26+$0x10];
	v0 =	vadd.bf16 v5, v0  }
0x290: {  	v5 =	vld [tilespmem:s30+$0x20]  }
0x291: {  	v13 =	vld [tilespmem:s26+$0x20];
	v0 =	vadd.bf16 v0, v3  }
0x292: {  	v3 =	vld [tilespmem:s30+$0x30]  }
0x293: {  	s29 =	sadd.s32 $0x2, s29;
	v14 =	vld [tilespmem:s26+$0x30];
	v15 =	vunpack.i.u.bf16.f32 v0;
	v0 =	vunpack.i.l.bf16.f32 v0  }
0x294: {  	p1 =	slt.u32 s29, $0x1E;
	v34 =	vld [tilespmem:s30+$0x50];
	v0 =	vadd.f32 v0, v15  }
0x295: {  	v15 =	vld [tilespmem:s26+$0x50]  }
0x296: {  	v35 =	vld [tilespmem:s26+$0x70];
	[tilespmem:s28+$0x0] =	vst v0  }
0x297: {  	v6 =	vsub.bf16 v6, v11;
	v0 =	vsub.bf16 v7, v9;
	v36 =	vld [tilespmem:s26+$0xFFFFFF80]  }
0x298: {  	v5 =	vsub.bf16 v5, v13;
	v7 =	vld [tilespmem:s30+$0xFFFFFF90];
	v3 =	vsub.bf16 v3, v14  }
0x299: {  	v4 =	vsub.bf16 v4, v10;
	v6 =	vmul.bf16 v6, v6;
	v0 =	vmul.bf16 v0, v0;
	v9 =	vld [tilespmem:s26+$0xFFFFFF90]  }
0x29a: {  	v5 =	vmul.bf16 v5, v5;
	v10 =	vld [tilespmem:s30+$0xFFFFFFA0];
	v3 =	vmul.bf16 v3, v3;
	v11 =	vsub.bf16 v34, v15  }
0x29b: {  	v2 =	vsub.bf16 v12, v2;
	v4 =	vmul.bf16 v4, v4;
	v13 =	vld [tilespmem:s26+$0xFFFFFFA0];
	v8 =	vsub.bf16 v8, v35  }
0x29c: {  	v0 =	vadd.bf16 v5, v0;
	v12 =	vld [tilespmem:s30+$0xFFFFFFB0];
	v3 =	vadd.bf16 v3, v6;
	v5 =	vmul.bf16 v11, v11  }
0x29d: {  	v2 =	vmul.bf16 v2, v2;
	v6 =	vld [tilespmem:s26+$0xFFFFFFB0]  }
0x29e: {  	v0 =	vadd.bf16 v4, v0;
	v4 =	vmul.bf16 v8, v8;
	v11 =	vld [tilespmem:s30+$0xFFFFFF80];
	v3 =	vadd.bf16 v5, v3  }
0x29f: {  	v5 =	vsub.bf16 v7, v9;
	v7 =	vld [tilespmem:s30+$0xFFFFFFC0]  }
0x2a0: {  	v9 =	vadd.bf16 v2, v0;
	v8 =	vld [tilespmem:s26+$0xFFFFFFC0];
	v3 =	vadd.bf16 v4, v3  }
0x2a1: {  	v14 =	vmul.bf16 v5, v5;
	v4 =	vsub.bf16 v10, v13;
	v2 =	vld [tilespmem:s30+$0xFFFFFFD0]  }
.Ltmp5:
0x2a2: {  	v5 =	vsub.bf16 v12, v6;
	v0 =	vld [tilespmem:s26+$0xFFFFFFD0];
	v9 =	vadd.bf16 v3, v9;
	(pc) =	sbr.rel @p1 .LBB2_13-.Ltmp5, $4  }
0x2a3: {  	v6 =	vmul.bf16 v4, v4;
	v10 =	vsub.bf16 v11, v36;
	v3 =	vld [tilespmem:s30+$0xFFFFFFE0]  }
0x2a4: {  	v12 =	vmul.bf16 v5, v5;
	v4 =	vld [tilespmem:s26+$0xFFFFFFE0];
	v13 =	vunpack.i.u.bf16.f32 v9;
	v9 =	vunpack.i.l.bf16.f32 v9  }
0x2a5: {  	v11 =	vmul.bf16 v10, v10;
	v10 =	vsub.bf16 v7, v8;
	v5 =	vld [tilespmem:s30+$0xFFFFFFF0];
	v8 =	vadd.f32 v9, v13  }
0x2a6: {  	s28 =	sadd.s32 $0x30, s28;
	s30 =	sadd.s32 $0x100, s30;
	v7 =	vadd.bf16 v12, v14;
	v9 =	vld [tilespmem:s26+$0xFFFFFFF0]  }
0x2a7: {  	_ =	sdelay $0x1  }
0x2a8: {  	v0 =	vsub.bf16 v2, v0  }
0x2a9: {  	v2 =	vadd.bf16 v6, v11;
	v6 =	vmul.bf16 v10, v10  }
0x2aa: {  	v0 =	vmul.bf16 v0, v0;
	v3 =	vsub.bf16 v3, v4;
	v4 =	vsub.bf16 v5, v9  }
0x2ab: {  	v2 =	vadd.bf16 v6, v2  }
0x2ac: {  	v0 =	vadd.bf16 v0, v7;
	v3 =	vmul.bf16 v3, v3;
	v4 =	vmul.bf16 v4, v4;
	_ =	sdelay $0x1  }
0x2ad: {  	v2 =	vadd.bf16 v3, v2;
	v0 =	vadd.bf16 v4, v0;
	_ =	sdelay $0x1  }
0x2ae: {  	v0 =	vadd.bf16 v0, v2;
	_ =	sdelay $0x1  }
0x2af: {  	v2 =	vunpack.i.u.bf16.f32 v0;
	v0 =	vunpack.i.l.bf16.f32 v0  }
0x2b0: {  	v0 =	vadd.f32 v0, v2  }
0x2b1: {  	[tilespmem:s28+$0x18] =	vst v8  }
0x2b2: {  	[tilespmem:s28+$0x0] =	vst v0  }
0x2b3: {  	v0 =	vld [tilespmem:$0x1FF20];
	_ =	sdelay $0x5  }
0x2b4: {  	s29 =	simm.s32 $0x1A080  }
0x2b5: {  	v55 =	vld.idx.msk [tilespmem:v63+s29+$0x0], $0xffff  }
0x2b6: {  	v26 =	vmov v63;
	v63 =	vld.idx.msk [tilespmem:v0+s29+$0x0], $0xffff  }
0x2b7: {  	v0 =	vld [tilespmem:$0x1FF30];
	_ =	sdelay $0x6  }
0x2b8: {  	v53 =	vld.idx.msk [tilespmem:v62+s29+$0x0], $0xffff  }
0x2b9: {  	v27 =	vmov v62;
	v62 =	vld.idx.msk [tilespmem:v0+s29+$0x0], $0xffff  }
0x2ba: {  	v0 =	vld [tilespmem:$0x1FF40];
	_ =	sdelay $0x6  }
0x2bb: {  	v51 =	vld.idx.msk [tilespmem:v59+s29+$0x0], $0xffff  }
0x2bc: {  	v28 =	vmov v59;
	v59 =	vld.idx.msk [tilespmem:v0+s29+$0x0], $0xffff  }
0x2bd: {  	v0 =	vld [tilespmem:$0x1FF50];
	_ =	sdelay $0x6  }
0x2be: {  	v49 =	vld.idx.msk [tilespmem:v56+s29+$0x0], $0xffff  }
0x2bf: {  	v29 =	vmov v56;
	v56 =	vld.idx.msk [tilespmem:v0+s29+$0x0], $0xffff  }
0x2c0: {  	v0 =	vld [tilespmem:$0x1FF60];
	_ =	sdelay $0x6  }
0x2c1: {  	v47 =	vld.idx.msk [tilespmem:v54+s29+$0x0], $0xffff  }
0x2c2: {  	v54 =	vld.idx.msk [tilespmem:v0+s29+$0x0], $0xffff  }
0x2c3: {  	v0 =	vld [tilespmem:$0x1FF70];
	_ =	sdelay $0x6  }
0x2c4: {  	v45 =	vld.idx.msk [tilespmem:v52+s29+$0x0], $0xffff  }
0x2c5: {  	v52 =	vld.idx.msk [tilespmem:v0+s29+$0x0], $0xffff  }
0x2c6: {  	v0 =	vld [tilespmem:$0x1FF80];
	_ =	sdelay $0x6  }
0x2c7: {  	v43 =	vld.idx.msk [tilespmem:v50+s29+$0x0], $0xffff  }
0x2c8: {  	v50 =	vld.idx.msk [tilespmem:v0+s29+$0x0], $0xffff  }
0x2c9: {  	v0 =	vld [tilespmem:$0x1FF90];
	_ =	sdelay $0x6  }
0x2ca: {  	v41 =	vld.idx.msk [tilespmem:v48+s29+$0x0], $0xffff  }
0x2cb: {  	v48 =	vld.idx.msk [tilespmem:v0+s29+$0x0], $0xffff  }
0x2cc: {  	v0 =	vld [tilespmem:$0x1FFA0];
	_ =	sdelay $0x6  }
0x2cd: {  	v39 =	vld.idx.msk [tilespmem:v46+s29+$0x0], $0xffff  }
0x2ce: {  	v46 =	vld.idx.msk [tilespmem:v0+s29+$0x0], $0xffff  }
0x2cf: {  	v0 =	vld [tilespmem:$0x1FFB0];
	_ =	sdelay $0x1  }
0x2d0: {  	v61 =	vld.idx.msk [tilespmem:v19+s29+$0x0], $0xffff  }
0x2d1: {  	v60 =	vld.idx.msk [tilespmem:v20+s29+$0x0], $0xffff  }
0x2d2: {  	v58 =	vld.idx.msk [tilespmem:v21+s29+$0x0], $0xffff  }
0x2d3: {  	v57 =	vld.idx.msk [tilespmem:v16+s29+$0x0], $0xffff  }
0x2d4: {  	v36 =	vld.idx.msk [tilespmem:v44+s29+$0x0], $0xffff  }
0x2d5: {  	v35 =	vld.idx.msk [tilespmem:v42+s29+$0x0], $0xffff  }
0x2d6: {  	v44 =	vld.idx.msk [tilespmem:v0+s29+$0x0], $0xffff  }
0x2d7: {  	v0 =	vld [tilespmem:$0x1FFC0]  }
0x2d8: {  	v34 =	vld.idx.msk [tilespmem:v40+s29+$0x0], $0xffff  }
0x2d9: {  	v3 =	vld.idx.msk [tilespmem:v17+s29+$0x0], $0xffff  }
0x2da: {  	v2 =	vld.idx.msk [tilespmem:v18+s29+$0x0], $0xffff  }
0x2db: {  	v40 =	vld.idx.msk [tilespmem:v30+s29+$0x0], $0xffff  }
0x2dc: {  	s0 =	sshll.u32 s25, $0x5;
	v38 =	vld.idx.msk [tilespmem:v38+s29+$0x0], $0xffff  }
0x2dd: {  	s26 =	sshll.u32 s25, $0x6;
	s28 =	sand.u32 $0x3FFFFFE0, s0;
	v37 =	vld.idx.msk [tilespmem:v37+s29+$0x0], $0xffff  }
0x2de: {  	s0 =	sadd.s32 $0x138C0, s26;
	v5 =	vld [tilespmem:s28+$0x1A380]  }
0x2df: {  	v42 =	vld.idx.msk [tilespmem:v0+s29+$0x0], $0xffff;
	[tilespmem:s14], [sflag:$0x1] =	stream.indirect.gather [spmem:s2], $0x80, s0, s13, $0xb8  }
0x2e0: {  	s0 =	sadd.s32 $0x14CC0, s26  }
0x2e1: {  	[tilespmem:s15], [sflag:$0x1] =	stream.indirect.gather [spmem:s2], $0x80, s0, s13, $0xb8;
	[tilespmem:$0x1AD90] =	vst v63  }
0x2e2: {  	_ =	swait.ge [sflag:s21], $0x1000  }
0x2e3: {  	[sflag:s21] =	ssyncset.done $0x0  }
0x2e4: {  	[sflag:s21] =	ssyncadd.s32 $0xFFFFF000  }
0x2e5: {  	_ =	swait.ge [sflag:s21], $0x1000  }
0x2e6: {  	[sflag:s21] =	ssyncset.done $0x0  }
0x2e7: {  	s0 =	simm.s32 $0x18100;
	[sflag:s21] =	ssyncadd.s32 $0xFFFFF000  }
0x2e8: {  	s30 =	simm.s32 $0x19100;
	v0 =	vld [tilespmem:s0+$0x60]  }
0x2e9: {  	v4 =	vld [tilespmem:s30+$0x60]  }
0x2ea: {  	v6 =	vld [tilespmem:s0+$0x70]  }
0x2eb: {  	v7 =	vld [tilespmem:s0+$0x40]  }
0x2ec: {  	v8 =	vld [tilespmem:s30+$0x40]  }
0x2ed: {  	v9 =	vld [tilespmem:s0+$0x0]  }
0x2ee: {  	v10 =	vld [tilespmem:s30+$0x0]  }
0x2ef: {  	v11 =	vld [tilespmem:s0+$0x10]  }
0x2f0: {  	v12 =	vld [tilespmem:s30+$0x10]  }
0x2f1: {  	v13 =	vld [tilespmem:s0+$0x20]  }
0x2f2: {  	v14 =	vld [tilespmem:s30+$0x20]  }
0x2f3: {  	v15 =	vld [tilespmem:s0+$0x30]  }
0x2f4: {  	v25 =	vmov v16;
	v16 =	vld [tilespmem:s30+$0x30]  }
0x2f5: {  	v32 =	vmov v17;
	v17 =	vld [tilespmem:s0+$0x50]  }
0x2f6: {  	v31 =	vmov v18;
	v18 =	vld [tilespmem:s30+$0x50]  }
0x2f7: {  	v22 =	vmov v19;
	v19 =	vld [tilespmem:s30+$0x70]  }
0x2f8: {  	v23 =	vmov v20;
	v20 =	vld [tilespmem:s30+$0xFFFFFF80]  }
0x2f9: {  	v9 =	vsub.bf16 v9, v10;
	v10 =	vsub.bf16 v13, v14;
	v13 =	vld [tilespmem:s0+$0xFFFFFF90]  }
0x2fa: {  	v11 =	vsub.bf16 v11, v12;
	v12 =	vsub.bf16 v15, v16;
	v14 =	vld [tilespmem:s30+$0xFFFFFF90]  }
0x2fb: {  	v7 =	vsub.bf16 v7, v8;
	v8 =	vld [tilespmem:s0+$0xFFFFFFA0];
	v9 =	vmul.bf16 v9, v9;
	v10 =	vmul.bf16 v10, v10  }
0x2fc: {  	v15 =	vsub.bf16 v17, v18;
	v16 =	vld [tilespmem:s30+$0xFFFFFFA0];
	v11 =	vmul.bf16 v11, v11;
	v12 =	vmul.bf16 v12, v12  }
0x2fd: {  	v0 =	vsub.bf16 v0, v4;
	v4 =	vmul.bf16 v7, v7;
	v7 =	vadd.bf16 v10, v9;
	v9 =	vld [tilespmem:s0+$0xFFFFFFB0]  }
0x2fe: {  	v6 =	vsub.bf16 v6, v19;
	v10 =	vadd.bf16 v12, v11;
	v11 =	vmul.bf16 v15, v15;
	v12 =	vld [tilespmem:s30+$0xFFFFFFB0]  }
0x2ff: {  	v0 =	vmul.bf16 v0, v0;
	v15 =	vld [tilespmem:s0+$0xFFFFFF80]  }
0x300: {  	v6 =	vmul.bf16 v6, v6;
	v4 =	vadd.bf16 v4, v7;
	v7 =	vadd.bf16 v11, v10;
	v10 =	vld [tilespmem:s0+$0xFFFFFFC0]  }
0x301: {  	v11 =	vsub.bf16 v13, v14;
	v13 =	vld [tilespmem:s30+$0xFFFFFFC0]  }
0x302: {  	v0 =	vadd.bf16 v0, v4;
	v4 =	vadd.bf16 v6, v7  }
0x303: {  	v6 =	vld [tilespmem:s0+$0xFFFFFFD0];
	v9 =	vsub.bf16 v9, v12  }
0x304: {  	v11 =	vmul.bf16 v11, v11;
	v7 =	vld [tilespmem:s30+$0xFFFFFFD0];
	v4 =	vadd.bf16 v4, v0  }
0x305: {  	v12 =	vsub.bf16 v8, v16;
	v15 =	vsub.bf16 v15, v20;
	v8 =	vld [tilespmem:s30+$0xFFFFFFE0];
	v16 =	vmul.bf16 v9, v9  }
0x306: {  	v0 =	vld [tilespmem:s0+$0xFFFFFFE0];
	v14 =	vsub.bf16 v10, v13;
	v9 =	vunpack.i.u.bf16.f32 v4;
	v17 =	vunpack.i.l.bf16.f32 v4  }
0x307: {  	v13 =	vmul.bf16 v12, v12;
	v15 =	vmul.bf16 v15, v15;
	v12 =	vld [tilespmem:s30+$0xFFFFFFF0];
	v10 =	vadd.f32 v17, v9  }
0x308: {  	v24 =	vmovc v21;
	s31 =	simm.s32 $0x0;
	v4 =	vunpack.i.u.bf16.f32 v5;
	v5 =	vunpack.i.l.bf16.f32 v5;
	v9 =	vld [tilespmem:s0+$0xFFFFFFF0];
	v11 =	vadd.bf16 v16, v11;
	s0 =	simm.s32 $0x18200  }
.LBB2_15:
0x309: {  	v16 =	vld [tilespmem:s0+$0x60];
	v13 =	vadd.bf16 v13, v15;
	v14 =	vmul.bf16 v14, v14;
	v6 =	vsub.bf16 v6, v7;
	[tilespmem:s29+$0x18] =	vst v10;
	s30 =	sadd.s32 $0x100, s30  }
0x30a: {  	v7 =	vld [tilespmem:s30+$0x60]  }
0x30b: {  	v10 =	vld [tilespmem:s0+$0x70];
	v13 =	vadd.bf16 v14, v13;
	v6 =	vmul.bf16 v6, v6;
	v0 =	vsub.bf16 v0, v8  }
0x30c: {  	v8 =	vld [tilespmem:s0+$0x40]  }
0x30d: {  	v14 =	vld [tilespmem:s30+$0x40];
	v6 =	vadd.bf16 v6, v11;
	v0 =	vmul.bf16 v0, v0;
	v9 =	vsub.bf16 v9, v12  }
0x30e: {  	v11 =	vld [tilespmem:s0+$0x0]  }
0x30f: {  	v12 =	vld [tilespmem:s30+$0x0];
	v0 =	vadd.bf16 v0, v13;
	v9 =	vmul.bf16 v9, v9  }
0x310: {  	v13 =	vld [tilespmem:s0+$0x10]  }
0x311: {  	v15 =	vld [tilespmem:s30+$0x10];
	v6 =	vadd.bf16 v9, v6  }
0x312: {  	v9 =	vld [tilespmem:s0+$0x20]  }
0x313: {  	v17 =	vld [tilespmem:s30+$0x20];
	v0 =	vadd.bf16 v6, v0  }
0x314: {  	v6 =	vld [tilespmem:s0+$0x30]  }
0x315: {  	s31 =	sadd.s32 $0x2, s31;
	v18 =	vld [tilespmem:s30+$0x30];
	v19 =	vunpack.i.u.bf16.f32 v0;
	v0 =	vunpack.i.l.bf16.f32 v0  }
0x316: {  	p1 =	slt.u32 s31, $0x1E;
	v20 =	vld [tilespmem:s0+$0x50];
	v0 =	vadd.f32 v0, v19  }
0x317: {  	v19 =	vld [tilespmem:s30+$0x50]  }
0x318: {  	v21 =	vld [tilespmem:s30+$0x70];
	[tilespmem:s29+$0x0] =	vst v0  }
0x319: {  	v11 =	vsub.bf16 v11, v12;
	v12 =	vsub.bf16 v13, v15;
	v0 =	vld [tilespmem:s30+$0xFFFFFF80]  }
0x31a: {  	v9 =	vsub.bf16 v9, v17;
	v13 =	vld [tilespmem:s0+$0xFFFFFF90];
	v6 =	vsub.bf16 v6, v18  }
0x31b: {  	v8 =	vsub.bf16 v8, v14;
	v11 =	vmul.bf16 v11, v11;
	v12 =	vmul.bf16 v12, v12;
	v15 =	vld [tilespmem:s30+$0xFFFFFF90]  }
0x31c: {  	v9 =	vmul.bf16 v9, v9;
	v14 =	vld [tilespmem:s0+$0xFFFFFFA0];
	v6 =	vmul.bf16 v6, v6;
	v17 =	vsub.bf16 v20, v19  }
0x31d: {  	v7 =	vsub.bf16 v16, v7;
	v8 =	vmul.bf16 v8, v8;
	v18 =	vld [tilespmem:s30+$0xFFFFFFA0];
	v10 =	vsub.bf16 v10, v21  }
0x31e: {  	v9 =	vadd.bf16 v9, v11;
	v16 =	vld [tilespmem:s0+$0xFFFFFFB0];
	v6 =	vadd.bf16 v6, v12;
	v11 =	vmul.bf16 v17, v17  }
0x31f: {  	v7 =	vmul.bf16 v7, v7;
	v12 =	vld [tilespmem:s30+$0xFFFFFFB0]  }
0x320: {  	v8 =	vadd.bf16 v8, v9;
	v9 =	vmul.bf16 v10, v10;
	v17 =	vld [tilespmem:s0+$0xFFFFFF80];
	v6 =	vadd.bf16 v11, v6  }
0x321: {  	v10 =	vsub.bf16 v13, v15;
	v11 =	vld [tilespmem:s0+$0xFFFFFFC0]  }
0x322: {  	v8 =	vadd.bf16 v7, v8;
	v19 =	vld [tilespmem:s30+$0xFFFFFFC0];
	v9 =	vadd.bf16 v9, v6  }
0x323: {  	v20 =	vmul.bf16 v10, v10;
	v10 =	vsub.bf16 v14, v18;
	v6 =	vld [tilespmem:s0+$0xFFFFFFD0]  }
.Ltmp6:
0x324: {  	v12 =	vsub.bf16 v16, v12;
	v7 =	vld [tilespmem:s30+$0xFFFFFFD0];
	v9 =	vadd.bf16 v9, v8;
	(pc) =	sbr.rel @p1 .LBB2_15-.Ltmp6, $4  }
0x325: {  	v13 =	vmul.bf16 v10, v10;
	v14 =	vsub.bf16 v17, v0;
	v0 =	vld [tilespmem:s0+$0xFFFFFFE0]  }
0x326: {  	v12 =	vmul.bf16 v12, v12;
	v8 =	vld [tilespmem:s30+$0xFFFFFFE0];
	v10 =	vunpack.i.u.bf16.f32 v9;
	v16 =	vunpack.i.l.bf16.f32 v9  }
0x327: {  	v15 =	vmul.bf16 v14, v14;
	v14 =	vsub.bf16 v11, v19;
	v9 =	vld [tilespmem:s0+$0xFFFFFFF0];
	v10 =	vadd.f32 v16, v10  }
0x328: {  	s29 =	sadd.s32 $0x30, s29;
	s0 =	sadd.s32 $0x100, s0;
	v11 =	vadd.bf16 v12, v20;
	v12 =	vld [tilespmem:s30+$0xFFFFFFF0]  }
0x329: {  	_ =	sdelay $0x1  }
0x32a: {  	v6 =	vsub.bf16 v6, v7  }
0x32b: {  	v7 =	vadd.bf16 v13, v15;
	v13 =	vmul.bf16 v14, v14  }
0x32c: {  	v0 =	vsub.bf16 v0, v8;
	v6 =	vmul.bf16 v6, v6;
	v14 =	vsub.bf16 v9, v12  }
0x32d: {  	v7 =	vadd.bf16 v13, v7  }
0x32e: {  	v6 =	vadd.bf16 v6, v11;
	v0 =	vmul.bf16 v0, v0;
	v8 =	vmul.bf16 v14, v14;
	_ =	sdelay $0x1  }
0x32f: {  	v0 =	vadd.bf16 v0, v7;
	v6 =	vadd.bf16 v8, v6;
	_ =	sdelay $0x1  }
0x330: {  	v0 =	vadd.bf16 v6, v0  }
0x331: {  	v3 =	vadd.f32 $0.0e+00, v3  }
0x332: {  	v6 =	vunpack.i.u.bf16.f32 v0;
	v0 =	vunpack.i.l.bf16.f32 v0  }
0x333: {  	v2 =	vadd.f32 v2, v3;
	v0 =	vadd.f32 v0, v6  }
0x334: {  	[tilespmem:s29+$0x18] =	vst v10  }
0x335: {  	v2 =	vadd.f32 v63, v2;
	[tilespmem:s29+$0x0] =	vst v0  }
0x336: {  	v12 =	vld.idx.msk [tilespmem:v22+s22+$0x0], $0xffff  }
0x337: {  	v2 =	vadd.f32 v62, v2;
	v13 =	vld.idx.msk [tilespmem:v23+s22+$0x0], $0xffff  }
0x338: {  	v14 =	vld.idx.msk [tilespmem:v32+s22+$0x0], $0xffff  }
0x339: {  	v2 =	vadd.f32 v59, v2;
	v9 =	vld.idx.msk [tilespmem:v24+s22+$0x0], $0xffff  }
0x33a: {  	v3 =	vld.idx.msk [tilespmem:v31+s22+$0x0], $0xffff  }
0x33b: {  	v2 =	vadd.f32 v56, v2;
	v10 =	vld.idx.msk [tilespmem:v25+s22+$0x0], $0xffff  }
0x33c: {  	v7 =	vld.idx.msk [tilespmem:v26+s22+$0x0], $0xffff  }
0x33d: {  	v2 =	vadd.f32 v54, v2;
	v59 =	vld [tilespmem:$0x1FF40]  }
0x33e: {  	v0 =	vadd.f32 $0.0e+00, v61;
	v61 =	vld.idx.msk [tilespmem:v29+s22+$0x0], $0xffff  }
0x33f: {  	v2 =	vadd.f32 v52, v2;
	v54 =	vld [tilespmem:$0x1FFD0]  }
0x340: {  	v52 =	vld [tilespmem:$0x1FF10];
	v0 =	vadd.f32 v60, v0  }
0x341: {  	v2 =	vadd.f32 v50, v2;
	v50 =	vld [tilespmem:$0x1FF00]  }
0x342: {  	v60 =	vld [tilespmem:$0x1FF50];
	v0 =	vadd.f32 v58, v0  }
0x343: {  	v2 =	vadd.f32 v48, v2;
	v48 =	vld [tilespmem:$0x1FEB0]  }
0x344: {  	v0 =	vadd.f32 v57, v0;
	v57 =	vld [tilespmem:$0x1FF20]  }
0x345: {  	v58 =	vld [tilespmem:$0x1FF30];
	v2 =	vadd.f32 v46, v2  }
0x346: {  	v46 =	vld [tilespmem:$0x1FEC0];
	v8 =	vadd.f32 $0.0e+00, v14  }
0x347: {  	v6 =	vadd.f32 $0.0e+00, v12;
	v2 =	vadd.f32 v44, v2;
	v44 =	vld [tilespmem:$0x1FED0]  }
0x348: {  	v3 =	vadd.f32 v3, v8;
	v8 =	vld.idx.msk [tilespmem:v27+s22+$0x0], $0xffff  }
0x349: {  	v6 =	vadd.f32 v13, v6;
	v0 =	vadd.f32 v55, v0;
	v55 =	vld [tilespmem:$0x1FF60]  }
0x34a: {  	v2 =	vadd.f32 v42, v2;
	v42 =	vld [tilespmem:$0x1FEE0]  }
0x34b: {  	v6 =	vadd.f32 v9, v6;
	v9 =	vld.idx.msk [tilespmem:v59+s22+$0x0], $0xffff  }
0x34c: {  	v11 =	vld.idx.msk [tilespmem:v57+s22+$0x0], $0xffff  }
0x34d: {  	v0 =	vadd.f32 v53, v0;
	v53 =	vld [tilespmem:$0x1FF90]  }
0x34e: {  	v2 =	vadd.f32 v40, v2;
	v40 =	vld [tilespmem:$0x1FEF0]  }
0x34f: {  	v12 =	vld.idx.msk [tilespmem:v58+s22+$0x0], $0xffff  }
0x350: {  	v57 =	vld [tilespmem:$0x1FF70]  }
0x351: {  	v3 =	vadd.f32 v11, v3;
	v11 =	vld.idx.msk [tilespmem:v60+s22+$0x0], $0xffff  }
0x352: {  	v6 =	vadd.f32 v10, v6;
	v60 =	vld [tilespmem:$0x1FF80]  }
0x353: {  	v10 =	vld.idx.msk [tilespmem:v28+s22+$0x0], $0xffff  }
0x354: {  	v58 =	vld.idx.msk [tilespmem:v52+s22+$0x0], $0xffff;
	v6 =	vadd.f32 v7, v6  }
0x355: {  	v2 =	vadd.f32 v38, v2;
	v38 =	vld [tilespmem:$0x1FFE0]  }
0x356: {  	v6 =	vadd.f32 v8, v6;
	v8 =	vld.idx.msk [tilespmem:v54+s22+$0x0], $0xffff;
	v3 =	vadd.f32 v12, v3  }
0x357: {  	v0 =	vadd.f32 v51, v0;
	v12 =	vld.idx.msk [tilespmem:v55+s22+$0x0], $0xffff  }
0x358: {  	v3 =	vadd.f32 v9, v3;
	v9 =	vld.idx.msk [tilespmem:v57+s22+$0x0], $0xffff  }
0x359: {  	v0 =	vadd.f32 v49, v0;
	v57 =	vld [tilespmem:$0x1FFA0]  }
0x35a: {  	v3 =	vadd.f32 v11, v3;
	v11 =	vld.idx.msk [tilespmem:v60+s22+$0x0], $0xffff  }
0x35b: {  	v0 =	vadd.f32 v47, v0;
	v60 =	vld [tilespmem:$0x1FFB0]  }
0x35c: {  	v2 =	vadd.f32 v37, v2;
	v37 =	vld [tilespmem:$0x1FFF0];
	v6 =	vadd.f32 v10, v6  }
0x35d: {  	v0 =	vadd.f32 v45, v0;
	v45 =	vld [tilespmem:$0x1FFC0]  }
0x35e: {  	v6 =	vadd.f32 v61, v6;
	v61 =	vld.idx.msk [tilespmem:v50+s22+$0x0], $0xffff;
	v3 =	vadd.f32 v12, v3  }
0x35f: {  	v0 =	vadd.f32 v43, v0;
	v12 =	vld.idx.msk [tilespmem:v53+s22+$0x0], $0xffff  }
0x360: {  	v55 =	vld.idx.msk [tilespmem:v48+s22+$0x0], $0xffff;
	v6 =	vadd.f32 v8, v6;
	v3 =	vadd.f32 v9, v3  }
0x361: {  	v0 =	vadd.f32 v41, v0;
	v9 =	vld.idx.msk [tilespmem:v57+s22+$0x0], $0xffff  }
0x362: {  	v6 =	vadd.f32 v58, v6;
	v58 =	vld.idx.msk [tilespmem:v46+s22+$0x0], $0xffff;
	v3 =	vadd.f32 v11, v3  }
0x363: {  	v0 =	vadd.f32 v39, v0;
	v11 =	vld.idx.msk [tilespmem:v60+s22+$0x0], $0xffff  }
0x364: {  	v6 =	vadd.f32 v61, v6;
	v61 =	vld.idx.msk [tilespmem:v44+s22+$0x0], $0xffff;
	v3 =	vadd.f32 v12, v3  }
0x365: {  	v0 =	vadd.f32 v36, v0;
	v12 =	vld.idx.msk [tilespmem:v45+s22+$0x0], $0xffff  }
0x366: {  	v49 =	vld.idx.msk [tilespmem:v30+s22+$0x0], $0xffff;
	v6 =	vadd.f32 v55, v6;
	v3 =	vadd.f32 v9, v3  }
0x367: {  	v47 =	vld.idx.msk [tilespmem:v42+s22+$0x0], $0xffff;
	v0 =	vadd.f32 v35, v0  }
0x368: {  	v51 =	vld.idx.msk [tilespmem:v40+s22+$0x0], $0xffff;
	v6 =	vadd.f32 v58, v6;
	v3 =	vadd.f32 v11, v3  }
0x369: {  	v53 =	vld.idx.msk [tilespmem:v38+s22+$0x0], $0xffff;
	v0 =	vadd.f32 v34, v0  }
0x36a: {  	v55 =	vld [tilespmem:s28+$0x1A390];
	v6 =	vadd.f32 v61, v6;
	v3 =	vadd.f32 v12, v3  }
0x36b: {  	v57 =	vld.idx.msk [tilespmem:v37+s22+$0x0], $0xffff;
	v0 =	vmul.f32 v5, v0  }
0x36c: {  	v6 =	vadd.f32 v47, v6;
	v3 =	vadd.f32 v49, v3  }
0x36d: {  	v0 =	vadd.f32 v0, v33  }
0x36e: {  	s25 =	sadd.s32 $0x1, s25;
	v2 =	vmul.f32 v4, v2;
	v58 =	vadd.f32 v51, v6;
	v3 =	vadd.f32 v53, v3  }
0x36f: {  	p1 =	sne.s32 s25, $0x4F;
	v60 =	vunpack.i.l.bf16.f32 v55  }
.Ltmp7:
0x370: {  	v0 =	vadd.f32 v0, v2;
	v2 =	vadd.f32 v57, v3;
	v3 =	vmul.f32 v60, v58;
	(pc) =	sbr.rel @p1 .LBB2_12-.Ltmp7, $4  }
0x371: {  	s0 =	sadd.s32 $0x138E0, s26;
	v61 =	vunpack.i.u.bf16.f32 v55  }
0x372: {  	v19 =	vmovc v22;
	v20 =	vmov v23;
	[tilespmem:s17], [sflag:$0x2] =	stream.indirect.gather [spmem:s2], $0x80, s0, s13, $0xb8;
	v0 =	vadd.f32 v3, v0;
	v2 =	vmul.f32 v61, v2;
	[tilespmem:$0x1AD90] =	vst v63  }
0x373: {  	v17 =	vmovc v32;
	v21 =	vmovc v24;
	v18 =	vmov v31;
	v16 =	vmov v25;
	s31 =	sadd.s32 $0x14CE0, s26;
	v63 =	vmov v26  }
0x374: {  	v62 =	vmovc v27;
	v56 =	vmovc v29;
	v59 =	vmov v28;
	v35 =	vmov v30;
	[tilespmem:s19], [sflag:$0x2] =	stream.indirect.gather [spmem:s2], $0x80, s31, s13, $0xb8;
	v33 =	vadd.f32 v0, v2;
	[tilespmem:$0x1AD90] =	vst v63  }
0x375: {  	_ =	swait.ge [sflag:s20], $0x1000  }
0x376: {  	[sflag:s20] =	ssyncset.done $0x0  }
0x377: {  	[sflag:s20] =	ssyncadd.s32 $0xFFFFF000  }
0x378: {  	_ =	swait.ge [sflag:s20], $0x1000  }
0x379: {  	[sflag:s20] =	ssyncset.done $0x0  }
0x37a: {  	s0 =	simm.s32 $0x16100;
	[sflag:s20] =	ssyncadd.s32 $0xFFFFF000  }
0x37b: {  	s25 =	simm.s32 $0x17100;
	v0 =	vld [tilespmem:s0+$0x60]  }
0x37c: {  	v2 =	vld [tilespmem:s25+$0x60]  }
0x37d: {  	v3 =	vld [tilespmem:s0+$0x70]  }
0x37e: {  	v4 =	vld [tilespmem:s0+$0x40]  }
0x37f: {  	v5 =	vld [tilespmem:s25+$0x40]  }
0x380: {  	v6 =	vld [tilespmem:s0+$0x0]  }
0x381: {  	v7 =	vld [tilespmem:s25+$0x0]  }
0x382: {  	v8 =	vld [tilespmem:s0+$0x10]  }
0x383: {  	v9 =	vld [tilespmem:s25+$0x10]  }
0x384: {  	v10 =	vld [tilespmem:s0+$0x20]  }
0x385: {  	v11 =	vld [tilespmem:s25+$0x20]  }
0x386: {  	v12 =	vld [tilespmem:s0+$0x30]  }
0x387: {  	v13 =	vld [tilespmem:s25+$0x30]  }
0x388: {  	v14 =	vld [tilespmem:s0+$0x50]  }
0x389: {  	v15 =	vld [tilespmem:s25+$0x50]  }
0x38a: {  	v16 =	vld [tilespmem:s25+$0x70]  }
0x38b: {  	v17 =	vld [tilespmem:s25+$0xFFFFFF80];
	v6 =	vsub.bf16 v6, v7;
	v7 =	vsub.bf16 v8, v9  }
0x38c: {  	v55 =	vld [tilespmem:s25+$0xFFFFFFA0];
	v9 =	vsub.bf16 v10, v11;
	v10 =	vsub.bf16 v12, v13  }
0x38d: {  	v8 =	vld [tilespmem:s0+$0xFFFFFF90];
	v4 =	vsub.bf16 v4, v5;
	v6 =	vmul.bf16 v6, v6;
	v7 =	vmul.bf16 v7, v7  }
0x38e: {  	v11 =	vld [tilespmem:s25+$0xFFFFFF90];
	v53 =	vsub.bf16 v14, v15;
	v9 =	vmul.bf16 v9, v9;
	v10 =	vmul.bf16 v10, v10  }
0x38f: {  	v57 =	vld [tilespmem:s0+$0xFFFFFF80];
	v0 =	vsub.bf16 v0, v2;
	v2 =	vsub.bf16 v3, v16;
	v4 =	vmul.bf16 v4, v4  }
0x390: {  	v3 =	vld [tilespmem:s0+$0xFFFFFFB0];
	v6 =	vadd.bf16 v9, v6;
	v7 =	vadd.bf16 v10, v7;
	v9 =	vmul.bf16 v53, v53  }
0x391: {  	v0 =	vmul.bf16 v0, v0;
	v10 =	vld [tilespmem:s25+$0xFFFFFFB0]  }
0x392: {  	v5 =	vld [tilespmem:s0+$0xFFFFFFA0];
	v2 =	vmul.bf16 v2, v2;
	v4 =	vadd.bf16 v4, v6;
	v6 =	vadd.bf16 v9, v7  }
0x393: {  	v8 =	vsub.bf16 v8, v11;
	v7 =	vld [tilespmem:s0+$0xFFFFFFC0]  }
0x394: {  	v9 =	vld [tilespmem:s25+$0xFFFFFFC0];
	v4 =	vadd.bf16 v0, v4;
	v6 =	vadd.bf16 v2, v6  }
0x395: {  	v11 =	vsub.bf16 v57, v17;
	v2 =	vld [tilespmem:s0+$0xFFFFFFD0]  }
0x396: {  	v58 =	vmul.bf16 v8, v8;
	v0 =	vld [tilespmem:s25+$0xFFFFFFD0];
	v10 =	vsub.bf16 v3, v10;
	v8 =	vadd.bf16 v6, v4  }
0x397: {  	v5 =	vsub.bf16 v5, v55;
	v11 =	vmul.bf16 v11, v11;
	v3 =	vld [tilespmem:s0+$0xFFFFFFE0]  }
0x398: {  	v4 =	vld [tilespmem:s25+$0xFFFFFFE0];
	v60 =	vmul.bf16 v10, v10;
	v61 =	vunpack.i.u.bf16.f32 v8;
	v8 =	vunpack.i.l.bf16.f32 v8  }
0x399: {  	v6 =	vmul.bf16 v5, v5;
	v5 =	vld [tilespmem:s0+$0xFFFFFFF0];
	v10 =	vsub.bf16 v7, v9;
	v8 =	vadd.f32 v8, v61  }
0x39a: {  	s26 =	simm.s32 $0x1A080;
	s28 =	simm.s32 $0x0;
	s0 =	simm.s32 $0x16200;
	v9 =	vld [tilespmem:s25+$0xFFFFFFF0];
	v7 =	vadd.bf16 v60, v58  }
.LBB2_18:
0x39b: {  	v12 =	vld [tilespmem:s0+$0x60];
	v6 =	vadd.bf16 v6, v11;
	v10 =	vmul.bf16 v10, v10;
	v0 =	vsub.bf16 v2, v0;
	[tilespmem:s26+$0x18] =	vst v8;
	s25 =	sadd.s32 $0x100, s25  }
0x39c: {  	v2 =	vld [tilespmem:s25+$0x60]  }
0x39d: {  	v8 =	vld [tilespmem:s0+$0x70];
	v6 =	vadd.bf16 v10, v6;
	v0 =	vmul.bf16 v0, v0;
	v3 =	vsub.bf16 v3, v4  }
0x39e: {  	v4 =	vld [tilespmem:s0+$0x40]  }
0x39f: {  	v10 =	vld [tilespmem:s25+$0x40];
	v0 =	vadd.bf16 v0, v7;
	v3 =	vmul.bf16 v3, v3;
	v5 =	vsub.bf16 v5, v9  }
0x3a0: {  	v7 =	vld [tilespmem:s0+$0x0]  }
0x3a1: {  	v9 =	vld [tilespmem:s25+$0x0];
	v3 =	vadd.bf16 v3, v6;
	v5 =	vmul.bf16 v5, v5  }
0x3a2: {  	v6 =	vld [tilespmem:s0+$0x10]  }
0x3a3: {  	v11 =	vld [tilespmem:s25+$0x10];
	v0 =	vadd.bf16 v5, v0  }
0x3a4: {  	v5 =	vld [tilespmem:s0+$0x20]  }
0x3a5: {  	v13 =	vld [tilespmem:s25+$0x20];
	v0 =	vadd.bf16 v0, v3  }
0x3a6: {  	v3 =	vld [tilespmem:s0+$0x30]  }
0x3a7: {  	s28 =	sadd.s32 $0x2, s28;
	v14 =	vld [tilespmem:s25+$0x30];
	v15 =	vunpack.i.u.bf16.f32 v0;
	v0 =	vunpack.i.l.bf16.f32 v0  }
0x3a8: {  	p1 =	slt.u32 s28, $0x1E;
	v16 =	vld [tilespmem:s0+$0x50];
	v0 =	vadd.f32 v0, v15  }
0x3a9: {  	v15 =	vld [tilespmem:s25+$0x50]  }
0x3aa: {  	v17 =	vld [tilespmem:s25+$0x70];
	[tilespmem:s26+$0x0] =	vst v0  }
0x3ab: {  	v6 =	vsub.bf16 v6, v11;
	v0 =	vsub.bf16 v7, v9;
	v18 =	vld [tilespmem:s25+$0xFFFFFF80]  }
0x3ac: {  	v5 =	vsub.bf16 v5, v13;
	v7 =	vld [tilespmem:s0+$0xFFFFFF90];
	v3 =	vsub.bf16 v3, v14  }
0x3ad: {  	v4 =	vsub.bf16 v4, v10;
	v6 =	vmul.bf16 v6, v6;
	v0 =	vmul.bf16 v0, v0;
	v9 =	vld [tilespmem:s25+$0xFFFFFF90]  }
0x3ae: {  	v5 =	vmul.bf16 v5, v5;
	v10 =	vld [tilespmem:s0+$0xFFFFFFA0];
	v3 =	vmul.bf16 v3, v3;
	v11 =	vsub.bf16 v16, v15  }
0x3af: {  	v2 =	vsub.bf16 v12, v2;
	v4 =	vmul.bf16 v4, v4;
	v13 =	vld [tilespmem:s25+$0xFFFFFFA0];
	v8 =	vsub.bf16 v8, v17  }
0x3b0: {  	v0 =	vadd.bf16 v5, v0;
	v12 =	vld [tilespmem:s0+$0xFFFFFFB0];
	v3 =	vadd.bf16 v3, v6;
	v5 =	vmul.bf16 v11, v11  }
0x3b1: {  	v2 =	vmul.bf16 v2, v2;
	v6 =	vld [tilespmem:s25+$0xFFFFFFB0]  }
0x3b2: {  	v0 =	vadd.bf16 v4, v0;
	v4 =	vmul.bf16 v8, v8;
	v11 =	vld [tilespmem:s0+$0xFFFFFF80];
	v3 =	vadd.bf16 v5, v3  }
0x3b3: {  	v5 =	vsub.bf16 v7, v9;
	v7 =	vld [tilespmem:s0+$0xFFFFFFC0]  }
0x3b4: {  	v9 =	vadd.bf16 v2, v0;
	v8 =	vld [tilespmem:s25+$0xFFFFFFC0];
	v3 =	vadd.bf16 v4, v3  }
0x3b5: {  	v14 =	vmul.bf16 v5, v5;
	v4 =	vsub.bf16 v10, v13;
	v2 =	vld [tilespmem:s0+$0xFFFFFFD0]  }
.Ltmp8:
0x3b6: {  	v5 =	vsub.bf16 v12, v6;
	v0 =	vld [tilespmem:s25+$0xFFFFFFD0];
	v9 =	vadd.bf16 v3, v9;
	(pc) =	sbr.rel @p1 .LBB2_18-.Ltmp8, $4  }
0x3b7: {  	v6 =	vmul.bf16 v4, v4;
	v10 =	vsub.bf16 v11, v18;
	v3 =	vld [tilespmem:s0+$0xFFFFFFE0]  }
0x3b8: {  	v12 =	vmul.bf16 v5, v5;
	v4 =	vld [tilespmem:s25+$0xFFFFFFE0];
	v13 =	vunpack.i.u.bf16.f32 v9;
	v9 =	vunpack.i.l.bf16.f32 v9  }
0x3b9: {  	v11 =	vmul.bf16 v10, v10;
	v10 =	vsub.bf16 v7, v8;
	v5 =	vld [tilespmem:s0+$0xFFFFFFF0];
	v8 =	vadd.f32 v9, v13  }
0x3ba: {  	s26 =	sadd.s32 $0x30, s26;
	s0 =	sadd.s32 $0x100, s0;
	v7 =	vadd.bf16 v12, v14;
	v9 =	vld [tilespmem:s25+$0xFFFFFFF0]  }
0x3bb: {  	_ =	sdelay $0x1  }
0x3bc: {  	v0 =	vsub.bf16 v2, v0  }
0x3bd: {  	v2 =	vadd.bf16 v6, v11;
	v6 =	vmul.bf16 v10, v10  }
0x3be: {  	v0 =	vmul.bf16 v0, v0;
	v3 =	vsub.bf16 v3, v4;
	v4 =	vsub.bf16 v5, v9  }
0x3bf: {  	v2 =	vadd.bf16 v6, v2  }
0x3c0: {  	v0 =	vadd.bf16 v0, v7;
	v3 =	vmul.bf16 v3, v3;
	v4 =	vmul.bf16 v4, v4;
	_ =	sdelay $0x1  }
0x3c1: {  	v2 =	vadd.bf16 v3, v2;
	v0 =	vadd.bf16 v4, v0;
	_ =	sdelay $0x1  }
0x3c2: {  	v0 =	vadd.bf16 v0, v2;
	_ =	sdelay $0x1  }
0x3c3: {  	v2 =	vunpack.i.u.bf16.f32 v0;
	v0 =	vunpack.i.l.bf16.f32 v0  }
0x3c4: {  	v0 =	vadd.f32 v0, v2  }
0x3c5: {  	[tilespmem:s26+$0x18] =	vst v8  }
0x3c6: {  	[tilespmem:s26+$0x0] =	vst v0  }
0x3c7: {  	v0 =	vld [tilespmem:$0x1FF20];
	_ =	sdelay $0x6  }
0x3c8: {  	s25 =	simm.s32 $0x1A080  }
0x3c9: {  	v2 =	vld.idx.msk [tilespmem:v0+s25+$0x0], $0xffff  }
0x3ca: {  	v0 =	vld [tilespmem:$0x1FF30];
	_ =	sdelay $0x6  }
0x3cb: {  	v53 =	vld.idx.msk [tilespmem:v62+s25+$0x0], $0xffff  }
0x3cc: {  	v62 =	vld.idx.msk [tilespmem:v0+s25+$0x0], $0xffff  }
0x3cd: {  	v0 =	vld [tilespmem:$0x1FF40];
	_ =	sdelay $0x6  }
0x3ce: {  	v51 =	vld.idx.msk [tilespmem:v59+s25+$0x0], $0xffff  }
0x3cf: {  	v59 =	vld.idx.msk [tilespmem:v0+s25+$0x0], $0xffff  }
0x3d0: {  	v0 =	vld [tilespmem:$0x1FF50];
	_ =	sdelay $0x6  }
0x3d1: {  	v49 =	vld.idx.msk [tilespmem:v56+s25+$0x0], $0xffff  }
0x3d2: {  	v56 =	vld.idx.msk [tilespmem:v0+s25+$0x0], $0xffff  }
0x3d3: {  	v0 =	vld [tilespmem:$0x1FF60];
	_ =	sdelay $0x6  }
0x3d4: {  	v47 =	vld.idx.msk [tilespmem:v54+s25+$0x0], $0xffff  }
0x3d5: {  	v54 =	vld.idx.msk [tilespmem:v0+s25+$0x0], $0xffff  }
0x3d6: {  	v0 =	vld [tilespmem:$0x1FF70];
	_ =	sdelay $0x6  }
0x3d7: {  	v45 =	vld.idx.msk [tilespmem:v52+s25+$0x0], $0xffff  }
0x3d8: {  	v52 =	vld.idx.msk [tilespmem:v0+s25+$0x0], $0xffff  }
0x3d9: {  	v0 =	vld [tilespmem:$0x1FF80];
	_ =	sdelay $0x6  }
0x3da: {  	v43 =	vld.idx.msk [tilespmem:v50+s25+$0x0], $0xffff  }
0x3db: {  	v50 =	vld.idx.msk [tilespmem:v0+s25+$0x0], $0xffff  }
0x3dc: {  	v0 =	vld [tilespmem:$0x1FF90];
	_ =	sdelay $0x6  }
0x3dd: {  	v41 =	vld.idx.msk [tilespmem:v48+s25+$0x0], $0xffff  }
0x3de: {  	v48 =	vld.idx.msk [tilespmem:v0+s25+$0x0], $0xffff  }
0x3df: {  	v0 =	vld [tilespmem:$0x1FFA0];
	_ =	sdelay $0x6  }
0x3e0: {  	v39 =	vld.idx.msk [tilespmem:v46+s25+$0x0], $0xffff  }
0x3e1: {  	v46 =	vld.idx.msk [tilespmem:v0+s25+$0x0], $0xffff  }
0x3e2: {  	v0 =	vld [tilespmem:$0x1FFB0]  }
0x3e3: {  	v61 =	vld.idx.msk [tilespmem:v19+s25+$0x0], $0xffff  }
0x3e4: {  	v60 =	vld.idx.msk [tilespmem:v20+s25+$0x0], $0xffff  }
0x3e5: {  	v58 =	vld.idx.msk [tilespmem:v21+s25+$0x0], $0xffff  }
0x3e6: {  	v57 =	vld.idx.msk [tilespmem:v25+s25+$0x0], $0xffff  }
0x3e7: {  	v55 =	vld.idx.msk [tilespmem:v63+s25+$0x0], $0xffff  }
0x3e8: {  	v36 =	vld.idx.msk [tilespmem:v44+s25+$0x0], $0xffff  }
0x3e9: {  	v35 =	vld.idx.msk [tilespmem:v42+s25+$0x0], $0xffff  }
0x3ea: {  	v44 =	vld.idx.msk [tilespmem:v0+s25+$0x0], $0xffff  }
0x3eb: {  	v0 =	vld [tilespmem:$0x1FFC0]  }
0x3ec: {  	v34 =	vld.idx.msk [tilespmem:v40+s25+$0x0], $0xffff  }
0x3ed: {  	v63 =	vld.idx.msk [tilespmem:v32+s25+$0x0], $0xffff  }
0x3ee: {  	v4 =	vld.idx.msk [tilespmem:v31+s25+$0x0], $0xffff  }
0x3ef: {  	v40 =	vld.idx.msk [tilespmem:v30+s25+$0x0], $0xffff  }
0x3f0: {  	v38 =	vld.idx.msk [tilespmem:v38+s25+$0x0], $0xffff  }
0x3f1: {  	v37 =	vld.idx.msk [tilespmem:v37+s25+$0x0], $0xffff  }
0x3f2: {  	v5 =	vld [tilespmem:$0x1AD60]  }
0x3f3: {  	v42 =	vld.idx.msk [tilespmem:v0+s25+$0x0], $0xffff;
	_ =	swait.ge [sflag:s21], $0x1000  }
0x3f4: {  	[sflag:s21] =	ssyncset.done $0x0  }
0x3f5: {  	[sflag:s21] =	ssyncadd.s32 $0xFFFFF000  }
0x3f6: {  	_ =	swait.ge [sflag:s21], $0x1000  }
0x3f7: {  	[sflag:s21] =	ssyncset.done $0x0  }
0x3f8: {  	s0 =	simm.s32 $0x18100;
	[sflag:s21] =	ssyncadd.s32 $0xFFFFF000  }
0x3f9: {  	s26 =	simm.s32 $0x19100;
	v0 =	vld [tilespmem:s0+$0x60]  }
0x3fa: {  	v3 =	vld [tilespmem:s26+$0x60]  }
0x3fb: {  	v6 =	vld [tilespmem:s0+$0x70]  }
0x3fc: {  	v7 =	vld [tilespmem:s0+$0x40]  }
0x3fd: {  	v8 =	vld [tilespmem:s26+$0x40]  }
0x3fe: {  	v9 =	vld [tilespmem:s0+$0x0]  }
0x3ff: {  	v10 =	vld [tilespmem:s26+$0x0]  }
0x400: {  	v11 =	vld [tilespmem:s0+$0x10]  }
0x401: {  	v12 =	vld [tilespmem:s26+$0x10]  }
0x402: {  	v13 =	vld [tilespmem:s0+$0x20]  }
0x403: {  	v14 =	vld [tilespmem:s26+$0x20]  }
0x404: {  	v15 =	vld [tilespmem:s0+$0x30]  }
0x405: {  	v16 =	vld [tilespmem:s26+$0x30]  }
0x406: {  	v17 =	vld [tilespmem:s0+$0x50]  }
0x407: {  	v18 =	vld [tilespmem:s26+$0x50]  }
0x408: {  	v19 =	vld [tilespmem:s26+$0x70]  }
0x409: {  	v20 =	vld [tilespmem:s26+$0xFFFFFF80]  }
0x40a: {  	v9 =	vsub.bf16 v9, v10;
	v10 =	vsub.bf16 v13, v14;
	v13 =	vld [tilespmem:s0+$0xFFFFFF90]  }
0x40b: {  	v11 =	vsub.bf16 v11, v12;
	v12 =	vsub.bf16 v15, v16;
	v14 =	vld [tilespmem:s26+$0xFFFFFF90]  }
0x40c: {  	v7 =	vsub.bf16 v7, v8;
	v8 =	vld [tilespmem:s0+$0xFFFFFFA0];
	v9 =	vmul.bf16 v9, v9;
	v10 =	vmul.bf16 v10, v10  }
0x40d: {  	v15 =	vsub.bf16 v17, v18;
	v16 =	vld [tilespmem:s26+$0xFFFFFFA0];
	v11 =	vmul.bf16 v11, v11;
	v12 =	vmul.bf16 v12, v12  }
0x40e: {  	v0 =	vsub.bf16 v0, v3;
	v3 =	vmul.bf16 v7, v7;
	v7 =	vadd.bf16 v10, v9;
	v9 =	vld [tilespmem:s0+$0xFFFFFFB0]  }
0x40f: {  	v6 =	vsub.bf16 v6, v19;
	v10 =	vadd.bf16 v12, v11;
	v11 =	vmul.bf16 v15, v15;
	v12 =	vld [tilespmem:s26+$0xFFFFFFB0]  }
0x410: {  	v0 =	vmul.bf16 v0, v0;
	v15 =	vld [tilespmem:s0+$0xFFFFFF80]  }
0x411: {  	v6 =	vmul.bf16 v6, v6;
	v3 =	vadd.bf16 v3, v7;
	v7 =	vadd.bf16 v11, v10;
	v10 =	vld [tilespmem:s0+$0xFFFFFFC0]  }
0x412: {  	v11 =	vsub.bf16 v13, v14;
	v13 =	vld [tilespmem:s26+$0xFFFFFFC0]  }
0x413: {  	v0 =	vadd.bf16 v0, v3;
	v3 =	vadd.bf16 v6, v7  }
0x414: {  	v6 =	vld [tilespmem:s0+$0xFFFFFFD0];
	v9 =	vsub.bf16 v9, v12  }
0x415: {  	v11 =	vmul.bf16 v11, v11;
	v7 =	vld [tilespmem:s26+$0xFFFFFFD0];
	v3 =	vadd.bf16 v3, v0  }
0x416: {  	v12 =	vsub.bf16 v8, v16;
	v15 =	vsub.bf16 v15, v20;
	v8 =	vld [tilespmem:s26+$0xFFFFFFE0];
	v16 =	vmul.bf16 v9, v9  }
0x417: {  	v0 =	vld [tilespmem:s0+$0xFFFFFFE0];
	v14 =	vsub.bf16 v10, v13;
	v9 =	vunpack.i.u.bf16.f32 v3;
	v17 =	vunpack.i.l.bf16.f32 v3  }
0x418: {  	v13 =	vmul.bf16 v12, v12;
	v15 =	vmul.bf16 v15, v15;
	v12 =	vld [tilespmem:s26+$0xFFFFFFF0];
	v10 =	vadd.f32 v17, v9  }
0x419: {  	s28 =	simm.s32 $0x0;
	v3 =	vunpack.i.u.bf16.f32 v5;
	v5 =	vunpack.i.l.bf16.f32 v5;
	v9 =	vld [tilespmem:s0+$0xFFFFFFF0];
	v11 =	vadd.bf16 v16, v11;
	s0 =	simm.s32 $0x18200  }
.LBB2_20:
0x41a: {  	v16 =	vld [tilespmem:s0+$0x60];
	v13 =	vadd.bf16 v13, v15;
	v14 =	vmul.bf16 v14, v14;
	v6 =	vsub.bf16 v6, v7;
	[tilespmem:s25+$0x18] =	vst v10;
	s26 =	sadd.s32 $0x100, s26  }
0x41b: {  	v7 =	vld [tilespmem:s26+$0x60]  }
0x41c: {  	v10 =	vld [tilespmem:s0+$0x70];
	v13 =	vadd.bf16 v14, v13;
	v6 =	vmul.bf16 v6, v6;
	v0 =	vsub.bf16 v0, v8  }
0x41d: {  	v8 =	vld [tilespmem:s0+$0x40]  }
0x41e: {  	v14 =	vld [tilespmem:s26+$0x40];
	v6 =	vadd.bf16 v6, v11;
	v0 =	vmul.bf16 v0, v0;
	v9 =	vsub.bf16 v9, v12  }
0x41f: {  	v11 =	vld [tilespmem:s0+$0x0]  }
0x420: {  	v12 =	vld [tilespmem:s26+$0x0];
	v0 =	vadd.bf16 v0, v13;
	v9 =	vmul.bf16 v9, v9  }
0x421: {  	v13 =	vld [tilespmem:s0+$0x10]  }
0x422: {  	v15 =	vld [tilespmem:s26+$0x10];
	v6 =	vadd.bf16 v9, v6  }
0x423: {  	v9 =	vld [tilespmem:s0+$0x20]  }
0x424: {  	v17 =	vld [tilespmem:s26+$0x20];
	v0 =	vadd.bf16 v6, v0  }
0x425: {  	v6 =	vld [tilespmem:s0+$0x30]  }
0x426: {  	s28 =	sadd.s32 $0x2, s28;
	v18 =	vld [tilespmem:s26+$0x30];
	v19 =	vunpack.i.u.bf16.f32 v0;
	v0 =	vunpack.i.l.bf16.f32 v0  }
0x427: {  	p1 =	slt.u32 s28, $0x1E;
	v20 =	vld [tilespmem:s0+$0x50];
	v0 =	vadd.f32 v0, v19  }
0x428: {  	v19 =	vld [tilespmem:s26+$0x50]  }
0x429: {  	v21 =	vld [tilespmem:s26+$0x70];
	[tilespmem:s25+$0x0] =	vst v0  }
0x42a: {  	v11 =	vsub.bf16 v11, v12;
	v12 =	vsub.bf16 v13, v15;
	v0 =	vld [tilespmem:s26+$0xFFFFFF80]  }
0x42b: {  	v9 =	vsub.bf16 v9, v17;
	v13 =	vld [tilespmem:s0+$0xFFFFFF90];
	v6 =	vsub.bf16 v6, v18  }
0x42c: {  	v8 =	vsub.bf16 v8, v14;
	v11 =	vmul.bf16 v11, v11;
	v12 =	vmul.bf16 v12, v12;
	v15 =	vld [tilespmem:s26+$0xFFFFFF90]  }
0x42d: {  	v9 =	vmul.bf16 v9, v9;
	v14 =	vld [tilespmem:s0+$0xFFFFFFA0];
	v6 =	vmul.bf16 v6, v6;
	v17 =	vsub.bf16 v20, v19  }
0x42e: {  	v7 =	vsub.bf16 v16, v7;
	v8 =	vmul.bf16 v8, v8;
	v18 =	vld [tilespmem:s26+$0xFFFFFFA0];
	v10 =	vsub.bf16 v10, v21  }
0x42f: {  	v9 =	vadd.bf16 v9, v11;
	v16 =	vld [tilespmem:s0+$0xFFFFFFB0];
	v6 =	vadd.bf16 v6, v12;
	v11 =	vmul.bf16 v17, v17  }
0x430: {  	v7 =	vmul.bf16 v7, v7;
	v12 =	vld [tilespmem:s26+$0xFFFFFFB0]  }
0x431: {  	v8 =	vadd.bf16 v8, v9;
	v9 =	vmul.bf16 v10, v10;
	v17 =	vld [tilespmem:s0+$0xFFFFFF80];
	v6 =	vadd.bf16 v11, v6  }
0x432: {  	v10 =	vsub.bf16 v13, v15;
	v11 =	vld [tilespmem:s0+$0xFFFFFFC0]  }
0x433: {  	v8 =	vadd.bf16 v7, v8;
	v19 =	vld [tilespmem:s26+$0xFFFFFFC0];
	v9 =	vadd.bf16 v9, v6  }
0x434: {  	v20 =	vmul.bf16 v10, v10;
	v10 =	vsub.bf16 v14, v18;
	v6 =	vld [tilespmem:s0+$0xFFFFFFD0]  }
.Ltmp9:
0x435: {  	v12 =	vsub.bf16 v16, v12;
	v7 =	vld [tilespmem:s26+$0xFFFFFFD0];
	v9 =	vadd.bf16 v9, v8;
	(pc) =	sbr.rel @p1 .LBB2_20-.Ltmp9, $4  }
0x436: {  	v13 =	vmul.bf16 v10, v10;
	v14 =	vsub.bf16 v17, v0;
	v0 =	vld [tilespmem:s0+$0xFFFFFFE0]  }
0x437: {  	v12 =	vmul.bf16 v12, v12;
	v8 =	vld [tilespmem:s26+$0xFFFFFFE0];
	v10 =	vunpack.i.u.bf16.f32 v9;
	v16 =	vunpack.i.l.bf16.f32 v9  }
0x438: {  	v15 =	vmul.bf16 v14, v14;
	v14 =	vsub.bf16 v11, v19;
	v9 =	vld [tilespmem:s0+$0xFFFFFFF0];
	v10 =	vadd.f32 v16, v10  }
0x439: {  	s25 =	sadd.s32 $0x30, s25;
	s0 =	sadd.s32 $0x100, s0;
	v11 =	vadd.bf16 v12, v20;
	v12 =	vld [tilespmem:s26+$0xFFFFFFF0]  }
0x43a: {  	_ =	sdelay $0x1  }
0x43b: {  	v6 =	vsub.bf16 v6, v7  }
0x43c: {  	v7 =	vadd.bf16 v13, v15;
	v13 =	vmul.bf16 v14, v14  }
0x43d: {  	v0 =	vsub.bf16 v0, v8;
	v6 =	vmul.bf16 v6, v6;
	v14 =	vsub.bf16 v9, v12  }
0x43e: {  	v7 =	vadd.bf16 v13, v7  }
0x43f: {  	v6 =	vadd.bf16 v6, v11;
	v0 =	vmul.bf16 v0, v0;
	v8 =	vmul.bf16 v14, v14;
	_ =	sdelay $0x1  }
0x440: {  	v0 =	vadd.bf16 v0, v7;
	v6 =	vadd.bf16 v8, v6;
	_ =	sdelay $0x1  }
0x441: {  	v0 =	vadd.bf16 v6, v0;
	_ =	sdelay $0x1  }
0x442: {  	v6 =	vunpack.i.u.bf16.f32 v0;
	v0 =	vunpack.i.l.bf16.f32 v0  }
0x443: {  	v0 =	vadd.f32 v0, v6  }
0x444: {  	[tilespmem:s25+$0x18] =	vst v10;
	v13 =	vadd.f32 $0.0e+00, v63  }
0x445: {  	[tilespmem:s25+$0x0] =	vst v0  }
0x446: {  	v4 =	vadd.f32 v4, v13;
	v0 =	vadd.f32 $0.0e+00, v61;
	v61 =	vld.idx.msk [tilespmem:v22+s22+$0x0], $0xffff  }
0x447: {  	v12 =	vld.idx.msk [tilespmem:v23+s22+$0x0], $0xffff  }
0x448: {  	v2 =	vadd.f32 v2, v4;
	v14 =	vld.idx.msk [tilespmem:v32+s22+$0x0], $0xffff  }
0x449: {  	v10 =	vld.idx.msk [tilespmem:v24+s22+$0x0], $0xffff  }
0x44a: {  	v17 =	vmov v32;
	v2 =	vadd.f32 v62, v2;
	v32 =	vld.idx.msk [tilespmem:v31+s22+$0x0], $0xffff  }
0x44b: {  	v11 =	vld.idx.msk [tilespmem:v25+s22+$0x0], $0xffff  }
0x44c: {  	v19 =	vmov v22;
	v2 =	vadd.f32 v59, v2;
	v22 =	vld [tilespmem:$0x1FF20]  }
0x44d: {  	v7 =	vld.idx.msk [tilespmem:v26+s22+$0x0], $0xffff  }
0x44e: {  	v20 =	vmov v23;
	v2 =	vadd.f32 v56, v2;
	v23 =	vld [tilespmem:$0x1FF30]  }
0x44f: {  	v21 =	vmov v24;
	v24 =	vld [tilespmem:$0x1FF40]  }
0x450: {  	v16 =	vmov v25;
	v2 =	vadd.f32 v54, v2;
	v25 =	vld [tilespmem:$0x1FF50]  }
0x451: {  	v63 =	vmov v26;
	v26 =	vld [tilespmem:$0x1FF60]  }
0x452: {  	v54 =	vld [tilespmem:$0x1FFD0];
	v2 =	vadd.f32 v52, v2  }
0x453: {  	v52 =	vld [tilespmem:$0x1FF10]  }
0x454: {  	v18 =	vmov v31;
	v31 =	vld [tilespmem:$0x1FFB0];
	v2 =	vadd.f32 v50, v2  }
0x455: {  	v0 =	vadd.f32 v60, v0;
	v50 =	vld [tilespmem:$0x1FF00]  }
0x456: {  	v2 =	vadd.f32 v48, v2;
	v48 =	vld [tilespmem:$0x1FEB0]  }
0x457: {  	v0 =	vadd.f32 v58, v0;
	v6 =	vadd.f32 $0.0e+00, v61;
	v61 =	vld.idx.msk [tilespmem:v27+s22+$0x0], $0xffff  }
0x458: {  	v62 =	vmov v27;
	v27 =	vld [tilespmem:$0x1FF70]  }
0x459: {  	v0 =	vadd.f32 v57, v0;
	v2 =	vadd.f32 v46, v2;
	v46 =	vld [tilespmem:$0x1FEC0]  }
0x45a: {  	v9 =	vadd.f32 $0.0e+00, v14;
	v58 =	vld.idx.msk [tilespmem:v22+s22+$0x0], $0xffff  }
0x45b: {  	v0 =	vadd.f32 v55, v0;
	v55 =	vld.idx.msk [tilespmem:v23+s22+$0x0], $0xffff  }
0x45c: {  	v8 =	vadd.f32 v32, v9;
	v32 =	vld.idx.msk [tilespmem:v24+s22+$0x0], $0xffff  }
0x45d: {  	v60 =	vld.idx.msk [tilespmem:v26+s22+$0x0], $0xffff;
	v2 =	vadd.f32 v44, v2;
	v0 =	vadd.f32 v53, v0  }
0x45e: {  	v6 =	vadd.f32 v12, v6;
	v44 =	vld [tilespmem:$0x1FED0]  }
0x45f: {  	v2 =	vadd.f32 v42, v2;
	v42 =	vld [tilespmem:$0x1FEE0];
	v0 =	vadd.f32 v51, v0  }
0x460: {  	v6 =	vadd.f32 v10, v6;
	v51 =	vld.idx.msk [tilespmem:v25+s22+$0x0], $0xffff  }
0x461: {  	v2 =	vadd.f32 v40, v2;
	v40 =	vld [tilespmem:$0x1FEF0];
	v0 =	vadd.f32 v49, v0  }
0x462: {  	v6 =	vadd.f32 v11, v6;
	v4 =	vadd.f32 v58, v8;
	v8 =	vld.idx.msk [tilespmem:v28+s22+$0x0], $0xffff  }
0x463: {  	v58 =	vld.idx.msk [tilespmem:v29+s22+$0x0], $0xffff;
	v0 =	vadd.f32 v47, v0  }
0x464: {  	v59 =	vmov v28;
	v6 =	vadd.f32 v7, v6;
	v28 =	vld [tilespmem:$0x1FF80]  }
0x465: {  	v56 =	vmov v29;
	v29 =	vld [tilespmem:$0x1FF90];
	v4 =	vadd.f32 v55, v4;
	v0 =	vadd.f32 v45, v0  }
0x466: {  	v2 =	vadd.f32 v38, v2;
	v38 =	vld [tilespmem:$0x1FFE0];
	v6 =	vadd.f32 v61, v6  }
0x467: {  	v61 =	vld.idx.msk [tilespmem:v54+s22+$0x0], $0xffff;
	v4 =	vadd.f32 v32, v4;
	v0 =	vadd.f32 v43, v0  }
0x468: {  	v32 =	vld.idx.msk [tilespmem:v27+s22+$0x0], $0xffff  }
0x469: {  	v4 =	vadd.f32 v51, v4;
	v0 =	vadd.f32 v41, v0;
	v41 =	vld [tilespmem:$0x1FFA0]  }
0x46a: {  	v47 =	vld.idx.msk [tilespmem:v52+s22+$0x0], $0xffff  }
0x46b: {  	v55 =	vld.idx.msk [tilespmem:v50+s22+$0x0], $0xffff;
	v4 =	vadd.f32 v60, v4  }
0x46c: {  	v6 =	vadd.f32 v8, v6;
	v53 =	vld.idx.msk [tilespmem:v28+s22+$0x0], $0xffff  }
0x46d: {  	v4 =	vadd.f32 v32, v4;
	v32 =	vld [tilespmem:$0x1FFC0]  }
0x46e: {  	v2 =	vadd.f32 v37, v2;
	v37 =	vld [tilespmem:$0x1FFF0];
	v6 =	vadd.f32 v58, v6  }
0x46f: {  	v57 =	vld.idx.msk [tilespmem:v29+s22+$0x0], $0xffff  }
0x470: {  	v58 =	vld.idx.msk [tilespmem:v48+s22+$0x0], $0xffff;
	v6 =	vadd.f32 v61, v6  }
0x471: {  	v60 =	vld.idx.msk [tilespmem:v41+s22+$0x0], $0xffff  }
0x472: {  	v61 =	vld.idx.msk [tilespmem:v46+s22+$0x0], $0xffff;
	v6 =	vadd.f32 v47, v6;
	v4 =	vadd.f32 v53, v4  }
0x473: {  	v0 =	vadd.f32 v39, v0;
	v39 =	vld.idx.msk [tilespmem:v31+s22+$0x0], $0xffff  }
0x474: {  	v45 =	vld.idx.msk [tilespmem:v44+s22+$0x0], $0xffff;
	v6 =	vadd.f32 v55, v6;
	v4 =	vadd.f32 v57, v4  }
0x475: {  	v0 =	vadd.f32 v36, v0;
	v47 =	vld.idx.msk [tilespmem:v32+s22+$0x0], $0xffff  }
0x476: {  	v49 =	vld.idx.msk [tilespmem:v42+s22+$0x0], $0xffff;
	v6 =	vadd.f32 v58, v6;
	v4 =	vadd.f32 v60, v4  }
0x477: {  	v51 =	vld.idx.msk [tilespmem:v30+s22+$0x0], $0xffff;
	v0 =	vadd.f32 v35, v0  }
0x478: {  	v53 =	vld.idx.msk [tilespmem:v40+s22+$0x0], $0xffff;
	v6 =	vadd.f32 v61, v6;
	v4 =	vadd.f32 v39, v4  }
0x479: {  	v55 =	vld.idx.msk [tilespmem:v38+s22+$0x0], $0xffff;
	v0 =	vadd.f32 v34, v0  }
0x47a: {  	v57 =	vld [tilespmem:$0x1AD70];
	v6 =	vadd.f32 v45, v6;
	v4 =	vadd.f32 v47, v4  }
0x47b: {  	v58 =	vld.idx.msk [tilespmem:v37+s22+$0x0], $0xffff;
	v0 =	vmul.f32 v5, v0  }
0x47c: {  	v6 =	vadd.f32 v49, v6;
	v4 =	vadd.f32 v51, v4  }
0x47d: {  	v0 =	vadd.f32 v0, v33  }
0x47e: {  	v2 =	vmul.f32 v3, v2;
	v3 =	vadd.f32 v53, v6;
	v4 =	vadd.f32 v55, v4  }
0x47f: {  	v60 =	vunpack.i.l.bf16.f32 v57  }
0x480: {  	v0 =	vadd.f32 v0, v2;
	v3 =	vmul.f32 v60, v3;
	v2 =	vadd.f32 v58, v4  }
0x481: {  	v61 =	vunpack.i.u.bf16.f32 v57  }
0x482: {  	v0 =	vadd.f32 v3, v0;
	v2 =	vmul.f32 v61, v2;
	_ =	sdelay $0x1  }
0x483: {  	s24 =	sadd.s32 $0x1, s24;
	v0 =	vadd.f32 v0, v2  }
0x484: {  	p1 =	sne.s32 s24, s8  }
.Ltmp10:
0x485: {  	[tilespmem:$0x1AD80] =	vst v0;
	(pc) =	sbr.rel @p1 .LBB2_1-.Ltmp10, $4  }
0x486: {  	[hbm4b:s7+s3] =	stream.linear.scatter [tilespmem:s23], [sflag:$0x3], $0x10, $0x38;
	[tilespmem:$0x1AD90] =	vst v63  }
0x487: {  	_ =	swait.ge [sflag:s10], $0x10  }
0x488: {  	[sflag:s10] =	ssyncset.done $0x0  }
0x489: {  	v35 =	vmov v30;
	[sflag:s10] =	ssyncadd.s32 $0xFFFFFFF0  }
0x48a: {  	_ =	sfence.sel $0x180000  }
0x48b: {  	[bflag:$0x0] =	sbarrier.arrive $0xFFFF  }
0x48c: {  	_ =	strace $0x90000047  }
0x48d: {  	[bflag:$0x2] =	sbarrier.arrive $0xFFFF  }
0x48e: {  	s0 =	rddreg [dreg:$0x2]  }
0x48f: {  	s0 =	sadd.s32 @!p0 $0x100000, s0  }
0x490: {  	[sflag:s0] =	ssyncadd.tile.s32 @!p0 $0x1;
	_ =	shalt  }
.Lfunc_end2:
_tile_overlayer_lowered:
.L_overlay_start_2:
0x491: {  	(tag) =	ssettag $0x2  }
0x492: {  	s0 =	rddreg [dreg:$0x0];
	s2 =	stileid.u32  }
0x493: {  	s1 =	rddreg [dreg:$0x1];
	p0 =	sne.s32 s2, $0x0  }
0x494: {  	s3 =	rddreg [dreg:$0x2];
	[bflag:$0x3] =	sbarrier.arrive $0xFFFF;
	s2 =	simm.s32 @!p0 $0x1C03  }
0x495: {  	[timem:s3], [sflag:s2] =	dma.local @!p0 [hbm:s0], s1  }
0x496: {  	s0 =	simm.s32 @!p0 $0x3  }
0x497: {  	_ =	swait.ge @!p0 [sflag:s0], s1  }
0x498: {  	s1 =	ssub.s32 @!p0 $0x0, s1;
	[sflag:s0] =	ssyncset.done @!p0 $0x0  }
0x499: {  	[sflag:s0] =	ssyncadd.s32 @!p0 s1  }
0x49a: {  	[bflag:$0x3] =	sbarrier.arrive $0xFFFF  }
0x49b: {  	_ =	shalt  }

</sc_bundles>
